<compile_context>
chip_gen: v7x
topology: tpu7x:2x2x1
jax: 0.10.2.dev20260603
libtpu: 0.0.44.dev20260713+nightly
codegen_flags: <defaults>
</compile_context>

<pallas_src>
import functools

import jax
import jax.numpy as jnp
from jax import lax
from jax.experimental import pallas as pl
from jax.experimental.pallas import tpu as pltpu
from jax.experimental.pallas import tpu_sc as plsc


def _sc_gather_pack(jdx2d, hb2d, w32c, N, D):
    V2, _ = w32c.shape
    NC, NS, LN = 2, 16, 16
    NW = NC * NS
    CH = 128
    PR = CH // 2
    per_w = N // NW
    n_ch = per_w // CH

    mesh = plsc.VectorSubcoreMesh(core_axis_name="c", subcore_axis_name="s")

    @functools.partial(
        pl.kernel,
        mesh=mesh,
        out_type=jax.ShapeDtypeStruct((N // 2, D), jnp.int32),
        scratch_types=[
            pltpu.VMEM((n_ch, CH), jnp.int32),
            pltpu.VMEM((n_ch, CH), jnp.int32),
            pltpu.VMEM((2 * CH, D), jnp.int32),
            pltpu.VMEM((2 * PR, D), jnp.int32),
            pltpu.SemaphoreType.DMA,
            pltpu.SemaphoreType.DMA,
            pltpu.SemaphoreType.DMA,
            pltpu.SemaphoreType.DMA,
        ],
    )
    def emb(jdx_hbm, hb_hbm, w_hbm, out_hbm, jdx_v, hb_v, units_v, pairs_v,
            gsem0, gsem1, osem0, osem1):
        wid = lax.axis_index("s") * NC + lax.axis_index("c")
        pltpu.sync_copy(jdx_hbm.at[pl.ds(wid * n_ch, n_ch)], jdx_v)
        pltpu.sync_copy(hb_hbm.at[pl.ds(wid * n_ch, n_ch)], hb_v)
        pbase = wid * (per_w // 2)

        def fire_gather(r, x, gsem):
            pltpu.async_copy(
                w_hbm.at[jdx_v.at[r]],
                units_v.at[pl.ds(x * CH, CH)],
                gsem,
            )

        def drain_gather(x, gsem):
            pltpu.make_async_copy(
                w_hbm.at[pl.ds(0, CH)],
                units_v.at[pl.ds(x * CH, CH)],
                gsem,
            ).wait()

        def fire_out(r, x, osem):
            pltpu.async_copy(
                pairs_v.at[pl.ds(x * PR, PR)],
                out_hbm.at[pl.ds(pbase + r * PR, PR)],
                osem,
            )

        def drain_out(x, osem):
            pltpu.make_async_copy(
                pairs_v.at[pl.ds(x * PR, PR)],
                out_hbm.at[pl.ds(pbase, PR)],
                osem,
            ).wait()

        dnums = lax.GatherDimensionNumbers(
            offset_dims=(), collapsed_slice_dims=(0,), start_index_map=(0,))

        def bcast(v, j):
            idx = jnp.full((LN, 1), j, jnp.int32)
            return lax.gather(v, idx, dnums, (1,),
                              mode=lax.GatherScatterMode.PROMISE_IN_BOUNDS)

        def transform(r, x):
            @plsc.parallel_loop(0, CH // LN, unroll=2)
            def _(q):
                hvec = hb_v[r, pl.ds(q * LN, LN)] * 16
                for p in range(LN // 2):
                    k = q * (LN // 2) + p
                    s0 = bcast(hvec, 2 * p)
                    s1 = bcast(hvec, 2 * p + 1)
                    u0 = x * CH + 2 * k
                    for t in range(D // LN):
                        a = units_v[u0, pl.ds(t * LN, LN)]
                        b = units_v[u0 + 1, pl.ds(t * LN, LN)]
                        a = lax.shift_right_logical(a, s0)
                        b = lax.shift_right_logical(b, s1)
                        e = (a & 0xFFFF) | lax.shift_left(b, 16)
                        pairs_v[x * PR + k, pl.ds(t * LN, LN)] = e

        fire_gather(0, 0, gsem0)

        def round2(i, carry):
            r0 = 2 * i
            drain_gather(0, gsem0)

            @pl.when(r0 + 1 < n_ch)
            def _():
                fire_gather(r0 + 1, 1, gsem1)

            @pl.when(i >= 1)
            def _():
                drain_out(0, osem0)

            transform(r0, 0)
            fire_out(r0, 0, osem0)

            drain_gather(1, gsem1)

            @pl.when(r0 + 2 < n_ch)
            def _():
                fire_gather(r0 + 2, 0, gsem0)

            @pl.when(i >= 1)
            def _():
                drain_out(1, osem1)

            transform(r0 + 1, 1)
            fire_out(r0 + 1, 1, osem1)
            return carry

        lax.fori_loop(0, n_ch // 2, round2, 0)
        drain_out(0, osem0)
        drain_out(1, osem1)

    return emb(jdx2d, hb2d, w32c)


def _tc_retile(packed, B, L, D):
    NB = 128

    def body(in_ref, out_ref):
        y = pltpu.bitcast(in_ref[...], jnp.bfloat16)
        out_ref[...] = y.reshape(NB, L, D)

    return pl.pallas_call(
        body,
        grid=(B // NB,),
        in_specs=[pl.BlockSpec((NB * L // 2, D), lambda i: (i, 0))],
        out_specs=pl.BlockSpec((NB, L, D), lambda i: (i, 0, 0)),
        out_shape=jax.ShapeDtypeStruct((B, L, D), jnp.bfloat16),
    )(packed)


def _tc_pack_table(weight, V, D):
    RB = 10000

    def body(in_ref, out_ref):
        out_ref[...] = pltpu.bitcast(in_ref[...], jnp.int32)

    return pl.pallas_call(
        body,
        grid=(V // RB,),
        in_specs=[pl.BlockSpec((RB, D), lambda i: (i, 0))],
        out_specs=pl.BlockSpec((RB // 2, D), lambda i: (i, 0)),
        out_shape=jax.ShapeDtypeStruct((V // 2, D), jnp.int32),
    )(weight)


def kernel(indices, weight):
    B, L = indices.shape
    V, D = weight.shape
    N = B * L

    w32c = _tc_pack_table(weight, V, D)

    flat = indices.reshape(N // 128, 128)
    jdx2d = flat >> 1
    hb2d = flat & 1

    packed = _sc_gather_pack(jdx2d, hb2d, w32c, N, D)
    return _tc_retile(packed, B, L, D)

# --- scband reference (transcript-rebuilt; emitter-appended) ---
"""Pipeline reference for scband-word-embeddings-53360673685687 (READ-ONLY COPY).

The authoritative reference and input builder live on the scoring server;
editing this copy changes nothing except your own understanding.
"""

import jax, jax.numpy as jnp
import numpy as np

VOCAB = 100000
DIM = 128
B = 4096
L = 200


def setup_inputs(seed: int = 0) -> dict:
    key = jax.random.key(seed)
    k1, k2 = jax.random.split(key)
    indices = jax.random.randint(k1, (B, L), 0, VOCAB, dtype=jnp.int32)
    weight = (jax.random.normal(k2, (VOCAB, DIM), dtype=jnp.float32) * 0.02).astype(jnp.bfloat16)
    return {"indices": indices, "weight": weight}


def reference(indices, weight):
    # Faithful translation of _WordEmbeddings.forward: embedding row gather
    # weight: bf16 [vocab_size, dim]; indices: int [B, L]
    out = jnp.take(weight, indices, axis=0)  # [B, L, dim], bfloat16
    return out

if __name__ == "__main__":
    import jax
    _d = setup_inputs()
    print(jax.jit(kernel)(*tuple(_d.values())))

</pallas_src>

<mosaic_0001>
#map = affine_map<(d0, d1) -> (0, 0)>
module attributes {stable_mosaic.version = 14 : i64} {
  func.func @emb(%arg0: i32, %arg1: i32, %arg2: memref<6400x128xi32, #tpu.memory_space<hbm>>, %arg3: memref<6400x128xi32, #tpu.memory_space<hbm>>, %arg4: memref<50000x128xi32, #tpu.memory_space<hbm>>, %arg5: memref<409600x128xi32, #tpu.memory_space<hbm>>, %arg6: memref<200x128xi32, #tpu.memory_space<vmem>>, %arg7: memref<200x128xi32, #tpu.memory_space<vmem>>, %arg8: memref<256x128xi32, #tpu.memory_space<vmem>>, %arg9: memref<128x128xi32, #tpu.memory_space<vmem>>, %arg10: memref<!tpu.dma_semaphore, #tpu.memory_space<semaphore_mem>>, %arg11: memref<!tpu.dma_semaphore, #tpu.memory_space<semaphore_mem>>, %arg12: memref<!tpu.dma_semaphore, #tpu.memory_space<semaphore_mem>>, %arg13: memref<!tpu.dma_semaphore, #tpu.memory_space<semaphore_mem>>) attributes {dimension_semantics = [#tpu.dimension_semantics<core_parallel>, #tpu.dimension_semantics<subcore_parallel>], iteration_bounds = array<i64: 2, 16>, scalar_prefetch = 0 : i64, scratch_operands = 8 : i64, tpu.core_type = #tpu.core_type<sc_vector_subcore>, window_params = [{transform_indices = #map}, {transform_indices = #map}, {transform_indices = #map}, {transform_indices = #map}]} {
    %mul3A = arith.constant 2 : i32
    %mul3A_0 = arith.muli %arg1, %mul3A : i32
    %add3A = arith.addi %mul3A_0, %arg0 : i32
    %mul3A_1 = arith.constant 200 : i32
    %mul3A_2 = arith.muli %add3A, %mul3A_1 : i32
    "tpu.region"() ({
      %run_scoped3A = tpu.sem_alloc : memref<!tpu.dma_semaphore, #tpu.memory_space<semaphore_mem>>
      %dma_start3A_40 = arith.constant 0 : i32
      %dma_start3A_41 = tpu.memref_slice %arg2[%mul3A_2, %dma_start3A_40] : memref<6400x128xi32, #tpu.memory_space<hbm>> -> memref<200x128xi32, #tpu.memory_space<hbm>>
      %dma_start3A_42 = arith.constant 0 : i32
      %dma_start3A_43 = tpu.memref_slice %arg2[%mul3A_2, %dma_start3A_42] : memref<6400x128xi32, #tpu.memory_space<hbm>> -> memref<200x128xi32, #tpu.memory_space<hbm>>
      tpu.enqueue_dma source(%dma_start3A_43 : memref<200x128xi32, #tpu.memory_space<hbm>>) target(%arg6 : memref<200x128xi32, #tpu.memory_space<vmem>>) target_semaphore(%run_scoped3A : memref<!tpu.dma_semaphore, #tpu.memory_space<semaphore_mem>>)
      %dma_wait3A_44 = arith.constant 0 : i32
      %dma_wait3A_45 = tpu.memref_slice %arg2[%mul3A_2, %dma_wait3A_44] : memref<6400x128xi32, #tpu.memory_space<hbm>> -> memref<200x128xi32, #tpu.memory_space<hbm>>
      %dma_wait3A_46 = arith.constant 0 : i32
      %dma_wait3A_47 = tpu.memref_slice %arg2[%mul3A_2, %dma_wait3A_46] : memref<6400x128xi32, #tpu.memory_space<hbm>> -> memref<200x128xi32, #tpu.memory_space<hbm>>
      tpu.wait_dma2 semaphore(%run_scoped3A : memref<!tpu.dma_semaphore, #tpu.memory_space<semaphore_mem>>) src(%dma_wait3A_47 : memref<200x128xi32, #tpu.memory_space<hbm>>) dst(%arg6 : memref<200x128xi32, #tpu.memory_space<vmem>>)
      tpu.yield
    }) : () -> ()
    %mul3A_3 = arith.constant 200 : i32
    %mul3A_4 = arith.muli %add3A, %mul3A_3 : i32
    "tpu.region"() ({
      %run_scoped3A = tpu.sem_alloc : memref<!tpu.dma_semaphore, #tpu.memory_space<semaphore_mem>>
      %dma_start3A_40 = arith.constant 0 : i32
      %dma_start3A_41 = tpu.memref_slice %arg3[%mul3A_4, %dma_start3A_40] : memref<6400x128xi32, #tpu.memory_space<hbm>> -> memref<200x128xi32, #tpu.memory_space<hbm>>
      %dma_start3A_42 = arith.constant 0 : i32
      %dma_start3A_43 = tpu.memref_slice %arg3[%mul3A_4, %dma_start3A_42] : memref<6400x128xi32, #tpu.memory_space<hbm>> -> memref<200x128xi32, #tpu.memory_space<hbm>>
      tpu.enqueue_dma source(%dma_start3A_43 : memref<200x128xi32, #tpu.memory_space<hbm>>) target(%arg7 : memref<200x128xi32, #tpu.memory_space<vmem>>) target_semaphore(%run_scoped3A : memref<!tpu.dma_semaphore, #tpu.memory_space<semaphore_mem>>)
      %dma_wait3A_44 = arith.constant 0 : i32
      %dma_wait3A_45 = tpu.memref_slice %arg3[%mul3A_4, %dma_wait3A_44] : memref<6400x128xi32, #tpu.memory_space<hbm>> -> memref<200x128xi32, #tpu.memory_space<hbm>>
      %dma_wait3A_46 = arith.constant 0 : i32
      %dma_wait3A_47 = tpu.memref_slice %arg3[%mul3A_4, %dma_wait3A_46] : memref<6400x128xi32, #tpu.memory_space<hbm>> -> memref<200x128xi32, #tpu.memory_space<hbm>>
      tpu.wait_dma2 semaphore(%run_scoped3A : memref<!tpu.dma_semaphore, #tpu.memory_space<semaphore_mem>>) src(%dma_wait3A_47 : memref<200x128xi32, #tpu.memory_space<hbm>>) dst(%arg7 : memref<200x128xi32, #tpu.memory_space<vmem>>)
      tpu.yield
    }) : () -> ()
    %mul3A_5 = arith.constant 12800 : i32
    %mul3A_6 = arith.muli %add3A, %mul3A_5 : i32
    %dma_start3A = arith.constant 0 : i32
    %dma_start3A_7 = arith.constant 0 : i32
    %dma_start3A_8 = arith.constant 0 : i32
    %dma_start3A_9 = tpu.memref_slice %arg8[%dma_start3A_7, %dma_start3A_8] : memref<256x128xi32, #tpu.memory_space<vmem>> -> memref<128x128xi32, #tpu.memory_space<vmem>>
    %dma_start3A_10 = arith.constant 0 : i32
    %dma_start3A_11 = tpu.memref_slice %arg6[%dma_start3A, %dma_start3A_10] : memref<200x128xi32, #tpu.memory_space<vmem>> -> memref<1x128xi32, #tpu.memory_space<vmem>>
    %dma_start3A_12 = tpu.memref_squeeze %dma_start3A_11 : memref<1x128xi32, #tpu.memory_space<vmem>> -> memref<128xi32, #tpu.memory_space<vmem>>
    %dma_start3A_13 = arith.constant 0 : i32
    %dma_start3A_14 = arith.constant 0 : i32
    %dma_start3A_15 = tpu.memref_slice %arg4[%dma_start3A_13, %dma_start3A_14] : memref<50000x128xi32, #tpu.memory_space<hbm>> -> memref<50000x128xi32, #tpu.memory_space<hbm>>
    tpu.enqueue_indirect_dma source(%dma_start3A_15 : memref<50000x128xi32, #tpu.memory_space<hbm>>) target(%dma_start3A_9 : memref<128x128xi32, #tpu.memory_space<vmem>>) offsets(%dma_start3A_12 : memref<128xi32, #tpu.memory_space<vmem>>) semaphore(%arg10 : memref<!tpu.dma_semaphore, #tpu.memory_space<semaphore_mem>>)
    %scan3A = arith.constant 0 : i32
    %scan3A_16 = arith.constant 0 : i32
    %scan3A_17 = arith.constant 100 : i32
    %scan3A_18 = arith.addi %scan3A_16, %scan3A_17 : i32
    %scan3A_19 = arith.constant 1 : i32
    scf.for %scan3A_40 = %scan3A_16 to %scan3A_18 step %scan3A_19  : i32 {
      %mul3A_41 = arith.constant 2 : i32
      %mul3A_42 = arith.muli %mul3A_41, %scan3A_40 : i32
      %dma_wait3A_43 = arith.constant 0 : i32
      %dma_wait3A_44 = arith.constant 0 : i32
      %dma_wait3A_45 = tpu.memref_slice %arg8[%dma_wait3A_43, %dma_wait3A_44] : memref<256x128xi32, #tpu.memory_space<vmem>> -> memref<128x128xi32, #tpu.memory_space<vmem>>
      %dma_wait3A_46 = arith.constant 0 : i32
      %dma_wait3A_47 = arith.constant 0 : i32
      %dma_wait3A_48 = tpu.memref_slice %arg4[%dma_wait3A_46, %dma_wait3A_47] : memref<50000x128xi32, #tpu.memory_space<hbm>> -> memref<128x128xi32, #tpu.memory_space<hbm>>
      %dma_wait3A_49 = arith.constant 0 : i32
      %dma_wait3A_50 = arith.constant 0 : i32
      %dma_wait3A_51 = tpu.memref_slice %arg8[%dma_wait3A_49, %dma_wait3A_50] : memref<256x128xi32, #tpu.memory_space<vmem>> -> memref<128x128xi32, #tpu.memory_space<vmem>>
      %dma_wait3A_52 = arith.constant 0 : i32
      %dma_wait3A_53 = arith.constant 0 : i32
      %dma_wait3A_54 = tpu.memref_slice %arg4[%dma_wait3A_52, %dma_wait3A_53] : memref<50000x128xi32, #tpu.memory_space<hbm>> -> memref<128x128xi32, #tpu.memory_space<hbm>>
      tpu.wait_dma2 semaphore(%arg10 : memref<!tpu.dma_semaphore, #tpu.memory_space<semaphore_mem>>) src(%dma_wait3A_54 : memref<128x128xi32, #tpu.memory_space<hbm>>) dst(%dma_wait3A_51 : memref<128x128xi32, #tpu.memory_space<vmem>>)
      %add3A_55 = arith.constant 1 : i32
      %add3A_56 = arith.addi %mul3A_42, %add3A_55 : i32
      %lt3A = arith.constant 200 : i32
      %lt3A_57 = arith.cmpi slt, %add3A_56, %lt3A : i32
      %convert_element_type3A = arith.extui %lt3A_57 : i1 to i32
      %cond3A = arith.constant 0 : i32
      %cond3A_58 = arith.cmpi ne, %convert_element_type3A, %cond3A : i32
      scf.if %cond3A_58 {
        %add3A_122 = arith.constant 1 : i32
        %add3A_123 = arith.addi %mul3A_42, %add3A_122 : i32
        %dma_start3A_124 = arith.constant 128 : i32
        %dma_start3A_125 = arith.constant 0 : i32
        %dma_start3A_126 = tpu.memref_slice %arg8[%dma_start3A_124, %dma_start3A_125] : memref<256x128xi32, #tpu.memory_space<vmem>> -> memref<128x128xi32, #tpu.memory_space<vmem>>
        %dma_start3A_127 = arith.constant 0 : i32
        %dma_start3A_128 = tpu.memref_slice %arg6[%add3A_123, %dma_start3A_127] : memref<200x128xi32, #tpu.memory_space<vmem>> -> memref<1x128xi32, #tpu.memory_space<vmem>>
        %dma_start3A_129 = tpu.memref_squeeze %dma_start3A_128 : memref<1x128xi32, #tpu.memory_space<vmem>> -> memref<128xi32, #tpu.memory_space<vmem>>
        %dma_start3A_130 = arith.constant 0 : i32
        %dma_start3A_131 = arith.constant 0 : i32
        %dma_start3A_132 = tpu.memref_slice %arg4[%dma_start3A_130, %dma_start3A_131] : memref<50000x128xi32, #tpu.memory_space<hbm>> -> memref<50000x128xi32, #tpu.memory_space<hbm>>
        tpu.enqueue_indirect_dma source(%dma_start3A_132 : memref<50000x128xi32, #tpu.memory_space<hbm>>) target(%dma_start3A_126 : memref<128x128xi32, #tpu.memory_space<vmem>>) offsets(%dma_start3A_129 : memref<128xi32, #tpu.memory_space<vmem>>) semaphore(%arg11 : memref<!tpu.dma_semaphore, #tpu.memory_space<semaphore_mem>>)
      } else {
      }
      %ge3A = arith.constant 1 : i32
      %ge3A_59 = arith.cmpi sge, %scan3A_40, %ge3A : i32
      %convert_element_type3A_60 = arith.extui %ge3A_59 : i1 to i32
      %cond3A_61 = arith.constant 0 : i32
      %cond3A_62 = arith.cmpi ne, %convert_element_type3A_60, %cond3A_61 : i32
      scf.if %cond3A_62 {
        %dma_wait3A_122 = arith.constant 0 : i32
        %dma_wait3A_123 = arith.constant 0 : i32
        %dma_wait3A_124 = tpu.memref_slice %arg9[%dma_wait3A_122, %dma_wait3A_123] : memref<128x128xi32, #tpu.memory_space<vmem>> -> memref<64x128xi32, #tpu.memory_space<vmem>>
        %dma_wait3A_125 = arith.constant 0 : i32
        %dma_wait3A_126 = tpu.memref_slice %arg5[%mul3A_6, %dma_wait3A_125] : memref<409600x128xi32, #tpu.memory_space<hbm>> -> memref<64x128xi32, #tpu.memory_space<hbm>>
        %dma_wait3A_127 = arith.constant 0 : i32
        %dma_wait3A_128 = tpu.memref_slice %arg5[%mul3A_6, %dma_wait3A_127] : memref<409600x128xi32, #tpu.memory_space<hbm>> -> memref<64x128xi32, #tpu.memory_space<hbm>>
        %dma_wait3A_129 = arith.constant 0 : i32
        %dma_wait3A_130 = arith.constant 0 : i32
        %dma_wait3A_131 = tpu.memref_slice %arg9[%dma_wait3A_129, %dma_wait3A_130] : memref<128x128xi32, #tpu.memory_space<vmem>> -> memref<64x128xi32, #tpu.memory_space<vmem>>
        tpu.wait_dma2 semaphore(%arg12 : memref<!tpu.dma_semaphore, #tpu.memory_space<semaphore_mem>>) src(%dma_wait3A_131 : memref<64x128xi32, #tpu.memory_space<vmem>>) dst(%dma_wait3A_128 : memref<64x128xi32, #tpu.memory_space<hbm>>)
      } else {
      }
      %parallel_loop3A = arith.constant 0 : i32
      %parallel_loop3A_63 = arith.constant 8 : i32
      %parallel_loop3A_64 = arith.constant 1 : i32
      scf.for %parallel_loop3A_122 = %parallel_loop3A to %parallel_loop3A_63 step %parallel_loop3A_64  : i32 {
        %parallel_loop3A_123 = arith.constant 16 : i32
        %parallel_loop3A_124 = arith.muli %parallel_loop3A_122, %parallel_loop3A_123 : i32
        %parallel_loop3A_125 = arith.index_cast %mul3A_42 : i32 to index
        %parallel_loop3A_126 = arith.index_cast %parallel_loop3A_124 : i32 to index
        %parallel_loop3A_127 = tpu.vector_load %arg7[%parallel_loop3A_125, %parallel_loop3A_126] {strides = array<i32>} : memref<200x128xi32, #tpu.memory_space<vmem>>, vector<1x16xi32>,
        %parallel_loop3A_128 = vector.shape_cast %parallel_loop3A_127 : vector<1x16xi32> to vector<16xi32>
        %parallel_loop3A_129 = arith.constant 16 : i32
        %parallel_loop3A_130 = vector.broadcast %parallel_loop3A_129 : i32 to vector<16xi32>
        %parallel_loop3A_131 = arith.muli %parallel_loop3A_128, %parallel_loop3A_130 : vector<16xi32>
        %parallel_loop3A_132 = arith.constant 8 : i32
        %parallel_loop3A_133 = arith.muli %parallel_loop3A_122, %parallel_loop3A_132 : i32
        %parallel_loop3A_134 = arith.constant 0 : i32
        %parallel_loop3A_135 = arith.addi %parallel_loop3A_133, %parallel_loop3A_134 : i32
        %parallel_loop3A_136 = arith.constant 0 : i32
        %parallel_loop3A_137 = vector.broadcast %parallel_loop3A_136 : i32 to vector<16x1xi32>
        %parallel_loop3A_138 = vector.shape_cast %parallel_loop3A_137 : vector<16x1xi32> to vector<16xi32>
        %parallel_loop3A_139 = tpu.dynamic_gather %parallel_loop3A_131[%parallel_loop3A_138] in [0] : vector<16xi32>, vector<16xi32> -> vector<16xi32>
        %parallel_loop3A_140 = arith.constant 1 : i32
        %parallel_loop3A_141 = vector.broadcast %parallel_loop3A_140 : i32 to vector<16x1xi32>
        %parallel_loop3A_142 = vector.shape_cast %parallel_loop3A_141 : vector<16x1xi32> to vector<16xi32>
        %parallel_loop3A_143 = tpu.dynamic_gather %parallel_loop3A_131[%parallel_loop3A_142] in [0] : vector<16xi32>, vector<16xi32> -> vector<16xi32>
        %parallel_loop3A_144 = arith.constant 2 : i32
        %parallel_loop3A_145 = arith.muli %parallel_loop3A_144, %parallel_loop3A_135 : i32
        %parallel_loop3A_146 = arith.constant 0 : i32
        %parallel_loop3A_147 = arith.addi %parallel_loop3A_146, %parallel_loop3A_145 : i32
        %parallel_loop3A_148 = arith.index_cast %parallel_loop3A_147 : i32 to index
        %parallel_loop3A_149 = arith.constant 0 : index
        %parallel_loop3A_150 = tpu.vector_load %arg8[%parallel_loop3A_148, %parallel_loop3A_149] {strides = array<i32>} : memref<256x128xi32, #tpu.memory_space<vmem>>, vector<1x16xi32>,
        %parallel_loop3A_151 = vector.shape_cast %parallel_loop3A_150 : vector<1x16xi32> to vector<16xi32>
        %parallel_loop3A_152 = arith.constant 1 : i32
        %parallel_loop3A_153 = arith.addi %parallel_loop3A_147, %parallel_loop3A_152 : i32
        %parallel_loop3A_154 = arith.index_cast %parallel_loop3A_153 : i32 to index
        %parallel_loop3A_155 = arith.constant 0 : index
        %parallel_loop3A_156 = tpu.vector_load %arg8[%parallel_loop3A_154, %parallel_loop3A_155] {strides = array<i32>} : memref<256x128xi32, #tpu.memory_space<vmem>>, vector<1x16xi32>,
        %parallel_loop3A_157 = vector.shape_cast %parallel_loop3A_156 : vector<1x16xi32> to vector<16xi32>
        %parallel_loop3A_158 = arith.shrui %parallel_loop3A_151, %parallel_loop3A_139 : vector<16xi32>
        %parallel_loop3A_159 = arith.shrui %parallel_loop3A_157, %parallel_loop3A_143 : vector<16xi32>
        %parallel_loop3A_160 = arith.constant 65535 : i32
        %parallel_loop3A_161 = vector.broadcast %parallel_loop3A_160 : i32 to vector<16xi32>
        %parallel_loop3A_162 = arith.andi %parallel_loop3A_158, %parallel_loop3A_161 : vector<16xi32>
        %parallel_loop3A_163 = arith.constant 16 : i32
        %parallel_loop3A_164 = vector.broadcast %parallel_loop3A_163 : i32 to vector<16xi32>
        %parallel_loop3A_165 = arith.shli %parallel_loop3A_159, %parallel_loop3A_164 : vector<16xi32>
        %parallel_loop3A_166 = arith.ori %parallel_loop3A_162, %parallel_loop3A_165 : vector<16xi32>
        %parallel_loop3A_167 = arith.constant 0 : i32
        %parallel_loop3A_168 = arith.addi %parallel_loop3A_167, %parallel_loop3A_135 : i32
        %parallel_loop3A_169 = arith.index_cast %parallel_loop3A_168 : i32 to index
        %parallel_loop3A_170 = arith.constant 0 : index
        %parallel_loop3A_171 = tpu.vector_load %arg9[%parallel_loop3A_169, %parallel_loop3A_170] {strides = array<i32>} : memref<128x128xi32, #tpu.memory_space<vmem>>, vector<1x16xi32>,
        %parallel_loop3A_172 = vector.shape_cast %parallel_loop3A_171 : vector<1x16xi32> to vector<16xi32>
        %parallel_loop3A_173 = vector.shape_cast %parallel_loop3A_166 : vector<16xi32> to vector<1x16xi32>
        tpu.vector_store %arg9[%parallel_loop3A_169, %parallel_loop3A_170], %parallel_loop3A_173 {strides = array<i32>} : memref<128x128xi32, #tpu.memory_space<vmem>>, vector<1x16xi32>,
        %parallel_loop3A_174 = arith.index_cast %parallel_loop3A_147 : i32 to index
        %parallel_loop3A_175 = arith.constant 16 : index
        %parallel_loop3A_176 = tpu.vector_load %arg8[%parallel_loop3A_174, %parallel_loop3A_175] {strides = array<i32>} : memref<256x128xi32, #tpu.memory_space<vmem>>, vector<1x16xi32>,
        %parallel_loop3A_177 = vector.shape_cast %parallel_loop3A_176 : vector<1x16xi32> to vector<16xi32>
        %parallel_loop3A_178 = arith.constant 1 : i32
        %parallel_loop3A_179 = arith.addi %parallel_loop3A_147, %parallel_loop3A_178 : i32
        %parallel_loop3A_180 = arith.index_cast %parallel_loop3A_179 : i32 to index
        %parallel_loop3A_181 = arith.constant 16 : index
        %parallel_loop3A_182 = tpu.vector_load %arg8[%parallel_loop3A_180, %parallel_loop3A_181] {strides = array<i32>} : memref<256x128xi32, #tpu.memory_space<vmem>>, vector<1x16xi32>,
        %parallel_loop3A_183 = vector.shape_cast %parallel_loop3A_182 : vector<1x16xi32> to vector<16xi32>
        %parallel_loop3A_184 = arith.shrui %parallel_loop3A_177, %parallel_loop3A_139 : vector<16xi32>
        %parallel_loop3A_185 = arith.shrui %parallel_loop3A_183, %parallel_loop3A_143 : vector<16xi32>
        %parallel_loop3A_186 = arith.constant 65535 : i32
        %parallel_loop3A_187 = vector.broadcast %parallel_loop3A_186 : i32 to vector<16xi32>
        %parallel_loop3A_188 = arith.andi %parallel_loop3A_184, %parallel_loop3A_187 : vector<16xi32>
        %parallel_loop3A_189 = arith.constant 16 : i32
        %parallel_loop3A_190 = vector.broadcast %parallel_loop3A_189 : i32 to vector<16xi32>
        %parallel_loop3A_191 = arith.shli %parallel_loop3A_185, %parallel_loop3A_190 : vector<16xi32>
        %parallel_loop3A_192 = arith.ori %parallel_loop3A_188, %parallel_loop3A_191 : vector<16xi32>
        %parallel_loop3A_193 = arith.constant 0 : i32
        %parallel_loop3A_194 = arith.addi %parallel_loop3A_193, %parallel_loop3A_135 : i32
        %parallel_loop3A_195 = arith.index_cast %parallel_loop3A_194 : i32 to index
        %parallel_loop3A_196 = arith.constant 16 : index
        %parallel_loop3A_197 = tpu.vector_load %arg9[%parallel_loop3A_195, %parallel_loop3A_196] {strides = array<i32>} : memref<128x128xi32, #tpu.memory_space<vmem>>, vector<1x16xi32>,
        %parallel_loop3A_198 = vector.shape_cast %parallel_loop3A_197 : vector<1x16xi32> to vector<16xi32>
        %parallel_loop3A_199 = vector.shape_cast %parallel_loop3A_192 : vector<16xi32> to vector<1x16xi32>
        tpu.vector_store %arg9[%parallel_loop3A_195, %parallel_loop3A_196], %parallel_loop3A_199 {strides = array<i32>} : memref<128x128xi32, #tpu.memory_space<vmem>>, vector<1x16xi32>,
        %parallel_loop3A_200 = arith.index_cast %parallel_loop3A_147 : i32 to index
        %parallel_loop3A_201 = arith.constant 32 : index
        %parallel_loop3A_202 = tpu.vector_load %arg8[%parallel_loop3A_200, %parallel_loop3A_201] {strides = array<i32>} : memref<256x128xi32, #tpu.memory_space<vmem>>, vector<1x16xi32>,
        %parallel_loop3A_203 = vector.shape_cast %parallel_loop3A_202 : vector<1x16xi32> to vector<16xi32>
        %parallel_loop3A_204 = arith.constant 1 : i32
        %parallel_loop3A_205 = arith.addi %parallel_loop3A_147, %parallel_loop3A_204 : i32
        %parallel_loop3A_206 = arith.index_cast %parallel_loop3A_205 : i32 to index
        %parallel_loop3A_207 = arith.constant 32 : index
        %parallel_loop3A_208 = tpu.vector_load %arg8[%parallel_loop3A_206, %parallel_loop3A_207] {strides = array<i32>} : memref<256x128xi32, #tpu.memory_space<vmem>>, vector<1x16xi32>,
        %parallel_loop3A_209 = vector.shape_cast %parallel_loop3A_208 : vector<1x16xi32> to vector<16xi32>
        %parallel_loop3A_210 = arith.shrui %parallel_loop3A_203, %parallel_loop3A_139 : vector<16xi32>
        %parallel_loop3A_211 = arith.shrui %parallel_loop3A_209, %parallel_loop3A_143 : vector<16xi32>
        %parallel_loop3A_212 = arith.constant 65535 : i32
        %parallel_loop3A_213 = vector.broadcast %parallel_loop3A_212 : i32 to vector<16xi32>
        %parallel_loop3A_214 = arith.andi %parallel_loop3A_210, %parallel_loop3A_213 : vector<16xi32>
        %parallel_loop3A_215 = arith.constant 16 : i32
        %parallel_loop3A_216 = vector.broadcast %parallel_loop3A_215 : i32 to vector<16xi32>
        %parallel_loop3A_217 = arith.shli %parallel_loop3A_211, %parallel_loop3A_216 : vector<16xi32>
        %parallel_loop3A_218 = arith.ori %parallel_loop3A_214, %parallel_loop3A_217 : vector<16xi32>
        %parallel_loop3A_219 = arith.constant 0 : i32
        %parallel_loop3A_220 = arith.addi %parallel_loop3A_219, %parallel_loop3A_135 : i32
        %parallel_loop3A_221 = arith.index_cast %parallel_loop3A_220 : i32 to index
        %parallel_loop3A_222 = arith.constant 32 : index
        %parallel_loop3A_223 = tpu.vector_load %arg9[%parallel_loop3A_221, %parallel_loop3A_222] {strides = array<i32>} : memref<128x128xi32, #tpu.memory_space<vmem>>, vector<1x16xi32>,
        %parallel_loop3A_224 = vector.shape_cast %parallel_loop3A_223 : vector<1x16xi32> to vector<16xi32>
        %parallel_loop3A_225 = vector.shape_cast %parallel_loop3A_218 : vector<16xi32> to vector<1x16xi32>
        tpu.vector_store %arg9[%parallel_loop3A_221, %parallel_loop3A_222], %parallel_loop3A_225 {strides = array<i32>} : memref<128x128xi32, #tpu.memory_space<vmem>>, vector<1x16xi32>,
        %parallel_loop3A_226 = arith.index_cast %parallel_loop3A_147 : i32 to index
        %parallel_loop3A_227 = arith.constant 48 : index
        %parallel_loop3A_228 = tpu.vector_load %arg8[%parallel_loop3A_226, %parallel_loop3A_227] {strides = array<i32>} : memref<256x128xi32, #tpu.memory_space<vmem>>, vector<1x16xi32>,
        %parallel_loop3A_229 = vector.shape_cast %parallel_loop3A_228 : vector<1x16xi32> to vector<16xi32>
        %parallel_loop3A_230 = arith.constant 1 : i32
        %parallel_loop3A_231 = arith.addi %parallel_loop3A_147, %parallel_loop3A_230 : i32
        %parallel_loop3A_232 = arith.index_cast %parallel_loop3A_231 : i32 to index
        %parallel_loop3A_233 = arith.constant 48 : index
        %parallel_loop3A_234 = tpu.vector_load %arg8[%parallel_loop3A_232, %parallel_loop3A_233] {strides = array<i32>} : memref<256x128xi32, #tpu.memory_space<vmem>>, vector<1x16xi32>,
        %parallel_loop3A_235 = vector.shape_cast %parallel_loop3A_234 : vector<1x16xi32> to vector<16xi32>
        %parallel_loop3A_236 = arith.shrui %parallel_loop3A_229, %parallel_loop3A_139 : vector<16xi32>
        %parallel_loop3A_237 = arith.shrui %parallel_loop3A_235, %parallel_loop3A_143 : vector<16xi32>
        %parallel_loop3A_238 = arith.constant 65535 : i32
        %parallel_loop3A_239 = vector.broadcast %parallel_loop3A_238 : i32 to vector<16xi32>
        %parallel_loop3A_240 = arith.andi %parallel_loop3A_236, %parallel_loop3A_239 : vector<16xi32>
        %parallel_loop3A_241 = arith.constant 16 : i32
        %parallel_loop3A_242 = vector.broadcast %parallel_loop3A_241 : i32 to vector<16xi32>
        %parallel_loop3A_243 = arith.shli %parallel_loop3A_237, %parallel_loop3A_242 : vector<16xi32>
        %parallel_loop3A_244 = arith.ori %parallel_loop3A_240, %parallel_loop3A_243 : vector<16xi32>
        %parallel_loop3A_245 = arith.constant 0 : i32
        %parallel_loop3A_246 = arith.addi %parallel_loop3A_245, %parallel_loop3A_135 : i32
        %parallel_loop3A_247 = arith.index_cast %parallel_loop3A_246 : i32 to index
        %parallel_loop3A_248 = arith.constant 48 : index
        %parallel_loop3A_249 = tpu.vector_load %arg9[%parallel_loop3A_247, %parallel_loop3A_248] {strides = array<i32>} : memref<128x128xi32, #tpu.memory_space<vmem>>, vector<1x16xi32>,
        %parallel_loop3A_250 = vector.shape_cast %parallel_loop3A_249 : vector<1x16xi32> to vector<16xi32>
        %parallel_loop3A_251 = vector.shape_cast %parallel_loop3A_244 : vector<16xi32> to vector<1x16xi32>
        tpu.vector_store %arg9[%parallel_loop3A_247, %parallel_loop3A_248], %parallel_loop3A_251 {strides = array<i32>} : memref<128x128xi32, #tpu.memory_space<vmem>>, vector<1x16xi32>,
        %parallel_loop3A_252 = arith.index_cast %parallel_loop3A_147 : i32 to index
        %parallel_loop3A_253 = arith.constant 64 : index
        %parallel_loop3A_254 = tpu.vector_load %arg8[%parallel_loop3A_252, %parallel_loop3A_253] {strides = array<i32>} : memref<256x128xi32, #tpu.memory_space<vmem>>, vector<1x16xi32>,
        %parallel_loop3A_255 = vector.shape_cast %parallel_loop3A_254 : vector<1x16xi32> to vector<16xi32>
        %parallel_loop3A_256 = arith.constant 1 : i32
        %parallel_loop3A_257 = arith.addi %parallel_loop3A_147, %parallel_loop3A_256 : i32
        %parallel_loop3A_258 = arith.index_cast %parallel_loop3A_257 : i32 to index
        %parallel_loop3A_259 = arith.constant 64 : index
        %parallel_loop3A_260 = tpu.vector_load %arg8[%parallel_loop3A_258, %parallel_loop3A_259] {strides = array<i32>} : memref<256x128xi32, #tpu.memory_space<vmem>>, vector<1x16xi32>,
        %parallel_loop3A_261 = vector.shape_cast %parallel_loop3A_260 : vector<1x16xi32> to vector<16xi32>
        %parallel_loop3A_262 = arith.shrui %parallel_loop3A_255, %parallel_loop3A_139 : vector<16xi32>
        %parallel_loop3A_263 = arith.shrui %parallel_loop3A_261, %parallel_loop3A_143 : vector<16xi32>
        %parallel_loop3A_264 = arith.constant 65535 : i32
        %parallel_loop3A_265 = vector.broadcast %parallel_loop3A_264 : i32 to vector<16xi32>
        %parallel_loop3A_266 = arith.andi %parallel_loop3A_262, %parallel_loop3A_265 : vector<16xi32>
        %parallel_loop3A_267 = arith.constant 16 : i32
        %parallel_loop3A_268 = vector.broadcast %parallel_loop3A_267 : i32 to vector<16xi32>
        %parallel_loop3A_269 = arith.shli %parallel_loop3A_263, %parallel_loop3A_268 : vector<16xi32>
        %parallel_loop3A_270 = arith.ori %parallel_loop3A_266, %parallel_loop3A_269 : vector<16xi32>
        %parallel_loop3A_271 = arith.constant 0 : i32
        %parallel_loop3A_272 = arith.addi %parallel_loop3A_271, %parallel_loop3A_135 : i32
        %parallel_loop3A_273 = arith.index_cast %parallel_loop3A_272 : i32 to index
        %parallel_loop3A_274 = arith.constant 64 : index
        %parallel_loop3A_275 = tpu.vector_load %arg9[%parallel_loop3A_273, %parallel_loop3A_274] {strides = array<i32>} : memref<128x128xi32, #tpu.memory_space<vmem>>, vector<1x16xi32>,
        %parallel_loop3A_276 = vector.shape_cast %parallel_loop3A_275 : vector<1x16xi32> to vector<16xi32>
        %parallel_loop3A_277 = vector.shape_cast %parallel_loop3A_270 : vector<16xi32> to vector<1x16xi32>
        tpu.vector_store %arg9[%parallel_loop3A_273, %parallel_loop3A_274], %parallel_loop3A_277 {strides = array<i32>} : memref<128x128xi32, #tpu.memory_space<vmem>>, vector<1x16xi32>,
        %parallel_loop3A_278 = arith.index_cast %parallel_loop3A_147 : i32 to index
        %parallel_loop3A_279 = arith.constant 80 : index
        %parallel_loop3A_280 = tpu.vector_load %arg8[%parallel_loop3A_278, %parallel_loop3A_279] {strides = array<i32>} : memref<256x128xi32, #tpu.memory_space<vmem>>, vector<1x16xi32>,
        %parallel_loop3A_281 = vector.shape_cast %parallel_loop3A_280 : vector<1x16xi32> to vector<16xi32>
        %parallel_loop3A_282 = arith.constant 1 : i32
        %parallel_loop3A_283 = arith.addi %parallel_loop3A_147, %parallel_loop3A_282 : i32
        %parallel_loop3A_284 = arith.index_cast %parallel_loop3A_283 : i32 to index
        %parallel_loop3A_285 = arith.constant 80 : index
        %parallel_loop3A_286 = tpu.vector_load %arg8[%parallel_loop3A_284, %parallel_loop3A_285] {strides = array<i32>} : memref<256x128xi32, #tpu.memory_space<vmem>>, vector<1x16xi32>,
        %parallel_loop3A_287 = vector.shape_cast %parallel_loop3A_286 : vector<1x16xi32> to vector<16xi32>
        %parallel_loop3A_288 = arith.shrui %parallel_loop3A_281, %parallel_loop3A_139 : vector<16xi32>
        %parallel_loop3A_289 = arith.shrui %parallel_loop3A_287, %parallel_loop3A_143 : vector<16xi32>
        %parallel_loop3A_290 = arith.constant 65535 : i32
        %parallel_loop3A_291 = vector.broadcast %parallel_loop3A_290 : i32 to vector<16xi32>
        %parallel_loop3A_292 = arith.andi %parallel_loop3A_288, %parallel_loop3A_291 : vector<16xi32>
        %parallel_loop3A_293 = arith.constant 16 : i32
        %parallel_loop3A_294 = vector.broadcast %parallel_loop3A_293 : i32 to vector<16xi32>
        %parallel_loop3A_295 = arith.shli %parallel_loop3A_289, %parallel_loop3A_294 : vector<16xi32>
        %parallel_loop3A_296 = arith.ori %parallel_loop3A_292, %parallel_loop3A_295 : vector<16xi32>
        %parallel_loop3A_297 = arith.constant 0 : i32
        %parallel_loop3A_298 = arith.addi %parallel_loop3A_297, %parallel_loop3A_135 : i32
        %parallel_loop3A_299 = arith.index_cast %parallel_loop3A_298 : i32 to index
        %parallel_loop3A_300 = arith.constant 80 : index
        %parallel_loop3A_301 = tpu.vector_load %arg9[%parallel_loop3A_299, %parallel_loop3A_300] {strides = array<i32>} : memref<128x128xi32, #tpu.memory_space<vmem>>, vector<1x16xi32>,
        %parallel_loop3A_302 = vector.shape_cast %parallel_loop3A_301 : vector<1x16xi32> to vector<16xi32>
        %parallel_loop3A_303 = vector.shape_cast %parallel_loop3A_296 : vector<16xi32> to vector<1x16xi32>
        tpu.vector_store %arg9[%parallel_loop3A_299, %parallel_loop3A_300], %parallel_loop3A_303 {strides = array<i32>} : memref<128x128xi32, #tpu.memory_space<vmem>>, vector<1x16xi32>,
        %parallel_loop3A_304 = arith.index_cast %parallel_loop3A_147 : i32 to index
        %parallel_loop3A_305 = arith.constant 96 : index
        %parallel_loop3A_306 = tpu.vector_load %arg8[%parallel_loop3A_304, %parallel_loop3A_305] {strides = array<i32>} : memref<256x128xi32, #tpu.memory_space<vmem>>, vector<1x16xi32>,
        %parallel_loop3A_307 = vector.shape_cast %parallel_loop3A_306 : vector<1x16xi32> to vector<16xi32>
        %parallel_loop3A_308 = arith.constant 1 : i32
        %parallel_loop3A_309 = arith.addi %parallel_loop3A_147, %parallel_loop3A_308 : i32
        %parallel_loop3A_310 = arith.index_cast %parallel_loop3A_309 : i32 to index
        %parallel_loop3A_311 = arith.constant 96 : index
        %parallel_loop3A_312 = tpu.vector_load %arg8[%parallel_loop3A_310, %parallel_loop3A_311] {strides = array<i32>} : memref<256x128xi32, #tpu.memory_space<vmem>>, vector<1x16xi32>,
        %parallel_loop3A_313 = vector.shape_cast %parallel_loop3A_312 : vector<1x16xi32> to vector<16xi32>
        %parallel_loop3A_314 = arith.shrui %parallel_loop3A_307, %parallel_loop3A_139 : vector<16xi32>
        %parallel_loop3A_315 = arith.shrui %parallel_loop3A_313, %parallel_loop3A_143 : vector<16xi32>
        %parallel_loop3A_316 = arith.constant 65535 : i32
        %parallel_loop3A_317 = vector.broadcast %parallel_loop3A_316 : i32 to vector<16xi32>
        %parallel_loop3A_318 = arith.andi %parallel_loop3A_314, %parallel_loop3A_317 : vector<16xi32>
        %parallel_loop3A_319 = arith.constant 16 : i32
        %parallel_loop3A_320 = vector.broadcast %parallel_loop3A_319 : i32 to vector<16xi32>
        %parallel_loop3A_321 = arith.shli %parallel_loop3A_315, %parallel_loop3A_320 : vector<16xi32>
        %parallel_loop3A_322 = arith.ori %parallel_loop3A_318, %parallel_loop3A_321 : vector<16xi32>
        %parallel_loop3A_323 = arith.constant 0 : i32
        %parallel_loop3A_324 = arith.addi %parallel_loop3A_323, %parallel_loop3A_135 : i32
        %parallel_loop3A_325 = arith.index_cast %parallel_loop3A_324 : i32 to index
        %parallel_loop3A_326 = arith.constant 96 : index
        %parallel_loop3A_327 = tpu.vector_load %arg9[%parallel_loop3A_325, %parallel_loop3A_326] {strides = array<i32>} : memref<128x128xi32, #tpu.memory_space<vmem>>, vector<1x16xi32>,
        %parallel_loop3A_328 = vector.shape_cast %parallel_loop3A_327 : vector<1x16xi32> to vector<16xi32>
        %parallel_loop3A_329 = vector.shape_cast %parallel_loop3A_322 : vector<16xi32> to vector<1x16xi32>
        tpu.vector_store %arg9[%parallel_loop3A_325, %parallel_loop3A_326], %parallel_loop3A_329 {strides = array<i32>} : memref<128x128xi32, #tpu.memory_space<vmem>>, vector<1x16xi32>,
        %parallel_loop3A_330 = arith.index_cast %parallel_loop3A_147 : i32 to index
        %parallel_loop3A_331 = arith.constant 112 : index
        %parallel_loop3A_332 = tpu.vector_load %arg8[%parallel_loop3A_330, %parallel_loop3A_331] {strides = array<i32>} : memref<256x128xi32, #tpu.memory_space<vmem>>, vector<1x16xi32>,
        %parallel_loop3A_333 = vector.shape_cast %parallel_loop3A_332 : vector<1x16xi32> to vector<16xi32>
        %parallel_loop3A_334 = arith.constant 1 : i32
        %parallel_loop3A_335 = arith.addi %parallel_loop3A_147, %parallel_loop3A_334 : i32
        %parallel_loop3A_336 = arith.index_cast %parallel_loop3A_335 : i32 to index
        %parallel_loop3A_337 = arith.constant 112 : index
        %parallel_loop3A_338 = tpu.vector_load %arg8[%parallel_loop3A_336, %parallel_loop3A_337] {strides = array<i32>} : memref<256x128xi32, #tpu.memory_space<vmem>>, vector<1x16xi32>,
        %parallel_loop3A_339 = vector.shape_cast %parallel_loop3A_338 : vector<1x16xi32> to vector<16xi32>
        %parallel_loop3A_340 = arith.shrui %parallel_loop3A_333, %parallel_loop3A_139 : vector<16xi32>
        %parallel_loop3A_341 = arith.shrui %parallel_loop3A_339, %parallel_loop3A_143 : vector<16xi32>
        %parallel_loop3A_342 = arith.constant 65535 : i32
        %parallel_loop3A_343 = vector.broadcast %parallel_loop3A_342 : i32 to vector<16xi32>
        %parallel_loop3A_344 = arith.andi %parallel_loop3A_340, %parallel_loop3A_343 : vector<16xi32>
        %parallel_loop3A_345 = arith.constant 16 : i32
        %parallel_loop3A_346 = vector.broadcast %parallel_loop3A_345 : i32 to vector<16xi32>
        %parallel_loop3A_347 = arith.shli %parallel_loop3A_341, %parallel_loop3A_346 : vector<16xi32>
        %parallel_loop3A_348 = arith.ori %parallel_loop3A_344, %parallel_loop3A_347 : vector<16xi32>
        %parallel_loop3A_349 = arith.constant 0 : i32
        %parallel_loop3A_350 = arith.addi %parallel_loop3A_349, %parallel_loop3A_135 : i32
        %parallel_loop3A_351 = arith.index_cast %parallel_loop3A_350 : i32 to index
        %parallel_loop3A_352 = arith.constant 112 : index
        %parallel_loop3A_353 = tpu.vector_load %arg9[%parallel_loop3A_351, %parallel_loop3A_352] {strides = array<i32>} : memref<128x128xi32, #tpu.memory_space<vmem>>, vector<1x16xi32>,
        %parallel_loop3A_354 = vector.shape_cast %parallel_loop3A_353 : vector<1x16xi32> to vector<16xi32>
        %parallel_loop3A_355 = vector.shape_cast %parallel_loop3A_348 : vector<16xi32> to vector<1x16xi32>
        tpu.vector_store %arg9[%parallel_loop3A_351, %parallel_loop3A_352], %parallel_loop3A_355 {strides = array<i32>} : memref<128x128xi32, #tpu.memory_space<vmem>>, vector<1x16xi32>,
        %parallel_loop3A_356 = arith.constant 8 : i32
        %parallel_loop3A_357 = arith.muli %parallel_loop3A_122, %parallel_loop3A_356 : i32
        %parallel_loop3A_358 = arith.constant 1 : i32
        %parallel_loop3A_359 = arith.addi %parallel_loop3A_357, %parallel_loop3A_358 : i32
        %parallel_loop3A_360 = arith.constant 2 : i32
        %parallel_loop3A_361 = vector.broadcast %parallel_loop3A_360 : i32 to vector<16x1xi32>
        %parallel_loop3A_362 = vector.shape_cast %parallel_loop3A_361 : vector<16x1xi32> to vector<16xi32>
        %parallel_loop3A_363 = tpu.dynamic_gather %parallel_loop3A_131[%parallel_loop3A_362] in [0] : vector<16xi32>, vector<16xi32> -> vector<16xi32>
        %parallel_loop3A_364 = arith.constant 3 : i32
        %parallel_loop3A_365 = vector.broadcast %parallel_loop3A_364 : i32 to vector<16x1xi32>
        %parallel_loop3A_366 = vector.shape_cast %parallel_loop3A_365 : vector<16x1xi32> to vector<16xi32>
        %parallel_loop3A_367 = tpu.dynamic_gather %parallel_loop3A_131[%parallel_loop3A_366] in [0] : vector<16xi32>, vector<16xi32> -> vector<16xi32>
        %parallel_loop3A_368 = arith.constant 2 : i32
        %parallel_loop3A_369 = arith.muli %parallel_loop3A_368, %parallel_loop3A_359 : i32
        %parallel_loop3A_370 = arith.constant 0 : i32
        %parallel_loop3A_371 = arith.addi %parallel_loop3A_370, %parallel_loop3A_369 : i32
        %parallel_loop3A_372 = arith.index_cast %parallel_loop3A_371 : i32 to index
        %parallel_loop3A_373 = arith.constant 0 : index
        %parallel_loop3A_374 = tpu.vector_load %arg8[%parallel_loop3A_372, %parallel_loop3A_373] {strides = array<i32>} : memref<256x128xi32, #tpu.memory_space<vmem>>, vector<1x16xi32>,
        %parallel_loop3A_375 = vector.shape_cast %parallel_loop3A_374 : vector<1x16xi32> to vector<16xi32>
        %parallel_loop3A_376 = arith.constant 1 : i32
        %parallel_loop3A_377 = arith.addi %parallel_loop3A_371, %parallel_loop3A_376 : i32
        %parallel_loop3A_378 = arith.index_cast %parallel_loop3A_377 : i32 to index
        %parallel_loop3A_379 = arith.constant 0 : index
        %parallel_loop3A_380 = tpu.vector_load %arg8[%parallel_loop3A_378, %parallel_loop3A_379] {strides = array<i32>} : memref<256x128xi32, #tpu.memory_space<vmem>>, vector<1x16xi32>,
        %parallel_loop3A_381 = vector.shape_cast %parallel_loop3A_380 : vector<1x16xi32> to vector<16xi32>
        %parallel_loop3A_382 = arith.shrui %parallel_loop3A_375, %parallel_loop3A_363 : vector<16xi32>
        %parallel_loop3A_383 = arith.shrui %parallel_loop3A_381, %parallel_loop3A_367 : vector<16xi32>
        %parallel_loop3A_384 = arith.constant 65535 : i32
        %parallel_loop3A_385 = vector.broadcast %parallel_loop3A_384 : i32 to vector<16xi32>
        %parallel_loop3A_386 = arith.andi %parallel_loop3A_382, %parallel_loop3A_385 : vector<16xi32>
        %parallel_loop3A_387 = arith.constant 16 : i32
        %parallel_loop3A_388 = vector.broadcast %parallel_loop3A_387 : i32 to vector<16xi32>
        %parallel_loop3A_389 = arith.shli %parallel_loop3A_383, %parallel_loop3A_388 : vector<16xi32>
        %parallel_loop3A_390 = arith.ori %parallel_loop3A_386, %parallel_loop3A_389 : vector<16xi32>
        %parallel_loop3A_391 = arith.constant 0 : i32
        %parallel_loop3A_392 = arith.addi %parallel_loop3A_391, %parallel_loop3A_359 : i32
        %parallel_loop3A_393 = arith.index_cast %parallel_loop3A_392 : i32 to index
        %parallel_loop3A_394 = arith.constant 0 : index
        %parallel_loop3A_395 = tpu.vector_load %arg9[%parallel_loop3A_393, %parallel_loop3A_394] {strides = array<i32>} : memref<128x128xi32, #tpu.memory_space<vmem>>, vector<1x16xi32>,
        %parallel_loop3A_396 = vector.shape_cast %parallel_loop3A_395 : vector<1x16xi32> to vector<16xi32>
        %parallel_loop3A_397 = vector.shape_cast %parallel_loop3A_390 : vector<16xi32> to vector<1x16xi32>
        tpu.vector_store %arg9[%parallel_loop3A_393, %parallel_loop3A_394], %parallel_loop3A_397 {strides = array<i32>} : memref<128x128xi32, #tpu.memory_space<vmem>>, vector<1x16xi32>,
        %parallel_loop3A_398 = arith.index_cast %parallel_loop3A_371 : i32 to index
        %parallel_loop3A_399 = arith.constant 16 : index
        %parallel_loop3A_400 = tpu.vector_load %arg8[%parallel_loop3A_398, %parallel_loop3A_399] {strides = array<i32>} : memref<256x128xi32, #tpu.memory_space<vmem>>, vector<1x16xi32>,
        %parallel_loop3A_401 = vector.shape_cast %parallel_loop3A_400 : vector<1x16xi32> to vector<16xi32>
        %parallel_loop3A_402 = arith.constant 1 : i32
        %parallel_loop3A_403 = arith.addi %parallel_loop3A_371, %parallel_loop3A_402 : i32
        %parallel_loop3A_404 = arith.index_cast %parallel_loop3A_403 : i32 to index
        %parallel_loop3A_405 = arith.constant 16 : index
        %parallel_loop3A_406 = tpu.vector_load %arg8[%parallel_loop3A_404, %parallel_loop3A_405] {strides = array<i32>} : memref<256x128xi32, #tpu.memory_space<vmem>>, vector<1x16xi32>,
        %parallel_loop3A_407 = vector.shape_cast %parallel_loop3A_406 : vector<1x16xi32> to vector<16xi32>
        %parallel_loop3A_408 = arith.shrui %parallel_loop3A_401, %parallel_loop3A_363 : vector<16xi32>
        %parallel_loop3A_409 = arith.shrui %parallel_loop3A_407, %parallel_loop3A_367 : vector<16xi32>
        %parallel_loop3A_410 = arith.constant 65535 : i32
        %parallel_loop3A_411 = vector.broadcast %parallel_loop3A_410 : i32 to vector<16xi32>
        %parallel_loop3A_412 = arith.andi %parallel_loop3A_408, %parallel_loop3A_411 : vector<16xi32>
        %parallel_loop3A_413 = arith.constant 16 : i32
        %parallel_loop3A_414 = vector.broadcast %parallel_loop3A_413 : i32 to vector<16xi32>
        %parallel_loop3A_415 = arith.shli %parallel_loop3A_409, %parallel_loop3A_414 : vector<16xi32>
        %parallel_loop3A_416 = arith.ori %parallel_loop3A_412, %parallel_loop3A_415 : vector<16xi32>
        %parallel_loop3A_417 = arith.constant 0 : i32
        %parallel_loop3A_418 = arith.addi %parallel_loop3A_417, %parallel_loop3A_359 : i32
        %parallel_loop3A_419 = arith.index_cast %parallel_loop3A_418 : i32 to index
        %parallel_loop3A_420 = arith.constant 16 : index
        %parallel_loop3A_421 = tpu.vector_load %arg9[%parallel_loop3A_419, %parallel_loop3A_420] {strides = array<i32>} : memref<128x128xi32, #tpu.memory_space<vmem>>, vector<1x16xi32>,
        %parallel_loop3A_422 = vector.shape_cast %parallel_loop3A_421 : vector<1x16xi32> to vector<16xi32>
        %parallel_loop3A_423 = vector.shape_cast %parallel_loop3A_416 : vector<16xi32> to vector<1x16xi32>
        tpu.vector_store %arg9[%parallel_loop3A_419, %parallel_loop3A_420], %parallel_loop3A_423 {strides = array<i32>} : memref<128x128xi32, #tpu.memory_space<vmem>>, vector<1x16xi32>,
        %parallel_loop3A_424 = arith.index_cast %parallel_loop3A_371 : i32 to index
        %parallel_loop3A_425 = arith.constant 32 : index
        %parallel_loop3A_426 = tpu.vector_load %arg8[%parallel_loop3A_424, %parallel_loop3A_425] {strides = array<i32>} : memref<256x128xi32, #tpu.memory_space<vmem>>, vector<1x16xi32>,
        %parallel_loop3A_427 = vector.shape_cast %parallel_loop3A_426 : vector<1x16xi32> to vector<16xi32>
        %parallel_loop3A_428 = arith.constant 1 : i32
        %parallel_loop3A_429 = arith.addi %parallel_loop3A_371, %parallel_loop3A_428 : i32
        %parallel_loop3A_430 = arith.index_cast %parallel_loop3A_429 : i32 to index
        %parallel_loop3A_431 = arith.constant 32 : index
        %parallel_loop3A_432 = tpu.vector_load %arg8[%parallel_loop3A_430, %parallel_loop3A_431] {strides = array<i32>} : memref<256x128xi32, #tpu.memory_space<vmem>>, vector<1x16xi32>,
        %parallel_loop3A_433 = vector.shape_cast %parallel_loop3A_432 : vector<1x16xi32> to vector<16xi32>
        %parallel_loop3A_434 = arith.shrui %parallel_loop3A_427, %parallel_loop3A_363 : vector<16xi32>
        %parallel_loop3A_435 = arith.shrui %parallel_loop3A_433, %parallel_loop3A_367 : vector<16xi32>
        %parallel_loop3A_436 = arith.constant 65535 : i32
        %parallel_loop3A_437 = vector.broadcast %parallel_loop3A_436 : i32 to vector<16xi32>
        %parallel_loop3A_438 = arith.andi %parallel_loop3A_434, %parallel_loop3A_437 : vector<16xi32>
        %parallel_loop3A_439 = arith.constant 16 : i32
        %parallel_loop3A_440 = vector.broadcast %parallel_loop3A_439 : i32 to vector<16xi32>
        %parallel_loop3A_441 = arith.shli %parallel_loop3A_435, %parallel_loop3A_440 : vector<16xi32>
        %parallel_loop3A_442 = arith.ori %parallel_loop3A_438, %parallel_loop3A_441 : vector<16xi32>
        %parallel_loop3A_443 = arith.constant 0 : i32
        %parallel_loop3A_444 = arith.addi %parallel_loop3A_443, %parallel_loop3A_359 : i32
        %parallel_loop3A_445 = arith.index_cast %parallel_loop3A_444 : i32 to index
        %parallel_loop3A_446 = arith.constant 32 : index
        %parallel_loop3A_447 = tpu.vector_load %arg9[%parallel_loop3A_445, %parallel_loop3A_446] {strides = array<i32>} : memref<128x128xi32, #tpu.memory_space<vmem>>, vector<1x16xi32>,
        %parallel_loop3A_448 = vector.shape_cast %parallel_loop3A_447 : vector<1x16xi32> to vector<16xi32>
        %parallel_loop3A_449 = vector.shape_cast %parallel_loop3A_442 : vector<16xi32> to vector<1x16xi32>
        tpu.vector_store %arg9[%parallel_loop3A_445, %parallel_loop3A_446], %parallel_loop3A_449 {strides = array<i32>} : memref<128x128xi32, #tpu.memory_space<vmem>>, vector<1x16xi32>,
        %parallel_loop3A_450 = arith.index_cast %parallel_loop3A_371 : i32 to index
        %parallel_loop3A_451 = arith.constant 48 : index
        %parallel_loop3A_452 = tpu.vector_load %arg8[%parallel_loop3A_450, %parallel_loop3A_451] {strides = array<i32>} : memref<256x128xi32, #tpu.memory_space<vmem>>, vector<1x16xi32>,
        %parallel_loop3A_453 = vector.shape_cast %parallel_loop3A_452 : vector<1x16xi32> to vector<16xi32>
        %parallel_loop3A_454 = arith.constant 1 : i32
        %parallel_loop3A_455 = arith.addi %parallel_loop3A_371, %parallel_loop3A_454 : i32
        %parallel_loop3A_456 = arith.index_cast %parallel_loop3A_455 : i32 to index
        %parallel_loop3A_457 = arith.constant 48 : index
        %parallel_loop3A_458 = tpu.vector_load %arg8[%parallel_loop3A_456, %parallel_loop3A_457] {strides = array<i32>} : memref<256x128xi32, #tpu.memory_space<vmem>>, vector<1x16xi32>,
        %parallel_loop3A_459 = vector.shape_cast %parallel_loop3A_458 : vector<1x16xi32> to vector<16xi32>
        %parallel_loop3A_460 = arith.shrui %parallel_loop3A_453, %parallel_loop3A_363 : vector<16xi32>
        %parallel_loop3A_461 = arith.shrui %parallel_loop3A_459, %parallel_loop3A_367 : vector<16xi32>
        %parallel_loop3A_462 = arith.constant 65535 : i32
        %parallel_loop3A_463 = vector.broadcast %parallel_loop3A_462 : i32 to vector<16xi32>
        %parallel_loop3A_464 = arith.andi %parallel_loop3A_460, %parallel_loop3A_463 : vector<16xi32>
        %parallel_loop3A_465 = arith.constant 16 : i32
        %parallel_loop3A_466 = vector.broadcast %parallel_loop3A_465 : i32 to vector<16xi32>
        %parallel_loop3A_467 = arith.shli %parallel_loop3A_461, %parallel_loop3A_466 : vector<16xi32>
        %parallel_loop3A_468 = arith.ori %parallel_loop3A_464, %parallel_loop3A_467 : vector<16xi32>
        %parallel_loop3A_469 = arith.constant 0 : i32
        %parallel_loop3A_470 = arith.addi %parallel_loop3A_469, %parallel_loop3A_359 : i32
        %parallel_loop3A_471 = arith.index_cast %parallel_loop3A_470 : i32 to index
        %parallel_loop3A_472 = arith.constant 48 : index
        %parallel_loop3A_473 = tpu.vector_load %arg9[%parallel_loop3A_471, %parallel_loop3A_472] {strides = array<i32>} : memref<128x128xi32, #tpu.memory_space<vmem>>, vector<1x16xi32>,
        %parallel_loop3A_474 = vector.shape_cast %parallel_loop3A_473 : vector<1x16xi32> to vector<16xi32>
        %parallel_loop3A_475 = vector.shape_cast %parallel_loop3A_468 : vector<16xi32> to vector<1x16xi32>
        tpu.vector_store %arg9[%parallel_loop3A_471, %parallel_loop3A_472], %parallel_loop3A_475 {strides = array<i32>} : memref<128x128xi32, #tpu.memory_space<vmem>>, vector<1x16xi32>,
        %parallel_loop3A_476 = arith.index_cast %parallel_loop3A_371 : i32 to index
        %parallel_loop3A_477 = arith.constant 64 : index
        %parallel_loop3A_478 = tpu.vector_load %arg8[%parallel_loop3A_476, %parallel_loop3A_477] {strides = array<i32>} : memref<256x128xi32, #tpu.memory_space<vmem>>, vector<1x16xi32>,
        %parallel_loop3A_479 = vector.shape_cast %parallel_loop3A_478 : vector<1x16xi32> to vector<16xi32>
        %parallel_loop3A_480 = arith.constant 1 : i32
        %parallel_loop3A_481 = arith.addi %parallel_loop3A_371, %parallel_loop3A_480 : i32
        %parallel_loop3A_482 = arith.index_cast %parallel_loop3A_481 : i32 to index
        %parallel_loop3A_483 = arith.constant 64 : index
        %parallel_loop3A_484 = tpu.vector_load %arg8[%parallel_loop3A_482, %parallel_loop3A_483] {strides = array<i32>} : memref<256x128xi32, #tpu.memory_space<vmem>>, vector<1x16xi32>,
        %parallel_loop3A_485 = vector.shape_cast %parallel_loop3A_484 : vector<1x16xi32> to vector<16xi32>
        %parallel_loop3A_486 = arith.shrui %parallel_loop3A_479, %parallel_loop3A_363 : vector<16xi32>
        %parallel_loop3A_487 = arith.shrui %parallel_loop3A_485, %parallel_loop3A_367 : vector<16xi32>
        %parallel_loop3A_488 = arith.constant 65535 : i32
        %parallel_loop3A_489 = vector.broadcast %parallel_loop3A_488 : i32 to vector<16xi32>
        %parallel_loop3A_490 = arith.andi %parallel_loop3A_486, %parallel_loop3A_489 : vector<16xi32>
        %parallel_loop3A_491 = arith.constant 16 : i32
        %parallel_loop3A_492 = vector.broadcast %parallel_loop3A_491 : i32 to vector<16xi32>
        %parallel_loop3A_493 = arith.shli %parallel_loop3A_487, %parallel_loop3A_492 : vector<16xi32>
        %parallel_loop3A_494 = arith.ori %parallel_loop3A_490, %parallel_loop3A_493 : vector<16xi32>
        %parallel_loop3A_495 = arith.constant 0 : i32
        %parallel_loop3A_496 = arith.addi %parallel_loop3A_495, %parallel_loop3A_359 : i32
        %parallel_loop3A_497 = arith.index_cast %parallel_loop3A_496 : i32 to index
        %parallel_loop3A_498 = arith.constant 64 : index
        %parallel_loop3A_499 = tpu.vector_load %arg9[%parallel_loop3A_497, %parallel_loop3A_498] {strides = array<i32>} : memref<128x128xi32, #tpu.memory_space<vmem>>, vector<1x16xi32>,
        %parallel_loop3A_500 = vector.shape_cast %parallel_loop3A_499 : vector<1x16xi32> to vector<16xi32>
        %parallel_loop3A_501 = vector.shape_cast %parallel_loop3A_494 : vector<16xi32> to vector<1x16xi32>
        tpu.vector_store %arg9[%parallel_loop3A_497, %parallel_loop3A_498], %parallel_loop3A_501 {strides = array<i32>} : memref<128x128xi32, #tpu.memory_space<vmem>>, vector<1x16xi32>,
        %parallel_loop3A_502 = arith.index_cast %parallel_loop3A_371 : i32 to index
        %parallel_loop3A_503 = arith.constant 80 : index
        %parallel_loop3A_504 = tpu.vector_load %arg8[%parallel_loop3A_502, %parallel_loop3A_503] {strides = array<i32>} : memref<256x128xi32, #tpu.memory_space<vmem>>, vector<1x16xi32>,
        %parallel_loop3A_505 = vector.shape_cast %parallel_loop3A_504 : vector<1x16xi32> to vector<16xi32>
        %parallel_loop3A_506 = arith.constant 1 : i32
        %parallel_loop3A_507 = arith.addi %parallel_loop3A_371, %parallel_loop3A_506 : i32
        %parallel_loop3A_508 = arith.index_cast %parallel_loop3A_507 : i32 to index
        %parallel_loop3A_509 = arith.constant 80 : index
        %parallel_loop3A_510 = tpu.vector_load %arg8[%parallel_loop3A_508, %parallel_loop3A_509] {strides = array<i32>} : memref<256x128xi32, #tpu.memory_space<vmem>>, vector<1x16xi32>,
        %parallel_loop3A_511 = vector.shape_cast %parallel_loop3A_510 : vector<1x16xi32> to vector<16xi32>
        %parallel_loop3A_512 = arith.shrui %parallel_loop3A_505, %parallel_loop3A_363 : vector<16xi32>
        %parallel_loop3A_513 = arith.shrui %parallel_loop3A_511, %parallel_loop3A_367 : vector<16xi32>
        %parallel_loop3A_514 = arith.constant 65535 : i32
        %parallel_loop3A_515 = vector.broadcast %parallel_loop3A_514 : i32 to vector<16xi32>
        %parallel_loop3A_516 = arith.andi %parallel_loop3A_512, %parallel_loop3A_515 : vector<16xi32>
        %parallel_loop3A_517 = arith.constant 16 : i32
        %parallel_loop3A_518 = vector.broadcast %parallel_loop3A_517 : i32 to vector<16xi32>
        %parallel_loop3A_519 = arith.shli %parallel_loop3A_513, %parallel_loop3A_518 : vector<16xi32>
        %parallel_loop3A_520 = arith.ori %parallel_loop3A_516, %parallel_loop3A_519 : vector<16xi32>
        %parallel_loop3A_521 = arith.constant 0 : i32
        %parallel_loop3A_522 = arith.addi %parallel_loop3A_521, %parallel_loop3A_359 : i32
        %parallel_loop3A_523 = arith.index_cast %parallel_loop3A_522 : i32 to index
        %parallel_loop3A_524 = arith.constant 80 : index
        %parallel_loop3A_525 = tpu.vector_load %arg9[%parallel_loop3A_523, %parallel_loop3A_524] {strides = array<i32>} : memref<128x128xi32, #tpu.memory_space<vmem>>, vector<1x16xi32>,
        %parallel_loop3A_526 = vector.shape_cast %parallel_loop3A_525 : vector<1x16xi32> to vector<16xi32>
        %parallel_loop3A_527 = vector.shape_cast %parallel_loop3A_520 : vector<16xi32> to vector<1x16xi32>
        tpu.vector_store %arg9[%parallel_loop3A_523, %parallel_loop3A_524], %parallel_loop3A_527 {strides = array<i32>} : memref<128x128xi32, #tpu.memory_space<vmem>>, vector<1x16xi32>,
        %parallel_loop3A_528 = arith.index_cast %parallel_loop3A_371 : i32 to index
        %parallel_loop3A_529 = arith.constant 96 : index
        %parallel_loop3A_530 = tpu.vector_load %arg8[%parallel_loop3A_528, %parallel_loop3A_529] {strides = array<i32>} : memref<256x128xi32, #tpu.memory_space<vmem>>, vector<1x16xi32>,
        %parallel_loop3A_531 = vector.shape_cast %parallel_loop3A_530 : vector<1x16xi32> to vector<16xi32>
        %parallel_loop3A_532 = arith.constant 1 : i32
        %parallel_loop3A_533 = arith.addi %parallel_loop3A_371, %parallel_loop3A_532 : i32
        %parallel_loop3A_534 = arith.index_cast %parallel_loop3A_533 : i32 to index
        %parallel_loop3A_535 = arith.constant 96 : index
        %parallel_loop3A_536 = tpu.vector_load %arg8[%parallel_loop3A_534, %parallel_loop3A_535] {strides = array<i32>} : memref<256x128xi32, #tpu.memory_space<vmem>>, vector<1x16xi32>,
        %parallel_loop3A_537 = vector.shape_cast %parallel_loop3A_536 : vector<1x16xi32> to vector<16xi32>
        %parallel_loop3A_538 = arith.shrui %parallel_loop3A_531, %parallel_loop3A_363 : vector<16xi32>
        %parallel_loop3A_539 = arith.shrui %parallel_loop3A_537, %parallel_loop3A_367 : vector<16xi32>
        %parallel_loop3A_540 = arith.constant 65535 : i32
        %parallel_loop3A_541 = vector.broadcast %parallel_loop3A_540 : i32 to vector<16xi32>
        %parallel_loop3A_542 = arith.andi %parallel_loop3A_538, %parallel_loop3A_541 : vector<16xi32>
        %parallel_loop3A_543 = arith.constant 16 : i32
        %parallel_loop3A_544 = vector.broadcast %parallel_loop3A_543 : i32 to vector<16xi32>
        %parallel_loop3A_545 = arith.shli %parallel_loop3A_539, %parallel_loop3A_544 : vector<16xi32>
        %parallel_loop3A_546 = arith.ori %parallel_loop3A_542, %parallel_loop3A_545 : vector<16xi32>
        %parallel_loop3A_547 = arith.constant 0 : i32
        %parallel_loop3A_548 = arith.addi %parallel_loop3A_547, %parallel_loop3A_359 : i32
        %parallel_loop3A_549 = arith.index_cast %parallel_loop3A_548 : i32 to index
        %parallel_loop3A_550 = arith.constant 96 : index
        %parallel_loop3A_551 = tpu.vector_load %arg9[%parallel_loop3A_549, %parallel_loop3A_550] {strides = array<i32>} : memref<128x128xi32, #tpu.memory_space<vmem>>, vector<1x16xi32>,
        %parallel_loop3A_552 = vector.shape_cast %parallel_loop3A_551 : vector<1x16xi32> to vector<16xi32>
        %parallel_loop3A_553 = vector.shape_cast %parallel_loop3A_546 : vector<16xi32> to vector<1x16xi32>
        tpu.vector_store %arg9[%parallel_loop3A_549, %parallel_loop3A_550], %parallel_loop3A_553 {strides = array<i32>} : memref<128x128xi32, #tpu.memory_space<vmem>>, vector<1x16xi32>,
        %parallel_loop3A_554 = arith.index_cast %parallel_loop3A_371 : i32 to index
        %parallel_loop3A_555 = arith.constant 112 : index
        %parallel_loop3A_556 = tpu.vector_load %arg8[%parallel_loop3A_554, %parallel_loop3A_555] {strides = array<i32>} : memref<256x128xi32, #tpu.memory_space<vmem>>, vector<1x16xi32>,
        %parallel_loop3A_557 = vector.shape_cast %parallel_loop3A_556 : vector<1x16xi32> to vector<16xi32>
        %parallel_loop3A_558 = arith.constant 1 : i32
        %parallel_loop3A_559 = arith.addi %parallel_loop3A_371, %parallel_loop3A_558 : i32
        %parallel_loop3A_560 = arith.index_cast %parallel_loop3A_559 : i32 to index
        %parallel_loop3A_561 = arith.constant 112 : index
        %parallel_loop3A_562 = tpu.vector_load %arg8[%parallel_loop3A_560, %parallel_loop3A_561] {strides = array<i32>} : memref<256x128xi32, #tpu.memory_space<vmem>>, vector<1x16xi32>,
        %parallel_loop3A_563 = vector.shape_cast %parallel_loop3A_562 : vector<1x16xi32> to vector<16xi32>
        %parallel_loop3A_564 = arith.shrui %parallel_loop3A_557, %parallel_loop3A_363 : vector<16xi32>
        %parallel_loop3A_565 = arith.shrui %parallel_loop3A_563, %parallel_loop3A_367 : vector<16xi32>
        %parallel_loop3A_566 = arith.constant 65535 : i32
        %parallel_loop3A_567 = vector.broadcast %parallel_loop3A_566 : i32 to vector<16xi32>
        %parallel_loop3A_568 = arith.andi %parallel_loop3A_564, %parallel_loop3A_567 : vector<16xi32>
        %parallel_loop3A_569 = arith.constant 16 : i32
        %parallel_loop3A_570 = vector.broadcast %parallel_loop3A_569 : i32 to vector<16xi32>
        %parallel_loop3A_571 = arith.shli %parallel_loop3A_565, %parallel_loop3A_570 : vector<16xi32>
        %parallel_loop3A_572 = arith.ori %parallel_loop3A_568, %parallel_loop3A_571 : vector<16xi32>
        %parallel_loop3A_573 = arith.constant 0 : i32
        %parallel_loop3A_574 = arith.addi %parallel_loop3A_573, %parallel_loop3A_359 : i32
        %parallel_loop3A_575 = arith.index_cast %parallel_loop3A_574 : i32 to index
        %parallel_loop3A_576 = arith.constant 112 : index
        %parallel_loop3A_577 = tpu.vector_load %arg9[%parallel_loop3A_575, %parallel_loop3A_576] {strides = array<i32>} : memref<128x128xi32, #tpu.memory_space<vmem>>, vector<1x16xi32>,
        %parallel_loop3A_578 = vector.shape_cast %parallel_loop3A_577 : vector<1x16xi32> to vector<16xi32>
        %parallel_loop3A_579 = vector.shape_cast %parallel_loop3A_572 : vector<16xi32> to vector<1x16xi32>
        tpu.vector_store %arg9[%parallel_loop3A_575, %parallel_loop3A_576], %parallel_loop3A_579 {strides = array<i32>} : memref<128x128xi32, #tpu.memory_space<vmem>>, vector<1x16xi32>,
        %parallel_loop3A_580 = arith.constant 8 : i32
        %parallel_loop3A_581 = arith.muli %parallel_loop3A_122, %parallel_loop3A_580 : i32
        %parallel_loop3A_582 = arith.constant 2 : i32
        %parallel_loop3A_583 = arith.addi %parallel_loop3A_581, %parallel_loop3A_582 : i32
        %parallel_loop3A_584 = arith.constant 4 : i32
        %parallel_loop3A_585 = vector.broadcast %parallel_loop3A_584 : i32 to vector<16x1xi32>
        %parallel_loop3A_586 = vector.shape_cast %parallel_loop3A_585 : vector<16x1xi32> to vector<16xi32>
        %parallel_loop3A_587 = tpu.dynamic_gather %parallel_loop3A_131[%parallel_loop3A_586] in [0] : vector<16xi32>, vector<16xi32> -> vector<16xi32>
        %parallel_loop3A_588 = arith.constant 5 : i32
        %parallel_loop3A_589 = vector.broadcast %parallel_loop3A_588 : i32 to vector<16x1xi32>
        %parallel_loop3A_590 = vector.shape_cast %parallel_loop3A_589 : vector<16x1xi32> to vector<16xi32>
        %parallel_loop3A_591 = tpu.dynamic_gather %parallel_loop3A_131[%parallel_loop3A_590] in [0] : vector<16xi32>, vector<16xi32> -> vector<16xi32>
        %parallel_loop3A_592 = arith.constant 2 : i32
        %parallel_loop3A_593 = arith.muli %parallel_loop3A_592, %parallel_loop3A_583 : i32
        %parallel_loop3A_594 = arith.constant 0 : i32
        %parallel_loop3A_595 = arith.addi %parallel_loop3A_594, %parallel_loop3A_593 : i32
        %parallel_loop3A_596 = arith.index_cast %parallel_loop3A_595 : i32 to index
        %parallel_loop3A_597 = arith.constant 0 : index
        %parallel_loop3A_598 = tpu.vector_load %arg8[%parallel_loop3A_596, %parallel_loop3A_597] {strides = array<i32>} : memref<256x128xi32, #tpu.memory_space<vmem>>, vector<1x16xi32>,
        %parallel_loop3A_599 = vector.shape_cast %parallel_loop3A_598 : vector<1x16xi32> to vector<16xi32>
        %parallel_loop3A_600 = arith.constant 1 : i32
        %parallel_loop3A_601 = arith.addi %parallel_loop3A_595, %parallel_loop3A_600 : i32
        %parallel_loop3A_602 = arith.index_cast %parallel_loop3A_601 : i32 to index
        %parallel_loop3A_603 = arith.constant 0 : index
        %parallel_loop3A_604 = tpu.vector_load %arg8[%parallel_loop3A_602, %parallel_loop3A_603] {strides = array<i32>} : memref<256x128xi32, #tpu.memory_space<vmem>>, vector<1x16xi32>,
        %parallel_loop3A_605 = vector.shape_cast %parallel_loop3A_604 : vector<1x16xi32> to vector<16xi32>
        %parallel_loop3A_606 = arith.shrui %parallel_loop3A_599, %parallel_loop3A_587 : vector<16xi32>
        %parallel_loop3A_607 = arith.shrui %parallel_loop3A_605, %parallel_loop3A_591 : vector<16xi32>
        %parallel_loop3A_608 = arith.constant 65535 : i32
        %parallel_loop3A_609 = vector.broadcast %parallel_loop3A_608 : i32 to vector<16xi32>
        %parallel_loop3A_610 = arith.andi %parallel_loop3A_606, %parallel_loop3A_609 : vector<16xi32>
        %parallel_loop3A_611 = arith.constant 16 : i32
        %parallel_loop3A_612 = vector.broadcast %parallel_loop3A_611 : i32 to vector<16xi32>
        %parallel_loop3A_613 = arith.shli %parallel_loop3A_607, %parallel_loop3A_612 : vector<16xi32>
        %parallel_loop3A_614 = arith.ori %parallel_loop3A_610, %parallel_loop3A_613 : vector<16xi32>
        %parallel_loop3A_615 = arith.constant 0 : i32
        %parallel_loop3A_616 = arith.addi %parallel_loop3A_615, %parallel_loop3A_583 : i32
        %parallel_loop3A_617 = arith.index_cast %parallel_loop3A_616 : i32 to index
        %parallel_loop3A_618 = arith.constant 0 : index
        %parallel_loop3A_619 = tpu.vector_load %arg9[%parallel_loop3A_617, %parallel_loop3A_618] {strides = array<i32>} : memref<128x128xi32, #tpu.memory_space<vmem>>, vector<1x16xi32>,
        %parallel_loop3A_620 = vector.shape_cast %parallel_loop3A_619 : vector<1x16xi32> to vector<16xi32>
        %parallel_loop3A_621 = vector.shape_cast %parallel_loop3A_614 : vector<16xi32> to vector<1x16xi32>
        tpu.vector_store %arg9[%parallel_loop3A_617, %parallel_loop3A_618], %parallel_loop3A_621 {strides = array<i32>} : memref<128x128xi32, #tpu.memory_space<vmem>>, vector<1x16xi32>,
        %parallel_loop3A_622 = arith.index_cast %parallel_loop3A_595 : i32 to index
        %parallel_loop3A_623 = arith.constant 16 : index
        %parallel_loop3A_624 = tpu.vector_load %arg8[%parallel_loop3A_622, %parallel_loop3A_623] {strides = array<i32>} : memref<256x128xi32, #tpu.memory_space<vmem>>, vector<1x16xi32>,
        %parallel_loop3A_625 = vector.shape_cast %parallel_loop3A_624 : vector<1x16xi32> to vector<16xi32>
        %parallel_loop3A_626 = arith.constant 1 : i32
        %parallel_loop3A_627 = arith.addi %parallel_loop3A_595, %parallel_loop3A_626 : i32
        %parallel_loop3A_628 = arith.index_cast %parallel_loop3A_627 : i32 to index
        %parallel_loop3A_629 = arith.constant 16 : index
        %parallel_loop3A_630 = tpu.vector_load %arg8[%parallel_loop3A_628, %parallel_loop3A_629] {strides = array<i32>} : memref<256x128xi32, #tpu.memory_space<vmem>>, vector<1x16xi32>,
        %parallel_loop3A_631 = vector.shape_cast %parallel_loop3A_630 : vector<1x16xi32> to vector<16xi32>
        %parallel_loop3A_632 = arith.shrui %parallel_loop3A_625, %parallel_loop3A_587 : vector<16xi32>
        %parallel_loop3A_633 = arith.shrui %parallel_loop3A_631, %parallel_loop3A_591 : vector<16xi32>
        %parallel_loop3A_634 = arith.constant 65535 : i32
        %parallel_loop3A_635 = vector.broadcast %parallel_loop3A_634 : i32 to vector<16xi32>
        %parallel_loop3A_636 = arith.andi %parallel_loop3A_632, %parallel_loop3A_635 : vector<16xi32>
        %parallel_loop3A_637 = arith.constant 16 : i32
        %parallel_loop3A_638 = vector.broadcast %parallel_loop3A_637 : i32 to vector<16xi32>
        %parallel_loop3A_639 = arith.shli %parallel_loop3A_633, %parallel_loop3A_638 : vector<16xi32>
        %parallel_loop3A_640 = arith.ori %parallel_loop3A_636, %parallel_loop3A_639 : vector<16xi32>
        %parallel_loop3A_641 = arith.constant 0 : i32
        %parallel_loop3A_642 = arith.addi %parallel_loop3A_641, %parallel_loop3A_583 : i32
        %parallel_loop3A_643 = arith.index_cast %parallel_loop3A_642 : i32 to index
        %parallel_loop3A_644 = arith.constant 16 : index
        %parallel_loop3A_645 = tpu.vector_load %arg9[%parallel_loop3A_643, %parallel_loop3A_644] {strides = array<i32>} : memref<128x128xi32, #tpu.memory_space<vmem>>, vector<1x16xi32>,
        %parallel_loop3A_646 = vector.shape_cast %parallel_loop3A_645 : vector<1x16xi32> to vector<16xi32>
        %parallel_loop3A_647 = vector.shape_cast %parallel_loop3A_640 : vector<16xi32> to vector<1x16xi32>
        tpu.vector_store %arg9[%parallel_loop3A_643, %parallel_loop3A_644], %parallel_loop3A_647 {strides = array<i32>} : memref<128x128xi32, #tpu.memory_space<vmem>>, vector<1x16xi32>,
        %parallel_loop3A_648 = arith.index_cast %parallel_loop3A_595 : i32 to index
        %parallel_loop3A_649 = arith.constant 32 : index
        %parallel_loop3A_650 = tpu.vector_load %arg8[%parallel_loop3A_648, %parallel_loop3A_649] {strides = array<i32>} : memref<256x128xi32, #tpu.memory_space<vmem>>, vector<1x16xi32>,
        %parallel_loop3A_651 = vector.shape_cast %parallel_loop3A_650 : vector<1x16xi32> to vector<16xi32>
        %parallel_loop3A_652 = arith.constant 1 : i32
        %parallel_loop3A_653 = arith.addi %parallel_loop3A_595, %parallel_loop3A_652 : i32
        %parallel_loop3A_654 = arith.index_cast %parallel_loop3A_653 : i32 to index
        %parallel_loop3A_655 = arith.constant 32 : index
        %parallel_loop3A_656 = tpu.vector_load %arg8[%parallel_loop3A_654, %parallel_loop3A_655] {strides = array<i32>} : memref<256x128xi32, #tpu.memory_space<vmem>>, vector<1x16xi32>,
        %parallel_loop3A_657 = vector.shape_cast %parallel_loop3A_656 : vector<1x16xi32> to vector<16xi32>
        %parallel_loop3A_658 = arith.shrui %parallel_loop3A_651, %parallel_loop3A_587 : vector<16xi32>
        %parallel_loop3A_659 = arith.shrui %parallel_loop3A_657, %parallel_loop3A_591 : vector<16xi32>
        %parallel_loop3A_660 = arith.constant 65535 : i32
        %parallel_loop3A_661 = vector.broadcast %parallel_loop3A_660 : i32 to vector<16xi32>
        %parallel_loop3A_662 = arith.andi %parallel_loop3A_658, %parallel_loop3A_661 : vector<16xi32>
        %parallel_loop3A_663 = arith.constant 16 : i32
        %parallel_loop3A_664 = vector.broadcast %parallel_loop3A_663 : i32 to vector<16xi32>
        %parallel_loop3A_665 = arith.shli %parallel_loop3A_659, %parallel_loop3A_664 : vector<16xi32>
        %parallel_loop3A_666 = arith.ori %parallel_loop3A_662, %parallel_loop3A_665 : vector<16xi32>
        %parallel_loop3A_667 = arith.constant 0 : i32
        %parallel_loop3A_668 = arith.addi %parallel_loop3A_667, %parallel_loop3A_583 : i32
        %parallel_loop3A_669 = arith.index_cast %parallel_loop3A_668 : i32 to index
        %parallel_loop3A_670 = arith.constant 32 : index
        %parallel_loop3A_671 = tpu.vector_load %arg9[%parallel_loop3A_669, %parallel_loop3A_670] {strides = array<i32>} : memref<128x128xi32, #tpu.memory_space<vmem>>, vector<1x16xi32>,
        %parallel_loop3A_672 = vector.shape_cast %parallel_loop3A_671 : vector<1x16xi32> to vector<16xi32>
        %parallel_loop3A_673 = vector.shape_cast %parallel_loop3A_666 : vector<16xi32> to vector<1x16xi32>
        tpu.vector_store %arg9[%parallel_loop3A_669, %parallel_loop3A_670], %parallel_loop3A_673 {strides = array<i32>} : memref<128x128xi32, #tpu.memory_space<vmem>>, vector<1x16xi32>,
        %parallel_loop3A_674 = arith.index_cast %parallel_loop3A_595 : i32 to index
        %parallel_loop3A_675 = arith.constant 48 : index
        %parallel_loop3A_676 = tpu.vector_load %arg8[%parallel_loop3A_674, %parallel_loop3A_675] {strides = array<i32>} : memref<256x128xi32, #tpu.memory_space<vmem>>, vector<1x16xi32>,
        %parallel_loop3A_677 = vector.shape_cast %parallel_loop3A_676 : vector<1x16xi32> to vector<16xi32>
        %parallel_loop3A_678 = arith.constant 1 : i32
        %parallel_loop3A_679 = arith.addi %parallel_loop3A_595, %parallel_loop3A_678 : i32
        %parallel_loop3A_680 = arith.index_cast %parallel_loop3A_679 : i32 to index
        %parallel_loop3A_681 = arith.constant 48 : index
        %parallel_loop3A_682 = tpu.vector_load %arg8[%parallel_loop3A_680, %parallel_loop3A_681] {strides = array<i32>} : memref<256x128xi32, #tpu.memory_space<vmem>>, vector<1x16xi32>,
        %parallel_loop3A_683 = vector.shape_cast %parallel_loop3A_682 : vector<1x16xi32> to vector<16xi32>
        %parallel_loop3A_684 = arith.shrui %parallel_loop3A_677, %parallel_loop3A_587 : vector<16xi32>
        %parallel_loop3A_685 = arith.shrui %parallel_loop3A_683, %parallel_loop3A_591 : vector<16xi32>
        %parallel_loop3A_686 = arith.constant 65535 : i32
        %parallel_loop3A_687 = vector.broadcast %parallel_loop3A_686 : i32 to vector<16xi32>
        %parallel_loop3A_688 = arith.andi %parallel_loop3A_684, %parallel_loop3A_687 : vector<16xi32>
        %parallel_loop3A_689 = arith.constant 16 : i32
        %parallel_loop3A_690 = vector.broadcast %parallel_loop3A_689 : i32 to vector<16xi32>
        %parallel_loop3A_691 = arith.shli %parallel_loop3A_685, %parallel_loop3A_690 : vector<16xi32>
        %parallel_loop3A_692 = arith.ori %parallel_loop3A_688, %parallel_loop3A_691 : vector<16xi32>
        %parallel_loop3A_693 = arith.constant 0 : i32
        %parallel_loop3A_694 = arith.addi %parallel_loop3A_693, %parallel_loop3A_583 : i32
        %parallel_loop3A_695 = arith.index_cast %parallel_loop3A_694 : i32 to index
        %parallel_loop3A_696 = arith.constant 48 : index
        %parallel_loop3A_697 = tpu.vector_load %arg9[%parallel_loop3A_695, %parallel_loop3A_696] {strides = array<i32>} : memref<128x128xi32, #tpu.memory_space<vmem>>, vector<1x16xi32>,
        %parallel_loop3A_698 = vector.shape_cast %parallel_loop3A_697 : vector<1x16xi32> to vector<16xi32>
        %parallel_loop3A_699 = vector.shape_cast %parallel_loop3A_692 : vector<16xi32> to vector<1x16xi32>
        tpu.vector_store %arg9[%parallel_loop3A_695, %parallel_loop3A_696], %parallel_loop3A_699 {strides = array<i32>} : memref<128x128xi32, #tpu.memory_space<vmem>>, vector<1x16xi32>,
        %parallel_loop3A_700 = arith.index_cast %parallel_loop3A_595 : i32 to index
        %parallel_loop3A_701 = arith.constant 64 : index
        %parallel_loop3A_702 = tpu.vector_load %arg8[%parallel_loop3A_700, %parallel_loop3A_701] {strides = array<i32>} : memref<256x128xi32, #tpu.memory_space<vmem>>, vector<1x16xi32>,
        %parallel_loop3A_703 = vector.shape_cast %parallel_loop3A_702 : vector<1x16xi32> to vector<16xi32>
        %parallel_loop3A_704 = arith.constant 1 : i32
        %parallel_loop3A_705 = arith.addi %parallel_loop3A_595, %parallel_loop3A_704 : i32
        %parallel_loop3A_706 = arith.index_cast %parallel_loop3A_705 : i32 to index
        %parallel_loop3A_707 = arith.constant 64 : index
        %parallel_loop3A_708 = tpu.vector_load %arg8[%parallel_loop3A_706, %parallel_loop3A_707] {strides = array<i32>} : memref<256x128xi32, #tpu.memory_space<vmem>>, vector<1x16xi32>,
        %parallel_loop3A_709 = vector.shape_cast %parallel_loop3A_708 : vector<1x16xi32> to vector<16xi32>
        %parallel_loop3A_710 = arith.shrui %parallel_loop3A_703, %parallel_loop3A_587 : vector<16xi32>
        %parallel_loop3A_711 = arith.shrui %parallel_loop3A_709, %parallel_loop3A_591 : vector<16xi32>
        %parallel_loop3A_712 = arith.constant 65535 : i32
        %parallel_loop3A_713 = vector.broadcast %parallel_loop3A_712 : i32 to vector<16xi32>
        %parallel_loop3A_714 = arith.andi %parallel_loop3A_710, %parallel_loop3A_713 : vector<16xi32>
        %parallel_loop3A_715 = arith.constant 16 : i32
        %parallel_loop3A_716 = vector.broadcast %parallel_loop3A_715 : i32 to vector<16xi32>
        %parallel_loop3A_717 = arith.shli %parallel_loop3A_711, %parallel_loop3A_716 : vector<16xi32>
        %parallel_loop3A_718 = arith.ori %parallel_loop3A_714, %parallel_loop3A_717 : vector<16xi32>
        %parallel_loop3A_719 = arith.constant 0 : i32
        %parallel_loop3A_720 = arith.addi %parallel_loop3A_719, %parallel_loop3A_583 : i32
        %parallel_loop3A_721 = arith.index_cast %parallel_loop3A_720 : i32 to index
        %parallel_loop3A_722 = arith.constant 64 : index
        %parallel_loop3A_723 = tpu.vector_load %arg9[%parallel_loop3A_721, %parallel_loop3A_722] {strides = array<i32>} : memref<128x128xi32, #tpu.memory_space<vmem>>, vector<1x16xi32>,
        %parallel_loop3A_724 = vector.shape_cast %parallel_loop3A_723 : vector<1x16xi32> to vector<16xi32>
        %parallel_loop3A_725 = vector.shape_cast %parallel_loop3A_718 : vector<16xi32> to vector<1x16xi32>
        tpu.vector_store %arg9[%parallel_loop3A_721, %parallel_loop3A_722], %parallel_loop3A_725 {strides = array<i32>} : memref<128x128xi32, #tpu.memory_space<vmem>>, vector<1x16xi32>,
        %parallel_loop3A_726 = arith.index_cast %parallel_loop3A_595 : i32 to index
        %parallel_loop3A_727 = arith.constant 80 : index
        %parallel_loop3A_728 = tpu.vector_load %arg8[%parallel_loop3A_726, %parallel_loop3A_727] {strides = array<i32>} : memref<256x128xi32, #tpu.memory_space<vmem>>, vector<1x16xi32>,
        %parallel_loop3A_729 = vector.shape_cast %parallel_loop3A_728 : vector<1x16xi32> to vector<16xi32>
        %parallel_loop3A_730 = arith.constant 1 : i32
        %parallel_loop3A_731 = arith.addi %parallel_loop3A_595, %parallel_loop3A_730 : i32
        %parallel_loop3A_732 = arith.index_cast %parallel_loop3A_731 : i32 to index
        %parallel_loop3A_733 = arith.constant 80 : index
        %parallel_loop3A_734 = tpu.vector_load %arg8[%parallel_loop3A_732, %parallel_loop3A_733] {strides = array<i32>} : memref<256x128xi32, #tpu.memory_space<vmem>>, vector<1x16xi32>,
        %parallel_loop3A_735 = vector.shape_cast %parallel_loop3A_734 : vector<1x16xi32> to vector<16xi32>
        %parallel_loop3A_736 = arith.shrui %parallel_loop3A_729, %parallel_loop3A_587 : vector<16xi32>
        %parallel_loop3A_737 = arith.shrui %parallel_loop3A_735, %parallel_loop3A_591 : vector<16xi32>
        %parallel_loop3A_738 = arith.constant 65535 : i32
        %parallel_loop3A_739 = vector.broadcast %parallel_loop3A_738 : i32 to vector<16xi32>
        %parallel_loop3A_740 = arith.andi %parallel_loop3A_736, %parallel_loop3A_739 : vector<16xi32>
        %parallel_loop3A_741 = arith.constant 16 : i32
        %parallel_loop3A_742 = vector.broadcast %parallel_loop3A_741 : i32 to vector<16xi32>
        %parallel_loop3A_743 = arith.shli %parallel_loop3A_737, %parallel_loop3A_742 : vector<16xi32>
        %parallel_loop3A_744 = arith.ori %parallel_loop3A_740, %parallel_loop3A_743 : vector<16xi32>
        %parallel_loop3A_745 = arith.constant 0 : i32
        %parallel_loop3A_746 = arith.addi %parallel_loop3A_745, %parallel_loop3A_583 : i32
        %parallel_loop3A_747 = arith.index_cast %parallel_loop3A_746 : i32 to index
        %parallel_loop3A_748 = arith.constant 80 : index
        %parallel_loop3A_749 = tpu.vector_load %arg9[%parallel_loop3A_747, %parallel_loop3A_748] {strides = array<i32>} : memref<128x128xi32, #tpu.memory_space<vmem>>, vector<1x16xi32>,
        %parallel_loop3A_750 = vector.shape_cast %parallel_loop3A_749 : vector<1x16xi32> to vector<16xi32>
        %parallel_loop3A_751 = vector.shape_cast %parallel_loop3A_744 : vector<16xi32> to vector<1x16xi32>
        tpu.vector_store %arg9[%parallel_loop3A_747, %parallel_loop3A_748], %parallel_loop3A_751 {strides = array<i32>} : memref<128x128xi32, #tpu.memory_space<vmem>>, vector<1x16xi32>,
        %parallel_loop3A_752 = arith.index_cast %parallel_loop3A_595 : i32 to index
        %parallel_loop3A_753 = arith.constant 96 : index
        %parallel_loop3A_754 = tpu.vector_load %arg8[%parallel_loop3A_752, %parallel_loop3A_753] {strides = array<i32>} : memref<256x128xi32, #tpu.memory_space<vmem>>, vector<1x16xi32>,
        %parallel_loop3A_755 = vector.shape_cast %parallel_loop3A_754 : vector<1x16xi32> to vector<16xi32>
        %parallel_loop3A_756 = arith.constant 1 : i32
        %parallel_loop3A_757 = arith.addi %parallel_loop3A_595, %parallel_loop3A_756 : i32
        %parallel_loop3A_758 = arith.index_cast %parallel_loop3A_757 : i32 to index
        %parallel_loop3A_759 = arith.constant 96 : index
        %parallel_loop3A_760 = tpu.vector_load %arg8[%parallel_loop3A_758, %parallel_loop3A_759] {strides = array<i32>} : memref<256x128xi32, #tpu.memory_space<vmem>>, vector<1x16xi32>,
        %parallel_loop3A_761 = vector.shape_cast %parallel_loop3A_760 : vector<1x16xi32> to vector<16xi32>
        %parallel_loop3A_762 = arith.shrui %parallel_loop3A_755, %parallel_loop3A_587 : vector<16xi32>
        %parallel_loop3A_763 = arith.shrui %parallel_loop3A_761, %parallel_loop3A_591 : vector<16xi32>
        %parallel_loop3A_764 = arith.constant 65535 : i32
        %parallel_loop3A_765 = vector.broadcast %parallel_loop3A_764 : i32 to vector<16xi32>
        %parallel_loop3A_766 = arith.andi %parallel_loop3A_762, %parallel_loop3A_765 : vector<16xi32>
        %parallel_loop3A_767 = arith.constant 16 : i32
        %parallel_loop3A_768 = vector.broadcast %parallel_loop3A_767 : i32 to vector<16xi32>
        %parallel_loop3A_769 = arith.shli %parallel_loop3A_763, %parallel_loop3A_768 : vector<16xi32>
        %parallel_loop3A_770 = arith.ori %parallel_loop3A_766, %parallel_loop3A_769 : vector<16xi32>
        %parallel_loop3A_771 = arith.constant 0 : i32
        %parallel_loop3A_772 = arith.addi %parallel_loop3A_771, %parallel_loop3A_583 : i32
        %parallel_loop3A_773 = arith.index_cast %parallel_loop3A_772 : i32 to index
        %parallel_loop3A_774 = arith.constant 96 : index
        %parallel_loop3A_775 = tpu.vector_load %arg9[%parallel_loop3A_773, %parallel_loop3A_774] {strides = array<i32>} : memref<128x128xi32, #tpu.memory_space<vmem>>, vector<1x16xi32>,
        %parallel_loop3A_776 = vector.shape_cast %parallel_loop3A_775 : vector<1x16xi32> to vector<16xi32>
        %parallel_loop3A_777 = vector.shape_cast %parallel_loop3A_770 : vector<16xi32> to vector<1x16xi32>
        tpu.vector_store %arg9[%parallel_loop3A_773, %parallel_loop3A_774], %parallel_loop3A_777 {strides = array<i32>} : memref<128x128xi32, #tpu.memory_space<vmem>>, vector<1x16xi32>,
        %parallel_loop3A_778 = arith.index_cast %parallel_loop3A_595 : i32 to index
        %parallel_loop3A_779 = arith.constant 112 : index
        %parallel_loop3A_780 = tpu.vector_load %arg8[%parallel_loop3A_778, %parallel_loop3A_779] {strides = array<i32>} : memref<256x128xi32, #tpu.memory_space<vmem>>, vector<1x16xi32>,
        %parallel_loop3A_781 = vector.shape_cast %parallel_loop3A_780 : vector<1x16xi32> to vector<16xi32>
        %parallel_loop3A_782 = arith.constant 1 : i32
        %parallel_loop3A_783 = arith.addi %parallel_loop3A_595, %parallel_loop3A_782 : i32
        %parallel_loop3A_784 = arith.index_cast %parallel_loop3A_783 : i32 to index
        %parallel_loop3A_785 = arith.constant 112 : index
        %parallel_loop3A_786 = tpu.vector_load %arg8[%parallel_loop3A_784, %parallel_loop3A_785] {strides = array<i32>} : memref<256x128xi32, #tpu.memory_space<vmem>>, vector<1x16xi32>,
        %parallel_loop3A_787 = vector.shape_cast %parallel_loop3A_786 : vector<1x16xi32> to vector<16xi32>
        %parallel_loop3A_788 = arith.shrui %parallel_loop3A_781, %parallel_loop3A_587 : vector<16xi32>
        %parallel_loop3A_789 = arith.shrui %parallel_loop3A_787, %parallel_loop3A_591 : vector<16xi32>
        %parallel_loop3A_790 = arith.constant 65535 : i32
        %parallel_loop3A_791 = vector.broadcast %parallel_loop3A_790 : i32 to vector<16xi32>
        %parallel_loop3A_792 = arith.andi %parallel_loop3A_788, %parallel_loop3A_791 : vector<16xi32>
        %parallel_loop3A_793 = arith.constant 16 : i32
        %parallel_loop3A_794 = vector.broadcast %parallel_loop3A_793 : i32 to vector<16xi32>
        %parallel_loop3A_795 = arith.shli %parallel_loop3A_789, %parallel_loop3A_794 : vector<16xi32>
        %parallel_loop3A_796 = arith.ori %parallel_loop3A_792, %parallel_loop3A_795 : vector<16xi32>
        %parallel_loop3A_797 = arith.constant 0 : i32
        %parallel_loop3A_798 = arith.addi %parallel_loop3A_797, %parallel_loop3A_583 : i32
        %parallel_loop3A_799 = arith.index_cast %parallel_loop3A_798 : i32 to index
        %parallel_loop3A_800 = arith.constant 112 : index
        %parallel_loop3A_801 = tpu.vector_load %arg9[%parallel_loop3A_799, %parallel_loop3A_800] {strides = array<i32>} : memref<128x128xi32, #tpu.memory_space<vmem>>, vector<1x16xi32>,
        %parallel_loop3A_802 = vector.shape_cast %parallel_loop3A_801 : vector<1x16xi32> to vector<16xi32>
        %parallel_loop3A_803 = vector.shape_cast %parallel_loop3A_796 : vector<16xi32> to vector<1x16xi32>
        tpu.vector_store %arg9[%parallel_loop3A_799, %parallel_loop3A_800], %parallel_loop3A_803 {strides = array<i32>} : memref<128x128xi32, #tpu.memory_space<vmem>>, vector<1x16xi32>,
        %parallel_loop3A_804 = arith.constant 8 : i32
        %parallel_loop3A_805 = arith.muli %parallel_loop3A_122, %parallel_loop3A_804 : i32
        %parallel_loop3A_806 = arith.constant 3 : i32
        %parallel_loop3A_807 = arith.addi %parallel_loop3A_805, %parallel_loop3A_806 : i32
        %parallel_loop3A_808 = arith.constant 6 : i32
        %parallel_loop3A_809 = vector.broadcast %parallel_loop3A_808 : i32 to vector<16x1xi32>
        %parallel_loop3A_810 = vector.shape_cast %parallel_loop3A_809 : vector<16x1xi32> to vector<16xi32>
        %parallel_loop3A_811 = tpu.dynamic_gather %parallel_loop3A_131[%parallel_loop3A_810] in [0] : vector<16xi32>, vector<16xi32> -> vector<16xi32>
        %parallel_loop3A_812 = arith.constant 7 : i32
        %parallel_loop3A_813 = vector.broadcast %parallel_loop3A_812 : i32 to vector<16x1xi32>
        %parallel_loop3A_814 = vector.shape_cast %parallel_loop3A_813 : vector<16x1xi32> to vector<16xi32>
        %parallel_loop3A_815 = tpu.dynamic_gather %parallel_loop3A_131[%parallel_loop3A_814] in [0] : vector<16xi32>, vector<16xi32> -> vector<16xi32>
        %parallel_loop3A_816 = arith.constant 2 : i32
        %parallel_loop3A_817 = arith.muli %parallel_loop3A_816, %parallel_loop3A_807 : i32
        %parallel_loop3A_818 = arith.constant 0 : i32
        %parallel_loop3A_819 = arith.addi %parallel_loop3A_818, %parallel_loop3A_817 : i32
        %parallel_loop3A_820 = arith.index_cast %parallel_loop3A_819 : i32 to index
        %parallel_loop3A_821 = arith.constant 0 : index
        %parallel_loop3A_822 = tpu.vector_load %arg8[%parallel_loop3A_820, %parallel_loop3A_821] {strides = array<i32>} : memref<256x128xi32, #tpu.memory_space<vmem>>, vector<1x16xi32>,
        %parallel_loop3A_823 = vector.shape_cast %parallel_loop3A_822 : vector<1x16xi32> to vector<16xi32>
        %parallel_loop3A_824 = arith.constant 1 : i32
        %parallel_loop3A_825 = arith.addi %parallel_loop3A_819, %parallel_loop3A_824 : i32
        %parallel_loop3A_826 = arith.index_cast %parallel_loop3A_825 : i32 to index
        %parallel_loop3A_827 = arith.constant 0 : index
        %parallel_loop3A_828 = tpu.vector_load %arg8[%parallel_loop3A_826, %parallel_loop3A_827] {strides = array<i32>} : memref<256x128xi32, #tpu.memory_space<vmem>>, vector<1x16xi32>,
        %parallel_loop3A_829 = vector.shape_cast %parallel_loop3A_828 : vector<1x16xi32> to vector<16xi32>
        %parallel_loop3A_830 = arith.shrui %parallel_loop3A_823, %parallel_loop3A_811 : vector<16xi32>
        %parallel_loop3A_831 = arith.shrui %parallel_loop3A_829, %parallel_loop3A_815 : vector<16xi32>
        %parallel_loop3A_832 = arith.constant 65535 : i32
        %parallel_loop3A_833 = vector.broadcast %parallel_loop3A_832 : i32 to vector<16xi32>
        %parallel_loop3A_834 = arith.andi %parallel_loop3A_830, %parallel_loop3A_833 : vector<16xi32>
        %parallel_loop3A_835 = arith.constant 16 : i32
        %parallel_loop3A_836 = vector.broadcast %parallel_loop3A_835 : i32 to vector<16xi32>
        %parallel_loop3A_837 = arith.shli %parallel_loop3A_831, %parallel_loop3A_836 : vector<16xi32>
        %parallel_loop3A_838 = arith.ori %parallel_loop3A_834, %parallel_loop3A_837 : vector<16xi32>
        %parallel_loop3A_839 = arith.constant 0 : i32
        %parallel_loop3A_840 = arith.addi %parallel_loop3A_839, %parallel_loop3A_807 : i32
        %parallel_loop3A_841 = arith.index_cast %parallel_loop3A_840 : i32 to index
        %parallel_loop3A_842 = arith.constant 0 : index
        %parallel_loop3A_843 = tpu.vector_load %arg9[%parallel_loop3A_841, %parallel_loop3A_842] {strides = array<i32>} : memref<128x128xi32, #tpu.memory_space<vmem>>, vector<1x16xi32>,
        %parallel_loop3A_844 = vector.shape_cast %parallel_loop3A_843 : vector<1x16xi32> to vector<16xi32>
        %parallel_loop3A_845 = vector.shape_cast %parallel_loop3A_838 : vector<16xi32> to vector<1x16xi32>
        tpu.vector_store %arg9[%parallel_loop3A_841, %parallel_loop3A_842], %parallel_loop3A_845 {strides = array<i32>} : memref<128x128xi32, #tpu.memory_space<vmem>>, vector<1x16xi32>,
        %parallel_loop3A_846 = arith.index_cast %parallel_loop3A_819 : i32 to index
        %parallel_loop3A_847 = arith.constant 16 : index
        %parallel_loop3A_848 = tpu.vector_load %arg8[%parallel_loop3A_846, %parallel_loop3A_847] {strides = array<i32>} : memref<256x128xi32, #tpu.memory_space<vmem>>, vector<1x16xi32>,
        %parallel_loop3A_849 = vector.shape_cast %parallel_loop3A_848 : vector<1x16xi32> to vector<16xi32>
        %parallel_loop3A_850 = arith.constant 1 : i32
        %parallel_loop3A_851 = arith.addi %parallel_loop3A_819, %parallel_loop3A_850 : i32
        %parallel_loop3A_852 = arith.index_cast %parallel_loop3A_851 : i32 to index
        %parallel_loop3A_853 = arith.constant 16 : index
        %parallel_loop3A_854 = tpu.vector_load %arg8[%parallel_loop3A_852, %parallel_loop3A_853] {strides = array<i32>} : memref<256x128xi32, #tpu.memory_space<vmem>>, vector<1x16xi32>,
        %parallel_loop3A_855 = vector.shape_cast %parallel_loop3A_854 : vector<1x16xi32> to vector<16xi32>
        %parallel_loop3A_856 = arith.shrui %parallel_loop3A_849, %parallel_loop3A_811 : vector<16xi32>
        %parallel_loop3A_857 = arith.shrui %parallel_loop3A_855, %parallel_loop3A_815 : vector<16xi32>
        %parallel_loop3A_858 = arith.constant 65535 : i32
        %parallel_loop3A_859 = vector.broadcast %parallel_loop3A_858 : i32 to vector<16xi32>
        %parallel_loop3A_860 = arith.andi %parallel_loop3A_856, %parallel_loop3A_859 : vector<16xi32>
        %parallel_loop3A_861 = arith.constant 16 : i32
        %parallel_loop3A_862 = vector.broadcast %parallel_loop3A_861 : i32 to vector<16xi32>
        %parallel_loop3A_863 = arith.shli %parallel_loop3A_857, %parallel_loop3A_862 : vector<16xi32>
        %parallel_loop3A_864 = arith.ori %parallel_loop3A_860, %parallel_loop3A_863 : vector<16xi32>
        %parallel_loop3A_865 = arith.constant 0 : i32
        %parallel_loop3A_866 = arith.addi %parallel_loop3A_865, %parallel_loop3A_807 : i32
        %parallel_loop3A_867 = arith.index_cast %parallel_loop3A_866 : i32 to index
        %parallel_loop3A_868 = arith.constant 16 : index
        %parallel_loop3A_869 = tpu.vector_load %arg9[%parallel_loop3A_867, %parallel_loop3A_868] {strides = array<i32>} : memref<128x128xi32, #tpu.memory_space<vmem>>, vector<1x16xi32>,
        %parallel_loop3A_870 = vector.shape_cast %parallel_loop3A_869 : vector<1x16xi32> to vector<16xi32>
        %parallel_loop3A_871 = vector.shape_cast %parallel_loop3A_864 : vector<16xi32> to vector<1x16xi32>
        tpu.vector_store %arg9[%parallel_loop3A_867, %parallel_loop3A_868], %parallel_loop3A_871 {strides = array<i32>} : memref<128x128xi32, #tpu.memory_space<vmem>>, vector<1x16xi32>,
        %parallel_loop3A_872 = arith.index_cast %parallel_loop3A_819 : i32 to index
        %parallel_loop3A_873 = arith.constant 32 : index
        %parallel_loop3A_874 = tpu.vector_load %arg8[%parallel_loop3A_872, %parallel_loop3A_873] {strides = array<i32>} : memref<256x128xi32, #tpu.memory_space<vmem>>, vector<1x16xi32>,
        %parallel_loop3A_875 = vector.shape_cast %parallel_loop3A_874 : vector<1x16xi32> to vector<16xi32>
        %parallel_loop3A_876 = arith.constant 1 : i32
        %parallel_loop3A_877 = arith.addi %parallel_loop3A_819, %parallel_loop3A_876 : i32
        %parallel_loop3A_878 = arith.index_cast %parallel_loop3A_877 : i32 to index
        %parallel_loop3A_879 = arith.constant 32 : index
        %parallel_loop3A_880 = tpu.vector_load %arg8[%parallel_loop3A_878, %parallel_loop3A_879] {strides = array<i32>} : memref<256x128xi32, #tpu.memory_space<vmem>>, vector<1x16xi32>,
        %parallel_loop3A_881 = vector.shape_cast %parallel_loop3A_880 : vector<1x16xi32> to vector<16xi32>
        %parallel_loop3A_882 = arith.shrui %parallel_loop3A_875, %parallel_loop3A_811 : vector<16xi32>
        %parallel_loop3A_883 = arith.shrui %parallel_loop3A_881, %parallel_loop3A_815 : vector<16xi32>
        %parallel_loop3A_884 = arith.constant 65535 : i32
        %parallel_loop3A_885 = vector.broadcast %parallel_loop3A_884 : i32 to vector<16xi32>
        %parallel_loop3A_886 = arith.andi %parallel_loop3A_882, %parallel_loop3A_885 : vector<16xi32>
        %parallel_loop3A_887 = arith.constant 16 : i32
        %parallel_loop3A_888 = vector.broadcast %parallel_loop3A_887 : i32 to vector<16xi32>
        %parallel_loop3A_889 = arith.shli %parallel_loop3A_883, %parallel_loop3A_888 : vector<16xi32>
        %parallel_loop3A_890 = arith.ori %parallel_loop3A_886, %parallel_loop3A_889 : vector<16xi32>
        %parallel_loop3A_891 = arith.constant 0 : i32
        %parallel_loop3A_892 = arith.addi %parallel_loop3A_891, %parallel_loop3A_807 : i32
        %parallel_loop3A_893 = arith.index_cast %parallel_loop3A_892 : i32 to index
        %parallel_loop3A_894 = arith.constant 32 : index
        %parallel_loop3A_895 = tpu.vector_load %arg9[%parallel_loop3A_893, %parallel_loop3A_894] {strides = array<i32>} : memref<128x128xi32, #tpu.memory_space<vmem>>, vector<1x16xi32>,
        %parallel_loop3A_896 = vector.shape_cast %parallel_loop3A_895 : vector<1x16xi32> to vector<16xi32>
        %parallel_loop3A_897 = vector.shape_cast %parallel_loop3A_890 : vector<16xi32> to vector<1x16xi32>
        tpu.vector_store %arg9[%parallel_loop3A_893, %parallel_loop3A_894], %parallel_loop3A_897 {strides = array<i32>} : memref<128x128xi32, #tpu.memory_space<vmem>>, vector<1x16xi32>,
        %parallel_loop3A_898 = arith.index_cast %parallel_loop3A_819 : i32 to index
        %parallel_loop3A_899 = arith.constant 48 : index
        %parallel_loop3A_900 = tpu.vector_load %arg8[%parallel_loop3A_898, %parallel_loop3A_899] {strides = array<i32>} : memref<256x128xi32, #tpu.memory_space<vmem>>, vector<1x16xi32>,
        %parallel_loop3A_901 = vector.shape_cast %parallel_loop3A_900 : vector<1x16xi32> to vector<16xi32>
        %parallel_loop3A_902 = arith.constant 1 : i32
        %parallel_loop3A_903 = arith.addi %parallel_loop3A_819, %parallel_loop3A_902 : i32
        %parallel_loop3A_904 = arith.index_cast %parallel_loop3A_903 : i32 to index
        %parallel_loop3A_905 = arith.constant 48 : index
        %parallel_loop3A_906 = tpu.vector_load %arg8[%parallel_loop3A_904, %parallel_loop3A_905] {strides = array<i32>} : memref<256x128xi32, #tpu.memory_space<vmem>>, vector<1x16xi32>,
        %parallel_loop3A_907 = vector.shape_cast %parallel_loop3A_906 : vector<1x16xi32> to vector<16xi32>
        %parallel_loop3A_908 = arith.shrui %parallel_loop3A_901, %parallel_loop3A_811 : vector<16xi32>
        %parallel_loop3A_909 = arith.shrui %parallel_loop3A_907, %parallel_loop3A_815 : vector<16xi32>
        %parallel_loop3A_910 = arith.constant 65535 : i32
        %parallel_loop3A_911 = vector.broadcast %parallel_loop3A_910 : i32 to vector<16xi32>
        %parallel_loop3A_912 = arith.andi %parallel_loop3A_908, %parallel_loop3A_911 : vector<16xi32>
        %parallel_loop3A_913 = arith.constant 16 : i32
        %parallel_loop3A_914 = vector.broadcast %parallel_loop3A_913 : i32 to vector<16xi32>
        %parallel_loop3A_915 = arith.shli %parallel_loop3A_909, %parallel_loop3A_914 : vector<16xi32>
        %parallel_loop3A_916 = arith.ori %parallel_loop3A_912, %parallel_loop3A_915 : vector<16xi32>
        %parallel_loop3A_917 = arith.constant 0 : i32
        %parallel_loop3A_918 = arith.addi %parallel_loop3A_917, %parallel_loop3A_807 : i32
        %parallel_loop3A_919 = arith.index_cast %parallel_loop3A_918 : i32 to index
        %parallel_loop3A_920 = arith.constant 48 : index
        %parallel_loop3A_921 = tpu.vector_load %arg9[%parallel_loop3A_919, %parallel_loop3A_920] {strides = array<i32>} : memref<128x128xi32, #tpu.memory_space<vmem>>, vector<1x16xi32>,
        %parallel_loop3A_922 = vector.shape_cast %parallel_loop3A_921 : vector<1x16xi32> to vector<16xi32>
        %parallel_loop3A_923 = vector.shape_cast %parallel_loop3A_916 : vector<16xi32> to vector<1x16xi32>
        tpu.vector_store %arg9[%parallel_loop3A_919, %parallel_loop3A_920], %parallel_loop3A_923 {strides = array<i32>} : memref<128x128xi32, #tpu.memory_space<vmem>>, vector<1x16xi32>,
        %parallel_loop3A_924 = arith.index_cast %parallel_loop3A_819 : i32 to index
        %parallel_loop3A_925 = arith.constant 64 : index
        %parallel_loop3A_926 = tpu.vector_load %arg8[%parallel_loop3A_924, %parallel_loop3A_925] {strides = array<i32>} : memref<256x128xi32, #tpu.memory_space<vmem>>, vector<1x16xi32>,
        %parallel_loop3A_927 = vector.shape_cast %parallel_loop3A_926 : vector<1x16xi32> to vector<16xi32>
        %parallel_loop3A_928 = arith.constant 1 : i32
        %parallel_loop3A_929 = arith.addi %parallel_loop3A_819, %parallel_loop3A_928 : i32
        %parallel_loop3A_930 = arith.index_cast %parallel_loop3A_929 : i32 to index
        %parallel_loop3A_931 = arith.constant 64 : index
        %parallel_loop3A_932 = tpu.vector_load %arg8[%parallel_loop3A_930, %parallel_loop3A_931] {strides = array<i32>} : memref<256x128xi32, #tpu.memory_space<vmem>>, vector<1x16xi32>,
        %parallel_loop3A_933 = vector.shape_cast %parallel_loop3A_932 : vector<1x16xi32> to vector<16xi32>
        %parallel_loop3A_934 = arith.shrui %parallel_loop3A_927, %parallel_loop3A_811 : vector<16xi32>
        %parallel_loop3A_935 = arith.shrui %parallel_loop3A_933, %parallel_loop3A_815 : vector<16xi32>
        %parallel_loop3A_936 = arith.constant 65535 : i32
        %parallel_loop3A_937 = vector.broadcast %parallel_loop3A_936 : i32 to vector<16xi32>
        %parallel_loop3A_938 = arith.andi %parallel_loop3A_934, %parallel_loop3A_937 : vector<16xi32>
        %parallel_loop3A_939 = arith.constant 16 : i32
        %parallel_loop3A_940 = vector.broadcast %parallel_loop3A_939 : i32 to vector<16xi32>
        %parallel_loop3A_941 = arith.shli %parallel_loop3A_935, %parallel_loop3A_940 : vector<16xi32>
        %parallel_loop3A_942 = arith.ori %parallel_loop3A_938, %parallel_loop3A_941 : vector<16xi32>
        %parallel_loop3A_943 = arith.constant 0 : i32
        %parallel_loop3A_944 = arith.addi %parallel_loop3A_943, %parallel_loop3A_807 : i32
        %parallel_loop3A_945 = arith.index_cast %parallel_loop3A_944 : i32 to index
        %parallel_loop3A_946 = arith.constant 64 : index
        %parallel_loop3A_947 = tpu.vector_load %arg9[%parallel_loop3A_945, %parallel_loop3A_946] {strides = array<i32>} : memref<128x128xi32, #tpu.memory_space<vmem>>, vector<1x16xi32>,
        %parallel_loop3A_948 = vector.shape_cast %parallel_loop3A_947 : vector<1x16xi32> to vector<16xi32>
        %parallel_loop3A_949 = vector.shape_cast %parallel_loop3A_942 : vector<16xi32> to vector<1x16xi32>
        tpu.vector_store %arg9[%parallel_loop3A_945, %parallel_loop3A_946], %parallel_loop3A_949 {strides = array<i32>} : memref<128x128xi32, #tpu.memory_space<vmem>>, vector<1x16xi32>,
        %parallel_loop3A_950 = arith.index_cast %parallel_loop3A_819 : i32 to index
        %parallel_loop3A_951 = arith.constant 80 : index
        %parallel_loop3A_952 = tpu.vector_load %arg8[%parallel_loop3A_950, %parallel_loop3A_951] {strides = array<i32>} : memref<256x128xi32, #tpu.memory_space<vmem>>, vector<1x16xi32>,
        %parallel_loop3A_953 = vector.shape_cast %parallel_loop3A_952 : vector<1x16xi32> to vector<16xi32>
        %parallel_loop3A_954 = arith.constant 1 : i32
        %parallel_loop3A_955 = arith.addi %parallel_loop3A_819, %parallel_loop3A_954 : i32
        %parallel_loop3A_956 = arith.index_cast %parallel_loop3A_955 : i32 to index
        %parallel_loop3A_957 = arith.constant 80 : index
        %parallel_loop3A_958 = tpu.vector_load %arg8[%parallel_loop3A_956, %parallel_loop3A_957] {strides = array<i32>} : memref<256x128xi32, #tpu.memory_space<vmem>>, vector<1x16xi32>,
        %parallel_loop3A_959 = vector.shape_cast %parallel_loop3A_958 : vector<1x16xi32> to vector<16xi32>
        %parallel_loop3A_960 = arith.shrui %parallel_loop3A_953, %parallel_loop3A_811 : vector<16xi32>
        %parallel_loop3A_961 = arith.shrui %parallel_loop3A_959, %parallel_loop3A_815 : vector<16xi32>
        %parallel_loop3A_962 = arith.constant 65535 : i32
        %parallel_loop3A_963 = vector.broadcast %parallel_loop3A_962 : i32 to vector<16xi32>
        %parallel_loop3A_964 = arith.andi %parallel_loop3A_960, %parallel_loop3A_963 : vector<16xi32>
        %parallel_loop3A_965 = arith.constant 16 : i32
        %parallel_loop3A_966 = vector.broadcast %parallel_loop3A_965 : i32 to vector<16xi32>
        %parallel_loop3A_967 = arith.shli %parallel_loop3A_961, %parallel_loop3A_966 : vector<16xi32>
        %parallel_loop3A_968 = arith.ori %parallel_loop3A_964, %parallel_loop3A_967 : vector<16xi32>
        %parallel_loop3A_969 = arith.constant 0 : i32
        %parallel_loop3A_970 = arith.addi %parallel_loop3A_969, %parallel_loop3A_807 : i32
        %parallel_loop3A_971 = arith.index_cast %parallel_loop3A_970 : i32 to index
        %parallel_loop3A_972 = arith.constant 80 : index
        %parallel_loop3A_973 = tpu.vector_load %arg9[%parallel_loop3A_971, %parallel_loop3A_972] {strides = array<i32>} : memref<128x128xi32, #tpu.memory_space<vmem>>, vector<1x16xi32>,
        %parallel_loop3A_974 = vector.shape_cast %parallel_loop3A_973 : vector<1x16xi32> to vector<16xi32>
        %parallel_loop3A_975 = vector.shape_cast %parallel_loop3A_968 : vector<16xi32> to vector<1x16xi32>
        tpu.vector_store %arg9[%parallel_loop3A_971, %parallel_loop3A_972], %parallel_loop3A_975 {strides = array<i32>} : memref<128x128xi32, #tpu.memory_space<vmem>>, vector<1x16xi32>,
        %parallel_loop3A_976 = arith.index_cast %parallel_loop3A_819 : i32 to index
        %parallel_loop3A_977 = arith.constant 96 : index
        %parallel_loop3A_978 = tpu.vector_load %arg8[%parallel_loop3A_976, %parallel_loop3A_977] {strides = array<i32>} : memref<256x128xi32, #tpu.memory_space<vmem>>, vector<1x16xi32>,
        %parallel_loop3A_979 = vector.shape_cast %parallel_loop3A_978 : vector<1x16xi32> to vector<16xi32>
        %parallel_loop3A_980 = arith.constant 1 : i32
        %parallel_loop3A_981 = arith.addi %parallel_loop3A_819, %parallel_loop3A_980 : i32
        %parallel_loop3A_982 = arith.index_cast %parallel_loop3A_981 : i32 to index
        %parallel_loop3A_983 = arith.constant 96 : index
        %parallel_loop3A_984 = tpu.vector_load %arg8[%parallel_loop3A_982, %parallel_loop3A_983] {strides = array<i32>} : memref<256x128xi32, #tpu.memory_space<vmem>>, vector<1x16xi32>,
        %parallel_loop3A_985 = vector.shape_cast %parallel_loop3A_984 : vector<1x16xi32> to vector<16xi32>
        %parallel_loop3A_986 = arith.shrui %parallel_loop3A_979, %parallel_loop3A_811 : vector<16xi32>
        %parallel_loop3A_987 = arith.shrui %parallel_loop3A_985, %parallel_loop3A_815 : vector<16xi32>
        %parallel_loop3A_988 = arith.constant 65535 : i32
        %parallel_loop3A_989 = vector.broadcast %parallel_loop3A_988 : i32 to vector<16xi32>
        %parallel_loop3A_990 = arith.andi %parallel_loop3A_986, %parallel_loop3A_989 : vector<16xi32>
        %parallel_loop3A_991 = arith.constant 16 : i32
        %parallel_loop3A_992 = vector.broadcast %parallel_loop3A_991 : i32 to vector<16xi32>
        %parallel_loop3A_993 = arith.shli %parallel_loop3A_987, %parallel_loop3A_992 : vector<16xi32>
        %parallel_loop3A_994 = arith.ori %parallel_loop3A_990, %parallel_loop3A_993 : vector<16xi32>
        %parallel_loop3A_995 = arith.constant 0 : i32
        %parallel_loop3A_996 = arith.addi %parallel_loop3A_995, %parallel_loop3A_807 : i32
        %parallel_loop3A_997 = arith.index_cast %parallel_loop3A_996 : i32 to index
        %parallel_loop3A_998 = arith.constant 96 : index
        %parallel_loop3A_999 = tpu.vector_load %arg9[%parallel_loop3A_997, %parallel_loop3A_998] {strides = array<i32>} : memref<128x128xi32, #tpu.memory_space<vmem>>, vector<1x16xi32>,
        %parallel_loop3A_1000 = vector.shape_cast %parallel_loop3A_999 : vector<1x16xi32> to vector<16xi32>
        %parallel_loop3A_1001 = vector.shape_cast %parallel_loop3A_994 : vector<16xi32> to vector<1x16xi32>
        tpu.vector_store %arg9[%parallel_loop3A_997, %parallel_loop3A_998], %parallel_loop3A_1001 {strides = array<i32>} : memref<128x128xi32, #tpu.memory_space<vmem>>, vector<1x16xi32>,
        %parallel_loop3A_1002 = arith.index_cast %parallel_loop3A_819 : i32 to index
        %parallel_loop3A_1003 = arith.constant 112 : index
        %parallel_loop3A_1004 = tpu.vector_load %arg8[%parallel_loop3A_1002, %parallel_loop3A_1003] {strides = array<i32>} : memref<256x128xi32, #tpu.memory_space<vmem>>, vector<1x16xi32>,
        %parallel_loop3A_1005 = vector.shape_cast %parallel_loop3A_1004 : vector<1x16xi32> to vector<16xi32>
        %parallel_loop3A_1006 = arith.constant 1 : i32
        %parallel_loop3A_1007 = arith.addi %parallel_loop3A_819, %parallel_loop3A_1006 : i32
        %parallel_loop3A_1008 = arith.index_cast %parallel_loop3A_1007 : i32 to index
        %parallel_loop3A_1009 = arith.constant 112 : index
        %parallel_loop3A_1010 = tpu.vector_load %arg8[%parallel_loop3A_1008, %parallel_loop3A_1009] {strides = array<i32>} : memref<256x128xi32, #tpu.memory_space<vmem>>, vector<1x16xi32>,
        %parallel_loop3A_1011 = vector.shape_cast %parallel_loop3A_1010 : vector<1x16xi32> to vector<16xi32>
        %parallel_loop3A_1012 = arith.shrui %parallel_loop3A_1005, %parallel_loop3A_811 : vector<16xi32>
        %parallel_loop3A_1013 = arith.shrui %parallel_loop3A_1011, %parallel_loop3A_815 : vector<16xi32>
        %parallel_loop3A_1014 = arith.constant 65535 : i32
        %parallel_loop3A_1015 = vector.broadcast %parallel_loop3A_1014 : i32 to vector<16xi32>
        %parallel_loop3A_1016 = arith.andi %parallel_loop3A_1012, %parallel_loop3A_1015 : vector<16xi32>
        %parallel_loop3A_1017 = arith.constant 16 : i32
        %parallel_loop3A_1018 = vector.broadcast %parallel_loop3A_1017 : i32 to vector<16xi32>
        %parallel_loop3A_1019 = arith.shli %parallel_loop3A_1013, %parallel_loop3A_1018 : vector<16xi32>
        %parallel_loop3A_1020 = arith.ori %parallel_loop3A_1016, %parallel_loop3A_1019 : vector<16xi32>
        %parallel_loop3A_1021 = arith.constant 0 : i32
        %parallel_loop3A_1022 = arith.addi %parallel_loop3A_1021, %parallel_loop3A_807 : i32
        %parallel_loop3A_1023 = arith.index_cast %parallel_loop3A_1022 : i32 to index
        %parallel_loop3A_1024 = arith.constant 112 : index
        %parallel_loop3A_1025 = tpu.vector_load %arg9[%parallel_loop3A_1023, %parallel_loop3A_1024] {strides = array<i32>} : memref<128x128xi32, #tpu.memory_space<vmem>>, vector<1x16xi32>,
        %parallel_loop3A_1026 = vector.shape_cast %parallel_loop3A_1025 : vector<1x16xi32> to vector<16xi32>
        %parallel_loop3A_1027 = vector.shape_cast %parallel_loop3A_1020 : vector<16xi32> to vector<1x16xi32>
        tpu.vector_store %arg9[%parallel_loop3A_1023, %parallel_loop3A_1024], %parallel_loop3A_1027 {strides = array<i32>} : memref<128x128xi32, #tpu.memory_space<vmem>>, vector<1x16xi32>,
        %parallel_loop3A_1028 = arith.constant 8 : i32
        %parallel_loop3A_1029 = arith.muli %parallel_loop3A_122, %parallel_loop3A_1028 : i32
        %parallel_loop3A_1030 = arith.constant 4 : i32
        %parallel_loop3A_1031 = arith.addi %parallel_loop3A_1029, %parallel_loop3A_1030 : i32
        %parallel_loop3A_1032 = arith.constant 8 : i32
        %parallel_loop3A_1033 = vector.broadcast %parallel_loop3A_1032 : i32 to vector<16x1xi32>
        %parallel_loop3A_1034 = vector.shape_cast %parallel_loop3A_1033 : vector<16x1xi32> to vector<16xi32>
        %parallel_loop3A_1035 = tpu.dynamic_gather %parallel_loop3A_131[%parallel_loop3A_1034] in [0] : vector<16xi32>, vector<16xi32> -> vector<16xi32>
        %parallel_loop3A_1036 = arith.constant 9 : i32
        %parallel_loop3A_1037 = vector.broadcast %parallel_loop3A_1036 : i32 to vector<16x1xi32>
        %parallel_loop3A_1038 = vector.shape_cast %parallel_loop3A_1037 : vector<16x1xi32> to vector<16xi32>
        %parallel_loop3A_1039 = tpu.dynamic_gather %parallel_loop3A_131[%parallel_loop3A_1038] in [0] : vector<16xi32>, vector<16xi32> -> vector<16xi32>
        %parallel_loop3A_1040 = arith.constant 2 : i32
        %parallel_loop3A_1041 = arith.muli %parallel_loop3A_1040, %parallel_loop3A_1031 : i32
        %parallel_loop3A_1042 = arith.constant 0 : i32
        %parallel_loop3A_1043 = arith.addi %parallel_loop3A_1042, %parallel_loop3A_1041 : i32
        %parallel_loop3A_1044 = arith.index_cast %parallel_loop3A_1043 : i32 to index
        %parallel_loop3A_1045 = arith.constant 0 : index
        %parallel_loop3A_1046 = tpu.vector_load %arg8[%parallel_loop3A_1044, %parallel_loop3A_1045] {strides = array<i32>} : memref<256x128xi32, #tpu.memory_space<vmem>>, vector<1x16xi32>,
        %parallel_loop3A_1047 = vector.shape_cast %parallel_loop3A_1046 : vector<1x16xi32> to vector<16xi32>
        %parallel_loop3A_1048 = arith.constant 1 : i32
        %parallel_loop3A_1049 = arith.addi %parallel_loop3A_1043, %parallel_loop3A_1048 : i32
        %parallel_loop3A_1050 = arith.index_cast %parallel_loop3A_1049 : i32 to index
        %parallel_loop3A_1051 = arith.constant 0 : index
        %parallel_loop3A_1052 = tpu.vector_load %arg8[%parallel_loop3A_1050, %parallel_loop3A_1051] {strides = array<i32>} : memref<256x128xi32, #tpu.memory_space<vmem>>, vector<1x16xi32>,
        %parallel_loop3A_1053 = vector.shape_cast %parallel_loop3A_1052 : vector<1x16xi32> to vector<16xi32>
        %parallel_loop3A_1054 = arith.shrui %parallel_loop3A_1047, %parallel_loop3A_1035 : vector<16xi32>
        %parallel_loop3A_1055 = arith.shrui %parallel_loop3A_1053, %parallel_loop3A_1039 : vector<16xi32>
        %parallel_loop3A_1056 = arith.constant 65535 : i32
        %parallel_loop3A_1057 = vector.broadcast %parallel_loop3A_1056 : i32 to vector<16xi32>
        %parallel_loop3A_1058 = arith.andi %parallel_loop3A_1054, %parallel_loop3A_1057 : vector<16xi32>
        %parallel_loop3A_1059 = arith.constant 16 : i32
        %parallel_loop3A_1060 = vector.broadcast %parallel_loop3A_1059 : i32 to vector<16xi32>
        %parallel_loop3A_1061 = arith.shli %parallel_loop3A_1055, %parallel_loop3A_1060 : vector<16xi32>
        %parallel_loop3A_1062 = arith.ori %parallel_loop3A_1058, %parallel_loop3A_1061 : vector<16xi32>
        %parallel_loop3A_1063 = arith.constant 0 : i32
        %parallel_loop3A_1064 = arith.addi %parallel_loop3A_1063, %parallel_loop3A_1031 : i32
        %parallel_loop3A_1065 = arith.index_cast %parallel_loop3A_1064 : i32 to index
        %parallel_loop3A_1066 = arith.constant 0 : index
        %parallel_loop3A_1067 = tpu.vector_load %arg9[%parallel_loop3A_1065, %parallel_loop3A_1066] {strides = array<i32>} : memref<128x128xi32, #tpu.memory_space<vmem>>, vector<1x16xi32>,
        %parallel_loop3A_1068 = vector.shape_cast %parallel_loop3A_1067 : vector<1x16xi32> to vector<16xi32>
        %parallel_loop3A_1069 = vector.shape_cast %parallel_loop3A_1062 : vector<16xi32> to vector<1x16xi32>
        tpu.vector_store %arg9[%parallel_loop3A_1065, %parallel_loop3A_1066], %parallel_loop3A_1069 {strides = array<i32>} : memref<128x128xi32, #tpu.memory_space<vmem>>, vector<1x16xi32>,
        %parallel_loop3A_1070 = arith.index_cast %parallel_loop3A_1043 : i32 to index
        %parallel_loop3A_1071 = arith.constant 16 : index
        %parallel_loop3A_1072 = tpu.vector_load %arg8[%parallel_loop3A_1070, %parallel_loop3A_1071] {strides = array<i32>} : memref<256x128xi32, #tpu.memory_space<vmem>>, vector<1x16xi32>,
        %parallel_loop3A_1073 = vector.shape_cast %parallel_loop3A_1072 : vector<1x16xi32> to vector<16xi32>
        %parallel_loop3A_1074 = arith.constant 1 : i32
        %parallel_loop3A_1075 = arith.addi %parallel_loop3A_1043, %parallel_loop3A_1074 : i32
        %parallel_loop3A_1076 = arith.index_cast %parallel_loop3A_1075 : i32 to index
        %parallel_loop3A_1077 = arith.constant 16 : index
        %parallel_loop3A_1078 = tpu.vector_load %arg8[%parallel_loop3A_1076, %parallel_loop3A_1077] {strides = array<i32>} : memref<256x128xi32, #tpu.memory_space<vmem>>, vector<1x16xi32>,
        %parallel_loop3A_1079 = vector.shape_cast %parallel_loop3A_1078 : vector<1x16xi32> to vector<16xi32>
        %parallel_loop3A_1080 = arith.shrui %parallel_loop3A_1073, %parallel_loop3A_1035 : vector<16xi32>
        %parallel_loop3A_1081 = arith.shrui %parallel_loop3A_1079, %parallel_loop3A_1039 : vector<16xi32>
        %parallel_loop3A_1082 = arith.constant 65535 : i32
        %parallel_loop3A_1083 = vector.broadcast %parallel_loop3A_1082 : i32 to vector<16xi32>
        %parallel_loop3A_1084 = arith.andi %parallel_loop3A_1080, %parallel_loop3A_1083 : vector<16xi32>
        %parallel_loop3A_1085 = arith.constant 16 : i32
        %parallel_loop3A_1086 = vector.broadcast %parallel_loop3A_1085 : i32 to vector<16xi32>
        %parallel_loop3A_1087 = arith.shli %parallel_loop3A_1081, %parallel_loop3A_1086 : vector<16xi32>
        %parallel_loop3A_1088 = arith.ori %parallel_loop3A_1084, %parallel_loop3A_1087 : vector<16xi32>
        %parallel_loop3A_1089 = arith.constant 0 : i32
        %parallel_loop3A_1090 = arith.addi %parallel_loop3A_1089, %parallel_loop3A_1031 : i32
        %parallel_loop3A_1091 = arith.index_cast %parallel_loop3A_1090 : i32 to index
        %parallel_loop3A_1092 = arith.constant 16 : index
        %parallel_loop3A_1093 = tpu.vector_load %arg9[%parallel_loop3A_1091, %parallel_loop3A_1092] {strides = array<i32>} : memref<128x128xi32, #tpu.memory_space<vmem>>, vector<1x16xi32>,
        %parallel_loop3A_1094 = vector.shape_cast %parallel_loop3A_1093 : vector<1x16xi32> to vector<16xi32>
        %parallel_loop3A_1095 = vector.shape_cast %parallel_loop3A_1088 : vector<16xi32> to vector<1x16xi32>
        tpu.vector_store %arg9[%parallel_loop3A_1091, %parallel_loop3A_1092], %parallel_loop3A_1095 {strides = array<i32>} : memref<128x128xi32, #tpu.memory_space<vmem>>, vector<1x16xi32>,
        %parallel_loop3A_1096 = arith.index_cast %parallel_loop3A_1043 : i32 to index
        %parallel_loop3A_1097 = arith.constant 32 : index
        %parallel_loop3A_1098 = tpu.vector_load %arg8[%parallel_loop3A_1096, %parallel_loop3A_1097] {strides = array<i32>} : memref<256x128xi32, #tpu.memory_space<vmem>>, vector<1x16xi32>,
        %parallel_loop3A_1099 = vector.shape_cast %parallel_loop3A_1098 : vector<1x16xi32> to vector<16xi32>
        %parallel_loop3A_1100 = arith.constant 1 : i32
        %parallel_loop3A_1101 = arith.addi %parallel_loop3A_1043, %parallel_loop3A_1100 : i32
        %parallel_loop3A_1102 = arith.index_cast %parallel_loop3A_1101 : i32 to index
        %parallel_loop3A_1103 = arith.constant 32 : index
        %parallel_loop3A_1104 = tpu.vector_load %arg8[%parallel_loop3A_1102, %parallel_loop3A_1103] {strides = array<i32>} : memref<256x128xi32, #tpu.memory_space<vmem>>, vector<1x16xi32>,
        %parallel_loop3A_1105 = vector.shape_cast %parallel_loop3A_1104 : vector<1x16xi32> to vector<16xi32>
        %parallel_loop3A_1106 = arith.shrui %parallel_loop3A_1099, %parallel_loop3A_1035 : vector<16xi32>
        %parallel_loop3A_1107 = arith.shrui %parallel_loop3A_1105, %parallel_loop3A_1039 : vector<16xi32>
        %parallel_loop3A_1108 = arith.constant 65535 : i32
        %parallel_loop3A_1109 = vector.broadcast %parallel_loop3A_1108 : i32 to vector<16xi32>
        %parallel_loop3A_1110 = arith.andi %parallel_loop3A_1106, %parallel_loop3A_1109 : vector<16xi32>
        %parallel_loop3A_1111 = arith.constant 16 : i32
        %parallel_loop3A_1112 = vector.broadcast %parallel_loop3A_1111 : i32 to vector<16xi32>
        %parallel_loop3A_1113 = arith.shli %parallel_loop3A_1107, %parallel_loop3A_1112 : vector<16xi32>
        %parallel_loop3A_1114 = arith.ori %parallel_loop3A_1110, %parallel_loop3A_1113 : vector<16xi32>
        %parallel_loop3A_1115 = arith.constant 0 : i32
        %parallel_loop3A_1116 = arith.addi %parallel_loop3A_1115, %parallel_loop3A_1031 : i32
        %parallel_loop3A_1117 = arith.index_cast %parallel_loop3A_1116 : i32 to index
        %parallel_loop3A_1118 = arith.constant 32 : index
        %parallel_loop3A_1119 = tpu.vector_load %arg9[%parallel_loop3A_1117, %parallel_loop3A_1118] {strides = array<i32>} : memref<128x128xi32, #tpu.memory_space<vmem>>, vector<1x16xi32>,
        %parallel_loop3A_1120 = vector.shape_cast %parallel_loop3A_1119 : vector<1x16xi32> to vector<16xi32>
        %parallel_loop3A_1121 = vector.shape_cast %parallel_loop3A_1114 : vector<16xi32> to vector<1x16xi32>
        tpu.vector_store %arg9[%parallel_loop3A_1117, %parallel_loop3A_1118], %parallel_loop3A_1121 {strides = array<i32>} : memref<128x128xi32, #tpu.memory_space<vmem>>, vector<1x16xi32>,
        %parallel_loop3A_1122 = arith.index_cast %parallel_loop3A_1043 : i32 to index
        %parallel_loop3A_1123 = arith.constant 48 : index
        %parallel_loop3A_1124 = tpu.vector_load %arg8[%parallel_loop3A_1122, %parallel_loop3A_1123] {strides = array<i32>} : memref<256x128xi32, #tpu.memory_space<vmem>>, vector<1x16xi32>,
        %parallel_loop3A_1125 = vector.shape_cast %parallel_loop3A_1124 : vector<1x16xi32> to vector<16xi32>
        %parallel_loop3A_1126 = arith.constant 1 : i32
        %parallel_loop3A_1127 = arith.addi %parallel_loop3A_1043, %parallel_loop3A_1126 : i32
        %parallel_loop3A_1128 = arith.index_cast %parallel_loop3A_1127 : i32 to index
        %parallel_loop3A_1129 = arith.constant 48 : index
        %parallel_loop3A_1130 = tpu.vector_load %arg8[%parallel_loop3A_1128, %parallel_loop3A_1129] {strides = array<i32>} : memref<256x128xi32, #tpu.memory_space<vmem>>, vector<1x16xi32>,
        %parallel_loop3A_1131 = vector.shape_cast %parallel_loop3A_1130 : vector<1x16xi32> to vector<16xi32>
        %parallel_loop3A_1132 = arith.shrui %parallel_loop3A_1125, %parallel_loop3A_1035 : vector<16xi32>
        %parallel_loop3A_1133 = arith.shrui %parallel_loop3A_1131, %parallel_loop3A_1039 : vector<16xi32>
        %parallel_loop3A_1134 = arith.constant 65535 : i32
        %parallel_loop3A_1135 = vector.broadcast %parallel_loop3A_1134 : i32 to vector<16xi32>
        %parallel_loop3A_1136 = arith.andi %parallel_loop3A_1132, %parallel_loop3A_1135 : vector<16xi32>
        %parallel_loop3A_1137 = arith.constant 16 : i32
        %parallel_loop3A_1138 = vector.broadcast %parallel_loop3A_1137 : i32 to vector<16xi32>
        %parallel_loop3A_1139 = arith.shli %parallel_loop3A_1133, %parallel_loop3A_1138 : vector<16xi32>
        %parallel_loop3A_1140 = arith.ori %parallel_loop3A_1136, %parallel_loop3A_1139 : vector<16xi32>
        %parallel_loop3A_1141 = arith.constant 0 : i32
        %parallel_loop3A_1142 = arith.addi %parallel_loop3A_1141, %parallel_loop3A_1031 : i32
        %parallel_loop3A_1143 = arith.index_cast %parallel_loop3A_1142 : i32 to index
        %parallel_loop3A_1144 = arith.constant 48 : index
        %parallel_loop3A_1145 = tpu.vector_load %arg9[%parallel_loop3A_1143, %parallel_loop3A_1144] {strides = array<i32>} : memref<128x128xi32, #tpu.memory_space<vmem>>, vector<1x16xi32>,
        %parallel_loop3A_1146 = vector.shape_cast %parallel_loop3A_1145 : vector<1x16xi32> to vector<16xi32>
        %parallel_loop3A_1147 = vector.shape_cast %parallel_loop3A_1140 : vector<16xi32> to vector<1x16xi32>
        tpu.vector_store %arg9[%parallel_loop3A_1143, %parallel_loop3A_1144], %parallel_loop3A_1147 {strides = array<i32>} : memref<128x128xi32, #tpu.memory_space<vmem>>, vector<1x16xi32>,
        %parallel_loop3A_1148 = arith.index_cast %parallel_loop3A_1043 : i32 to index
        %parallel_loop3A_1149 = arith.constant 64 : index
        %parallel_loop3A_1150 = tpu.vector_load %arg8[%parallel_loop3A_1148, %parallel_loop3A_1149] {strides = array<i32>} : memref<256x128xi32, #tpu.memory_space<vmem>>, vector<1x16xi32>,
        %parallel_loop3A_1151 = vector.shape_cast %parallel_loop3A_1150 : vector<1x16xi32> to vector<16xi32>
        %parallel_loop3A_1152 = arith.constant 1 : i32
        %parallel_loop3A_1153 = arith.addi %parallel_loop3A_1043, %parallel_loop3A_1152 : i32
        %parallel_loop3A_1154 = arith.index_cast %parallel_loop3A_1153 : i32 to index
        %parallel_loop3A_1155 = arith.constant 64 : index
        %parallel_loop3A_1156 = tpu.vector_load %arg8[%parallel_loop3A_1154, %parallel_loop3A_1155] {strides = array<i32>} : memref<256x128xi32, #tpu.memory_space<vmem>>, vector<1x16xi32>,
        %parallel_loop3A_1157 = vector.shape_cast %parallel_loop3A_1156 : vector<1x16xi32> to vector<16xi32>
        %parallel_loop3A_1158 = arith.shrui %parallel_loop3A_1151, %parallel_loop3A_1035 : vector<16xi32>
        %parallel_loop3A_1159 = arith.shrui %parallel_loop3A_1157, %parallel_loop3A_1039 : vector<16xi32>
        %parallel_loop3A_1160 = arith.constant 65535 : i32
        %parallel_loop3A_1161 = vector.broadcast %parallel_loop3A_1160 : i32 to vector<16xi32>
        %parallel_loop3A_1162 = arith.andi %parallel_loop3A_1158, %parallel_loop3A_1161 : vector<16xi32>
        %parallel_loop3A_1163 = arith.constant 16 : i32
        %parallel_loop3A_1164 = vector.broadcast %parallel_loop3A_1163 : i32 to vector<16xi32>
        %parallel_loop3A_1165 = arith.shli %parallel_loop3A_1159, %parallel_loop3A_1164 : vector<16xi32>
        %parallel_loop3A_1166 = arith.ori %parallel_loop3A_1162, %parallel_loop3A_1165 : vector<16xi32>
        %parallel_loop3A_1167 = arith.constant 0 : i32
        %parallel_loop3A_1168 = arith.addi %parallel_loop3A_1167, %parallel_loop3A_1031 : i32
        %parallel_loop3A_1169 = arith.index_cast %parallel_loop3A_1168 : i32 to index
        %parallel_loop3A_1170 = arith.constant 64 : index
        %parallel_loop3A_1171 = tpu.vector_load %arg9[%parallel_loop3A_1169, %parallel_loop3A_1170] {strides = array<i32>} : memref<128x128xi32, #tpu.memory_space<vmem>>, vector<1x16xi32>,
        %parallel_loop3A_1172 = vector.shape_cast %parallel_loop3A_1171 : vector<1x16xi32> to vector<16xi32>
        %parallel_loop3A_1173 = vector.shape_cast %parallel_loop3A_1166 : vector<16xi32> to vector<1x16xi32>
        tpu.vector_store %arg9[%parallel_loop3A_1169, %parallel_loop3A_1170], %parallel_loop3A_1173 {strides = array<i32>} : memref<128x128xi32, #tpu.memory_space<vmem>>, vector<1x16xi32>,
        %parallel_loop3A_1174 = arith.index_cast %parallel_loop3A_1043 : i32 to index
        %parallel_loop3A_1175 = arith.constant 80 : index
        %parallel_loop3A_1176 = tpu.vector_load %arg8[%parallel_loop3A_1174, %parallel_loop3A_1175] {strides = array<i32>} : memref<256x128xi32, #tpu.memory_space<vmem>>, vector<1x16xi32>,
        %parallel_loop3A_1177 = vector.shape_cast %parallel_loop3A_1176 : vector<1x16xi32> to vector<16xi32>
        %parallel_loop3A_1178 = arith.constant 1 : i32
        %parallel_loop3A_1179 = arith.addi %parallel_loop3A_1043, %parallel_loop3A_1178 : i32
        %parallel_loop3A_1180 = arith.index_cast %parallel_loop3A_1179 : i32 to index
        %parallel_loop3A_1181 = arith.constant 80 : index
        %parallel_loop3A_1182 = tpu.vector_load %arg8[%parallel_loop3A_1180, %parallel_loop3A_1181] {strides = array<i32>} : memref<256x128xi32, #tpu.memory_space<vmem>>, vector<1x16xi32>,
        %parallel_loop3A_1183 = vector.shape_cast %parallel_loop3A_1182 : vector<1x16xi32> to vector<16xi32>
        %parallel_loop3A_1184 = arith.shrui %parallel_loop3A_1177, %parallel_loop3A_1035 : vector<16xi32>
        %parallel_loop3A_1185 = arith.shrui %parallel_loop3A_1183, %parallel_loop3A_1039 : vector<16xi32>
        %parallel_loop3A_1186 = arith.constant 65535 : i32
        %parallel_loop3A_1187 = vector.broadcast %parallel_loop3A_1186 : i32 to vector<16xi32>
        %parallel_loop3A_1188 = arith.andi %parallel_loop3A_1184, %parallel_loop3A_1187 : vector<16xi32>
        %parallel_loop3A_1189 = arith.constant 16 : i32
        %parallel_loop3A_1190 = vector.broadcast %parallel_loop3A_1189 : i32 to vector<16xi32>
        %parallel_loop3A_1191 = arith.shli %parallel_loop3A_1185, %parallel_loop3A_1190 : vector<16xi32>
        %parallel_loop3A_1192 = arith.ori %parallel_loop3A_1188, %parallel_loop3A_1191 : vector<16xi32>
        %parallel_loop3A_1193 = arith.constant 0 : i32
        %parallel_loop3A_1194 = arith.addi %parallel_loop3A_1193, %parallel_loop3A_1031 : i32
        %parallel_loop3A_1195 = arith.index_cast %parallel_loop3A_1194 : i32 to index
        %parallel_loop3A_1196 = arith.constant 80 : index
        %parallel_loop3A_1197 = tpu.vector_load %arg9[%parallel_loop3A_1195, %parallel_loop3A_1196] {strides = array<i32>} : memref<128x128xi32, #tpu.memory_space<vmem>>, vector<1x16xi32>,
        %parallel_loop3A_1198 = vector.shape_cast %parallel_loop3A_1197 : vector<1x16xi32> to vector<16xi32>
        %parallel_loop3A_1199 = vector.shape_cast %parallel_loop3A_1192 : vector<16xi32> to vector<1x16xi32>
        tpu.vector_store %arg9[%parallel_loop3A_1195, %parallel_loop3A_1196], %parallel_loop3A_1199 {strides = array<i32>} : memref<128x128xi32, #tpu.memory_space<vmem>>, vector<1x16xi32>,
        %parallel_loop3A_1200 = arith.index_cast %parallel_loop3A_1043 : i32 to index
        %parallel_loop3A_1201 = arith.constant 96 : index
        %parallel_loop3A_1202 = tpu.vector_load %arg8[%parallel_loop3A_1200, %parallel_loop3A_1201] {strides = array<i32>} : memref<256x128xi32, #tpu.memory_space<vmem>>, vector<1x16xi32>,
        %parallel_loop3A_1203 = vector.shape_cast %parallel_loop3A_1202 : vector<1x16xi32> to vector<16xi32>
        %parallel_loop3A_1204 = arith.constant 1 : i32
        %parallel_loop3A_1205 = arith.addi %parallel_loop3A_1043, %parallel_loop3A_1204 : i32
        %parallel_loop3A_1206 = arith.index_cast %parallel_loop3A_1205 : i32 to index
        %parallel_loop3A_1207 = arith.constant 96 : index
        %parallel_loop3A_1208 = tpu.vector_load %arg8[%parallel_loop3A_1206, %parallel_loop3A_1207] {strides = array<i32>} : memref<256x128xi32, #tpu.memory_space<vmem>>, vector<1x16xi32>,
        %parallel_loop3A_1209 = vector.shape_cast %parallel_loop3A_1208 : vector<1x16xi32> to vector<16xi32>
        %parallel_loop3A_1210 = arith.shrui %parallel_loop3A_1203, %parallel_loop3A_1035 : vector<16xi32>
        %parallel_loop3A_1211 = arith.shrui %parallel_loop3A_1209, %parallel_loop3A_1039 : vector<16xi32>
        %parallel_loop3A_1212 = arith.constant 65535 : i32
        %parallel_loop3A_1213 = vector.broadcast %parallel_loop3A_1212 : i32 to vector<16xi32>
        %parallel_loop3A_1214 = arith.andi %parallel_loop3A_1210, %parallel_loop3A_1213 : vector<16xi32>
        %parallel_loop3A_1215 = arith.constant 16 : i32
        %parallel_loop3A_1216 = vector.broadcast %parallel_loop3A_1215 : i32 to vector<16xi32>
        %parallel_loop3A_1217 = arith.shli %parallel_loop3A_1211, %parallel_loop3A_1216 : vector<16xi32>
        %parallel_loop3A_1218 = arith.ori %parallel_loop3A_1214, %parallel_loop3A_1217 : vector<16xi32>
        %parallel_loop3A_1219 = arith.constant 0 : i32
        %parallel_loop3A_1220 = arith.addi %parallel_loop3A_1219, %parallel_loop3A_1031 : i32
        %parallel_loop3A_1221 = arith.index_cast %parallel_loop3A_1220 : i32 to index
        %parallel_loop3A_1222 = arith.constant 96 : index
        %parallel_loop3A_1223 = tpu.vector_load %arg9[%parallel_loop3A_1221, %parallel_loop3A_1222] {strides = array<i32>} : memref<128x128xi32, #tpu.memory_space<vmem>>, vector<1x16xi32>,
        %parallel_loop3A_1224 = vector.shape_cast %parallel_loop3A_1223 : vector<1x16xi32> to vector<16xi32>
        %parallel_loop3A_1225 = vector.shape_cast %parallel_loop3A_1218 : vector<16xi32> to vector<1x16xi32>
        tpu.vector_store %arg9[%parallel_loop3A_1221, %parallel_loop3A_1222], %parallel_loop3A_1225 {strides = array<i32>} : memref<128x128xi32, #tpu.memory_space<vmem>>, vector<1x16xi32>,
        %parallel_loop3A_1226 = arith.index_cast %parallel_loop3A_1043 : i32 to index
        %parallel_loop3A_1227 = arith.constant 112 : index
        %parallel_loop3A_1228 = tpu.vector_load %arg8[%parallel_loop3A_1226, %parallel_loop3A_1227] {strides = array<i32>} : memref<256x128xi32, #tpu.memory_space<vmem>>, vector<1x16xi32>,
        %parallel_loop3A_1229 = vector.shape_cast %parallel_loop3A_1228 : vector<1x16xi32> to vector<16xi32>
        %parallel_loop3A_1230 = arith.constant 1 : i32
        %parallel_loop3A_1231 = arith.addi %parallel_loop3A_1043, %parallel_loop3A_1230 : i32
        %parallel_loop3A_1232 = arith.index_cast %parallel_loop3A_1231 : i32 to index
        %parallel_loop3A_1233 = arith.constant 112 : index
        %parallel_loop3A_1234 = tpu.vector_load %arg8[%parallel_loop3A_1232, %parallel_loop3A_1233] {strides = array<i32>} : memref<256x128xi32, #tpu.memory_space<vmem>>, vector<1x16xi32>,
        %parallel_loop3A_1235 = vector.shape_cast %parallel_loop3A_1234 : vector<1x16xi32> to vector<16xi32>
        %parallel_loop3A_1236 = arith.shrui %parallel_loop3A_1229, %parallel_loop3A_1035 : vector<16xi32>
        %parallel_loop3A_1237 = arith.shrui %parallel_loop3A_1235, %parallel_loop3A_1039 : vector<16xi32>
        %parallel_loop3A_1238 = arith.constant 65535 : i32
        %parallel_loop3A_1239 = vector.broadcast %parallel_loop3A_1238 : i32 to vector<16xi32>
        %parallel_loop3A_1240 = arith.andi %parallel_loop3A_1236, %parallel_loop3A_1239 : vector<16xi32>
        %parallel_loop3A_1241 = arith.constant 16 : i32
        %parallel_loop3A_1242 = vector.broadcast %parallel_loop3A_1241 : i32 to vector<16xi32>
        %parallel_loop3A_1243 = arith.shli %parallel_loop3A_1237, %parallel_loop3A_1242 : vector<16xi32>
        %parallel_loop3A_1244 = arith.ori %parallel_loop3A_1240, %parallel_loop3A_1243 : vector<16xi32>
        %parallel_loop3A_1245 = arith.constant 0 : i32
        %parallel_loop3A_1246 = arith.addi %parallel_loop3A_1245, %parallel_loop3A_1031 : i32
        %parallel_loop3A_1247 = arith.index_cast %parallel_loop3A_1246 : i32 to index
        %parallel_loop3A_1248 = arith.constant 112 : index
        %parallel_loop3A_1249 = tpu.vector_load %arg9[%parallel_loop3A_1247, %parallel_loop3A_1248] {strides = array<i32>} : memref<128x128xi32, #tpu.memory_space<vmem>>, vector<1x16xi32>,
        %parallel_loop3A_1250 = vector.shape_cast %parallel_loop3A_1249 : vector<1x16xi32> to vector<16xi32>
        %parallel_loop3A_1251 = vector.shape_cast %parallel_loop3A_1244 : vector<16xi32> to vector<1x16xi32>
        tpu.vector_store %arg9[%parallel_loop3A_1247, %parallel_loop3A_1248], %parallel_loop3A_1251 {strides = array<i32>} : memref<128x128xi32, #tpu.memory_space<vmem>>, vector<1x16xi32>,
        %parallel_loop3A_1252 = arith.constant 8 : i32
        %parallel_loop3A_1253 = arith.muli %parallel_loop3A_122, %parallel_loop3A_1252 : i32
        %parallel_loop3A_1254 = arith.constant 5 : i32
        %parallel_loop3A_1255 = arith.addi %parallel_loop3A_1253, %parallel_loop3A_1254 : i32
        %parallel_loop3A_1256 = arith.constant 10 : i32
        %parallel_loop3A_1257 = vector.broadcast %parallel_loop3A_1256 : i32 to vector<16x1xi32>
        %parallel_loop3A_1258 = vector.shape_cast %parallel_loop3A_1257 : vector<16x1xi32> to vector<16xi32>
        %parallel_loop3A_1259 = tpu.dynamic_gather %parallel_loop3A_131[%parallel_loop3A_1258] in [0] : vector<16xi32>, vector<16xi32> -> vector<16xi32>
        %parallel_loop3A_1260 = arith.constant 11 : i32
        %parallel_loop3A_1261 = vector.broadcast %parallel_loop3A_1260 : i32 to vector<16x1xi32>
        %parallel_loop3A_1262 = vector.shape_cast %parallel_loop3A_1261 : vector<16x1xi32> to vector<16xi32>
        %parallel_loop3A_1263 = tpu.dynamic_gather %parallel_loop3A_131[%parallel_loop3A_1262] in [0] : vector<16xi32>, vector<16xi32> -> vector<16xi32>
        %parallel_loop3A_1264 = arith.constant 2 : i32
        %parallel_loop3A_1265 = arith.muli %parallel_loop3A_1264, %parallel_loop3A_1255 : i32
        %parallel_loop3A_1266 = arith.constant 0 : i32
        %parallel_loop3A_1267 = arith.addi %parallel_loop3A_1266, %parallel_loop3A_1265 : i32
        %parallel_loop3A_1268 = arith.index_cast %parallel_loop3A_1267 : i32 to index
        %parallel_loop3A_1269 = arith.constant 0 : index
        %parallel_loop3A_1270 = tpu.vector_load %arg8[%parallel_loop3A_1268, %parallel_loop3A_1269] {strides = array<i32>} : memref<256x128xi32, #tpu.memory_space<vmem>>, vector<1x16xi32>,
        %parallel_loop3A_1271 = vector.shape_cast %parallel_loop3A_1270 : vector<1x16xi32> to vector<16xi32>
        %parallel_loop3A_1272 = arith.constant 1 : i32
        %parallel_loop3A_1273 = arith.addi %parallel_loop3A_1267, %parallel_loop3A_1272 : i32
        %parallel_loop3A_1274 = arith.index_cast %parallel_loop3A_1273 : i32 to index
        %parallel_loop3A_1275 = arith.constant 0 : index
        %parallel_loop3A_1276 = tpu.vector_load %arg8[%parallel_loop3A_1274, %parallel_loop3A_1275] {strides = array<i32>} : memref<256x128xi32, #tpu.memory_space<vmem>>, vector<1x16xi32>,
        %parallel_loop3A_1277 = vector.shape_cast %parallel_loop3A_1276 : vector<1x16xi32> to vector<16xi32>
        %parallel_loop3A_1278 = arith.shrui %parallel_loop3A_1271, %parallel_loop3A_1259 : vector<16xi32>
        %parallel_loop3A_1279 = arith.shrui %parallel_loop3A_1277, %parallel_loop3A_1263 : vector<16xi32>
        %parallel_loop3A_1280 = arith.constant 65535 : i32
        %parallel_loop3A_1281 = vector.broadcast %parallel_loop3A_1280 : i32 to vector<16xi32>
        %parallel_loop3A_1282 = arith.andi %parallel_loop3A_1278, %parallel_loop3A_1281 : vector<16xi32>
        %parallel_loop3A_1283 = arith.constant 16 : i32
        %parallel_loop3A_1284 = vector.broadcast %parallel_loop3A_1283 : i32 to vector<16xi32>
        %parallel_loop3A_1285 = arith.shli %parallel_loop3A_1279, %parallel_loop3A_1284 : vector<16xi32>
        %parallel_loop3A_1286 = arith.ori %parallel_loop3A_1282, %parallel_loop3A_1285 : vector<16xi32>
        %parallel_loop3A_1287 = arith.constant 0 : i32
        %parallel_loop3A_1288 = arith.addi %parallel_loop3A_1287, %parallel_loop3A_1255 : i32
        %parallel_loop3A_1289 = arith.index_cast %parallel_loop3A_1288 : i32 to index
        %parallel_loop3A_1290 = arith.constant 0 : index
        %parallel_loop3A_1291 = tpu.vector_load %arg9[%parallel_loop3A_1289, %parallel_loop3A_1290] {strides = array<i32>} : memref<128x128xi32, #tpu.memory_space<vmem>>, vector<1x16xi32>,
        %parallel_loop3A_1292 = vector.shape_cast %parallel_loop3A_1291 : vector<1x16xi32> to vector<16xi32>
        %parallel_loop3A_1293 = vector.shape_cast %parallel_loop3A_1286 : vector<16xi32> to vector<1x16xi32>
        tpu.vector_store %arg9[%parallel_loop3A_1289, %parallel_loop3A_1290], %parallel_loop3A_1293 {strides = array<i32>} : memref<128x128xi32, #tpu.memory_space<vmem>>, vector<1x16xi32>,
        %parallel_loop3A_1294 = arith.index_cast %parallel_loop3A_1267 : i32 to index
        %parallel_loop3A_1295 = arith.constant 16 : index
        %parallel_loop3A_1296 = tpu.vector_load %arg8[%parallel_loop3A_1294, %parallel_loop3A_1295] {strides = array<i32>} : memref<256x128xi32, #tpu.memory_space<vmem>>, vector<1x16xi32>,
        %parallel_loop3A_1297 = vector.shape_cast %parallel_loop3A_1296 : vector<1x16xi32> to vector<16xi32>
        %parallel_loop3A_1298 = arith.constant 1 : i32
        %parallel_loop3A_1299 = arith.addi %parallel_loop3A_1267, %parallel_loop3A_1298 : i32
        %parallel_loop3A_1300 = arith.index_cast %parallel_loop3A_1299 : i32 to index
        %parallel_loop3A_1301 = arith.constant 16 : index
        %parallel_loop3A_1302 = tpu.vector_load %arg8[%parallel_loop3A_1300, %parallel_loop3A_1301] {strides = array<i32>} : memref<256x128xi32, #tpu.memory_space<vmem>>, vector<1x16xi32>,
        %parallel_loop3A_1303 = vector.shape_cast %parallel_loop3A_1302 : vector<1x16xi32> to vector<16xi32>
        %parallel_loop3A_1304 = arith.shrui %parallel_loop3A_1297, %parallel_loop3A_1259 : vector<16xi32>
        %parallel_loop3A_1305 = arith.shrui %parallel_loop3A_1303, %parallel_loop3A_1263 : vector<16xi32>
        %parallel_loop3A_1306 = arith.constant 65535 : i32
        %parallel_loop3A_1307 = vector.broadcast %parallel_loop3A_1306 : i32 to vector<16xi32>
        %parallel_loop3A_1308 = arith.andi %parallel_loop3A_1304, %parallel_loop3A_1307 : vector<16xi32>
        %parallel_loop3A_1309 = arith.constant 16 : i32
        %parallel_loop3A_1310 = vector.broadcast %parallel_loop3A_1309 : i32 to vector<16xi32>
        %parallel_loop3A_1311 = arith.shli %parallel_loop3A_1305, %parallel_loop3A_1310 : vector<16xi32>
        %parallel_loop3A_1312 = arith.ori %parallel_loop3A_1308, %parallel_loop3A_1311 : vector<16xi32>
        %parallel_loop3A_1313 = arith.constant 0 : i32
        %parallel_loop3A_1314 = arith.addi %parallel_loop3A_1313, %parallel_loop3A_1255 : i32
        %parallel_loop3A_1315 = arith.index_cast %parallel_loop3A_1314 : i32 to index
        %parallel_loop3A_1316 = arith.constant 16 : index
        %parallel_loop3A_1317 = tpu.vector_load %arg9[%parallel_loop3A_1315, %parallel_loop3A_1316] {strides = array<i32>} : memref<128x128xi32, #tpu.memory_space<vmem>>, vector<1x16xi32>,
        %parallel_loop3A_1318 = vector.shape_cast %parallel_loop3A_1317 : vector<1x16xi32> to vector<16xi32>
        %parallel_loop3A_1319 = vector.shape_cast %parallel_loop3A_1312 : vector<16xi32> to vector<1x16xi32>
        tpu.vector_store %arg9[%parallel_loop3A_1315, %parallel_loop3A_1316], %parallel_loop3A_1319 {strides = array<i32>} : memref<128x128xi32, #tpu.memory_space<vmem>>, vector<1x16xi32>,
        %parallel_loop3A_1320 = arith.index_cast %parallel_loop3A_1267 : i32 to index
        %parallel_loop3A_1321 = arith.constant 32 : index
        %parallel_loop3A_1322 = tpu.vector_load %arg8[%parallel_loop3A_1320, %parallel_loop3A_1321] {strides = array<i32>} : memref<256x128xi32, #tpu.memory_space<vmem>>, vector<1x16xi32>,
        %parallel_loop3A_1323 = vector.shape_cast %parallel_loop3A_1322 : vector<1x16xi32> to vector<16xi32>
        %parallel_loop3A_1324 = arith.constant 1 : i32
        %parallel_loop3A_1325 = arith.addi %parallel_loop3A_1267, %parallel_loop3A_1324 : i32
        %parallel_loop3A_1326 = arith.index_cast %parallel_loop3A_1325 : i32 to index
        %parallel_loop3A_1327 = arith.constant 32 : index
        %parallel_loop3A_1328 = tpu.vector_load %arg8[%parallel_loop3A_1326, %parallel_loop3A_1327] {strides = array<i32>} : memref<256x128xi32, #tpu.memory_space<vmem>>, vector<1x16xi32>,
        %parallel_loop3A_1329 = vector.shape_cast %parallel_loop3A_1328 : vector<1x16xi32> to vector<16xi32>
        %parallel_loop3A_1330 = arith.shrui %parallel_loop3A_1323, %parallel_loop3A_1259 : vector<16xi32>
        %parallel_loop3A_1331 = arith.shrui %parallel_loop3A_1329, %parallel_loop3A_1263 : vector<16xi32>
        %parallel_loop3A_1332 = arith.constant 65535 : i32
        %parallel_loop3A_1333 = vector.broadcast %parallel_loop3A_1332 : i32 to vector<16xi32>
        %parallel_loop3A_1334 = arith.andi %parallel_loop3A_1330, %parallel_loop3A_1333 : vector<16xi32>
        %parallel_loop3A_1335 = arith.constant 16 : i32
        %parallel_loop3A_1336 = vector.broadcast %parallel_loop3A_1335 : i32 to vector<16xi32>
        %parallel_loop3A_1337 = arith.shli %parallel_loop3A_1331, %parallel_loop3A_1336 : vector<16xi32>
        %parallel_loop3A_1338 = arith.ori %parallel_loop3A_1334, %parallel_loop3A_1337 : vector<16xi32>
        %parallel_loop3A_1339 = arith.constant 0 : i32
        %parallel_loop3A_1340 = arith.addi %parallel_loop3A_1339, %parallel_loop3A_1255 : i32
        %parallel_loop3A_1341 = arith.index_cast %parallel_loop3A_1340 : i32 to index
        %parallel_loop3A_1342 = arith.constant 32 : index
        %parallel_loop3A_1343 = tpu.vector_load %arg9[%parallel_loop3A_1341, %parallel_loop3A_1342] {strides = array<i32>} : memref<128x128xi32, #tpu.memory_space<vmem>>, vector<1x16xi32>,
        %parallel_loop3A_1344 = vector.shape_cast %parallel_loop3A_1343 : vector<1x16xi32> to vector<16xi32>
        %parallel_loop3A_1345 = vector.shape_cast %parallel_loop3A_1338 : vector<16xi32> to vector<1x16xi32>
        tpu.vector_store %arg9[%parallel_loop3A_1341, %parallel_loop3A_1342], %parallel_loop3A_1345 {strides = array<i32>} : memref<128x128xi32, #tpu.memory_space<vmem>>, vector<1x16xi32>,
        %parallel_loop3A_1346 = arith.index_cast %parallel_loop3A_1267 : i32 to index
        %parallel_loop3A_1347 = arith.constant 48 : index
        %parallel_loop3A_1348 = tpu.vector_load %arg8[%parallel_loop3A_1346, %parallel_loop3A_1347] {strides = array<i32>} : memref<256x128xi32, #tpu.memory_space<vmem>>, vector<1x16xi32>,
        %parallel_loop3A_1349 = vector.shape_cast %parallel_loop3A_1348 : vector<1x16xi32> to vector<16xi32>
        %parallel_loop3A_1350 = arith.constant 1 : i32
        %parallel_loop3A_1351 = arith.addi %parallel_loop3A_1267, %parallel_loop3A_1350 : i32
        %parallel_loop3A_1352 = arith.index_cast %parallel_loop3A_1351 : i32 to index
        %parallel_loop3A_1353 = arith.constant 48 : index
        %parallel_loop3A_1354 = tpu.vector_load %arg8[%parallel_loop3A_1352, %parallel_loop3A_1353] {strides = array<i32>} : memref<256x128xi32, #tpu.memory_space<vmem>>, vector<1x16xi32>,
        %parallel_loop3A_1355 = vector.shape_cast %parallel_loop3A_1354 : vector<1x16xi32> to vector<16xi32>
        %parallel_loop3A_1356 = arith.shrui %parallel_loop3A_1349, %parallel_loop3A_1259 : vector<16xi32>
        %parallel_loop3A_1357 = arith.shrui %parallel_loop3A_1355, %parallel_loop3A_1263 : vector<16xi32>
        %parallel_loop3A_1358 = arith.constant 65535 : i32
        %parallel_loop3A_1359 = vector.broadcast %parallel_loop3A_1358 : i32 to vector<16xi32>
        %parallel_loop3A_1360 = arith.andi %parallel_loop3A_1356, %parallel_loop3A_1359 : vector<16xi32>
        %parallel_loop3A_1361 = arith.constant 16 : i32
        %parallel_loop3A_1362 = vector.broadcast %parallel_loop3A_1361 : i32 to vector<16xi32>
        %parallel_loop3A_1363 = arith.shli %parallel_loop3A_1357, %parallel_loop3A_1362 : vector<16xi32>
        %parallel_loop3A_1364 = arith.ori %parallel_loop3A_1360, %parallel_loop3A_1363 : vector<16xi32>
        %parallel_loop3A_1365 = arith.constant 0 : i32
        %parallel_loop3A_1366 = arith.addi %parallel_loop3A_1365, %parallel_loop3A_1255 : i32
        %parallel_loop3A_1367 = arith.index_cast %parallel_loop3A_1366 : i32 to index
        %parallel_loop3A_1368 = arith.constant 48 : index
        %parallel_loop3A_1369 = tpu.vector_load %arg9[%parallel_loop3A_1367, %parallel_loop3A_1368] {strides = array<i32>} : memref<128x128xi32, #tpu.memory_space<vmem>>, vector<1x16xi32>,
        %parallel_loop3A_1370 = vector.shape_cast %parallel_loop3A_1369 : vector<1x16xi32> to vector<16xi32>
        %parallel_loop3A_1371 = vector.shape_cast %parallel_loop3A_1364 : vector<16xi32> to vector<1x16xi32>
        tpu.vector_store %arg9[%parallel_loop3A_1367, %parallel_loop3A_1368], %parallel_loop3A_1371 {strides = array<i32>} : memref<128x128xi32, #tpu.memory_space<vmem>>, vector<1x16xi32>,
        %parallel_loop3A_1372 = arith.index_cast %parallel_loop3A_1267 : i32 to index
        %parallel_loop3A_1373 = arith.constant 64 : index
        %parallel_loop3A_1374 = tpu.vector_load %arg8[%parallel_loop3A_1372, %parallel_loop3A_1373] {strides = array<i32>} : memref<256x128xi32, #tpu.memory_space<vmem>>, vector<1x16xi32>,
        %parallel_loop3A_1375 = vector.shape_cast %parallel_loop3A_1374 : vector<1x16xi32> to vector<16xi32>
        %parallel_loop3A_1376 = arith.constant 1 : i32
        %parallel_loop3A_1377 = arith.addi %parallel_loop3A_1267, %parallel_loop3A_1376 : i32
        %parallel_loop3A_1378 = arith.index_cast %parallel_loop3A_1377 : i32 to index
        %parallel_loop3A_1379 = arith.constant 64 : index
        %parallel_loop3A_1380 = tpu.vector_load %arg8[%parallel_loop3A_1378, %parallel_loop3A_1379] {strides = array<i32>} : memref<256x128xi32, #tpu.memory_space<vmem>>, vector<1x16xi32>,
        %parallel_loop3A_1381 = vector.shape_cast %parallel_loop3A_1380 : vector<1x16xi32> to vector<16xi32>
        %parallel_loop3A_1382 = arith.shrui %parallel_loop3A_1375, %parallel_loop3A_1259 : vector<16xi32>
        %parallel_loop3A_1383 = arith.shrui %parallel_loop3A_1381, %parallel_loop3A_1263 : vector<16xi32>
        %parallel_loop3A_1384 = arith.constant 65535 : i32
        %parallel_loop3A_1385 = vector.broadcast %parallel_loop3A_1384 : i32 to vector<16xi32>
        %parallel_loop3A_1386 = arith.andi %parallel_loop3A_1382, %parallel_loop3A_1385 : vector<16xi32>
        %parallel_loop3A_1387 = arith.constant 16 : i32
        %parallel_loop3A_1388 = vector.broadcast %parallel_loop3A_1387 : i32 to vector<16xi32>
        %parallel_loop3A_1389 = arith.shli %parallel_loop3A_1383, %parallel_loop3A_1388 : vector<16xi32>
        %parallel_loop3A_1390 = arith.ori %parallel_loop3A_1386, %parallel_loop3A_1389 : vector<16xi32>
        %parallel_loop3A_1391 = arith.constant 0 : i32
        %parallel_loop3A_1392 = arith.addi %parallel_loop3A_1391, %parallel_loop3A_1255 : i32
        %parallel_loop3A_1393 = arith.index_cast %parallel_loop3A_1392 : i32 to index
        %parallel_loop3A_1394 = arith.constant 64 : index
        %parallel_loop3A_1395 = tpu.vector_load %arg9[%parallel_loop3A_1393, %parallel_loop3A_1394] {strides = array<i32>} : memref<128x128xi32, #tpu.memory_space<vmem>>, vector<1x16xi32>,
        %parallel_loop3A_1396 = vector.shape_cast %parallel_loop3A_1395 : vector<1x16xi32> to vector<16xi32>
        %parallel_loop3A_1397 = vector.shape_cast %parallel_loop3A_1390 : vector<16xi32> to vector<1x16xi32>
        tpu.vector_store %arg9[%parallel_loop3A_1393, %parallel_loop3A_1394], %parallel_loop3A_1397 {strides = array<i32>} : memref<128x128xi32, #tpu.memory_space<vmem>>, vector<1x16xi32>,
        %parallel_loop3A_1398 = arith.index_cast %parallel_loop3A_1267 : i32 to index
        %parallel_loop3A_1399 = arith.constant 80 : index
        %parallel_loop3A_1400 = tpu.vector_load %arg8[%parallel_loop3A_1398, %parallel_loop3A_1399] {strides = array<i32>} : memref<256x128xi32, #tpu.memory_space<vmem>>, vector<1x16xi32>,
        %parallel_loop3A_1401 = vector.shape_cast %parallel_loop3A_1400 : vector<1x16xi32> to vector<16xi32>
        %parallel_loop3A_1402 = arith.constant 1 : i32
        %parallel_loop3A_1403 = arith.addi %parallel_loop3A_1267, %parallel_loop3A_1402 : i32
        %parallel_loop3A_1404 = arith.index_cast %parallel_loop3A_1403 : i32 to index
        %parallel_loop3A_1405 = arith.constant 80 : index
        %parallel_loop3A_1406 = tpu.vector_load %arg8[%parallel_loop3A_1404, %parallel_loop3A_1405] {strides = array<i32>} : memref<256x128xi32, #tpu.memory_space<vmem>>, vector<1x16xi32>,
        %parallel_loop3A_1407 = vector.shape_cast %parallel_loop3A_1406 : vector<1x16xi32> to vector<16xi32>
        %parallel_loop3A_1408 = arith.shrui %parallel_loop3A_1401, %parallel_loop3A_1259 : vector<16xi32>
        %parallel_loop3A_1409 = arith.shrui %parallel_loop3A_1407, %parallel_loop3A_1263 : vector<16xi32>
        %parallel_loop3A_1410 = arith.constant 65535 : i32
        %parallel_loop3A_1411 = vector.broadcast %parallel_loop3A_1410 : i32 to vector<16xi32>
        %parallel_loop3A_1412 = arith.andi %parallel_loop3A_1408, %parallel_loop3A_1411 : vector<16xi32>
        %parallel_loop3A_1413 = arith.constant 16 : i32
        %parallel_loop3A_1414 = vector.broadcast %parallel_loop3A_1413 : i32 to vector<16xi32>
        %parallel_loop3A_1415 = arith.shli %parallel_loop3A_1409, %parallel_loop3A_1414 : vector<16xi32>
        %parallel_loop3A_1416 = arith.ori %parallel_loop3A_1412, %parallel_loop3A_1415 : vector<16xi32>
        %parallel_loop3A_1417 = arith.constant 0 : i32
        %parallel_loop3A_1418 = arith.addi %parallel_loop3A_1417, %parallel_loop3A_1255 : i32
        %parallel_loop3A_1419 = arith.index_cast %parallel_loop3A_1418 : i32 to index
        %parallel_loop3A_1420 = arith.constant 80 : index
        %parallel_loop3A_1421 = tpu.vector_load %arg9[%parallel_loop3A_1419, %parallel_loop3A_1420] {strides = array<i32>} : memref<128x128xi32, #tpu.memory_space<vmem>>, vector<1x16xi32>,
        %parallel_loop3A_1422 = vector.shape_cast %parallel_loop3A_1421 : vector<1x16xi32> to vector<16xi32>
        %parallel_loop3A_1423 = vector.shape_cast %parallel_loop3A_1416 : vector<16xi32> to vector<1x16xi32>
        tpu.vector_store %arg9[%parallel_loop3A_1419, %parallel_loop3A_1420], %parallel_loop3A_1423 {strides = array<i32>} : memref<128x128xi32, #tpu.memory_space<vmem>>, vector<1x16xi32>,
        %parallel_loop3A_1424 = arith.index_cast %parallel_loop3A_1267 : i32 to index
        %parallel_loop3A_1425 = arith.constant 96 : index
        %parallel_loop3A_1426 = tpu.vector_load %arg8[%parallel_loop3A_1424, %parallel_loop3A_1425] {strides = array<i32>} : memref<256x128xi32, #tpu.memory_space<vmem>>, vector<1x16xi32>,
        %parallel_loop3A_1427 = vector.shape_cast %parallel_loop3A_1426 : vector<1x16xi32> to vector<16xi32>
        %parallel_loop3A_1428 = arith.constant 1 : i32
        %parallel_loop3A_1429 = arith.addi %parallel_loop3A_1267, %parallel_loop3A_1428 : i32
        %parallel_loop3A_1430 = arith.index_cast %parallel_loop3A_1429 : i32 to index
        %parallel_loop3A_1431 = arith.constant 96 : index
        %parallel_loop3A_1432 = tpu.vector_load %arg8[%parallel_loop3A_1430, %parallel_loop3A_1431] {strides = array<i32>} : memref<256x128xi32, #tpu.memory_space<vmem>>, vector<1x16xi32>,
        %parallel_loop3A_1433 = vector.shape_cast %parallel_loop3A_1432 : vector<1x16xi32> to vector<16xi32>
        %parallel_loop3A_1434 = arith.shrui %parallel_loop3A_1427, %parallel_loop3A_1259 : vector<16xi32>
        %parallel_loop3A_1435 = arith.shrui %parallel_loop3A_1433, %parallel_loop3A_1263 : vector<16xi32>
        %parallel_loop3A_1436 = arith.constant 65535 : i32
        %parallel_loop3A_1437 = vector.broadcast %parallel_loop3A_1436 : i32 to vector<16xi32>
        %parallel_loop3A_1438 = arith.andi %parallel_loop3A_1434, %parallel_loop3A_1437 : vector<16xi32>
        %parallel_loop3A_1439 = arith.constant 16 : i32
        %parallel_loop3A_1440 = vector.broadcast %parallel_loop3A_1439 : i32 to vector<16xi32>
        %parallel_loop3A_1441 = arith.shli %parallel_loop3A_1435, %parallel_loop3A_1440 : vector<16xi32>
        %parallel_loop3A_1442 = arith.ori %parallel_loop3A_1438, %parallel_loop3A_1441 : vector<16xi32>
        %parallel_loop3A_1443 = arith.constant 0 : i32
        %parallel_loop3A_1444 = arith.addi %parallel_loop3A_1443, %parallel_loop3A_1255 : i32
        %parallel_loop3A_1445 = arith.index_cast %parallel_loop3A_1444 : i32 to index
        %parallel_loop3A_1446 = arith.constant 96 : index
        %parallel_loop3A_1447 = tpu.vector_load %arg9[%parallel_loop3A_1445, %parallel_loop3A_1446] {strides = array<i32>} : memref<128x128xi32, #tpu.memory_space<vmem>>, vector<1x16xi32>,
        %parallel_loop3A_1448 = vector.shape_cast %parallel_loop3A_1447 : vector<1x16xi32> to vector<16xi32>
        %parallel_loop3A_1449 = vector.shape_cast %parallel_loop3A_1442 : vector<16xi32> to vector<1x16xi32>
        tpu.vector_store %arg9[%parallel_loop3A_1445, %parallel_loop3A_1446], %parallel_loop3A_1449 {strides = array<i32>} : memref<128x128xi32, #tpu.memory_space<vmem>>, vector<1x16xi32>,
        %parallel_loop3A_1450 = arith.index_cast %parallel_loop3A_1267 : i32 to index
        %parallel_loop3A_1451 = arith.constant 112 : index
        %parallel_loop3A_1452 = tpu.vector_load %arg8[%parallel_loop3A_1450, %parallel_loop3A_1451] {strides = array<i32>} : memref<256x128xi32, #tpu.memory_space<vmem>>, vector<1x16xi32>,
        %parallel_loop3A_1453 = vector.shape_cast %parallel_loop3A_1452 : vector<1x16xi32> to vector<16xi32>
        %parallel_loop3A_1454 = arith.constant 1 : i32
        %parallel_loop3A_1455 = arith.addi %parallel_loop3A_1267, %parallel_loop3A_1454 : i32
        %parallel_loop3A_1456 = arith.index_cast %parallel_loop3A_1455 : i32 to index
        %parallel_loop3A_1457 = arith.constant 112 : index
        %parallel_loop3A_1458 = tpu.vector_load %arg8[%parallel_loop3A_1456, %parallel_loop3A_1457] {strides = array<i32>} : memref<256x128xi32, #tpu.memory_space<vmem>>, vector<1x16xi32>,
        %parallel_loop3A_1459 = vector.shape_cast %parallel_loop3A_1458 : vector<1x16xi32> to vector<16xi32>
        %parallel_loop3A_1460 = arith.shrui %parallel_loop3A_1453, %parallel_loop3A_1259 : vector<16xi32>
        %parallel_loop3A_1461 = arith.shrui %parallel_loop3A_1459, %parallel_loop3A_1263 : vector<16xi32>
        %parallel_loop3A_1462 = arith.constant 65535 : i32
        %parallel_loop3A_1463 = vector.broadcast %parallel_loop3A_1462 : i32 to vector<16xi32>
        %parallel_loop3A_1464 = arith.andi %parallel_loop3A_1460, %parallel_loop3A_1463 : vector<16xi32>
        %parallel_loop3A_1465 = arith.constant 16 : i32
        %parallel_loop3A_1466 = vector.broadcast %parallel_loop3A_1465 : i32 to vector<16xi32>
        %parallel_loop3A_1467 = arith.shli %parallel_loop3A_1461, %parallel_loop3A_1466 : vector<16xi32>
        %parallel_loop3A_1468 = arith.ori %parallel_loop3A_1464, %parallel_loop3A_1467 : vector<16xi32>
        %parallel_loop3A_1469 = arith.constant 0 : i32
        %parallel_loop3A_1470 = arith.addi %parallel_loop3A_1469, %parallel_loop3A_1255 : i32
        %parallel_loop3A_1471 = arith.index_cast %parallel_loop3A_1470 : i32 to index
        %parallel_loop3A_1472 = arith.constant 112 : index
        %parallel_loop3A_1473 = tpu.vector_load %arg9[%parallel_loop3A_1471, %parallel_loop3A_1472] {strides = array<i32>} : memref<128x128xi32, #tpu.memory_space<vmem>>, vector<1x16xi32>,
        %parallel_loop3A_1474 = vector.shape_cast %parallel_loop3A_1473 : vector<1x16xi32> to vector<16xi32>
        %parallel_loop3A_1475 = vector.shape_cast %parallel_loop3A_1468 : vector<16xi32> to vector<1x16xi32>
        tpu.vector_store %arg9[%parallel_loop3A_1471, %parallel_loop3A_1472], %parallel_loop3A_1475 {strides = array<i32>} : memref<128x128xi32, #tpu.memory_space<vmem>>, vector<1x16xi32>,
        %parallel_loop3A_1476 = arith.constant 8 : i32
        %parallel_loop3A_1477 = arith.muli %parallel_loop3A_122, %parallel_loop3A_1476 : i32
        %parallel_loop3A_1478 = arith.constant 6 : i32
        %parallel_loop3A_1479 = arith.addi %parallel_loop3A_1477, %parallel_loop3A_1478 : i32
        %parallel_loop3A_1480 = arith.constant 12 : i32
        %parallel_loop3A_1481 = vector.broadcast %parallel_loop3A_1480 : i32 to vector<16x1xi32>
        %parallel_loop3A_1482 = vector.shape_cast %parallel_loop3A_1481 : vector<16x1xi32> to vector<16xi32>
        %parallel_loop3A_1483 = tpu.dynamic_gather %parallel_loop3A_131[%parallel_loop3A_1482] in [0] : vector<16xi32>, vector<16xi32> -> vector<16xi32>
        %parallel_loop3A_1484 = arith.constant 13 : i32
        %parallel_loop3A_1485 = vector.broadcast %parallel_loop3A_1484 : i32 to vector<16x1xi32>
        %parallel_loop3A_1486 = vector.shape_cast %parallel_loop3A_1485 : vector<16x1xi32> to vector<16xi32>
        %parallel_loop3A_1487 = tpu.dynamic_gather %parallel_loop3A_131[%parallel_loop3A_1486] in [0] : vector<16xi32>, vector<16xi32> -> vector<16xi32>
        %parallel_loop3A_1488 = arith.constant 2 : i32
        %parallel_loop3A_1489 = arith.muli %parallel_loop3A_1488, %parallel_loop3A_1479 : i32
        %parallel_loop3A_1490 = arith.constant 0 : i32
        %parallel_loop3A_1491 = arith.addi %parallel_loop3A_1490, %parallel_loop3A_1489 : i32
        %parallel_loop3A_1492 = arith.index_cast %parallel_loop3A_1491 : i32 to index
        %parallel_loop3A_1493 = arith.constant 0 : index
        %parallel_loop3A_1494 = tpu.vector_load %arg8[%parallel_loop3A_1492, %parallel_loop3A_1493] {strides = array<i32>} : memref<256x128xi32, #tpu.memory_space<vmem>>, vector<1x16xi32>,
        %parallel_loop3A_1495 = vector.shape_cast %parallel_loop3A_1494 : vector<1x16xi32> to vector<16xi32>
        %parallel_loop3A_1496 = arith.constant 1 : i32
        %parallel_loop3A_1497 = arith.addi %parallel_loop3A_1491, %parallel_loop3A_1496 : i32
        %parallel_loop3A_1498 = arith.index_cast %parallel_loop3A_1497 : i32 to index
        %parallel_loop3A_1499 = arith.constant 0 : index
        %parallel_loop3A_1500 = tpu.vector_load %arg8[%parallel_loop3A_1498, %parallel_loop3A_1499] {strides = array<i32>} : memref<256x128xi32, #tpu.memory_space<vmem>>, vector<1x16xi32>,
        %parallel_loop3A_1501 = vector.shape_cast %parallel_loop3A_1500 : vector<1x16xi32> to vector<16xi32>
        %parallel_loop3A_1502 = arith.shrui %parallel_loop3A_1495, %parallel_loop3A_1483 : vector<16xi32>
        %parallel_loop3A_1503 = arith.shrui %parallel_loop3A_1501, %parallel_loop3A_1487 : vector<16xi32>
        %parallel_loop3A_1504 = arith.constant 65535 : i32
        %parallel_loop3A_1505 = vector.broadcast %parallel_loop3A_1504 : i32 to vector<16xi32>
        %parallel_loop3A_1506 = arith.andi %parallel_loop3A_1502, %parallel_loop3A_1505 : vector<16xi32>
        %parallel_loop3A_1507 = arith.constant 16 : i32
        %parallel_loop3A_1508 = vector.broadcast %parallel_loop3A_1507 : i32 to vector<16xi32>
        %parallel_loop3A_1509 = arith.shli %parallel_loop3A_1503, %parallel_loop3A_1508 : vector<16xi32>
        %parallel_loop3A_1510 = arith.ori %parallel_loop3A_1506, %parallel_loop3A_1509 : vector<16xi32>
        %parallel_loop3A_1511 = arith.constant 0 : i32
        %parallel_loop3A_1512 = arith.addi %parallel_loop3A_1511, %parallel_loop3A_1479 : i32
        %parallel_loop3A_1513 = arith.index_cast %parallel_loop3A_1512 : i32 to index
        %parallel_loop3A_1514 = arith.constant 0 : index
        %parallel_loop3A_1515 = tpu.vector_load %arg9[%parallel_loop3A_1513, %parallel_loop3A_1514] {strides = array<i32>} : memref<128x128xi32, #tpu.memory_space<vmem>>, vector<1x16xi32>,
        %parallel_loop3A_1516 = vector.shape_cast %parallel_loop3A_1515 : vector<1x16xi32> to vector<16xi32>
        %parallel_loop3A_1517 = vector.shape_cast %parallel_loop3A_1510 : vector<16xi32> to vector<1x16xi32>
        tpu.vector_store %arg9[%parallel_loop3A_1513, %parallel_loop3A_1514], %parallel_loop3A_1517 {strides = array<i32>} : memref<128x128xi32, #tpu.memory_space<vmem>>, vector<1x16xi32>,
        %parallel_loop3A_1518 = arith.index_cast %parallel_loop3A_1491 : i32 to index
        %parallel_loop3A_1519 = arith.constant 16 : index
        %parallel_loop3A_1520 = tpu.vector_load %arg8[%parallel_loop3A_1518, %parallel_loop3A_1519] {strides = array<i32>} : memref<256x128xi32, #tpu.memory_space<vmem>>, vector<1x16xi32>,
        %parallel_loop3A_1521 = vector.shape_cast %parallel_loop3A_1520 : vector<1x16xi32> to vector<16xi32>
        %parallel_loop3A_1522 = arith.constant 1 : i32
        %parallel_loop3A_1523 = arith.addi %parallel_loop3A_1491, %parallel_loop3A_1522 : i32
        %parallel_loop3A_1524 = arith.index_cast %parallel_loop3A_1523 : i32 to index
        %parallel_loop3A_1525 = arith.constant 16 : index
        %parallel_loop3A_1526 = tpu.vector_load %arg8[%parallel_loop3A_1524, %parallel_loop3A_1525] {strides = array<i32>} : memref<256x128xi32, #tpu.memory_space<vmem>>, vector<1x16xi32>,
        %parallel_loop3A_1527 = vector.shape_cast %parallel_loop3A_1526 : vector<1x16xi32> to vector<16xi32>
        %parallel_loop3A_1528 = arith.shrui %parallel_loop3A_1521, %parallel_loop3A_1483 : vector<16xi32>
        %parallel_loop3A_1529 = arith.shrui %parallel_loop3A_1527, %parallel_loop3A_1487 : vector<16xi32>
        %parallel_loop3A_1530 = arith.constant 65535 : i32
        %parallel_loop3A_1531 = vector.broadcast %parallel_loop3A_1530 : i32 to vector<16xi32>
        %parallel_loop3A_1532 = arith.andi %parallel_loop3A_1528, %parallel_loop3A_1531 : vector<16xi32>
        %parallel_loop3A_1533 = arith.constant 16 : i32
        %parallel_loop3A_1534 = vector.broadcast %parallel_loop3A_1533 : i32 to vector<16xi32>
        %parallel_loop3A_1535 = arith.shli %parallel_loop3A_1529, %parallel_loop3A_1534 : vector<16xi32>
        %parallel_loop3A_1536 = arith.ori %parallel_loop3A_1532, %parallel_loop3A_1535 : vector<16xi32>
        %parallel_loop3A_1537 = arith.constant 0 : i32
        %parallel_loop3A_1538 = arith.addi %parallel_loop3A_1537, %parallel_loop3A_1479 : i32
        %parallel_loop3A_1539 = arith.index_cast %parallel_loop3A_1538 : i32 to index
        %parallel_loop3A_1540 = arith.constant 16 : index
        %parallel_loop3A_1541 = tpu.vector_load %arg9[%parallel_loop3A_1539, %parallel_loop3A_1540] {strides = array<i32>} : memref<128x128xi32, #tpu.memory_space<vmem>>, vector<1x16xi32>,
        %parallel_loop3A_1542 = vector.shape_cast %parallel_loop3A_1541 : vector<1x16xi32> to vector<16xi32>
        %parallel_loop3A_1543 = vector.shape_cast %parallel_loop3A_1536 : vector<16xi32> to vector<1x16xi32>
        tpu.vector_store %arg9[%parallel_loop3A_1539, %parallel_loop3A_1540], %parallel_loop3A_1543 {strides = array<i32>} : memref<128x128xi32, #tpu.memory_space<vmem>>, vector<1x16xi32>,
        %parallel_loop3A_1544 = arith.index_cast %parallel_loop3A_1491 : i32 to index
        %parallel_loop3A_1545 = arith.constant 32 : index
        %parallel_loop3A_1546 = tpu.vector_load %arg8[%parallel_loop3A_1544, %parallel_loop3A_1545] {strides = array<i32>} : memref<256x128xi32, #tpu.memory_space<vmem>>, vector<1x16xi32>,
        %parallel_loop3A_1547 = vector.shape_cast %parallel_loop3A_1546 : vector<1x16xi32> to vector<16xi32>
        %parallel_loop3A_1548 = arith.constant 1 : i32
        %parallel_loop3A_1549 = arith.addi %parallel_loop3A_1491, %parallel_loop3A_1548 : i32
        %parallel_loop3A_1550 = arith.index_cast %parallel_loop3A_1549 : i32 to index
        %parallel_loop3A_1551 = arith.constant 32 : index
        %parallel_loop3A_1552 = tpu.vector_load %arg8[%parallel_loop3A_1550, %parallel_loop3A_1551] {strides = array<i32>} : memref<256x128xi32, #tpu.memory_space<vmem>>, vector<1x16xi32>,
        %parallel_loop3A_1553 = vector.shape_cast %parallel_loop3A_1552 : vector<1x16xi32> to vector<16xi32>
        %parallel_loop3A_1554 = arith.shrui %parallel_loop3A_1547, %parallel_loop3A_1483 : vector<16xi32>
        %parallel_loop3A_1555 = arith.shrui %parallel_loop3A_1553, %parallel_loop3A_1487 : vector<16xi32>
        %parallel_loop3A_1556 = arith.constant 65535 : i32
        %parallel_loop3A_1557 = vector.broadcast %parallel_loop3A_1556 : i32 to vector<16xi32>
        %parallel_loop3A_1558 = arith.andi %parallel_loop3A_1554, %parallel_loop3A_1557 : vector<16xi32>
        %parallel_loop3A_1559 = arith.constant 16 : i32
        %parallel_loop3A_1560 = vector.broadcast %parallel_loop3A_1559 : i32 to vector<16xi32>
        %parallel_loop3A_1561 = arith.shli %parallel_loop3A_1555, %parallel_loop3A_1560 : vector<16xi32>
        %parallel_loop3A_1562 = arith.ori %parallel_loop3A_1558, %parallel_loop3A_1561 : vector<16xi32>
        %parallel_loop3A_1563 = arith.constant 0 : i32
        %parallel_loop3A_1564 = arith.addi %parallel_loop3A_1563, %parallel_loop3A_1479 : i32
        %parallel_loop3A_1565 = arith.index_cast %parallel_loop3A_1564 : i32 to index
        %parallel_loop3A_1566 = arith.constant 32 : index
        %parallel_loop3A_1567 = tpu.vector_load %arg9[%parallel_loop3A_1565, %parallel_loop3A_1566] {strides = array<i32>} : memref<128x128xi32, #tpu.memory_space<vmem>>, vector<1x16xi32>,
        %parallel_loop3A_1568 = vector.shape_cast %parallel_loop3A_1567 : vector<1x16xi32> to vector<16xi32>
        %parallel_loop3A_1569 = vector.shape_cast %parallel_loop3A_1562 : vector<16xi32> to vector<1x16xi32>
        tpu.vector_store %arg9[%parallel_loop3A_1565, %parallel_loop3A_1566], %parallel_loop3A_1569 {strides = array<i32>} : memref<128x128xi32, #tpu.memory_space<vmem>>, vector<1x16xi32>,
        %parallel_loop3A_1570 = arith.index_cast %parallel_loop3A_1491 : i32 to index
        %parallel_loop3A_1571 = arith.constant 48 : index
        %parallel_loop3A_1572 = tpu.vector_load %arg8[%parallel_loop3A_1570, %parallel_loop3A_1571] {strides = array<i32>} : memref<256x128xi32, #tpu.memory_space<vmem>>, vector<1x16xi32>,
        %parallel_loop3A_1573 = vector.shape_cast %parallel_loop3A_1572 : vector<1x16xi32> to vector<16xi32>
        %parallel_loop3A_1574 = arith.constant 1 : i32
        %parallel_loop3A_1575 = arith.addi %parallel_loop3A_1491, %parallel_loop3A_1574 : i32
        %parallel_loop3A_1576 = arith.index_cast %parallel_loop3A_1575 : i32 to index
        %parallel_loop3A_1577 = arith.constant 48 : index
        %parallel_loop3A_1578 = tpu.vector_load %arg8[%parallel_loop3A_1576, %parallel_loop3A_1577] {strides = array<i32>} : memref<256x128xi32, #tpu.memory_space<vmem>>, vector<1x16xi32>,
        %parallel_loop3A_1579 = vector.shape_cast %parallel_loop3A_1578 : vector<1x16xi32> to vector<16xi32>
        %parallel_loop3A_1580 = arith.shrui %parallel_loop3A_1573, %parallel_loop3A_1483 : vector<16xi32>
        %parallel_loop3A_1581 = arith.shrui %parallel_loop3A_1579, %parallel_loop3A_1487 : vector<16xi32>
        %parallel_loop3A_1582 = arith.constant 65535 : i32
        %parallel_loop3A_1583 = vector.broadcast %parallel_loop3A_1582 : i32 to vector<16xi32>
        %parallel_loop3A_1584 = arith.andi %parallel_loop3A_1580, %parallel_loop3A_1583 : vector<16xi32>
        %parallel_loop3A_1585 = arith.constant 16 : i32
        %parallel_loop3A_1586 = vector.broadcast %parallel_loop3A_1585 : i32 to vector<16xi32>
        %parallel_loop3A_1587 = arith.shli %parallel_loop3A_1581, %parallel_loop3A_1586 : vector<16xi32>
        %parallel_loop3A_1588 = arith.ori %parallel_loop3A_1584, %parallel_loop3A_1587 : vector<16xi32>
        %parallel_loop3A_1589 = arith.constant 0 : i32
        %parallel_loop3A_1590 = arith.addi %parallel_loop3A_1589, %parallel_loop3A_1479 : i32
        %parallel_loop3A_1591 = arith.index_cast %parallel_loop3A_1590 : i32 to index
        %parallel_loop3A_1592 = arith.constant 48 : index
        %parallel_loop3A_1593 = tpu.vector_load %arg9[%parallel_loop3A_1591, %parallel_loop3A_1592] {strides = array<i32>} : memref<128x128xi32, #tpu.memory_space<vmem>>, vector<1x16xi32>,
        %parallel_loop3A_1594 = vector.shape_cast %parallel_loop3A_1593 : vector<1x16xi32> to vector<16xi32>
        %parallel_loop3A_1595 = vector.shape_cast %parallel_loop3A_1588 : vector<16xi32> to vector<1x16xi32>
        tpu.vector_store %arg9[%parallel_loop3A_1591, %parallel_loop3A_1592], %parallel_loop3A_1595 {strides = array<i32>} : memref<128x128xi32, #tpu.memory_space<vmem>>, vector<1x16xi32>,
        %parallel_loop3A_1596 = arith.index_cast %parallel_loop3A_1491 : i32 to index
        %parallel_loop3A_1597 = arith.constant 64 : index
        %parallel_loop3A_1598 = tpu.vector_load %arg8[%parallel_loop3A_1596, %parallel_loop3A_1597] {strides = array<i32>} : memref<256x128xi32, #tpu.memory_space<vmem>>, vector<1x16xi32>,
        %parallel_loop3A_1599 = vector.shape_cast %parallel_loop3A_1598 : vector<1x16xi32> to vector<16xi32>
        %parallel_loop3A_1600 = arith.constant 1 : i32
        %parallel_loop3A_1601 = arith.addi %parallel_loop3A_1491, %parallel_loop3A_1600 : i32
        %parallel_loop3A_1602 = arith.index_cast %parallel_loop3A_1601 : i32 to index
        %parallel_loop3A_1603 = arith.constant 64 : index
        %parallel_loop3A_1604 = tpu.vector_load %arg8[%parallel_loop3A_1602, %parallel_loop3A_1603] {strides = array<i32>} : memref<256x128xi32, #tpu.memory_space<vmem>>, vector<1x16xi32>,
        %parallel_loop3A_1605 = vector.shape_cast %parallel_loop3A_1604 : vector<1x16xi32> to vector<16xi32>
        %parallel_loop3A_1606 = arith.shrui %parallel_loop3A_1599, %parallel_loop3A_1483 : vector<16xi32>
        %parallel_loop3A_1607 = arith.shrui %parallel_loop3A_1605, %parallel_loop3A_1487 : vector<16xi32>
        %parallel_loop3A_1608 = arith.constant 65535 : i32
        %parallel_loop3A_1609 = vector.broadcast %parallel_loop3A_1608 : i32 to vector<16xi32>
        %parallel_loop3A_1610 = arith.andi %parallel_loop3A_1606, %parallel_loop3A_1609 : vector<16xi32>
        %parallel_loop3A_1611 = arith.constant 16 : i32
        %parallel_loop3A_1612 = vector.broadcast %parallel_loop3A_1611 : i32 to vector<16xi32>
        %parallel_loop3A_1613 = arith.shli %parallel_loop3A_1607, %parallel_loop3A_1612 : vector<16xi32>
        %parallel_loop3A_1614 = arith.ori %parallel_loop3A_1610, %parallel_loop3A_1613 : vector<16xi32>
        %parallel_loop3A_1615 = arith.constant 0 : i32
        %parallel_loop3A_1616 = arith.addi %parallel_loop3A_1615, %parallel_loop3A_1479 : i32
        %parallel_loop3A_1617 = arith.index_cast %parallel_loop3A_1616 : i32 to index
        %parallel_loop3A_1618 = arith.constant 64 : index
        %parallel_loop3A_1619 = tpu.vector_load %arg9[%parallel_loop3A_1617, %parallel_loop3A_1618] {strides = array<i32>} : memref<128x128xi32, #tpu.memory_space<vmem>>, vector<1x16xi32>,
        %parallel_loop3A_1620 = vector.shape_cast %parallel_loop3A_1619 : vector<1x16xi32> to vector<16xi32>
        %parallel_loop3A_1621 = vector.shape_cast %parallel_loop3A_1614 : vector<16xi32> to vector<1x16xi32>
        tpu.vector_store %arg9[%parallel_loop3A_1617, %parallel_loop3A_1618], %parallel_loop3A_1621 {strides = array<i32>} : memref<128x128xi32, #tpu.memory_space<vmem>>, vector<1x16xi32>,
        %parallel_loop3A_1622 = arith.index_cast %parallel_loop3A_1491 : i32 to index
        %parallel_loop3A_1623 = arith.constant 80 : index
        %parallel_loop3A_1624 = tpu.vector_load %arg8[%parallel_loop3A_1622, %parallel_loop3A_1623] {strides = array<i32>} : memref<256x128xi32, #tpu.memory_space<vmem>>, vector<1x16xi32>,
        %parallel_loop3A_1625 = vector.shape_cast %parallel_loop3A_1624 : vector<1x16xi32> to vector<16xi32>
        %parallel_loop3A_1626 = arith.constant 1 : i32
        %parallel_loop3A_1627 = arith.addi %parallel_loop3A_1491, %parallel_loop3A_1626 : i32
        %parallel_loop3A_1628 = arith.index_cast %parallel_loop3A_1627 : i32 to index
        %parallel_loop3A_1629 = arith.constant 80 : index
        %parallel_loop3A_1630 = tpu.vector_load %arg8[%parallel_loop3A_1628, %parallel_loop3A_1629] {strides = array<i32>} : memref<256x128xi32, #tpu.memory_space<vmem>>, vector<1x16xi32>,
        %parallel_loop3A_1631 = vector.shape_cast %parallel_loop3A_1630 : vector<1x16xi32> to vector<16xi32>
        %parallel_loop3A_1632 = arith.shrui %parallel_loop3A_1625, %parallel_loop3A_1483 : vector<16xi32>
        %parallel_loop3A_1633 = arith.shrui %parallel_loop3A_1631, %parallel_loop3A_1487 : vector<16xi32>
        %parallel_loop3A_1634 = arith.constant 65535 : i32
        %parallel_loop3A_1635 = vector.broadcast %parallel_loop3A_1634 : i32 to vector<16xi32>
        %parallel_loop3A_1636 = arith.andi %parallel_loop3A_1632, %parallel_loop3A_1635 : vector<16xi32>
        %parallel_loop3A_1637 = arith.constant 16 : i32
        %parallel_loop3A_1638 = vector.broadcast %parallel_loop3A_1637 : i32 to vector<16xi32>
        %parallel_loop3A_1639 = arith.shli %parallel_loop3A_1633, %parallel_loop3A_1638 : vector<16xi32>
        %parallel_loop3A_1640 = arith.ori %parallel_loop3A_1636, %parallel_loop3A_1639 : vector<16xi32>
        %parallel_loop3A_1641 = arith.constant 0 : i32
        %parallel_loop3A_1642 = arith.addi %parallel_loop3A_1641, %parallel_loop3A_1479 : i32
        %parallel_loop3A_1643 = arith.index_cast %parallel_loop3A_1642 : i32 to index
        %parallel_loop3A_1644 = arith.constant 80 : index
        %parallel_loop3A_1645 = tpu.vector_load %arg9[%parallel_loop3A_1643, %parallel_loop3A_1644] {strides = array<i32>} : memref<128x128xi32, #tpu.memory_space<vmem>>, vector<1x16xi32>,
        %parallel_loop3A_1646 = vector.shape_cast %parallel_loop3A_1645 : vector<1x16xi32> to vector<16xi32>
        %parallel_loop3A_1647 = vector.shape_cast %parallel_loop3A_1640 : vector<16xi32> to vector<1x16xi32>
        tpu.vector_store %arg9[%parallel_loop3A_1643, %parallel_loop3A_1644], %parallel_loop3A_1647 {strides = array<i32>} : memref<128x128xi32, #tpu.memory_space<vmem>>, vector<1x16xi32>,
        %parallel_loop3A_1648 = arith.index_cast %parallel_loop3A_1491 : i32 to index
        %parallel_loop3A_1649 = arith.constant 96 : index
        %parallel_loop3A_1650 = tpu.vector_load %arg8[%parallel_loop3A_1648, %parallel_loop3A_1649] {strides = array<i32>} : memref<256x128xi32, #tpu.memory_space<vmem>>, vector<1x16xi32>,
        %parallel_loop3A_1651 = vector.shape_cast %parallel_loop3A_1650 : vector<1x16xi32> to vector<16xi32>
        %parallel_loop3A_1652 = arith.constant 1 : i32
        %parallel_loop3A_1653 = arith.addi %parallel_loop3A_1491, %parallel_loop3A_1652 : i32
        %parallel_loop3A_1654 = arith.index_cast %parallel_loop3A_1653 : i32 to index
        %parallel_loop3A_1655 = arith.constant 96 : index
        %parallel_loop3A_1656 = tpu.vector_load %arg8[%parallel_loop3A_1654, %parallel_loop3A_1655] {strides = array<i32>} : memref<256x128xi32, #tpu.memory_space<vmem>>, vector<1x16xi32>,
        %parallel_loop3A_1657 = vector.shape_cast %parallel_loop3A_1656 : vector<1x16xi32> to vector<16xi32>
        %parallel_loop3A_1658 = arith.shrui %parallel_loop3A_1651, %parallel_loop3A_1483 : vector<16xi32>
        %parallel_loop3A_1659 = arith.shrui %parallel_loop3A_1657, %parallel_loop3A_1487 : vector<16xi32>
        %parallel_loop3A_1660 = arith.constant 65535 : i32
        %parallel_loop3A_1661 = vector.broadcast %parallel_loop3A_1660 : i32 to vector<16xi32>
        %parallel_loop3A_1662 = arith.andi %parallel_loop3A_1658, %parallel_loop3A_1661 : vector<16xi32>
        %parallel_loop3A_1663 = arith.constant 16 : i32
        %parallel_loop3A_1664 = vector.broadcast %parallel_loop3A_1663 : i32 to vector<16xi32>
        %parallel_loop3A_1665 = arith.shli %parallel_loop3A_1659, %parallel_loop3A_1664 : vector<16xi32>
        %parallel_loop3A_1666 = arith.ori %parallel_loop3A_1662, %parallel_loop3A_1665 : vector<16xi32>
        %parallel_loop3A_1667 = arith.constant 0 : i32
        %parallel_loop3A_1668 = arith.addi %parallel_loop3A_1667, %parallel_loop3A_1479 : i32
        %parallel_loop3A_1669 = arith.index_cast %parallel_loop3A_1668 : i32 to index
        %parallel_loop3A_1670 = arith.constant 96 : index
        %parallel_loop3A_1671 = tpu.vector_load %arg9[%parallel_loop3A_1669, %parallel_loop3A_1670] {strides = array<i32>} : memref<128x128xi32, #tpu.memory_space<vmem>>, vector<1x16xi32>,
        %parallel_loop3A_1672 = vector.shape_cast %parallel_loop3A_1671 : vector<1x16xi32> to vector<16xi32>
        %parallel_loop3A_1673 = vector.shape_cast %parallel_loop3A_1666 : vector<16xi32> to vector<1x16xi32>
        tpu.vector_store %arg9[%parallel_loop3A_1669, %parallel_loop3A_1670], %parallel_loop3A_1673 {strides = array<i32>} : memref<128x128xi32, #tpu.memory_space<vmem>>, vector<1x16xi32>,
        %parallel_loop3A_1674 = arith.index_cast %parallel_loop3A_1491 : i32 to index
        %parallel_loop3A_1675 = arith.constant 112 : index
        %parallel_loop3A_1676 = tpu.vector_load %arg8[%parallel_loop3A_1674, %parallel_loop3A_1675] {strides = array<i32>} : memref<256x128xi32, #tpu.memory_space<vmem>>, vector<1x16xi32>,
        %parallel_loop3A_1677 = vector.shape_cast %parallel_loop3A_1676 : vector<1x16xi32> to vector<16xi32>
        %parallel_loop3A_1678 = arith.constant 1 : i32
        %parallel_loop3A_1679 = arith.addi %parallel_loop3A_1491, %parallel_loop3A_1678 : i32
        %parallel_loop3A_1680 = arith.index_cast %parallel_loop3A_1679 : i32 to index
        %parallel_loop3A_1681 = arith.constant 112 : index
        %parallel_loop3A_1682 = tpu.vector_load %arg8[%parallel_loop3A_1680, %parallel_loop3A_1681] {strides = array<i32>} : memref<256x128xi32, #tpu.memory_space<vmem>>, vector<1x16xi32>,
        %parallel_loop3A_1683 = vector.shape_cast %parallel_loop3A_1682 : vector<1x16xi32> to vector<16xi32>
        %parallel_loop3A_1684 = arith.shrui %parallel_loop3A_1677, %parallel_loop3A_1483 : vector<16xi32>
        %parallel_loop3A_1685 = arith.shrui %parallel_loop3A_1683, %parallel_loop3A_1487 : vector<16xi32>
        %parallel_loop3A_1686 = arith.constant 65535 : i32
        %parallel_loop3A_1687 = vector.broadcast %parallel_loop3A_1686 : i32 to vector<16xi32>
        %parallel_loop3A_1688 = arith.andi %parallel_loop3A_1684, %parallel_loop3A_1687 : vector<16xi32>
        %parallel_loop3A_1689 = arith.constant 16 : i32
        %parallel_loop3A_1690 = vector.broadcast %parallel_loop3A_1689 : i32 to vector<16xi32>
        %parallel_loop3A_1691 = arith.shli %parallel_loop3A_1685, %parallel_loop3A_1690 : vector<16xi32>
        %parallel_loop3A_1692 = arith.ori %parallel_loop3A_1688, %parallel_loop3A_1691 : vector<16xi32>
        %parallel_loop3A_1693 = arith.constant 0 : i32
        %parallel_loop3A_1694 = arith.addi %parallel_loop3A_1693, %parallel_loop3A_1479 : i32
        %parallel_loop3A_1695 = arith.index_cast %parallel_loop3A_1694 : i32 to index
        %parallel_loop3A_1696 = arith.constant 112 : index
        %parallel_loop3A_1697 = tpu.vector_load %arg9[%parallel_loop3A_1695, %parallel_loop3A_1696] {strides = array<i32>} : memref<128x128xi32, #tpu.memory_space<vmem>>, vector<1x16xi32>,
        %parallel_loop3A_1698 = vector.shape_cast %parallel_loop3A_1697 : vector<1x16xi32> to vector<16xi32>
        %parallel_loop3A_1699 = vector.shape_cast %parallel_loop3A_1692 : vector<16xi32> to vector<1x16xi32>
        tpu.vector_store %arg9[%parallel_loop3A_1695, %parallel_loop3A_1696], %parallel_loop3A_1699 {strides = array<i32>} : memref<128x128xi32, #tpu.memory_space<vmem>>, vector<1x16xi32>,
        %parallel_loop3A_1700 = arith.constant 8 : i32
        %parallel_loop3A_1701 = arith.muli %parallel_loop3A_122, %parallel_loop3A_1700 : i32
        %parallel_loop3A_1702 = arith.constant 7 : i32
        %parallel_loop3A_1703 = arith.addi %parallel_loop3A_1701, %parallel_loop3A_1702 : i32
        %parallel_loop3A_1704 = arith.constant 14 : i32
        %parallel_loop3A_1705 = vector.broadcast %parallel_loop3A_1704 : i32 to vector<16x1xi32>
        %parallel_loop3A_1706 = vector.shape_cast %parallel_loop3A_1705 : vector<16x1xi32> to vector<16xi32>
        %parallel_loop3A_1707 = tpu.dynamic_gather %parallel_loop3A_131[%parallel_loop3A_1706] in [0] : vector<16xi32>, vector<16xi32> -> vector<16xi32>
        %parallel_loop3A_1708 = arith.constant 15 : i32
        %parallel_loop3A_1709 = vector.broadcast %parallel_loop3A_1708 : i32 to vector<16x1xi32>
        %parallel_loop3A_1710 = vector.shape_cast %parallel_loop3A_1709 : vector<16x1xi32> to vector<16xi32>
        %parallel_loop3A_1711 = tpu.dynamic_gather %parallel_loop3A_131[%parallel_loop3A_1710] in [0] : vector<16xi32>, vector<16xi32> -> vector<16xi32>
        %parallel_loop3A_1712 = arith.constant 2 : i32
        %parallel_loop3A_1713 = arith.muli %parallel_loop3A_1712, %parallel_loop3A_1703 : i32
        %parallel_loop3A_1714 = arith.constant 0 : i32
        %parallel_loop3A_1715 = arith.addi %parallel_loop3A_1714, %parallel_loop3A_1713 : i32
        %parallel_loop3A_1716 = arith.index_cast %parallel_loop3A_1715 : i32 to index
        %parallel_loop3A_1717 = arith.constant 0 : index
        %parallel_loop3A_1718 = tpu.vector_load %arg8[%parallel_loop3A_1716, %parallel_loop3A_1717] {strides = array<i32>} : memref<256x128xi32, #tpu.memory_space<vmem>>, vector<1x16xi32>,
        %parallel_loop3A_1719 = vector.shape_cast %parallel_loop3A_1718 : vector<1x16xi32> to vector<16xi32>
        %parallel_loop3A_1720 = arith.constant 1 : i32
        %parallel_loop3A_1721 = arith.addi %parallel_loop3A_1715, %parallel_loop3A_1720 : i32
        %parallel_loop3A_1722 = arith.index_cast %parallel_loop3A_1721 : i32 to index
        %parallel_loop3A_1723 = arith.constant 0 : index
        %parallel_loop3A_1724 = tpu.vector_load %arg8[%parallel_loop3A_1722, %parallel_loop3A_1723] {strides = array<i32>} : memref<256x128xi32, #tpu.memory_space<vmem>>, vector<1x16xi32>,
        %parallel_loop3A_1725 = vector.shape_cast %parallel_loop3A_1724 : vector<1x16xi32> to vector<16xi32>
        %parallel_loop3A_1726 = arith.shrui %parallel_loop3A_1719, %parallel_loop3A_1707 : vector<16xi32>
        %parallel_loop3A_1727 = arith.shrui %parallel_loop3A_1725, %parallel_loop3A_1711 : vector<16xi32>
        %parallel_loop3A_1728 = arith.constant 65535 : i32
        %parallel_loop3A_1729 = vector.broadcast %parallel_loop3A_1728 : i32 to vector<16xi32>
        %parallel_loop3A_1730 = arith.andi %parallel_loop3A_1726, %parallel_loop3A_1729 : vector<16xi32>
        %parallel_loop3A_1731 = arith.constant 16 : i32
        %parallel_loop3A_1732 = vector.broadcast %parallel_loop3A_1731 : i32 to vector<16xi32>
        %parallel_loop3A_1733 = arith.shli %parallel_loop3A_1727, %parallel_loop3A_1732 : vector<16xi32>
        %parallel_loop3A_1734 = arith.ori %parallel_loop3A_1730, %parallel_loop3A_1733 : vector<16xi32>
        %parallel_loop3A_1735 = arith.constant 0 : i32
        %parallel_loop3A_1736 = arith.addi %parallel_loop3A_1735, %parallel_loop3A_1703 : i32
        %parallel_loop3A_1737 = arith.index_cast %parallel_loop3A_1736 : i32 to index
        %parallel_loop3A_1738 = arith.constant 0 : index
        %parallel_loop3A_1739 = tpu.vector_load %arg9[%parallel_loop3A_1737, %parallel_loop3A_1738] {strides = array<i32>} : memref<128x128xi32, #tpu.memory_space<vmem>>, vector<1x16xi32>,
        %parallel_loop3A_1740 = vector.shape_cast %parallel_loop3A_1739 : vector<1x16xi32> to vector<16xi32>
        %parallel_loop3A_1741 = vector.shape_cast %parallel_loop3A_1734 : vector<16xi32> to vector<1x16xi32>
        tpu.vector_store %arg9[%parallel_loop3A_1737, %parallel_loop3A_1738], %parallel_loop3A_1741 {strides = array<i32>} : memref<128x128xi32, #tpu.memory_space<vmem>>, vector<1x16xi32>,
        %parallel_loop3A_1742 = arith.index_cast %parallel_loop3A_1715 : i32 to index
        %parallel_loop3A_1743 = arith.constant 16 : index
        %parallel_loop3A_1744 = tpu.vector_load %arg8[%parallel_loop3A_1742, %parallel_loop3A_1743] {strides = array<i32>} : memref<256x128xi32, #tpu.memory_space<vmem>>, vector<1x16xi32>,
        %parallel_loop3A_1745 = vector.shape_cast %parallel_loop3A_1744 : vector<1x16xi32> to vector<16xi32>
        %parallel_loop3A_1746 = arith.constant 1 : i32
        %parallel_loop3A_1747 = arith.addi %parallel_loop3A_1715, %parallel_loop3A_1746 : i32
        %parallel_loop3A_1748 = arith.index_cast %parallel_loop3A_1747 : i32 to index
        %parallel_loop3A_1749 = arith.constant 16 : index
        %parallel_loop3A_1750 = tpu.vector_load %arg8[%parallel_loop3A_1748, %parallel_loop3A_1749] {strides = array<i32>} : memref<256x128xi32, #tpu.memory_space<vmem>>, vector<1x16xi32>,
        %parallel_loop3A_1751 = vector.shape_cast %parallel_loop3A_1750 : vector<1x16xi32> to vector<16xi32>
        %parallel_loop3A_1752 = arith.shrui %parallel_loop3A_1745, %parallel_loop3A_1707 : vector<16xi32>
        %parallel_loop3A_1753 = arith.shrui %parallel_loop3A_1751, %parallel_loop3A_1711 : vector<16xi32>
        %parallel_loop3A_1754 = arith.constant 65535 : i32
        %parallel_loop3A_1755 = vector.broadcast %parallel_loop3A_1754 : i32 to vector<16xi32>
        %parallel_loop3A_1756 = arith.andi %parallel_loop3A_1752, %parallel_loop3A_1755 : vector<16xi32>
        %parallel_loop3A_1757 = arith.constant 16 : i32
        %parallel_loop3A_1758 = vector.broadcast %parallel_loop3A_1757 : i32 to vector<16xi32>
        %parallel_loop3A_1759 = arith.shli %parallel_loop3A_1753, %parallel_loop3A_1758 : vector<16xi32>
        %parallel_loop3A_1760 = arith.ori %parallel_loop3A_1756, %parallel_loop3A_1759 : vector<16xi32>
        %parallel_loop3A_1761 = arith.constant 0 : i32
        %parallel_loop3A_1762 = arith.addi %parallel_loop3A_1761, %parallel_loop3A_1703 : i32
        %parallel_loop3A_1763 = arith.index_cast %parallel_loop3A_1762 : i32 to index
        %parallel_loop3A_1764 = arith.constant 16 : index
        %parallel_loop3A_1765 = tpu.vector_load %arg9[%parallel_loop3A_1763, %parallel_loop3A_1764] {strides = array<i32>} : memref<128x128xi32, #tpu.memory_space<vmem>>, vector<1x16xi32>,
        %parallel_loop3A_1766 = vector.shape_cast %parallel_loop3A_1765 : vector<1x16xi32> to vector<16xi32>
        %parallel_loop3A_1767 = vector.shape_cast %parallel_loop3A_1760 : vector<16xi32> to vector<1x16xi32>
        tpu.vector_store %arg9[%parallel_loop3A_1763, %parallel_loop3A_1764], %parallel_loop3A_1767 {strides = array<i32>} : memref<128x128xi32, #tpu.memory_space<vmem>>, vector<1x16xi32>,
        %parallel_loop3A_1768 = arith.index_cast %parallel_loop3A_1715 : i32 to index
        %parallel_loop3A_1769 = arith.constant 32 : index
        %parallel_loop3A_1770 = tpu.vector_load %arg8[%parallel_loop3A_1768, %parallel_loop3A_1769] {strides = array<i32>} : memref<256x128xi32, #tpu.memory_space<vmem>>, vector<1x16xi32>,
        %parallel_loop3A_1771 = vector.shape_cast %parallel_loop3A_1770 : vector<1x16xi32> to vector<16xi32>
        %parallel_loop3A_1772 = arith.constant 1 : i32
        %parallel_loop3A_1773 = arith.addi %parallel_loop3A_1715, %parallel_loop3A_1772 : i32
        %parallel_loop3A_1774 = arith.index_cast %parallel_loop3A_1773 : i32 to index
        %parallel_loop3A_1775 = arith.constant 32 : index
        %parallel_loop3A_1776 = tpu.vector_load %arg8[%parallel_loop3A_1774, %parallel_loop3A_1775] {strides = array<i32>} : memref<256x128xi32, #tpu.memory_space<vmem>>, vector<1x16xi32>,
        %parallel_loop3A_1777 = vector.shape_cast %parallel_loop3A_1776 : vector<1x16xi32> to vector<16xi32>
        %parallel_loop3A_1778 = arith.shrui %parallel_loop3A_1771, %parallel_loop3A_1707 : vector<16xi32>
        %parallel_loop3A_1779 = arith.shrui %parallel_loop3A_1777, %parallel_loop3A_1711 : vector<16xi32>
        %parallel_loop3A_1780 = arith.constant 65535 : i32
        %parallel_loop3A_1781 = vector.broadcast %parallel_loop3A_1780 : i32 to vector<16xi32>
        %parallel_loop3A_1782 = arith.andi %parallel_loop3A_1778, %parallel_loop3A_1781 : vector<16xi32>
        %parallel_loop3A_1783 = arith.constant 16 : i32
        %parallel_loop3A_1784 = vector.broadcast %parallel_loop3A_1783 : i32 to vector<16xi32>
        %parallel_loop3A_1785 = arith.shli %parallel_loop3A_1779, %parallel_loop3A_1784 : vector<16xi32>
        %parallel_loop3A_1786 = arith.ori %parallel_loop3A_1782, %parallel_loop3A_1785 : vector<16xi32>
        %parallel_loop3A_1787 = arith.constant 0 : i32
        %parallel_loop3A_1788 = arith.addi %parallel_loop3A_1787, %parallel_loop3A_1703 : i32
        %parallel_loop3A_1789 = arith.index_cast %parallel_loop3A_1788 : i32 to index
        %parallel_loop3A_1790 = arith.constant 32 : index
        %parallel_loop3A_1791 = tpu.vector_load %arg9[%parallel_loop3A_1789, %parallel_loop3A_1790] {strides = array<i32>} : memref<128x128xi32, #tpu.memory_space<vmem>>, vector<1x16xi32>,
        %parallel_loop3A_1792 = vector.shape_cast %parallel_loop3A_1791 : vector<1x16xi32> to vector<16xi32>
        %parallel_loop3A_1793 = vector.shape_cast %parallel_loop3A_1786 : vector<16xi32> to vector<1x16xi32>
        tpu.vector_store %arg9[%parallel_loop3A_1789, %parallel_loop3A_1790], %parallel_loop3A_1793 {strides = array<i32>} : memref<128x128xi32, #tpu.memory_space<vmem>>, vector<1x16xi32>,
        %parallel_loop3A_1794 = arith.index_cast %parallel_loop3A_1715 : i32 to index
        %parallel_loop3A_1795 = arith.constant 48 : index
        %parallel_loop3A_1796 = tpu.vector_load %arg8[%parallel_loop3A_1794, %parallel_loop3A_1795] {strides = array<i32>} : memref<256x128xi32, #tpu.memory_space<vmem>>, vector<1x16xi32>,
        %parallel_loop3A_1797 = vector.shape_cast %parallel_loop3A_1796 : vector<1x16xi32> to vector<16xi32>
        %parallel_loop3A_1798 = arith.constant 1 : i32
        %parallel_loop3A_1799 = arith.addi %parallel_loop3A_1715, %parallel_loop3A_1798 : i32
        %parallel_loop3A_1800 = arith.index_cast %parallel_loop3A_1799 : i32 to index
        %parallel_loop3A_1801 = arith.constant 48 : index
        %parallel_loop3A_1802 = tpu.vector_load %arg8[%parallel_loop3A_1800, %parallel_loop3A_1801] {strides = array<i32>} : memref<256x128xi32, #tpu.memory_space<vmem>>, vector<1x16xi32>,
        %parallel_loop3A_1803 = vector.shape_cast %parallel_loop3A_1802 : vector<1x16xi32> to vector<16xi32>
        %parallel_loop3A_1804 = arith.shrui %parallel_loop3A_1797, %parallel_loop3A_1707 : vector<16xi32>
        %parallel_loop3A_1805 = arith.shrui %parallel_loop3A_1803, %parallel_loop3A_1711 : vector<16xi32>
        %parallel_loop3A_1806 = arith.constant 65535 : i32
        %parallel_loop3A_1807 = vector.broadcast %parallel_loop3A_1806 : i32 to vector<16xi32>
        %parallel_loop3A_1808 = arith.andi %parallel_loop3A_1804, %parallel_loop3A_1807 : vector<16xi32>
        %parallel_loop3A_1809 = arith.constant 16 : i32
        %parallel_loop3A_1810 = vector.broadcast %parallel_loop3A_1809 : i32 to vector<16xi32>
        %parallel_loop3A_1811 = arith.shli %parallel_loop3A_1805, %parallel_loop3A_1810 : vector<16xi32>
        %parallel_loop3A_1812 = arith.ori %parallel_loop3A_1808, %parallel_loop3A_1811 : vector<16xi32>
        %parallel_loop3A_1813 = arith.constant 0 : i32
        %parallel_loop3A_1814 = arith.addi %parallel_loop3A_1813, %parallel_loop3A_1703 : i32
        %parallel_loop3A_1815 = arith.index_cast %parallel_loop3A_1814 : i32 to index
        %parallel_loop3A_1816 = arith.constant 48 : index
        %parallel_loop3A_1817 = tpu.vector_load %arg9[%parallel_loop3A_1815, %parallel_loop3A_1816] {strides = array<i32>} : memref<128x128xi32, #tpu.memory_space<vmem>>, vector<1x16xi32>,
        %parallel_loop3A_1818 = vector.shape_cast %parallel_loop3A_1817 : vector<1x16xi32> to vector<16xi32>
        %parallel_loop3A_1819 = vector.shape_cast %parallel_loop3A_1812 : vector<16xi32> to vector<1x16xi32>
        tpu.vector_store %arg9[%parallel_loop3A_1815, %parallel_loop3A_1816], %parallel_loop3A_1819 {strides = array<i32>} : memref<128x128xi32, #tpu.memory_space<vmem>>, vector<1x16xi32>,
        %parallel_loop3A_1820 = arith.index_cast %parallel_loop3A_1715 : i32 to index
        %parallel_loop3A_1821 = arith.constant 64 : index
        %parallel_loop3A_1822 = tpu.vector_load %arg8[%parallel_loop3A_1820, %parallel_loop3A_1821] {strides = array<i32>} : memref<256x128xi32, #tpu.memory_space<vmem>>, vector<1x16xi32>,
        %parallel_loop3A_1823 = vector.shape_cast %parallel_loop3A_1822 : vector<1x16xi32> to vector<16xi32>
        %parallel_loop3A_1824 = arith.constant 1 : i32
        %parallel_loop3A_1825 = arith.addi %parallel_loop3A_1715, %parallel_loop3A_1824 : i32
        %parallel_loop3A_1826 = arith.index_cast %parallel_loop3A_1825 : i32 to index
        %parallel_loop3A_1827 = arith.constant 64 : index
        %parallel_loop3A_1828 = tpu.vector_load %arg8[%parallel_loop3A_1826, %parallel_loop3A_1827] {strides = array<i32>} : memref<256x128xi32, #tpu.memory_space<vmem>>, vector<1x16xi32>,
        %parallel_loop3A_1829 = vector.shape_cast %parallel_loop3A_1828 : vector<1x16xi32> to vector<16xi32>
        %parallel_loop3A_1830 = arith.shrui %parallel_loop3A_1823, %parallel_loop3A_1707 : vector<16xi32>
        %parallel_loop3A_1831 = arith.shrui %parallel_loop3A_1829, %parallel_loop3A_1711 : vector<16xi32>
        %parallel_loop3A_1832 = arith.constant 65535 : i32
        %parallel_loop3A_1833 = vector.broadcast %parallel_loop3A_1832 : i32 to vector<16xi32>
        %parallel_loop3A_1834 = arith.andi %parallel_loop3A_1830, %parallel_loop3A_1833 : vector<16xi32>
        %parallel_loop3A_1835 = arith.constant 16 : i32
        %parallel_loop3A_1836 = vector.broadcast %parallel_loop3A_1835 : i32 to vector<16xi32>
        %parallel_loop3A_1837 = arith.shli %parallel_loop3A_1831, %parallel_loop3A_1836 : vector<16xi32>
        %parallel_loop3A_1838 = arith.ori %parallel_loop3A_1834, %parallel_loop3A_1837 : vector<16xi32>
        %parallel_loop3A_1839 = arith.constant 0 : i32
        %parallel_loop3A_1840 = arith.addi %parallel_loop3A_1839, %parallel_loop3A_1703 : i32
        %parallel_loop3A_1841 = arith.index_cast %parallel_loop3A_1840 : i32 to index
        %parallel_loop3A_1842 = arith.constant 64 : index
        %parallel_loop3A_1843 = tpu.vector_load %arg9[%parallel_loop3A_1841, %parallel_loop3A_1842] {strides = array<i32>} : memref<128x128xi32, #tpu.memory_space<vmem>>, vector<1x16xi32>,
        %parallel_loop3A_1844 = vector.shape_cast %parallel_loop3A_1843 : vector<1x16xi32> to vector<16xi32>
        %parallel_loop3A_1845 = vector.shape_cast %parallel_loop3A_1838 : vector<16xi32> to vector<1x16xi32>
        tpu.vector_store %arg9[%parallel_loop3A_1841, %parallel_loop3A_1842], %parallel_loop3A_1845 {strides = array<i32>} : memref<128x128xi32, #tpu.memory_space<vmem>>, vector<1x16xi32>,
        %parallel_loop3A_1846 = arith.index_cast %parallel_loop3A_1715 : i32 to index
        %parallel_loop3A_1847 = arith.constant 80 : index
        %parallel_loop3A_1848 = tpu.vector_load %arg8[%parallel_loop3A_1846, %parallel_loop3A_1847] {strides = array<i32>} : memref<256x128xi32, #tpu.memory_space<vmem>>, vector<1x16xi32>,
        %parallel_loop3A_1849 = vector.shape_cast %parallel_loop3A_1848 : vector<1x16xi32> to vector<16xi32>
        %parallel_loop3A_1850 = arith.constant 1 : i32
        %parallel_loop3A_1851 = arith.addi %parallel_loop3A_1715, %parallel_loop3A_1850 : i32
        %parallel_loop3A_1852 = arith.index_cast %parallel_loop3A_1851 : i32 to index
        %parallel_loop3A_1853 = arith.constant 80 : index
        %parallel_loop3A_1854 = tpu.vector_load %arg8[%parallel_loop3A_1852, %parallel_loop3A_1853] {strides = array<i32>} : memref<256x128xi32, #tpu.memory_space<vmem>>, vector<1x16xi32>,
        %parallel_loop3A_1855 = vector.shape_cast %parallel_loop3A_1854 : vector<1x16xi32> to vector<16xi32>
        %parallel_loop3A_1856 = arith.shrui %parallel_loop3A_1849, %parallel_loop3A_1707 : vector<16xi32>
        %parallel_loop3A_1857 = arith.shrui %parallel_loop3A_1855, %parallel_loop3A_1711 : vector<16xi32>
        %parallel_loop3A_1858 = arith.constant 65535 : i32
        %parallel_loop3A_1859 = vector.broadcast %parallel_loop3A_1858 : i32 to vector<16xi32>
        %parallel_loop3A_1860 = arith.andi %parallel_loop3A_1856, %parallel_loop3A_1859 : vector<16xi32>
        %parallel_loop3A_1861 = arith.constant 16 : i32
        %parallel_loop3A_1862 = vector.broadcast %parallel_loop3A_1861 : i32 to vector<16xi32>
        %parallel_loop3A_1863 = arith.shli %parallel_loop3A_1857, %parallel_loop3A_1862 : vector<16xi32>
        %parallel_loop3A_1864 = arith.ori %parallel_loop3A_1860, %parallel_loop3A_1863 : vector<16xi32>
        %parallel_loop3A_1865 = arith.constant 0 : i32
        %parallel_loop3A_1866 = arith.addi %parallel_loop3A_1865, %parallel_loop3A_1703 : i32
        %parallel_loop3A_1867 = arith.index_cast %parallel_loop3A_1866 : i32 to index
        %parallel_loop3A_1868 = arith.constant 80 : index
        %parallel_loop3A_1869 = tpu.vector_load %arg9[%parallel_loop3A_1867, %parallel_loop3A_1868] {strides = array<i32>} : memref<128x128xi32, #tpu.memory_space<vmem>>, vector<1x16xi32>,
        %parallel_loop3A_1870 = vector.shape_cast %parallel_loop3A_1869 : vector<1x16xi32> to vector<16xi32>
        %parallel_loop3A_1871 = vector.shape_cast %parallel_loop3A_1864 : vector<16xi32> to vector<1x16xi32>
        tpu.vector_store %arg9[%parallel_loop3A_1867, %parallel_loop3A_1868], %parallel_loop3A_1871 {strides = array<i32>} : memref<128x128xi32, #tpu.memory_space<vmem>>, vector<1x16xi32>,
        %parallel_loop3A_1872 = arith.index_cast %parallel_loop3A_1715 : i32 to index
        %parallel_loop3A_1873 = arith.constant 96 : index
        %parallel_loop3A_1874 = tpu.vector_load %arg8[%parallel_loop3A_1872, %parallel_loop3A_1873] {strides = array<i32>} : memref<256x128xi32, #tpu.memory_space<vmem>>, vector<1x16xi32>,
        %parallel_loop3A_1875 = vector.shape_cast %parallel_loop3A_1874 : vector<1x16xi32> to vector<16xi32>
        %parallel_loop3A_1876 = arith.constant 1 : i32
        %parallel_loop3A_1877 = arith.addi %parallel_loop3A_1715, %parallel_loop3A_1876 : i32
        %parallel_loop3A_1878 = arith.index_cast %parallel_loop3A_1877 : i32 to index
        %parallel_loop3A_1879 = arith.constant 96 : index
        %parallel_loop3A_1880 = tpu.vector_load %arg8[%parallel_loop3A_1878, %parallel_loop3A_1879] {strides = array<i32>} : memref<256x128xi32, #tpu.memory_space<vmem>>, vector<1x16xi32>,
        %parallel_loop3A_1881 = vector.shape_cast %parallel_loop3A_1880 : vector<1x16xi32> to vector<16xi32>
        %parallel_loop3A_1882 = arith.shrui %parallel_loop3A_1875, %parallel_loop3A_1707 : vector<16xi32>
        %parallel_loop3A_1883 = arith.shrui %parallel_loop3A_1881, %parallel_loop3A_1711 : vector<16xi32>
        %parallel_loop3A_1884 = arith.constant 65535 : i32
        %parallel_loop3A_1885 = vector.broadcast %parallel_loop3A_1884 : i32 to vector<16xi32>
        %parallel_loop3A_1886 = arith.andi %parallel_loop3A_1882, %parallel_loop3A_1885 : vector<16xi32>
        %parallel_loop3A_1887 = arith.constant 16 : i32
        %parallel_loop3A_1888 = vector.broadcast %parallel_loop3A_1887 : i32 to vector<16xi32>
        %parallel_loop3A_1889 = arith.shli %parallel_loop3A_1883, %parallel_loop3A_1888 : vector<16xi32>
        %parallel_loop3A_1890 = arith.ori %parallel_loop3A_1886, %parallel_loop3A_1889 : vector<16xi32>
        %parallel_loop3A_1891 = arith.constant 0 : i32
        %parallel_loop3A_1892 = arith.addi %parallel_loop3A_1891, %parallel_loop3A_1703 : i32
        %parallel_loop3A_1893 = arith.index_cast %parallel_loop3A_1892 : i32 to index
        %parallel_loop3A_1894 = arith.constant 96 : index
        %parallel_loop3A_1895 = tpu.vector_load %arg9[%parallel_loop3A_1893, %parallel_loop3A_1894] {strides = array<i32>} : memref<128x128xi32, #tpu.memory_space<vmem>>, vector<1x16xi32>,
        %parallel_loop3A_1896 = vector.shape_cast %parallel_loop3A_1895 : vector<1x16xi32> to vector<16xi32>
        %parallel_loop3A_1897 = vector.shape_cast %parallel_loop3A_1890 : vector<16xi32> to vector<1x16xi32>
        tpu.vector_store %arg9[%parallel_loop3A_1893, %parallel_loop3A_1894], %parallel_loop3A_1897 {strides = array<i32>} : memref<128x128xi32, #tpu.memory_space<vmem>>, vector<1x16xi32>,
        %parallel_loop3A_1898 = arith.index_cast %parallel_loop3A_1715 : i32 to index
        %parallel_loop3A_1899 = arith.constant 112 : index
        %parallel_loop3A_1900 = tpu.vector_load %arg8[%parallel_loop3A_1898, %parallel_loop3A_1899] {strides = array<i32>} : memref<256x128xi32, #tpu.memory_space<vmem>>, vector<1x16xi32>,
        %parallel_loop3A_1901 = vector.shape_cast %parallel_loop3A_1900 : vector<1x16xi32> to vector<16xi32>
        %parallel_loop3A_1902 = arith.constant 1 : i32
        %parallel_loop3A_1903 = arith.addi %parallel_loop3A_1715, %parallel_loop3A_1902 : i32
        %parallel_loop3A_1904 = arith.index_cast %parallel_loop3A_1903 : i32 to index
        %parallel_loop3A_1905 = arith.constant 112 : index
        %parallel_loop3A_1906 = tpu.vector_load %arg8[%parallel_loop3A_1904, %parallel_loop3A_1905] {strides = array<i32>} : memref<256x128xi32, #tpu.memory_space<vmem>>, vector<1x16xi32>,
        %parallel_loop3A_1907 = vector.shape_cast %parallel_loop3A_1906 : vector<1x16xi32> to vector<16xi32>
        %parallel_loop3A_1908 = arith.shrui %parallel_loop3A_1901, %parallel_loop3A_1707 : vector<16xi32>
        %parallel_loop3A_1909 = arith.shrui %parallel_loop3A_1907, %parallel_loop3A_1711 : vector<16xi32>
        %parallel_loop3A_1910 = arith.constant 65535 : i32
        %parallel_loop3A_1911 = vector.broadcast %parallel_loop3A_1910 : i32 to vector<16xi32>
        %parallel_loop3A_1912 = arith.andi %parallel_loop3A_1908, %parallel_loop3A_1911 : vector<16xi32>
        %parallel_loop3A_1913 = arith.constant 16 : i32
        %parallel_loop3A_1914 = vector.broadcast %parallel_loop3A_1913 : i32 to vector<16xi32>
        %parallel_loop3A_1915 = arith.shli %parallel_loop3A_1909, %parallel_loop3A_1914 : vector<16xi32>
        %parallel_loop3A_1916 = arith.ori %parallel_loop3A_1912, %parallel_loop3A_1915 : vector<16xi32>
        %parallel_loop3A_1917 = arith.constant 0 : i32
        %parallel_loop3A_1918 = arith.addi %parallel_loop3A_1917, %parallel_loop3A_1703 : i32
        %parallel_loop3A_1919 = arith.index_cast %parallel_loop3A_1918 : i32 to index
        %parallel_loop3A_1920 = arith.constant 112 : index
        %parallel_loop3A_1921 = tpu.vector_load %arg9[%parallel_loop3A_1919, %parallel_loop3A_1920] {strides = array<i32>} : memref<128x128xi32, #tpu.memory_space<vmem>>, vector<1x16xi32>,
        %parallel_loop3A_1922 = vector.shape_cast %parallel_loop3A_1921 : vector<1x16xi32> to vector<16xi32>
        %parallel_loop3A_1923 = vector.shape_cast %parallel_loop3A_1916 : vector<16xi32> to vector<1x16xi32>
        tpu.vector_store %arg9[%parallel_loop3A_1919, %parallel_loop3A_1920], %parallel_loop3A_1923 {strides = array<i32>} : memref<128x128xi32, #tpu.memory_space<vmem>>, vector<1x16xi32>,
      } {sc.loop_unroll_factor = 2 : i64, sc.parallel_access}
      %mul3A_65 = arith.constant 64 : i32
      %mul3A_66 = arith.muli %mul3A_42, %mul3A_65 : i32
      %add3A_67 = arith.addi %mul3A_6, %mul3A_66 : i32
      %dma_start3A_68 = arith.constant 0 : i32
      %dma_start3A_69 = arith.constant 0 : i32
      %dma_start3A_70 = tpu.memref_slice %arg9[%dma_start3A_68, %dma_start3A_69] : memref<128x128xi32, #tpu.memory_space<vmem>> -> memref<64x128xi32, #tpu.memory_space<vmem>>
      %dma_start3A_71 = arith.constant 0 : i32
      %dma_start3A_72 = tpu.memref_slice %arg5[%add3A_67, %dma_start3A_71] : memref<409600x128xi32, #tpu.memory_space<hbm>> -> memref<64x128xi32, #tpu.memory_space<hbm>>
      %dma_start3A_73 = arith.constant 0 : i32
      %dma_start3A_74 = tpu.memref_slice %arg5[%add3A_67, %dma_start3A_73] : memref<409600x128xi32, #tpu.memory_space<hbm>> -> memref<64x128xi32, #tpu.memory_space<hbm>>
      %dma_start3A_75 = arith.constant 0 : i32
      %dma_start3A_76 = arith.constant 0 : i32
      %dma_start3A_77 = tpu.memref_slice %arg9[%dma_start3A_75, %dma_start3A_76] : memref<128x128xi32, #tpu.memory_space<vmem>> -> memref<64x128xi32, #tpu.memory_space<vmem>>
      tpu.enqueue_dma source(%dma_start3A_77 : memref<64x128xi32, #tpu.memory_space<vmem>>) target(%dma_start3A_74 : memref<64x128xi32, #tpu.memory_space<hbm>>) target_semaphore(%arg12 : memref<!tpu.dma_semaphore, #tpu.memory_space<semaphore_mem>>)
      %dma_wait3A_78 = arith.constant 128 : i32
      %dma_wait3A_79 = arith.constant 0 : i32
      %dma_wait3A_80 = tpu.memref_slice %arg8[%dma_wait3A_78, %dma_wait3A_79] : memref<256x128xi32, #tpu.memory_space<vmem>> -> memref<128x128xi32, #tpu.memory_space<vmem>>
      %dma_wait3A_81 = arith.constant 0 : i32
      %dma_wait3A_82 = arith.constant 0 : i32
      %dma_wait3A_83 = tpu.memref_slice %arg4[%dma_wait3A_81, %dma_wait3A_82] : memref<50000x128xi32, #tpu.memory_space<hbm>> -> memref<128x128xi32, #tpu.memory_space<hbm>>
      %dma_wait3A_84 = arith.constant 128 : i32
      %dma_wait3A_85 = arith.constant 0 : i32
      %dma_wait3A_86 = tpu.memref_slice %arg8[%dma_wait3A_84, %dma_wait3A_85] : memref<256x128xi32, #tpu.memory_space<vmem>> -> memref<128x128xi32, #tpu.memory_space<vmem>>
      %dma_wait3A_87 = arith.constant 0 : i32
      %dma_wait3A_88 = arith.constant 0 : i32
      %dma_wait3A_89 = tpu.memref_slice %arg4[%dma_wait3A_87, %dma_wait3A_88] : memref<50000x128xi32, #tpu.memory_space<hbm>> -> memref<128x128xi32, #tpu.memory_space<hbm>>
      tpu.wait_dma2 semaphore(%arg11 : memref<!tpu.dma_semaphore, #tpu.memory_space<semaphore_mem>>) src(%dma_wait3A_89 : memref<128x128xi32, #tpu.memory_space<hbm>>) dst(%dma_wait3A_86 : memref<128x128xi32, #tpu.memory_space<vmem>>)
      %add3A_90 = arith.constant 2 : i32
      %add3A_91 = arith.addi %mul3A_42, %add3A_90 : i32
      %lt3A_92 = arith.constant 200 : i32
      %lt3A_93 = arith.cmpi slt, %add3A_91, %lt3A_92 : i32
      %convert_element_type3A_94 = arith.extui %lt3A_93 : i1 to i32
      %cond3A_95 = arith.constant 0 : i32
      %cond3A_96 = arith.cmpi ne, %convert_element_type3A_94, %cond3A_95 : i32
      scf.if %cond3A_96 {
        %add3A_122 = arith.constant 2 : i32
        %add3A_123 = arith.addi %mul3A_42, %add3A_122 : i32
        %dma_start3A_124 = arith.constant 0 : i32
        %dma_start3A_125 = arith.constant 0 : i32
        %dma_start3A_126 = tpu.memref_slice %arg8[%dma_start3A_124, %dma_start3A_125] : memref<256x128xi32, #tpu.memory_space<vmem>> -> memref<128x128xi32, #tpu.memory_space<vmem>>
        %dma_start3A_127 = arith.constant 0 : i32
        %dma_start3A_128 = tpu.memref_slice %arg6[%add3A_123, %dma_start3A_127] : memref<200x128xi32, #tpu.memory_space<vmem>> -> memref<1x128xi32, #tpu.memory_space<vmem>>
        %dma_start3A_129 = tpu.memref_squeeze %dma_start3A_128 : memref<1x128xi32, #tpu.memory_space<vmem>> -> memref<128xi32, #tpu.memory_space<vmem>>
        %dma_start3A_130 = arith.constant 0 : i32
        %dma_start3A_131 = arith.constant 0 : i32
        %dma_start3A_132 = tpu.memref_slice %arg4[%dma_start3A_130, %dma_start3A_131] : memref<50000x128xi32, #tpu.memory_space<hbm>> -> memref<50000x128xi32, #tpu.memory_space<hbm>>
        tpu.enqueue_indirect_dma source(%dma_start3A_132 : memref<50000x128xi32, #tpu.memory_space<hbm>>) target(%dma_start3A_126 : memref<128x128xi32, #tpu.memory_space<vmem>>) offsets(%dma_start3A_129 : memref<128xi32, #tpu.memory_space<vmem>>) semaphore(%arg10 : memref<!tpu.dma_semaphore, #tpu.memory_space<semaphore_mem>>)
      } else {
      }
      %ge3A_97 = arith.constant 1 : i32
      %ge3A_98 = arith.cmpi sge, %scan3A_40, %ge3A_97 : i32
      %convert_element_type3A_99 = arith.extui %ge3A_98 : i1 to i32
      %cond3A_100 = arith.constant 0 : i32
      %cond3A_101 = arith.cmpi ne, %convert_element_type3A_99, %cond3A_100 : i32
      scf.if %cond3A_101 {
        %dma_wait3A_122 = arith.constant 64 : i32
        %dma_wait3A_123 = arith.constant 0 : i32
        %dma_wait3A_124 = tpu.memref_slice %arg9[%dma_wait3A_122, %dma_wait3A_123] : memref<128x128xi32, #tpu.memory_space<vmem>> -> memref<64x128xi32, #tpu.memory_space<vmem>>
        %dma_wait3A_125 = arith.constant 0 : i32
        %dma_wait3A_126 = tpu.memref_slice %arg5[%mul3A_6, %dma_wait3A_125] : memref<409600x128xi32, #tpu.memory_space<hbm>> -> memref<64x128xi32, #tpu.memory_space<hbm>>
        %dma_wait3A_127 = arith.constant 0 : i32
        %dma_wait3A_128 = tpu.memref_slice %arg5[%mul3A_6, %dma_wait3A_127] : memref<409600x128xi32, #tpu.memory_space<hbm>> -> memref<64x128xi32, #tpu.memory_space<hbm>>
        %dma_wait3A_129 = arith.constant 64 : i32
        %dma_wait3A_130 = arith.constant 0 : i32
        %dma_wait3A_131 = tpu.memref_slice %arg9[%dma_wait3A_129, %dma_wait3A_130] : memref<128x128xi32, #tpu.memory_space<vmem>> -> memref<64x128xi32, #tpu.memory_space<vmem>>
        tpu.wait_dma2 semaphore(%arg13 : memref<!tpu.dma_semaphore, #tpu.memory_space<semaphore_mem>>) src(%dma_wait3A_131 : memref<64x128xi32, #tpu.memory_space<vmem>>) dst(%dma_wait3A_128 : memref<64x128xi32, #tpu.memory_space<hbm>>)
      } else {
      }
      %add3A_102 = arith.constant 1 : i32
      %add3A_103 = arith.addi %mul3A_42, %add3A_102 : i32
      %parallel_loop3A_104 = arith.constant 0 : i32
      %parallel_loop3A_105 = arith.constant 8 : i32
      %parallel_loop3A_106 = arith.constant 1 : i32
      scf.for %parallel_loop3A_122 = %parallel_loop3A_104 to %parallel_loop3A_105 step %parallel_loop3A_106  : i32 {
        %parallel_loop3A_123 = arith.constant 16 : i32
        %parallel_loop3A_124 = arith.muli %parallel_loop3A_122, %parallel_loop3A_123 : i32
        %parallel_loop3A_125 = arith.index_cast %add3A_103 : i32 to index
        %parallel_loop3A_126 = arith.index_cast %parallel_loop3A_124 : i32 to index
        %parallel_loop3A_127 = tpu.vector_load %arg7[%parallel_loop3A_125, %parallel_loop3A_126] {strides = array<i32>} : memref<200x128xi32, #tpu.memory_space<vmem>>, vector<1x16xi32>,
        %parallel_loop3A_128 = vector.shape_cast %parallel_loop3A_127 : vector<1x16xi32> to vector<16xi32>
        %parallel_loop3A_129 = arith.constant 16 : i32
        %parallel_loop3A_130 = vector.broadcast %parallel_loop3A_129 : i32 to vector<16xi32>
        %parallel_loop3A_131 = arith.muli %parallel_loop3A_128, %parallel_loop3A_130 : vector<16xi32>
        %parallel_loop3A_132 = arith.constant 8 : i32
        %parallel_loop3A_133 = arith.muli %parallel_loop3A_122, %parallel_loop3A_132 : i32
        %parallel_loop3A_134 = arith.constant 0 : i32
        %parallel_loop3A_135 = arith.addi %parallel_loop3A_133, %parallel_loop3A_134 : i32
        %parallel_loop3A_136 = arith.constant 0 : i32
        %parallel_loop3A_137 = vector.broadcast %parallel_loop3A_136 : i32 to vector<16x1xi32>
        %parallel_loop3A_138 = vector.shape_cast %parallel_loop3A_137 : vector<16x1xi32> to vector<16xi32>
        %parallel_loop3A_139 = tpu.dynamic_gather %parallel_loop3A_131[%parallel_loop3A_138] in [0] : vector<16xi32>, vector<16xi32> -> vector<16xi32>
        %parallel_loop3A_140 = arith.constant 1 : i32
        %parallel_loop3A_141 = vector.broadcast %parallel_loop3A_140 : i32 to vector<16x1xi32>
        %parallel_loop3A_142 = vector.shape_cast %parallel_loop3A_141 : vector<16x1xi32> to vector<16xi32>
        %parallel_loop3A_143 = tpu.dynamic_gather %parallel_loop3A_131[%parallel_loop3A_142] in [0] : vector<16xi32>, vector<16xi32> -> vector<16xi32>
        %parallel_loop3A_144 = arith.constant 2 : i32
        %parallel_loop3A_145 = arith.muli %parallel_loop3A_144, %parallel_loop3A_135 : i32
        %parallel_loop3A_146 = arith.constant 128 : i32
        %parallel_loop3A_147 = arith.addi %parallel_loop3A_146, %parallel_loop3A_145 : i32
        %parallel_loop3A_148 = arith.index_cast %parallel_loop3A_147 : i32 to index
        %parallel_loop3A_149 = arith.constant 0 : index
        %parallel_loop3A_150 = tpu.vector_load %arg8[%parallel_loop3A_148, %parallel_loop3A_149] {strides = array<i32>} : memref<256x128xi32, #tpu.memory_space<vmem>>, vector<1x16xi32>,
        %parallel_loop3A_151 = vector.shape_cast %parallel_loop3A_150 : vector<1x16xi32> to vector<16xi32>
        %parallel_loop3A_152 = arith.constant 1 : i32
        %parallel_loop3A_153 = arith.addi %parallel_loop3A_147, %parallel_loop3A_152 : i32
        %parallel_loop3A_154 = arith.index_cast %parallel_loop3A_153 : i32 to index
        %parallel_loop3A_155 = arith.constant 0 : index
        %parallel_loop3A_156 = tpu.vector_load %arg8[%parallel_loop3A_154, %parallel_loop3A_155] {strides = array<i32>} : memref<256x128xi32, #tpu.memory_space<vmem>>, vector<1x16xi32>,
        %parallel_loop3A_157 = vector.shape_cast %parallel_loop3A_156 : vector<1x16xi32> to vector<16xi32>
        %parallel_loop3A_158 = arith.shrui %parallel_loop3A_151, %parallel_loop3A_139 : vector<16xi32>
        %parallel_loop3A_159 = arith.shrui %parallel_loop3A_157, %parallel_loop3A_143 : vector<16xi32>
        %parallel_loop3A_160 = arith.constant 65535 : i32
        %parallel_loop3A_161 = vector.broadcast %parallel_loop3A_160 : i32 to vector<16xi32>
        %parallel_loop3A_162 = arith.andi %parallel_loop3A_158, %parallel_loop3A_161 : vector<16xi32>
        %parallel_loop3A_163 = arith.constant 16 : i32
        %parallel_loop3A_164 = vector.broadcast %parallel_loop3A_163 : i32 to vector<16xi32>
        %parallel_loop3A_165 = arith.shli %parallel_loop3A_159, %parallel_loop3A_164 : vector<16xi32>
        %parallel_loop3A_166 = arith.ori %parallel_loop3A_162, %parallel_loop3A_165 : vector<16xi32>
        %parallel_loop3A_167 = arith.constant 64 : i32
        %parallel_loop3A_168 = arith.addi %parallel_loop3A_167, %parallel_loop3A_135 : i32
        %parallel_loop3A_169 = arith.index_cast %parallel_loop3A_168 : i32 to index
        %parallel_loop3A_170 = arith.constant 0 : index
        %parallel_loop3A_171 = tpu.vector_load %arg9[%parallel_loop3A_169, %parallel_loop3A_170] {strides = array<i32>} : memref<128x128xi32, #tpu.memory_space<vmem>>, vector<1x16xi32>,
        %parallel_loop3A_172 = vector.shape_cast %parallel_loop3A_171 : vector<1x16xi32> to vector<16xi32>
        %parallel_loop3A_173 = vector.shape_cast %parallel_loop3A_166 : vector<16xi32> to vector<1x16xi32>
        tpu.vector_store %arg9[%parallel_loop3A_169, %parallel_loop3A_170], %parallel_loop3A_173 {strides = array<i32>} : memref<128x128xi32, #tpu.memory_space<vmem>>, vector<1x16xi32>,
        %parallel_loop3A_174 = arith.index_cast %parallel_loop3A_147 : i32 to index
        %parallel_loop3A_175 = arith.constant 16 : index
        %parallel_loop3A_176 = tpu.vector_load %arg8[%parallel_loop3A_174, %parallel_loop3A_175] {strides = array<i32>} : memref<256x128xi32, #tpu.memory_space<vmem>>, vector<1x16xi32>,
        %parallel_loop3A_177 = vector.shape_cast %parallel_loop3A_176 : vector<1x16xi32> to vector<16xi32>
        %parallel_loop3A_178 = arith.constant 1 : i32
        %parallel_loop3A_179 = arith.addi %parallel_loop3A_147, %parallel_loop3A_178 : i32
        %parallel_loop3A_180 = arith.index_cast %parallel_loop3A_179 : i32 to index
        %parallel_loop3A_181 = arith.constant 16 : index
        %parallel_loop3A_182 = tpu.vector_load %arg8[%parallel_loop3A_180, %parallel_loop3A_181] {strides = array<i32>} : memref<256x128xi32, #tpu.memory_space<vmem>>, vector<1x16xi32>,
        %parallel_loop3A_183 = vector.shape_cast %parallel_loop3A_182 : vector<1x16xi32> to vector<16xi32>
        %parallel_loop3A_184 = arith.shrui %parallel_loop3A_177, %parallel_loop3A_139 : vector<16xi32>
        %parallel_loop3A_185 = arith.shrui %parallel_loop3A_183, %parallel_loop3A_143 : vector<16xi32>
        %parallel_loop3A_186 = arith.constant 65535 : i32
        %parallel_loop3A_187 = vector.broadcast %parallel_loop3A_186 : i32 to vector<16xi32>
        %parallel_loop3A_188 = arith.andi %parallel_loop3A_184, %parallel_loop3A_187 : vector<16xi32>
        %parallel_loop3A_189 = arith.constant 16 : i32
        %parallel_loop3A_190 = vector.broadcast %parallel_loop3A_189 : i32 to vector<16xi32>
        %parallel_loop3A_191 = arith.shli %parallel_loop3A_185, %parallel_loop3A_190 : vector<16xi32>
        %parallel_loop3A_192 = arith.ori %parallel_loop3A_188, %parallel_loop3A_191 : vector<16xi32>
        %parallel_loop3A_193 = arith.constant 64 : i32
        %parallel_loop3A_194 = arith.addi %parallel_loop3A_193, %parallel_loop3A_135 : i32
        %parallel_loop3A_195 = arith.index_cast %parallel_loop3A_194 : i32 to index
        %parallel_loop3A_196 = arith.constant 16 : index
        %parallel_loop3A_197 = tpu.vector_load %arg9[%parallel_loop3A_195, %parallel_loop3A_196] {strides = array<i32>} : memref<128x128xi32, #tpu.memory_space<vmem>>, vector<1x16xi32>,
        %parallel_loop3A_198 = vector.shape_cast %parallel_loop3A_197 : vector<1x16xi32> to vector<16xi32>
        %parallel_loop3A_199 = vector.shape_cast %parallel_loop3A_192 : vector<16xi32> to vector<1x16xi32>
        tpu.vector_store %arg9[%parallel_loop3A_195, %parallel_loop3A_196], %parallel_loop3A_199 {strides = array<i32>} : memref<128x128xi32, #tpu.memory_space<vmem>>, vector<1x16xi32>,
        %parallel_loop3A_200 = arith.index_cast %parallel_loop3A_147 : i32 to index
        %parallel_loop3A_201 = arith.constant 32 : index
        %parallel_loop3A_202 = tpu.vector_load %arg8[%parallel_loop3A_200, %parallel_loop3A_201] {strides = array<i32>} : memref<256x128xi32, #tpu.memory_space<vmem>>, vector<1x16xi32>,
        %parallel_loop3A_203 = vector.shape_cast %parallel_loop3A_202 : vector<1x16xi32> to vector<16xi32>
        %parallel_loop3A_204 = arith.constant 1 : i32
        %parallel_loop3A_205 = arith.addi %parallel_loop3A_147, %parallel_loop3A_204 : i32
        %parallel_loop3A_206 = arith.index_cast %parallel_loop3A_205 : i32 to index
        %parallel_loop3A_207 = arith.constant 32 : index
        %parallel_loop3A_208 = tpu.vector_load %arg8[%parallel_loop3A_206, %parallel_loop3A_207] {strides = array<i32>} : memref<256x128xi32, #tpu.memory_space<vmem>>, vector<1x16xi32>,
        %parallel_loop3A_209 = vector.shape_cast %parallel_loop3A_208 : vector<1x16xi32> to vector<16xi32>
        %parallel_loop3A_210 = arith.shrui %parallel_loop3A_203, %parallel_loop3A_139 : vector<16xi32>
        %parallel_loop3A_211 = arith.shrui %parallel_loop3A_209, %parallel_loop3A_143 : vector<16xi32>
        %parallel_loop3A_212 = arith.constant 65535 : i32
        %parallel_loop3A_213 = vector.broadcast %parallel_loop3A_212 : i32 to vector<16xi32>
        %parallel_loop3A_214 = arith.andi %parallel_loop3A_210, %parallel_loop3A_213 : vector<16xi32>
        %parallel_loop3A_215 = arith.constant 16 : i32
        %parallel_loop3A_216 = vector.broadcast %parallel_loop3A_215 : i32 to vector<16xi32>
        %parallel_loop3A_217 = arith.shli %parallel_loop3A_211, %parallel_loop3A_216 : vector<16xi32>
        %parallel_loop3A_218 = arith.ori %parallel_loop3A_214, %parallel_loop3A_217 : vector<16xi32>
        %parallel_loop3A_219 = arith.constant 64 : i32
        %parallel_loop3A_220 = arith.addi %parallel_loop3A_219, %parallel_loop3A_135 : i32
        %parallel_loop3A_221 = arith.index_cast %parallel_loop3A_220 : i32 to index
        %parallel_loop3A_222 = arith.constant 32 : index
        %parallel_loop3A_223 = tpu.vector_load %arg9[%parallel_loop3A_221, %parallel_loop3A_222] {strides = array<i32>} : memref<128x128xi32, #tpu.memory_space<vmem>>, vector<1x16xi32>,
        %parallel_loop3A_224 = vector.shape_cast %parallel_loop3A_223 : vector<1x16xi32> to vector<16xi32>
        %parallel_loop3A_225 = vector.shape_cast %parallel_loop3A_218 : vector<16xi32> to vector<1x16xi32>
        tpu.vector_store %arg9[%parallel_loop3A_221, %parallel_loop3A_222], %parallel_loop3A_225 {strides = array<i32>} : memref<128x128xi32, #tpu.memory_space<vmem>>, vector<1x16xi32>,
        %parallel_loop3A_226 = arith.index_cast %parallel_loop3A_147 : i32 to index
        %parallel_loop3A_227 = arith.constant 48 : index
        %parallel_loop3A_228 = tpu.vector_load %arg8[%parallel_loop3A_226, %parallel_loop3A_227] {strides = array<i32>} : memref<256x128xi32, #tpu.memory_space<vmem>>, vector<1x16xi32>,
        %parallel_loop3A_229 = vector.shape_cast %parallel_loop3A_228 : vector<1x16xi32> to vector<16xi32>
        %parallel_loop3A_230 = arith.constant 1 : i32
        %parallel_loop3A_231 = arith.addi %parallel_loop3A_147, %parallel_loop3A_230 : i32
        %parallel_loop3A_232 = arith.index_cast %parallel_loop3A_231 : i32 to index
        %parallel_loop3A_233 = arith.constant 48 : index
        %parallel_loop3A_234 = tpu.vector_load %arg8[%parallel_loop3A_232, %parallel_loop3A_233] {strides = array<i32>} : memref<256x128xi32, #tpu.memory_space<vmem>>, vector<1x16xi32>,
        %parallel_loop3A_235 = vector.shape_cast %parallel_loop3A_234 : vector<1x16xi32> to vector<16xi32>
        %parallel_loop3A_236 = arith.shrui %parallel_loop3A_229, %parallel_loop3A_139 : vector<16xi32>
        %parallel_loop3A_237 = arith.shrui %parallel_loop3A_235, %parallel_loop3A_143 : vector<16xi32>
        %parallel_loop3A_238 = arith.constant 65535 : i32
        %parallel_loop3A_239 = vector.broadcast %parallel_loop3A_238 : i32 to vector<16xi32>
        %parallel_loop3A_240 = arith.andi %parallel_loop3A_236, %parallel_loop3A_239 : vector<16xi32>
        %parallel_loop3A_241 = arith.constant 16 : i32
        %parallel_loop3A_242 = vector.broadcast %parallel_loop3A_241 : i32 to vector<16xi32>
        %parallel_loop3A_243 = arith.shli %parallel_loop3A_237, %parallel_loop3A_242 : vector<16xi32>
        %parallel_loop3A_244 = arith.ori %parallel_loop3A_240, %parallel_loop3A_243 : vector<16xi32>
        %parallel_loop3A_245 = arith.constant 64 : i32
        %parallel_loop3A_246 = arith.addi %parallel_loop3A_245, %parallel_loop3A_135 : i32
        %parallel_loop3A_247 = arith.index_cast %parallel_loop3A_246 : i32 to index
        %parallel_loop3A_248 = arith.constant 48 : index
        %parallel_loop3A_249 = tpu.vector_load %arg9[%parallel_loop3A_247, %parallel_loop3A_248] {strides = array<i32>} : memref<128x128xi32, #tpu.memory_space<vmem>>, vector<1x16xi32>,
        %parallel_loop3A_250 = vector.shape_cast %parallel_loop3A_249 : vector<1x16xi32> to vector<16xi32>
        %parallel_loop3A_251 = vector.shape_cast %parallel_loop3A_244 : vector<16xi32> to vector<1x16xi32>
        tpu.vector_store %arg9[%parallel_loop3A_247, %parallel_loop3A_248], %parallel_loop3A_251 {strides = array<i32>} : memref<128x128xi32, #tpu.memory_space<vmem>>, vector<1x16xi32>,
        %parallel_loop3A_252 = arith.index_cast %parallel_loop3A_147 : i32 to index
        %parallel_loop3A_253 = arith.constant 64 : index
        %parallel_loop3A_254 = tpu.vector_load %arg8[%parallel_loop3A_252, %parallel_loop3A_253] {strides = array<i32>} : memref<256x128xi32, #tpu.memory_space<vmem>>, vector<1x16xi32>,
        %parallel_loop3A_255 = vector.shape_cast %parallel_loop3A_254 : vector<1x16xi32> to vector<16xi32>
        %parallel_loop3A_256 = arith.constant 1 : i32
        %parallel_loop3A_257 = arith.addi %parallel_loop3A_147, %parallel_loop3A_256 : i32
        %parallel_loop3A_258 = arith.index_cast %parallel_loop3A_257 : i32 to index
        %parallel_loop3A_259 = arith.constant 64 : index
        %parallel_loop3A_260 = tpu.vector_load %arg8[%parallel_loop3A_258, %parallel_loop3A_259] {strides = array<i32>} : memref<256x128xi32, #tpu.memory_space<vmem>>, vector<1x16xi32>,
        %parallel_loop3A_261 = vector.shape_cast %parallel_loop3A_260 : vector<1x16xi32> to vector<16xi32>
        %parallel_loop3A_262 = arith.shrui %parallel_loop3A_255, %parallel_loop3A_139 : vector<16xi32>
        %parallel_loop3A_263 = arith.shrui %parallel_loop3A_261, %parallel_loop3A_143 : vector<16xi32>
        %parallel_loop3A_264 = arith.constant 65535 : i32
        %parallel_loop3A_265 = vector.broadcast %parallel_loop3A_264 : i32 to vector<16xi32>
        %parallel_loop3A_266 = arith.andi %parallel_loop3A_262, %parallel_loop3A_265 : vector<16xi32>
        %parallel_loop3A_267 = arith.constant 16 : i32
        %parallel_loop3A_268 = vector.broadcast %parallel_loop3A_267 : i32 to vector<16xi32>
        %parallel_loop3A_269 = arith.shli %parallel_loop3A_263, %parallel_loop3A_268 : vector<16xi32>
        %parallel_loop3A_270 = arith.ori %parallel_loop3A_266, %parallel_loop3A_269 : vector<16xi32>
        %parallel_loop3A_271 = arith.constant 64 : i32
        %parallel_loop3A_272 = arith.addi %parallel_loop3A_271, %parallel_loop3A_135 : i32
        %parallel_loop3A_273 = arith.index_cast %parallel_loop3A_272 : i32 to index
        %parallel_loop3A_274 = arith.constant 64 : index
        %parallel_loop3A_275 = tpu.vector_load %arg9[%parallel_loop3A_273, %parallel_loop3A_274] {strides = array<i32>} : memref<128x128xi32, #tpu.memory_space<vmem>>, vector<1x16xi32>,
        %parallel_loop3A_276 = vector.shape_cast %parallel_loop3A_275 : vector<1x16xi32> to vector<16xi32>
        %parallel_loop3A_277 = vector.shape_cast %parallel_loop3A_270 : vector<16xi32> to vector<1x16xi32>
        tpu.vector_store %arg9[%parallel_loop3A_273, %parallel_loop3A_274], %parallel_loop3A_277 {strides = array<i32>} : memref<128x128xi32, #tpu.memory_space<vmem>>, vector<1x16xi32>,
        %parallel_loop3A_278 = arith.index_cast %parallel_loop3A_147 : i32 to index
        %parallel_loop3A_279 = arith.constant 80 : index
        %parallel_loop3A_280 = tpu.vector_load %arg8[%parallel_loop3A_278, %parallel_loop3A_279] {strides = array<i32>} : memref<256x128xi32, #tpu.memory_space<vmem>>, vector<1x16xi32>,
        %parallel_loop3A_281 = vector.shape_cast %parallel_loop3A_280 : vector<1x16xi32> to vector<16xi32>
        %parallel_loop3A_282 = arith.constant 1 : i32
        %parallel_loop3A_283 = arith.addi %parallel_loop3A_147, %parallel_loop3A_282 : i32
        %parallel_loop3A_284 = arith.index_cast %parallel_loop3A_283 : i32 to index
        %parallel_loop3A_285 = arith.constant 80 : index
        %parallel_loop3A_286 = tpu.vector_load %arg8[%parallel_loop3A_284, %parallel_loop3A_285] {strides = array<i32>} : memref<256x128xi32, #tpu.memory_space<vmem>>, vector<1x16xi32>,
        %parallel_loop3A_287 = vector.shape_cast %parallel_loop3A_286 : vector<1x16xi32> to vector<16xi32>
        %parallel_loop3A_288 = arith.shrui %parallel_loop3A_281, %parallel_loop3A_139 : vector<16xi32>
        %parallel_loop3A_289 = arith.shrui %parallel_loop3A_287, %parallel_loop3A_143 : vector<16xi32>
        %parallel_loop3A_290 = arith.constant 65535 : i32
        %parallel_loop3A_291 = vector.broadcast %parallel_loop3A_290 : i32 to vector<16xi32>
        %parallel_loop3A_292 = arith.andi %parallel_loop3A_288, %parallel_loop3A_291 : vector<16xi32>
        %parallel_loop3A_293 = arith.constant 16 : i32
        %parallel_loop3A_294 = vector.broadcast %parallel_loop3A_293 : i32 to vector<16xi32>
        %parallel_loop3A_295 = arith.shli %parallel_loop3A_289, %parallel_loop3A_294 : vector<16xi32>
        %parallel_loop3A_296 = arith.ori %parallel_loop3A_292, %parallel_loop3A_295 : vector<16xi32>
        %parallel_loop3A_297 = arith.constant 64 : i32
        %parallel_loop3A_298 = arith.addi %parallel_loop3A_297, %parallel_loop3A_135 : i32
        %parallel_loop3A_299 = arith.index_cast %parallel_loop3A_298 : i32 to index
        %parallel_loop3A_300 = arith.constant 80 : index
        %parallel_loop3A_301 = tpu.vector_load %arg9[%parallel_loop3A_299, %parallel_loop3A_300] {strides = array<i32>} : memref<128x128xi32, #tpu.memory_space<vmem>>, vector<1x16xi32>,
        %parallel_loop3A_302 = vector.shape_cast %parallel_loop3A_301 : vector<1x16xi32> to vector<16xi32>
        %parallel_loop3A_303 = vector.shape_cast %parallel_loop3A_296 : vector<16xi32> to vector<1x16xi32>
        tpu.vector_store %arg9[%parallel_loop3A_299, %parallel_loop3A_300], %parallel_loop3A_303 {strides = array<i32>} : memref<128x128xi32, #tpu.memory_space<vmem>>, vector<1x16xi32>,
        %parallel_loop3A_304 = arith.index_cast %parallel_loop3A_147 : i32 to index
        %parallel_loop3A_305 = arith.constant 96 : index
        %parallel_loop3A_306 = tpu.vector_load %arg8[%parallel_loop3A_304, %parallel_loop3A_305] {strides = array<i32>} : memref<256x128xi32, #tpu.memory_space<vmem>>, vector<1x16xi32>,
        %parallel_loop3A_307 = vector.shape_cast %parallel_loop3A_306 : vector<1x16xi32> to vector<16xi32>
        %parallel_loop3A_308 = arith.constant 1 : i32
        %parallel_loop3A_309 = arith.addi %parallel_loop3A_147, %parallel_loop3A_308 : i32
        %parallel_loop3A_310 = arith.index_cast %parallel_loop3A_309 : i32 to index
        %parallel_loop3A_311 = arith.constant 96 : index
        %parallel_loop3A_312 = tpu.vector_load %arg8[%parallel_loop3A_310, %parallel_loop3A_311] {strides = array<i32>} : memref<256x128xi32, #tpu.memory_space<vmem>>, vector<1x16xi32>,
        %parallel_loop3A_313 = vector.shape_cast %parallel_loop3A_312 : vector<1x16xi32> to vector<16xi32>
        %parallel_loop3A_314 = arith.shrui %parallel_loop3A_307, %parallel_loop3A_139 : vector<16xi32>
        %parallel_loop3A_315 = arith.shrui %parallel_loop3A_313, %parallel_loop3A_143 : vector<16xi32>
        %parallel_loop3A_316 = arith.constant 65535 : i32
        %parallel_loop3A_317 = vector.broadcast %parallel_loop3A_316 : i32 to vector<16xi32>
        %parallel_loop3A_318 = arith.andi %parallel_loop3A_314, %parallel_loop3A_317 : vector<16xi32>
        %parallel_loop3A_319 = arith.constant 16 : i32
        %parallel_loop3A_320 = vector.broadcast %parallel_loop3A_319 : i32 to vector<16xi32>
        %parallel_loop3A_321 = arith.shli %parallel_loop3A_315, %parallel_loop3A_320 : vector<16xi32>
        %parallel_loop3A_322 = arith.ori %parallel_loop3A_318, %parallel_loop3A_321 : vector<16xi32>
        %parallel_loop3A_323 = arith.constant 64 : i32
        %parallel_loop3A_324 = arith.addi %parallel_loop3A_323, %parallel_loop3A_135 : i32
        %parallel_loop3A_325 = arith.index_cast %parallel_loop3A_324 : i32 to index
        %parallel_loop3A_326 = arith.constant 96 : index
        %parallel_loop3A_327 = tpu.vector_load %arg9[%parallel_loop3A_325, %parallel_loop3A_326] {strides = array<i32>} : memref<128x128xi32, #tpu.memory_space<vmem>>, vector<1x16xi32>,
        %parallel_loop3A_328 = vector.shape_cast %parallel_loop3A_327 : vector<1x16xi32> to vector<16xi32>
        %parallel_loop3A_329 = vector.shape_cast %parallel_loop3A_322 : vector<16xi32> to vector<1x16xi32>
        tpu.vector_store %arg9[%parallel_loop3A_325, %parallel_loop3A_326], %parallel_loop3A_329 {strides = array<i32>} : memref<128x128xi32, #tpu.memory_space<vmem>>, vector<1x16xi32>,
        %parallel_loop3A_330 = arith.index_cast %parallel_loop3A_147 : i32 to index
        %parallel_loop3A_331 = arith.constant 112 : index
        %parallel_loop3A_332 = tpu.vector_load %arg8[%parallel_loop3A_330, %parallel_loop3A_331] {strides = array<i32>} : memref<256x128xi32, #tpu.memory_space<vmem>>, vector<1x16xi32>,
        %parallel_loop3A_333 = vector.shape_cast %parallel_loop3A_332 : vector<1x16xi32> to vector<16xi32>
        %parallel_loop3A_334 = arith.constant 1 : i32
        %parallel_loop3A_335 = arith.addi %parallel_loop3A_147, %parallel_loop3A_334 : i32
        %parallel_loop3A_336 = arith.index_cast %parallel_loop3A_335 : i32 to index
        %parallel_loop3A_337 = arith.constant 112 : index
        %parallel_loop3A_338 = tpu.vector_load %arg8[%parallel_loop3A_336, %parallel_loop3A_337] {strides = array<i32>} : memref<256x128xi32, #tpu.memory_space<vmem>>, vector<1x16xi32>,
        %parallel_loop3A_339 = vector.shape_cast %parallel_loop3A_338 : vector<1x16xi32> to vector<16xi32>
        %parallel_loop3A_340 = arith.shrui %parallel_loop3A_333, %parallel_loop3A_139 : vector<16xi32>
        %parallel_loop3A_341 = arith.shrui %parallel_loop3A_339, %parallel_loop3A_143 : vector<16xi32>
        %parallel_loop3A_342 = arith.constant 65535 : i32
        %parallel_loop3A_343 = vector.broadcast %parallel_loop3A_342 : i32 to vector<16xi32>
        %parallel_loop3A_344 = arith.andi %parallel_loop3A_340, %parallel_loop3A_343 : vector<16xi32>
        %parallel_loop3A_345 = arith.constant 16 : i32
        %parallel_loop3A_346 = vector.broadcast %parallel_loop3A_345 : i32 to vector<16xi32>
        %parallel_loop3A_347 = arith.shli %parallel_loop3A_341, %parallel_loop3A_346 : vector<16xi32>
        %parallel_loop3A_348 = arith.ori %parallel_loop3A_344, %parallel_loop3A_347 : vector<16xi32>
        %parallel_loop3A_349 = arith.constant 64 : i32
        %parallel_loop3A_350 = arith.addi %parallel_loop3A_349, %parallel_loop3A_135 : i32
        %parallel_loop3A_351 = arith.index_cast %parallel_loop3A_350 : i32 to index
        %parallel_loop3A_352 = arith.constant 112 : index
        %parallel_loop3A_353 = tpu.vector_load %arg9[%parallel_loop3A_351, %parallel_loop3A_352] {strides = array<i32>} : memref<128x128xi32, #tpu.memory_space<vmem>>, vector<1x16xi32>,
        %parallel_loop3A_354 = vector.shape_cast %parallel_loop3A_353 : vector<1x16xi32> to vector<16xi32>
        %parallel_loop3A_355 = vector.shape_cast %parallel_loop3A_348 : vector<16xi32> to vector<1x16xi32>
        tpu.vector_store %arg9[%parallel_loop3A_351, %parallel_loop3A_352], %parallel_loop3A_355 {strides = array<i32>} : memref<128x128xi32, #tpu.memory_space<vmem>>, vector<1x16xi32>,
        %parallel_loop3A_356 = arith.constant 8 : i32
        %parallel_loop3A_357 = arith.muli %parallel_loop3A_122, %parallel_loop3A_356 : i32
        %parallel_loop3A_358 = arith.constant 1 : i32
        %parallel_loop3A_359 = arith.addi %parallel_loop3A_357, %parallel_loop3A_358 : i32
        %parallel_loop3A_360 = arith.constant 2 : i32
        %parallel_loop3A_361 = vector.broadcast %parallel_loop3A_360 : i32 to vector<16x1xi32>
        %parallel_loop3A_362 = vector.shape_cast %parallel_loop3A_361 : vector<16x1xi32> to vector<16xi32>
        %parallel_loop3A_363 = tpu.dynamic_gather %parallel_loop3A_131[%parallel_loop3A_362] in [0] : vector<16xi32>, vector<16xi32> -> vector<16xi32>
        %parallel_loop3A_364 = arith.constant 3 : i32
        %parallel_loop3A_365 = vector.broadcast %parallel_loop3A_364 : i32 to vector<16x1xi32>
        %parallel_loop3A_366 = vector.shape_cast %parallel_loop3A_365 : vector<16x1xi32> to vector<16xi32>
        %parallel_loop3A_367 = tpu.dynamic_gather %parallel_loop3A_131[%parallel_loop3A_366] in [0] : vector<16xi32>, vector<16xi32> -> vector<16xi32>
        %parallel_loop3A_368 = arith.constant 2 : i32
        %parallel_loop3A_369 = arith.muli %parallel_loop3A_368, %parallel_loop3A_359 : i32
        %parallel_loop3A_370 = arith.constant 128 : i32
        %parallel_loop3A_371 = arith.addi %parallel_loop3A_370, %parallel_loop3A_369 : i32
        %parallel_loop3A_372 = arith.index_cast %parallel_loop3A_371 : i32 to index
        %parallel_loop3A_373 = arith.constant 0 : index
        %parallel_loop3A_374 = tpu.vector_load %arg8[%parallel_loop3A_372, %parallel_loop3A_373] {strides = array<i32>} : memref<256x128xi32, #tpu.memory_space<vmem>>, vector<1x16xi32>,
        %parallel_loop3A_375 = vector.shape_cast %parallel_loop3A_374 : vector<1x16xi32> to vector<16xi32>
        %parallel_loop3A_376 = arith.constant 1 : i32
        %parallel_loop3A_377 = arith.addi %parallel_loop3A_371, %parallel_loop3A_376 : i32
        %parallel_loop3A_378 = arith.index_cast %parallel_loop3A_377 : i32 to index
        %parallel_loop3A_379 = arith.constant 0 : index
        %parallel_loop3A_380 = tpu.vector_load %arg8[%parallel_loop3A_378, %parallel_loop3A_379] {strides = array<i32>} : memref<256x128xi32, #tpu.memory_space<vmem>>, vector<1x16xi32>,
        %parallel_loop3A_381 = vector.shape_cast %parallel_loop3A_380 : vector<1x16xi32> to vector<16xi32>
        %parallel_loop3A_382 = arith.shrui %parallel_loop3A_375, %parallel_loop3A_363 : vector<16xi32>
        %parallel_loop3A_383 = arith.shrui %parallel_loop3A_381, %parallel_loop3A_367 : vector<16xi32>
        %parallel_loop3A_384 = arith.constant 65535 : i32
        %parallel_loop3A_385 = vector.broadcast %parallel_loop3A_384 : i32 to vector<16xi32>
        %parallel_loop3A_386 = arith.andi %parallel_loop3A_382, %parallel_loop3A_385 : vector<16xi32>
        %parallel_loop3A_387 = arith.constant 16 : i32
        %parallel_loop3A_388 = vector.broadcast %parallel_loop3A_387 : i32 to vector<16xi32>
        %parallel_loop3A_389 = arith.shli %parallel_loop3A_383, %parallel_loop3A_388 : vector<16xi32>
        %parallel_loop3A_390 = arith.ori %parallel_loop3A_386, %parallel_loop3A_389 : vector<16xi32>
        %parallel_loop3A_391 = arith.constant 64 : i32
        %parallel_loop3A_392 = arith.addi %parallel_loop3A_391, %parallel_loop3A_359 : i32
        %parallel_loop3A_393 = arith.index_cast %parallel_loop3A_392 : i32 to index
        %parallel_loop3A_394 = arith.constant 0 : index
        %parallel_loop3A_395 = tpu.vector_load %arg9[%parallel_loop3A_393, %parallel_loop3A_394] {strides = array<i32>} : memref<128x128xi32, #tpu.memory_space<vmem>>, vector<1x16xi32>,
        %parallel_loop3A_396 = vector.shape_cast %parallel_loop3A_395 : vector<1x16xi32> to vector<16xi32>
        %parallel_loop3A_397 = vector.shape_cast %parallel_loop3A_390 : vector<16xi32> to vector<1x16xi32>
        tpu.vector_store %arg9[%parallel_loop3A_393, %parallel_loop3A_394], %parallel_loop3A_397 {strides = array<i32>} : memref<128x128xi32, #tpu.memory_space<vmem>>, vector<1x16xi32>,
        %parallel_loop3A_398 = arith.index_cast %parallel_loop3A_371 : i32 to index
        %parallel_loop3A_399 = arith.constant 16 : index
        %parallel_loop3A_400 = tpu.vector_load %arg8[%parallel_loop3A_398, %parallel_loop3A_399] {strides = array<i32>} : memref<256x128xi32, #tpu.memory_space<vmem>>, vector<1x16xi32>,
        %parallel_loop3A_401 = vector.shape_cast %parallel_loop3A_400 : vector<1x16xi32> to vector<16xi32>
        %parallel_loop3A_402 = arith.constant 1 : i32
        %parallel_loop3A_403 = arith.addi %parallel_loop3A_371, %parallel_loop3A_402 : i32
        %parallel_loop3A_404 = arith.index_cast %parallel_loop3A_403 : i32 to index
        %parallel_loop3A_405 = arith.constant 16 : index
        %parallel_loop3A_406 = tpu.vector_load %arg8[%parallel_loop3A_404, %parallel_loop3A_405] {strides = array<i32>} : memref<256x128xi32, #tpu.memory_space<vmem>>, vector<1x16xi32>,
        %parallel_loop3A_407 = vector.shape_cast %parallel_loop3A_406 : vector<1x16xi32> to vector<16xi32>
        %parallel_loop3A_408 = arith.shrui %parallel_loop3A_401, %parallel_loop3A_363 : vector<16xi32>
        %parallel_loop3A_409 = arith.shrui %parallel_loop3A_407, %parallel_loop3A_367 : vector<16xi32>
        %parallel_loop3A_410 = arith.constant 65535 : i32
        %parallel_loop3A_411 = vector.broadcast %parallel_loop3A_410 : i32 to vector<16xi32>
        %parallel_loop3A_412 = arith.andi %parallel_loop3A_408, %parallel_loop3A_411 : vector<16xi32>
        %parallel_loop3A_413 = arith.constant 16 : i32
        %parallel_loop3A_414 = vector.broadcast %parallel_loop3A_413 : i32 to vector<16xi32>
        %parallel_loop3A_415 = arith.shli %parallel_loop3A_409, %parallel_loop3A_414 : vector<16xi32>
        %parallel_loop3A_416 = arith.ori %parallel_loop3A_412, %parallel_loop3A_415 : vector<16xi32>
        %parallel_loop3A_417 = arith.constant 64 : i32
        %parallel_loop3A_418 = arith.addi %parallel_loop3A_417, %parallel_loop3A_359 : i32
        %parallel_loop3A_419 = arith.index_cast %parallel_loop3A_418 : i32 to index
        %parallel_loop3A_420 = arith.constant 16 : index
        %parallel_loop3A_421 = tpu.vector_load %arg9[%parallel_loop3A_419, %parallel_loop3A_420] {strides = array<i32>} : memref<128x128xi32, #tpu.memory_space<vmem>>, vector<1x16xi32>,
        %parallel_loop3A_422 = vector.shape_cast %parallel_loop3A_421 : vector<1x16xi32> to vector<16xi32>
        %parallel_loop3A_423 = vector.shape_cast %parallel_loop3A_416 : vector<16xi32> to vector<1x16xi32>
        tpu.vector_store %arg9[%parallel_loop3A_419, %parallel_loop3A_420], %parallel_loop3A_423 {strides = array<i32>} : memref<128x128xi32, #tpu.memory_space<vmem>>, vector<1x16xi32>,
        %parallel_loop3A_424 = arith.index_cast %parallel_loop3A_371 : i32 to index
        %parallel_loop3A_425 = arith.constant 32 : index
        %parallel_loop3A_426 = tpu.vector_load %arg8[%parallel_loop3A_424, %parallel_loop3A_425] {strides = array<i32>} : memref<256x128xi32, #tpu.memory_space<vmem>>, vector<1x16xi32>,
        %parallel_loop3A_427 = vector.shape_cast %parallel_loop3A_426 : vector<1x16xi32> to vector<16xi32>
        %parallel_loop3A_428 = arith.constant 1 : i32
        %parallel_loop3A_429 = arith.addi %parallel_loop3A_371, %parallel_loop3A_428 : i32
        %parallel_loop3A_430 = arith.index_cast %parallel_loop3A_429 : i32 to index
        %parallel_loop3A_431 = arith.constant 32 : index
        %parallel_loop3A_432 = tpu.vector_load %arg8[%parallel_loop3A_430, %parallel_loop3A_431] {strides = array<i32>} : memref<256x128xi32, #tpu.memory_space<vmem>>, vector<1x16xi32>,
        %parallel_loop3A_433 = vector.shape_cast %parallel_loop3A_432 : vector<1x16xi32> to vector<16xi32>
        %parallel_loop3A_434 = arith.shrui %parallel_loop3A_427, %parallel_loop3A_363 : vector<16xi32>
        %parallel_loop3A_435 = arith.shrui %parallel_loop3A_433, %parallel_loop3A_367 : vector<16xi32>
        %parallel_loop3A_436 = arith.constant 65535 : i32
        %parallel_loop3A_437 = vector.broadcast %parallel_loop3A_436 : i32 to vector<16xi32>
        %parallel_loop3A_438 = arith.andi %parallel_loop3A_434, %parallel_loop3A_437 : vector<16xi32>
        %parallel_loop3A_439 = arith.constant 16 : i32
        %parallel_loop3A_440 = vector.broadcast %parallel_loop3A_439 : i32 to vector<16xi32>
        %parallel_loop3A_441 = arith.shli %parallel_loop3A_435, %parallel_loop3A_440 : vector<16xi32>
        %parallel_loop3A_442 = arith.ori %parallel_loop3A_438, %parallel_loop3A_441 : vector<16xi32>
        %parallel_loop3A_443 = arith.constant 64 : i32
        %parallel_loop3A_444 = arith.addi %parallel_loop3A_443, %parallel_loop3A_359 : i32
        %parallel_loop3A_445 = arith.index_cast %parallel_loop3A_444 : i32 to index
        %parallel_loop3A_446 = arith.constant 32 : index
        %parallel_loop3A_447 = tpu.vector_load %arg9[%parallel_loop3A_445, %parallel_loop3A_446] {strides = array<i32>} : memref<128x128xi32, #tpu.memory_space<vmem>>, vector<1x16xi32>,
        %parallel_loop3A_448 = vector.shape_cast %parallel_loop3A_447 : vector<1x16xi32> to vector<16xi32>
        %parallel_loop3A_449 = vector.shape_cast %parallel_loop3A_442 : vector<16xi32> to vector<1x16xi32>
        tpu.vector_store %arg9[%parallel_loop3A_445, %parallel_loop3A_446], %parallel_loop3A_449 {strides = array<i32>} : memref<128x128xi32, #tpu.memory_space<vmem>>, vector<1x16xi32>,
        %parallel_loop3A_450 = arith.index_cast %parallel_loop3A_371 : i32 to index
        %parallel_loop3A_451 = arith.constant 48 : index
        %parallel_loop3A_452 = tpu.vector_load %arg8[%parallel_loop3A_450, %parallel_loop3A_451] {strides = array<i32>} : memref<256x128xi32, #tpu.memory_space<vmem>>, vector<1x16xi32>,
        %parallel_loop3A_453 = vector.shape_cast %parallel_loop3A_452 : vector<1x16xi32> to vector<16xi32>
        %parallel_loop3A_454 = arith.constant 1 : i32
        %parallel_loop3A_455 = arith.addi %parallel_loop3A_371, %parallel_loop3A_454 : i32
        %parallel_loop3A_456 = arith.index_cast %parallel_loop3A_455 : i32 to index
        %parallel_loop3A_457 = arith.constant 48 : index
        %parallel_loop3A_458 = tpu.vector_load %arg8[%parallel_loop3A_456, %parallel_loop3A_457] {strides = array<i32>} : memref<256x128xi32, #tpu.memory_space<vmem>>, vector<1x16xi32>,
        %parallel_loop3A_459 = vector.shape_cast %parallel_loop3A_458 : vector<1x16xi32> to vector<16xi32>
        %parallel_loop3A_460 = arith.shrui %parallel_loop3A_453, %parallel_loop3A_363 : vector<16xi32>
        %parallel_loop3A_461 = arith.shrui %parallel_loop3A_459, %parallel_loop3A_367 : vector<16xi32>
        %parallel_loop3A_462 = arith.constant 65535 : i32
        %parallel_loop3A_463 = vector.broadcast %parallel_loop3A_462 : i32 to vector<16xi32>
        %parallel_loop3A_464 = arith.andi %parallel_loop3A_460, %parallel_loop3A_463 : vector<16xi32>
        %parallel_loop3A_465 = arith.constant 16 : i32
        %parallel_loop3A_466 = vector.broadcast %parallel_loop3A_465 : i32 to vector<16xi32>
        %parallel_loop3A_467 = arith.shli %parallel_loop3A_461, %parallel_loop3A_466 : vector<16xi32>
        %parallel_loop3A_468 = arith.ori %parallel_loop3A_464, %parallel_loop3A_467 : vector<16xi32>
        %parallel_loop3A_469 = arith.constant 64 : i32
        %parallel_loop3A_470 = arith.addi %parallel_loop3A_469, %parallel_loop3A_359 : i32
        %parallel_loop3A_471 = arith.index_cast %parallel_loop3A_470 : i32 to index
        %parallel_loop3A_472 = arith.constant 48 : index
        %parallel_loop3A_473 = tpu.vector_load %arg9[%parallel_loop3A_471, %parallel_loop3A_472] {strides = array<i32>} : memref<128x128xi32, #tpu.memory_space<vmem>>, vector<1x16xi32>,
        %parallel_loop3A_474 = vector.shape_cast %parallel_loop3A_473 : vector<1x16xi32> to vector<16xi32>
        %parallel_loop3A_475 = vector.shape_cast %parallel_loop3A_468 : vector<16xi32> to vector<1x16xi32>
        tpu.vector_store %arg9[%parallel_loop3A_471, %parallel_loop3A_472], %parallel_loop3A_475 {strides = array<i32>} : memref<128x128xi32, #tpu.memory_space<vmem>>, vector<1x16xi32>,
        %parallel_loop3A_476 = arith.index_cast %parallel_loop3A_371 : i32 to index
        %parallel_loop3A_477 = arith.constant 64 : index
        %parallel_loop3A_478 = tpu.vector_load %arg8[%parallel_loop3A_476, %parallel_loop3A_477] {strides = array<i32>} : memref<256x128xi32, #tpu.memory_space<vmem>>, vector<1x16xi32>,
        %parallel_loop3A_479 = vector.shape_cast %parallel_loop3A_478 : vector<1x16xi32> to vector<16xi32>
        %parallel_loop3A_480 = arith.constant 1 : i32
        %parallel_loop3A_481 = arith.addi %parallel_loop3A_371, %parallel_loop3A_480 : i32
        %parallel_loop3A_482 = arith.index_cast %parallel_loop3A_481 : i32 to index
        %parallel_loop3A_483 = arith.constant 64 : index
        %parallel_loop3A_484 = tpu.vector_load %arg8[%parallel_loop3A_482, %parallel_loop3A_483] {strides = array<i32>} : memref<256x128xi32, #tpu.memory_space<vmem>>, vector<1x16xi32>,
        %parallel_loop3A_485 = vector.shape_cast %parallel_loop3A_484 : vector<1x16xi32> to vector<16xi32>
        %parallel_loop3A_486 = arith.shrui %parallel_loop3A_479, %parallel_loop3A_363 : vector<16xi32>
        %parallel_loop3A_487 = arith.shrui %parallel_loop3A_485, %parallel_loop3A_367 : vector<16xi32>
        %parallel_loop3A_488 = arith.constant 65535 : i32
        %parallel_loop3A_489 = vector.broadcast %parallel_loop3A_488 : i32 to vector<16xi32>
        %parallel_loop3A_490 = arith.andi %parallel_loop3A_486, %parallel_loop3A_489 : vector<16xi32>
        %parallel_loop3A_491 = arith.constant 16 : i32
        %parallel_loop3A_492 = vector.broadcast %parallel_loop3A_491 : i32 to vector<16xi32>
        %parallel_loop3A_493 = arith.shli %parallel_loop3A_487, %parallel_loop3A_492 : vector<16xi32>
        %parallel_loop3A_494 = arith.ori %parallel_loop3A_490, %parallel_loop3A_493 : vector<16xi32>
        %parallel_loop3A_495 = arith.constant 64 : i32
        %parallel_loop3A_496 = arith.addi %parallel_loop3A_495, %parallel_loop3A_359 : i32
        %parallel_loop3A_497 = arith.index_cast %parallel_loop3A_496 : i32 to index
        %parallel_loop3A_498 = arith.constant 64 : index
        %parallel_loop3A_499 = tpu.vector_load %arg9[%parallel_loop3A_497, %parallel_loop3A_498] {strides = array<i32>} : memref<128x128xi32, #tpu.memory_space<vmem>>, vector<1x16xi32>,
        %parallel_loop3A_500 = vector.shape_cast %parallel_loop3A_499 : vector<1x16xi32> to vector<16xi32>
        %parallel_loop3A_501 = vector.shape_cast %parallel_loop3A_494 : vector<16xi32> to vector<1x16xi32>
        tpu.vector_store %arg9[%parallel_loop3A_497, %parallel_loop3A_498], %parallel_loop3A_501 {strides = array<i32>} : memref<128x128xi32, #tpu.memory_space<vmem>>, vector<1x16xi32>,
        %parallel_loop3A_502 = arith.index_cast %parallel_loop3A_371 : i32 to index
        %parallel_loop3A_503 = arith.constant 80 : index
        %parallel_loop3A_504 = tpu.vector_load %arg8[%parallel_loop3A_502, %parallel_loop3A_503] {strides = array<i32>} : memref<256x128xi32, #tpu.memory_space<vmem>>, vector<1x16xi32>,
        %parallel_loop3A_505 = vector.shape_cast %parallel_loop3A_504 : vector<1x16xi32> to vector<16xi32>
        %parallel_loop3A_506 = arith.constant 1 : i32
        %parallel_loop3A_507 = arith.addi %parallel_loop3A_371, %parallel_loop3A_506 : i32
        %parallel_loop3A_508 = arith.index_cast %parallel_loop3A_507 : i32 to index
        %parallel_loop3A_509 = arith.constant 80 : index
        %parallel_loop3A_510 = tpu.vector_load %arg8[%parallel_loop3A_508, %parallel_loop3A_509] {strides = array<i32>} : memref<256x128xi32, #tpu.memory_space<vmem>>, vector<1x16xi32>,
        %parallel_loop3A_511 = vector.shape_cast %parallel_loop3A_510 : vector<1x16xi32> to vector<16xi32>
        %parallel_loop3A_512 = arith.shrui %parallel_loop3A_505, %parallel_loop3A_363 : vector<16xi32>
        %parallel_loop3A_513 = arith.shrui %parallel_loop3A_511, %parallel_loop3A_367 : vector<16xi32>
        %parallel_loop3A_514 = arith.constant 65535 : i32
        %parallel_loop3A_515 = vector.broadcast %parallel_loop3A_514 : i32 to vector<16xi32>
        %parallel_loop3A_516 = arith.andi %parallel_loop3A_512, %parallel_loop3A_515 : vector<16xi32>
        %parallel_loop3A_517 = arith.constant 16 : i32
        %parallel_loop3A_518 = vector.broadcast %parallel_loop3A_517 : i32 to vector<16xi32>
        %parallel_loop3A_519 = arith.shli %parallel_loop3A_513, %parallel_loop3A_518 : vector<16xi32>
        %parallel_loop3A_520 = arith.ori %parallel_loop3A_516, %parallel_loop3A_519 : vector<16xi32>
        %parallel_loop3A_521 = arith.constant 64 : i32
        %parallel_loop3A_522 = arith.addi %parallel_loop3A_521, %parallel_loop3A_359 : i32
        %parallel_loop3A_523 = arith.index_cast %parallel_loop3A_522 : i32 to index
        %parallel_loop3A_524 = arith.constant 80 : index
        %parallel_loop3A_525 = tpu.vector_load %arg9[%parallel_loop3A_523, %parallel_loop3A_524] {strides = array<i32>} : memref<128x128xi32, #tpu.memory_space<vmem>>, vector<1x16xi32>,
        %parallel_loop3A_526 = vector.shape_cast %parallel_loop3A_525 : vector<1x16xi32> to vector<16xi32>
        %parallel_loop3A_527 = vector.shape_cast %parallel_loop3A_520 : vector<16xi32> to vector<1x16xi32>
        tpu.vector_store %arg9[%parallel_loop3A_523, %parallel_loop3A_524], %parallel_loop3A_527 {strides = array<i32>} : memref<128x128xi32, #tpu.memory_space<vmem>>, vector<1x16xi32>,
        %parallel_loop3A_528 = arith.index_cast %parallel_loop3A_371 : i32 to index
        %parallel_loop3A_529 = arith.constant 96 : index
        %parallel_loop3A_530 = tpu.vector_load %arg8[%parallel_loop3A_528, %parallel_loop3A_529] {strides = array<i32>} : memref<256x128xi32, #tpu.memory_space<vmem>>, vector<1x16xi32>,
        %parallel_loop3A_531 = vector.shape_cast %parallel_loop3A_530 : vector<1x16xi32> to vector<16xi32>
        %parallel_loop3A_532 = arith.constant 1 : i32
        %parallel_loop3A_533 = arith.addi %parallel_loop3A_371, %parallel_loop3A_532 : i32
        %parallel_loop3A_534 = arith.index_cast %parallel_loop3A_533 : i32 to index
        %parallel_loop3A_535 = arith.constant 96 : index
        %parallel_loop3A_536 = tpu.vector_load %arg8[%parallel_loop3A_534, %parallel_loop3A_535] {strides = array<i32>} : memref<256x128xi32, #tpu.memory_space<vmem>>, vector<1x16xi32>,
        %parallel_loop3A_537 = vector.shape_cast %parallel_loop3A_536 : vector<1x16xi32> to vector<16xi32>
        %parallel_loop3A_538 = arith.shrui %parallel_loop3A_531, %parallel_loop3A_363 : vector<16xi32>
        %parallel_loop3A_539 = arith.shrui %parallel_loop3A_537, %parallel_loop3A_367 : vector<16xi32>
        %parallel_loop3A_540 = arith.constant 65535 : i32
        %parallel_loop3A_541 = vector.broadcast %parallel_loop3A_540 : i32 to vector<16xi32>
        %parallel_loop3A_542 = arith.andi %parallel_loop3A_538, %parallel_loop3A_541 : vector<16xi32>
        %parallel_loop3A_543 = arith.constant 16 : i32
        %parallel_loop3A_544 = vector.broadcast %parallel_loop3A_543 : i32 to vector<16xi32>
        %parallel_loop3A_545 = arith.shli %parallel_loop3A_539, %parallel_loop3A_544 : vector<16xi32>
        %parallel_loop3A_546 = arith.ori %parallel_loop3A_542, %parallel_loop3A_545 : vector<16xi32>
        %parallel_loop3A_547 = arith.constant 64 : i32
        %parallel_loop3A_548 = arith.addi %parallel_loop3A_547, %parallel_loop3A_359 : i32
        %parallel_loop3A_549 = arith.index_cast %parallel_loop3A_548 : i32 to index
        %parallel_loop3A_550 = arith.constant 96 : index
        %parallel_loop3A_551 = tpu.vector_load %arg9[%parallel_loop3A_549, %parallel_loop3A_550] {strides = array<i32>} : memref<128x128xi32, #tpu.memory_space<vmem>>, vector<1x16xi32>,
        %parallel_loop3A_552 = vector.shape_cast %parallel_loop3A_551 : vector<1x16xi32> to vector<16xi32>
        %parallel_loop3A_553 = vector.shape_cast %parallel_loop3A_546 : vector<16xi32> to vector<1x16xi32>
        tpu.vector_store %arg9[%parallel_loop3A_549, %parallel_loop3A_550], %parallel_loop3A_553 {strides = array<i32>} : memref<128x128xi32, #tpu.memory_space<vmem>>, vector<1x16xi32>,
        %parallel_loop3A_554 = arith.index_cast %parallel_loop3A_371 : i32 to index
        %parallel_loop3A_555 = arith.constant 112 : index
        %parallel_loop3A_556 = tpu.vector_load %arg8[%parallel_loop3A_554, %parallel_loop3A_555] {strides = array<i32>} : memref<256x128xi32, #tpu.memory_space<vmem>>, vector<1x16xi32>,
        %parallel_loop3A_557 = vector.shape_cast %parallel_loop3A_556 : vector<1x16xi32> to vector<16xi32>
        %parallel_loop3A_558 = arith.constant 1 : i32
        %parallel_loop3A_559 = arith.addi %parallel_loop3A_371, %parallel_loop3A_558 : i32
        %parallel_loop3A_560 = arith.index_cast %parallel_loop3A_559 : i32 to index
        %parallel_loop3A_561 = arith.constant 112 : index
        %parallel_loop3A_562 = tpu.vector_load %arg8[%parallel_loop3A_560, %parallel_loop3A_561] {strides = array<i32>} : memref<256x128xi32, #tpu.memory_space<vmem>>, vector<1x16xi32>,
        %parallel_loop3A_563 = vector.shape_cast %parallel_loop3A_562 : vector<1x16xi32> to vector<16xi32>
        %parallel_loop3A_564 = arith.shrui %parallel_loop3A_557, %parallel_loop3A_363 : vector<16xi32>
        %parallel_loop3A_565 = arith.shrui %parallel_loop3A_563, %parallel_loop3A_367 : vector<16xi32>
        %parallel_loop3A_566 = arith.constant 65535 : i32
        %parallel_loop3A_567 = vector.broadcast %parallel_loop3A_566 : i32 to vector<16xi32>
        %parallel_loop3A_568 = arith.andi %parallel_loop3A_564, %parallel_loop3A_567 : vector<16xi32>
        %parallel_loop3A_569 = arith.constant 16 : i32
        %parallel_loop3A_570 = vector.broadcast %parallel_loop3A_569 : i32 to vector<16xi32>
        %parallel_loop3A_571 = arith.shli %parallel_loop3A_565, %parallel_loop3A_570 : vector<16xi32>
        %parallel_loop3A_572 = arith.ori %parallel_loop3A_568, %parallel_loop3A_571 : vector<16xi32>
        %parallel_loop3A_573 = arith.constant 64 : i32
        %parallel_loop3A_574 = arith.addi %parallel_loop3A_573, %parallel_loop3A_359 : i32
        %parallel_loop3A_575 = arith.index_cast %parallel_loop3A_574 : i32 to index
        %parallel_loop3A_576 = arith.constant 112 : index
        %parallel_loop3A_577 = tpu.vector_load %arg9[%parallel_loop3A_575, %parallel_loop3A_576] {strides = array<i32>} : memref<128x128xi32, #tpu.memory_space<vmem>>, vector<1x16xi32>,
        %parallel_loop3A_578 = vector.shape_cast %parallel_loop3A_577 : vector<1x16xi32> to vector<16xi32>
        %parallel_loop3A_579 = vector.shape_cast %parallel_loop3A_572 : vector<16xi32> to vector<1x16xi32>
        tpu.vector_store %arg9[%parallel_loop3A_575, %parallel_loop3A_576], %parallel_loop3A_579 {strides = array<i32>} : memref<128x128xi32, #tpu.memory_space<vmem>>, vector<1x16xi32>,
        %parallel_loop3A_580 = arith.constant 8 : i32
        %parallel_loop3A_581 = arith.muli %parallel_loop3A_122, %parallel_loop3A_580 : i32
        %parallel_loop3A_582 = arith.constant 2 : i32
        %parallel_loop3A_583 = arith.addi %parallel_loop3A_581, %parallel_loop3A_582 : i32
        %parallel_loop3A_584 = arith.constant 4 : i32
        %parallel_loop3A_585 = vector.broadcast %parallel_loop3A_584 : i32 to vector<16x1xi32>
        %parallel_loop3A_586 = vector.shape_cast %parallel_loop3A_585 : vector<16x1xi32> to vector<16xi32>
        %parallel_loop3A_587 = tpu.dynamic_gather %parallel_loop3A_131[%parallel_loop3A_586] in [0] : vector<16xi32>, vector<16xi32> -> vector<16xi32>
        %parallel_loop3A_588 = arith.constant 5 : i32
        %parallel_loop3A_589 = vector.broadcast %parallel_loop3A_588 : i32 to vector<16x1xi32>
        %parallel_loop3A_590 = vector.shape_cast %parallel_loop3A_589 : vector<16x1xi32> to vector<16xi32>
        %parallel_loop3A_591 = tpu.dynamic_gather %parallel_loop3A_131[%parallel_loop3A_590] in [0] : vector<16xi32>, vector<16xi32> -> vector<16xi32>
        %parallel_loop3A_592 = arith.constant 2 : i32
        %parallel_loop3A_593 = arith.muli %parallel_loop3A_592, %parallel_loop3A_583 : i32
        %parallel_loop3A_594 = arith.constant 128 : i32
        %parallel_loop3A_595 = arith.addi %parallel_loop3A_594, %parallel_loop3A_593 : i32
        %parallel_loop3A_596 = arith.index_cast %parallel_loop3A_595 : i32 to index
        %parallel_loop3A_597 = arith.constant 0 : index
        %parallel_loop3A_598 = tpu.vector_load %arg8[%parallel_loop3A_596, %parallel_loop3A_597] {strides = array<i32>} : memref<256x128xi32, #tpu.memory_space<vmem>>, vector<1x16xi32>,
        %parallel_loop3A_599 = vector.shape_cast %parallel_loop3A_598 : vector<1x16xi32> to vector<16xi32>
        %parallel_loop3A_600 = arith.constant 1 : i32
        %parallel_loop3A_601 = arith.addi %parallel_loop3A_595, %parallel_loop3A_600 : i32
        %parallel_loop3A_602 = arith.index_cast %parallel_loop3A_601 : i32 to index
        %parallel_loop3A_603 = arith.constant 0 : index
        %parallel_loop3A_604 = tpu.vector_load %arg8[%parallel_loop3A_602, %parallel_loop3A_603] {strides = array<i32>} : memref<256x128xi32, #tpu.memory_space<vmem>>, vector<1x16xi32>,
        %parallel_loop3A_605 = vector.shape_cast %parallel_loop3A_604 : vector<1x16xi32> to vector<16xi32>
        %parallel_loop3A_606 = arith.shrui %parallel_loop3A_599, %parallel_loop3A_587 : vector<16xi32>
        %parallel_loop3A_607 = arith.shrui %parallel_loop3A_605, %parallel_loop3A_591 : vector<16xi32>
        %parallel_loop3A_608 = arith.constant 65535 : i32
        %parallel_loop3A_609 = vector.broadcast %parallel_loop3A_608 : i32 to vector<16xi32>
        %parallel_loop3A_610 = arith.andi %parallel_loop3A_606, %parallel_loop3A_609 : vector<16xi32>
        %parallel_loop3A_611 = arith.constant 16 : i32
        %parallel_loop3A_612 = vector.broadcast %parallel_loop3A_611 : i32 to vector<16xi32>
        %parallel_loop3A_613 = arith.shli %parallel_loop3A_607, %parallel_loop3A_612 : vector<16xi32>
        %parallel_loop3A_614 = arith.ori %parallel_loop3A_610, %parallel_loop3A_613 : vector<16xi32>
        %parallel_loop3A_615 = arith.constant 64 : i32
        %parallel_loop3A_616 = arith.addi %parallel_loop3A_615, %parallel_loop3A_583 : i32
        %parallel_loop3A_617 = arith.index_cast %parallel_loop3A_616 : i32 to index
        %parallel_loop3A_618 = arith.constant 0 : index
        %parallel_loop3A_619 = tpu.vector_load %arg9[%parallel_loop3A_617, %parallel_loop3A_618] {strides = array<i32>} : memref<128x128xi32, #tpu.memory_space<vmem>>, vector<1x16xi32>,
        %parallel_loop3A_620 = vector.shape_cast %parallel_loop3A_619 : vector<1x16xi32> to vector<16xi32>
        %parallel_loop3A_621 = vector.shape_cast %parallel_loop3A_614 : vector<16xi32> to vector<1x16xi32>
        tpu.vector_store %arg9[%parallel_loop3A_617, %parallel_loop3A_618], %parallel_loop3A_621 {strides = array<i32>} : memref<128x128xi32, #tpu.memory_space<vmem>>, vector<1x16xi32>,
        %parallel_loop3A_622 = arith.index_cast %parallel_loop3A_595 : i32 to index
        %parallel_loop3A_623 = arith.constant 16 : index
        %parallel_loop3A_624 = tpu.vector_load %arg8[%parallel_loop3A_622, %parallel_loop3A_623] {strides = array<i32>} : memref<256x128xi32, #tpu.memory_space<vmem>>, vector<1x16xi32>,
        %parallel_loop3A_625 = vector.shape_cast %parallel_loop3A_624 : vector<1x16xi32> to vector<16xi32>
        %parallel_loop3A_626 = arith.constant 1 : i32
        %parallel_loop3A_627 = arith.addi %parallel_loop3A_595, %parallel_loop3A_626 : i32
        %parallel_loop3A_628 = arith.index_cast %parallel_loop3A_627 : i32 to index
        %parallel_loop3A_629 = arith.constant 16 : index
        %parallel_loop3A_630 = tpu.vector_load %arg8[%parallel_loop3A_628, %parallel_loop3A_629] {strides = array<i32>} : memref<256x128xi32, #tpu.memory_space<vmem>>, vector<1x16xi32>,
        %parallel_loop3A_631 = vector.shape_cast %parallel_loop3A_630 : vector<1x16xi32> to vector<16xi32>
        %parallel_loop3A_632 = arith.shrui %parallel_loop3A_625, %parallel_loop3A_587 : vector<16xi32>
        %parallel_loop3A_633 = arith.shrui %parallel_loop3A_631, %parallel_loop3A_591 : vector<16xi32>
        %parallel_loop3A_634 = arith.constant 65535 : i32
        %parallel_loop3A_635 = vector.broadcast %parallel_loop3A_634 : i32 to vector<16xi32>
        %parallel_loop3A_636 = arith.andi %parallel_loop3A_632, %parallel_loop3A_635 : vector<16xi32>
        %parallel_loop3A_637 = arith.constant 16 : i32
        %parallel_loop3A_638 = vector.broadcast %parallel_loop3A_637 : i32 to vector<16xi32>
        %parallel_loop3A_639 = arith.shli %parallel_loop3A_633, %parallel_loop3A_638 : vector<16xi32>
        %parallel_loop3A_640 = arith.ori %parallel_loop3A_636, %parallel_loop3A_639 : vector<16xi32>
        %parallel_loop3A_641 = arith.constant 64 : i32
        %parallel_loop3A_642 = arith.addi %parallel_loop3A_641, %parallel_loop3A_583 : i32
        %parallel_loop3A_643 = arith.index_cast %parallel_loop3A_642 : i32 to index
        %parallel_loop3A_644 = arith.constant 16 : index
        %parallel_loop3A_645 = tpu.vector_load %arg9[%parallel_loop3A_643, %parallel_loop3A_644] {strides = array<i32>} : memref<128x128xi32, #tpu.memory_space<vmem>>, vector<1x16xi32>,
        %parallel_loop3A_646 = vector.shape_cast %parallel_loop3A_645 : vector<1x16xi32> to vector<16xi32>
        %parallel_loop3A_647 = vector.shape_cast %parallel_loop3A_640 : vector<16xi32> to vector<1x16xi32>
        tpu.vector_store %arg9[%parallel_loop3A_643, %parallel_loop3A_644], %parallel_loop3A_647 {strides = array<i32>} : memref<128x128xi32, #tpu.memory_space<vmem>>, vector<1x16xi32>,
        %parallel_loop3A_648 = arith.index_cast %parallel_loop3A_595 : i32 to index
        %parallel_loop3A_649 = arith.constant 32 : index
        %parallel_loop3A_650 = tpu.vector_load %arg8[%parallel_loop3A_648, %parallel_loop3A_649] {strides = array<i32>} : memref<256x128xi32, #tpu.memory_space<vmem>>, vector<1x16xi32>,
        %parallel_loop3A_651 = vector.shape_cast %parallel_loop3A_650 : vector<1x16xi32> to vector<16xi32>
        %parallel_loop3A_652 = arith.constant 1 : i32
        %parallel_loop3A_653 = arith.addi %parallel_loop3A_595, %parallel_loop3A_652 : i32
        %parallel_loop3A_654 = arith.index_cast %parallel_loop3A_653 : i32 to index
        %parallel_loop3A_655 = arith.constant 32 : index
        %parallel_loop3A_656 = tpu.vector_load %arg8[%parallel_loop3A_654, %parallel_loop3A_655] {strides = array<i32>} : memref<256x128xi32, #tpu.memory_space<vmem>>, vector<1x16xi32>,
        %parallel_loop3A_657 = vector.shape_cast %parallel_loop3A_656 : vector<1x16xi32> to vector<16xi32>
        %parallel_loop3A_658 = arith.shrui %parallel_loop3A_651, %parallel_loop3A_587 : vector<16xi32>
        %parallel_loop3A_659 = arith.shrui %parallel_loop3A_657, %parallel_loop3A_591 : vector<16xi32>
        %parallel_loop3A_660 = arith.constant 65535 : i32
        %parallel_loop3A_661 = vector.broadcast %parallel_loop3A_660 : i32 to vector<16xi32>
        %parallel_loop3A_662 = arith.andi %parallel_loop3A_658, %parallel_loop3A_661 : vector<16xi32>
        %parallel_loop3A_663 = arith.constant 16 : i32
        %parallel_loop3A_664 = vector.broadcast %parallel_loop3A_663 : i32 to vector<16xi32>
        %parallel_loop3A_665 = arith.shli %parallel_loop3A_659, %parallel_loop3A_664 : vector<16xi32>
        %parallel_loop3A_666 = arith.ori %parallel_loop3A_662, %parallel_loop3A_665 : vector<16xi32>
        %parallel_loop3A_667 = arith.constant 64 : i32
        %parallel_loop3A_668 = arith.addi %parallel_loop3A_667, %parallel_loop3A_583 : i32
        %parallel_loop3A_669 = arith.index_cast %parallel_loop3A_668 : i32 to index
        %parallel_loop3A_670 = arith.constant 32 : index
        %parallel_loop3A_671 = tpu.vector_load %arg9[%parallel_loop3A_669, %parallel_loop3A_670] {strides = array<i32>} : memref<128x128xi32, #tpu.memory_space<vmem>>, vector<1x16xi32>,
        %parallel_loop3A_672 = vector.shape_cast %parallel_loop3A_671 : vector<1x16xi32> to vector<16xi32>
        %parallel_loop3A_673 = vector.shape_cast %parallel_loop3A_666 : vector<16xi32> to vector<1x16xi32>
        tpu.vector_store %arg9[%parallel_loop3A_669, %parallel_loop3A_670], %parallel_loop3A_673 {strides = array<i32>} : memref<128x128xi32, #tpu.memory_space<vmem>>, vector<1x16xi32>,
        %parallel_loop3A_674 = arith.index_cast %parallel_loop3A_595 : i32 to index
        %parallel_loop3A_675 = arith.constant 48 : index
        %parallel_loop3A_676 = tpu.vector_load %arg8[%parallel_loop3A_674, %parallel_loop3A_675] {strides = array<i32>} : memref<256x128xi32, #tpu.memory_space<vmem>>, vector<1x16xi32>,
        %parallel_loop3A_677 = vector.shape_cast %parallel_loop3A_676 : vector<1x16xi32> to vector<16xi32>
        %parallel_loop3A_678 = arith.constant 1 : i32
        %parallel_loop3A_679 = arith.addi %parallel_loop3A_595, %parallel_loop3A_678 : i32
        %parallel_loop3A_680 = arith.index_cast %parallel_loop3A_679 : i32 to index
        %parallel_loop3A_681 = arith.constant 48 : index
        %parallel_loop3A_682 = tpu.vector_load %arg8[%parallel_loop3A_680, %parallel_loop3A_681] {strides = array<i32>} : memref<256x128xi32, #tpu.memory_space<vmem>>, vector<1x16xi32>,
        %parallel_loop3A_683 = vector.shape_cast %parallel_loop3A_682 : vector<1x16xi32> to vector<16xi32>
        %parallel_loop3A_684 = arith.shrui %parallel_loop3A_677, %parallel_loop3A_587 : vector<16xi32>
        %parallel_loop3A_685 = arith.shrui %parallel_loop3A_683, %parallel_loop3A_591 : vector<16xi32>
        %parallel_loop3A_686 = arith.constant 65535 : i32
        %parallel_loop3A_687 = vector.broadcast %parallel_loop3A_686 : i32 to vector<16xi32>
        %parallel_loop3A_688 = arith.andi %parallel_loop3A_684, %parallel_loop3A_687 : vector<16xi32>
        %parallel_loop3A_689 = arith.constant 16 : i32
        %parallel_loop3A_690 = vector.broadcast %parallel_loop3A_689 : i32 to vector<16xi32>
        %parallel_loop3A_691 = arith.shli %parallel_loop3A_685, %parallel_loop3A_690 : vector<16xi32>
        %parallel_loop3A_692 = arith.ori %parallel_loop3A_688, %parallel_loop3A_691 : vector<16xi32>
        %parallel_loop3A_693 = arith.constant 64 : i32
        %parallel_loop3A_694 = arith.addi %parallel_loop3A_693, %parallel_loop3A_583 : i32
        %parallel_loop3A_695 = arith.index_cast %parallel_loop3A_694 : i32 to index
        %parallel_loop3A_696 = arith.constant 48 : index
        %parallel_loop3A_697 = tpu.vector_load %arg9[%parallel_loop3A_695, %parallel_loop3A_696] {strides = array<i32>} : memref<128x128xi32, #tpu.memory_space<vmem>>, vector<1x16xi32>,
        %parallel_loop3A_698 = vector.shape_cast %parallel_loop3A_697 : vector<1x16xi32> to vector<16xi32>
        %parallel_loop3A_699 = vector.shape_cast %parallel_loop3A_692 : vector<16xi32> to vector<1x16xi32>
        tpu.vector_store %arg9[%parallel_loop3A_695, %parallel_loop3A_696], %parallel_loop3A_699 {strides = array<i32>} : memref<128x128xi32, #tpu.memory_space<vmem>>, vector<1x16xi32>,
        %parallel_loop3A_700 = arith.index_cast %parallel_loop3A_595 : i32 to index
        %parallel_loop3A_701 = arith.constant 64 : index
        %parallel_loop3A_702 = tpu.vector_load %arg8[%parallel_loop3A_700, %parallel_loop3A_701] {strides = array<i32>} : memref<256x128xi32, #tpu.memory_space<vmem>>, vector<1x16xi32>,
        %parallel_loop3A_703 = vector.shape_cast %parallel_loop3A_702 : vector<1x16xi32> to vector<16xi32>
        %parallel_loop3A_704 = arith.constant 1 : i32
        %parallel_loop3A_705 = arith.addi %parallel_loop3A_595, %parallel_loop3A_704 : i32
        %parallel_loop3A_706 = arith.index_cast %parallel_loop3A_705 : i32 to index
        %parallel_loop3A_707 = arith.constant 64 : index
        %parallel_loop3A_708 = tpu.vector_load %arg8[%parallel_loop3A_706, %parallel_loop3A_707] {strides = array<i32>} : memref<256x128xi32, #tpu.memory_space<vmem>>, vector<1x16xi32>,
        %parallel_loop3A_709 = vector.shape_cast %parallel_loop3A_708 : vector<1x16xi32> to vector<16xi32>
        %parallel_loop3A_710 = arith.shrui %parallel_loop3A_703, %parallel_loop3A_587 : vector<16xi32>
        %parallel_loop3A_711 = arith.shrui %parallel_loop3A_709, %parallel_loop3A_591 : vector<16xi32>
        %parallel_loop3A_712 = arith.constant 65535 : i32
        %parallel_loop3A_713 = vector.broadcast %parallel_loop3A_712 : i32 to vector<16xi32>
        %parallel_loop3A_714 = arith.andi %parallel_loop3A_710, %parallel_loop3A_713 : vector<16xi32>
        %parallel_loop3A_715 = arith.constant 16 : i32
        %parallel_loop3A_716 = vector.broadcast %parallel_loop3A_715 : i32 to vector<16xi32>
        %parallel_loop3A_717 = arith.shli %parallel_loop3A_711, %parallel_loop3A_716 : vector<16xi32>
        %parallel_loop3A_718 = arith.ori %parallel_loop3A_714, %parallel_loop3A_717 : vector<16xi32>
        %parallel_loop3A_719 = arith.constant 64 : i32
        %parallel_loop3A_720 = arith.addi %parallel_loop3A_719, %parallel_loop3A_583 : i32
        %parallel_loop3A_721 = arith.index_cast %parallel_loop3A_720 : i32 to index
        %parallel_loop3A_722 = arith.constant 64 : index
        %parallel_loop3A_723 = tpu.vector_load %arg9[%parallel_loop3A_721, %parallel_loop3A_722] {strides = array<i32>} : memref<128x128xi32, #tpu.memory_space<vmem>>, vector<1x16xi32>,
        %parallel_loop3A_724 = vector.shape_cast %parallel_loop3A_723 : vector<1x16xi32> to vector<16xi32>
        %parallel_loop3A_725 = vector.shape_cast %parallel_loop3A_718 : vector<16xi32> to vector<1x16xi32>
        tpu.vector_store %arg9[%parallel_loop3A_721, %parallel_loop3A_722], %parallel_loop3A_725 {strides = array<i32>} : memref<128x128xi32, #tpu.memory_space<vmem>>, vector<1x16xi32>,
        %parallel_loop3A_726 = arith.index_cast %parallel_loop3A_595 : i32 to index
        %parallel_loop3A_727 = arith.constant 80 : index
        %parallel_loop3A_728 = tpu.vector_load %arg8[%parallel_loop3A_726, %parallel_loop3A_727] {strides = array<i32>} : memref<256x128xi32, #tpu.memory_space<vmem>>, vector<1x16xi32>,
        %parallel_loop3A_729 = vector.shape_cast %parallel_loop3A_728 : vector<1x16xi32> to vector<16xi32>
        %parallel_loop3A_730 = arith.constant 1 : i32
        %parallel_loop3A_731 = arith.addi %parallel_loop3A_595, %parallel_loop3A_730 : i32
        %parallel_loop3A_732 = arith.index_cast %parallel_loop3A_731 : i32 to index
        %parallel_loop3A_733 = arith.constant 80 : index
        %parallel_loop3A_734 = tpu.vector_load %arg8[%parallel_loop3A_732, %parallel_loop3A_733] {strides = array<i32>} : memref<256x128xi32, #tpu.memory_space<vmem>>, vector<1x16xi32>,
        %parallel_loop3A_735 = vector.shape_cast %parallel_loop3A_734 : vector<1x16xi32> to vector<16xi32>
        %parallel_loop3A_736 = arith.shrui %parallel_loop3A_729, %parallel_loop3A_587 : vector<16xi32>
        %parallel_loop3A_737 = arith.shrui %parallel_loop3A_735, %parallel_loop3A_591 : vector<16xi32>
        %parallel_loop3A_738 = arith.constant 65535 : i32
        %parallel_loop3A_739 = vector.broadcast %parallel_loop3A_738 : i32 to vector<16xi32>
        %parallel_loop3A_740 = arith.andi %parallel_loop3A_736, %parallel_loop3A_739 : vector<16xi32>
        %parallel_loop3A_741 = arith.constant 16 : i32
        %parallel_loop3A_742 = vector.broadcast %parallel_loop3A_741 : i32 to vector<16xi32>
        %parallel_loop3A_743 = arith.shli %parallel_loop3A_737, %parallel_loop3A_742 : vector<16xi32>
        %parallel_loop3A_744 = arith.ori %parallel_loop3A_740, %parallel_loop3A_743 : vector<16xi32>
        %parallel_loop3A_745 = arith.constant 64 : i32
        %parallel_loop3A_746 = arith.addi %parallel_loop3A_745, %parallel_loop3A_583 : i32
        %parallel_loop3A_747 = arith.index_cast %parallel_loop3A_746 : i32 to index
        %parallel_loop3A_748 = arith.constant 80 : index
        %parallel_loop3A_749 = tpu.vector_load %arg9[%parallel_loop3A_747, %parallel_loop3A_748] {strides = array<i32>} : memref<128x128xi32, #tpu.memory_space<vmem>>, vector<1x16xi32>,
        %parallel_loop3A_750 = vector.shape_cast %parallel_loop3A_749 : vector<1x16xi32> to vector<16xi32>
        %parallel_loop3A_751 = vector.shape_cast %parallel_loop3A_744 : vector<16xi32> to vector<1x16xi32>
        tpu.vector_store %arg9[%parallel_loop3A_747, %parallel_loop3A_748], %parallel_loop3A_751 {strides = array<i32>} : memref<128x128xi32, #tpu.memory_space<vmem>>, vector<1x16xi32>,
        %parallel_loop3A_752 = arith.index_cast %parallel_loop3A_595 : i32 to index
        %parallel_loop3A_753 = arith.constant 96 : index
        %parallel_loop3A_754 = tpu.vector_load %arg8[%parallel_loop3A_752, %parallel_loop3A_753] {strides = array<i32>} : memref<256x128xi32, #tpu.memory_space<vmem>>, vector<1x16xi32>,
        %parallel_loop3A_755 = vector.shape_cast %parallel_loop3A_754 : vector<1x16xi32> to vector<16xi32>
        %parallel_loop3A_756 = arith.constant 1 : i32
        %parallel_loop3A_757 = arith.addi %parallel_loop3A_595, %parallel_loop3A_756 : i32
        %parallel_loop3A_758 = arith.index_cast %parallel_loop3A_757 : i32 to index
        %parallel_loop3A_759 = arith.constant 96 : index
        %parallel_loop3A_760 = tpu.vector_load %arg8[%parallel_loop3A_758, %parallel_loop3A_759] {strides = array<i32>} : memref<256x128xi32, #tpu.memory_space<vmem>>, vector<1x16xi32>,
        %parallel_loop3A_761 = vector.shape_cast %parallel_loop3A_760 : vector<1x16xi32> to vector<16xi32>
        %parallel_loop3A_762 = arith.shrui %parallel_loop3A_755, %parallel_loop3A_587 : vector<16xi32>
        %parallel_loop3A_763 = arith.shrui %parallel_loop3A_761, %parallel_loop3A_591 : vector<16xi32>
        %parallel_loop3A_764 = arith.constant 65535 : i32
        %parallel_loop3A_765 = vector.broadcast %parallel_loop3A_764 : i32 to vector<16xi32>
        %parallel_loop3A_766 = arith.andi %parallel_loop3A_762, %parallel_loop3A_765 : vector<16xi32>
        %parallel_loop3A_767 = arith.constant 16 : i32
        %parallel_loop3A_768 = vector.broadcast %parallel_loop3A_767 : i32 to vector<16xi32>
        %parallel_loop3A_769 = arith.shli %parallel_loop3A_763, %parallel_loop3A_768 : vector<16xi32>
        %parallel_loop3A_770 = arith.ori %parallel_loop3A_766, %parallel_loop3A_769 : vector<16xi32>
        %parallel_loop3A_771 = arith.constant 64 : i32
        %parallel_loop3A_772 = arith.addi %parallel_loop3A_771, %parallel_loop3A_583 : i32
        %parallel_loop3A_773 = arith.index_cast %parallel_loop3A_772 : i32 to index
        %parallel_loop3A_774 = arith.constant 96 : index
        %parallel_loop3A_775 = tpu.vector_load %arg9[%parallel_loop3A_773, %parallel_loop3A_774] {strides = array<i32>} : memref<128x128xi32, #tpu.memory_space<vmem>>, vector<1x16xi32>,
        %parallel_loop3A_776 = vector.shape_cast %parallel_loop3A_775 : vector<1x16xi32> to vector<16xi32>
        %parallel_loop3A_777 = vector.shape_cast %parallel_loop3A_770 : vector<16xi32> to vector<1x16xi32>
        tpu.vector_store %arg9[%parallel_loop3A_773, %parallel_loop3A_774], %parallel_loop3A_777 {strides = array<i32>} : memref<128x128xi32, #tpu.memory_space<vmem>>, vector<1x16xi32>,
        %parallel_loop3A_778 = arith.index_cast %parallel_loop3A_595 : i32 to index
        %parallel_loop3A_779 = arith.constant 112 : index
        %parallel_loop3A_780 = tpu.vector_load %arg8[%parallel_loop3A_778, %parallel_loop3A_779] {strides = array<i32>} : memref<256x128xi32, #tpu.memory_space<vmem>>, vector<1x16xi32>,
        %parallel_loop3A_781 = vector.shape_cast %parallel_loop3A_780 : vector<1x16xi32> to vector<16xi32>
        %parallel_loop3A_782 = arith.constant 1 : i32
        %parallel_loop3A_783 = arith.addi %parallel_loop3A_595, %parallel_loop3A_782 : i32
        %parallel_loop3A_784 = arith.index_cast %parallel_loop3A_783 : i32 to index
        %parallel_loop3A_785 = arith.constant 112 : index
        %parallel_loop3A_786 = tpu.vector_load %arg8[%parallel_loop3A_784, %parallel_loop3A_785] {strides = array<i32>} : memref<256x128xi32, #tpu.memory_space<vmem>>, vector<1x16xi32>,
        %parallel_loop3A_787 = vector.shape_cast %parallel_loop3A_786 : vector<1x16xi32> to vector<16xi32>
        %parallel_loop3A_788 = arith.shrui %parallel_loop3A_781, %parallel_loop3A_587 : vector<16xi32>
        %parallel_loop3A_789 = arith.shrui %parallel_loop3A_787, %parallel_loop3A_591 : vector<16xi32>
        %parallel_loop3A_790 = arith.constant 65535 : i32
        %parallel_loop3A_791 = vector.broadcast %parallel_loop3A_790 : i32 to vector<16xi32>
        %parallel_loop3A_792 = arith.andi %parallel_loop3A_788, %parallel_loop3A_791 : vector<16xi32>
        %parallel_loop3A_793 = arith.constant 16 : i32
        %parallel_loop3A_794 = vector.broadcast %parallel_loop3A_793 : i32 to vector<16xi32>
        %parallel_loop3A_795 = arith.shli %parallel_loop3A_789, %parallel_loop3A_794 : vector<16xi32>
        %parallel_loop3A_796 = arith.ori %parallel_loop3A_792, %parallel_loop3A_795 : vector<16xi32>
        %parallel_loop3A_797 = arith.constant 64 : i32
        %parallel_loop3A_798 = arith.addi %parallel_loop3A_797, %parallel_loop3A_583 : i32
        %parallel_loop3A_799 = arith.index_cast %parallel_loop3A_798 : i32 to index
        %parallel_loop3A_800 = arith.constant 112 : index
        %parallel_loop3A_801 = tpu.vector_load %arg9[%parallel_loop3A_799, %parallel_loop3A_800] {strides = array<i32>} : memref<128x128xi32, #tpu.memory_space<vmem>>, vector<1x16xi32>,
        %parallel_loop3A_802 = vector.shape_cast %parallel_loop3A_801 : vector<1x16xi32> to vector<16xi32>
        %parallel_loop3A_803 = vector.shape_cast %parallel_loop3A_796 : vector<16xi32> to vector<1x16xi32>
        tpu.vector_store %arg9[%parallel_loop3A_799, %parallel_loop3A_800], %parallel_loop3A_803 {strides = array<i32>} : memref<128x128xi32, #tpu.memory_space<vmem>>, vector<1x16xi32>,
        %parallel_loop3A_804 = arith.constant 8 : i32
        %parallel_loop3A_805 = arith.muli %parallel_loop3A_122, %parallel_loop3A_804 : i32
        %parallel_loop3A_806 = arith.constant 3 : i32
        %parallel_loop3A_807 = arith.addi %parallel_loop3A_805, %parallel_loop3A_806 : i32
        %parallel_loop3A_808 = arith.constant 6 : i32
        %parallel_loop3A_809 = vector.broadcast %parallel_loop3A_808 : i32 to vector<16x1xi32>
        %parallel_loop3A_810 = vector.shape_cast %parallel_loop3A_809 : vector<16x1xi32> to vector<16xi32>
        %parallel_loop3A_811 = tpu.dynamic_gather %parallel_loop3A_131[%parallel_loop3A_810] in [0] : vector<16xi32>, vector<16xi32> -> vector<16xi32>
        %parallel_loop3A_812 = arith.constant 7 : i32
        %parallel_loop3A_813 = vector.broadcast %parallel_loop3A_812 : i32 to vector<16x1xi32>
        %parallel_loop3A_814 = vector.shape_cast %parallel_loop3A_813 : vector<16x1xi32> to vector<16xi32>
        %parallel_loop3A_815 = tpu.dynamic_gather %parallel_loop3A_131[%parallel_loop3A_814] in [0] : vector<16xi32>, vector<16xi32> -> vector<16xi32>
        %parallel_loop3A_816 = arith.constant 2 : i32
        %parallel_loop3A_817 = arith.muli %parallel_loop3A_816, %parallel_loop3A_807 : i32
        %parallel_loop3A_818 = arith.constant 128 : i32
        %parallel_loop3A_819 = arith.addi %parallel_loop3A_818, %parallel_loop3A_817 : i32
        %parallel_loop3A_820 = arith.index_cast %parallel_loop3A_819 : i32 to index
        %parallel_loop3A_821 = arith.constant 0 : index
        %parallel_loop3A_822 = tpu.vector_load %arg8[%parallel_loop3A_820, %parallel_loop3A_821] {strides = array<i32>} : memref<256x128xi32, #tpu.memory_space<vmem>>, vector<1x16xi32>,
        %parallel_loop3A_823 = vector.shape_cast %parallel_loop3A_822 : vector<1x16xi32> to vector<16xi32>
        %parallel_loop3A_824 = arith.constant 1 : i32
        %parallel_loop3A_825 = arith.addi %parallel_loop3A_819, %parallel_loop3A_824 : i32
        %parallel_loop3A_826 = arith.index_cast %parallel_loop3A_825 : i32 to index
        %parallel_loop3A_827 = arith.constant 0 : index
        %parallel_loop3A_828 = tpu.vector_load %arg8[%parallel_loop3A_826, %parallel_loop3A_827] {strides = array<i32>} : memref<256x128xi32, #tpu.memory_space<vmem>>, vector<1x16xi32>,
        %parallel_loop3A_829 = vector.shape_cast %parallel_loop3A_828 : vector<1x16xi32> to vector<16xi32>
        %parallel_loop3A_830 = arith.shrui %parallel_loop3A_823, %parallel_loop3A_811 : vector<16xi32>
        %parallel_loop3A_831 = arith.shrui %parallel_loop3A_829, %parallel_loop3A_815 : vector<16xi32>
        %parallel_loop3A_832 = arith.constant 65535 : i32
        %parallel_loop3A_833 = vector.broadcast %parallel_loop3A_832 : i32 to vector<16xi32>
        %parallel_loop3A_834 = arith.andi %parallel_loop3A_830, %parallel_loop3A_833 : vector<16xi32>
        %parallel_loop3A_835 = arith.constant 16 : i32
        %parallel_loop3A_836 = vector.broadcast %parallel_loop3A_835 : i32 to vector<16xi32>
        %parallel_loop3A_837 = arith.shli %parallel_loop3A_831, %parallel_loop3A_836 : vector<16xi32>
        %parallel_loop3A_838 = arith.ori %parallel_loop3A_834, %parallel_loop3A_837 : vector<16xi32>
        %parallel_loop3A_839 = arith.constant 64 : i32
        %parallel_loop3A_840 = arith.addi %parallel_loop3A_839, %parallel_loop3A_807 : i32
        %parallel_loop3A_841 = arith.index_cast %parallel_loop3A_840 : i32 to index
        %parallel_loop3A_842 = arith.constant 0 : index
        %parallel_loop3A_843 = tpu.vector_load %arg9[%parallel_loop3A_841, %parallel_loop3A_842] {strides = array<i32>} : memref<128x128xi32, #tpu.memory_space<vmem>>, vector<1x16xi32>,
        %parallel_loop3A_844 = vector.shape_cast %parallel_loop3A_843 : vector<1x16xi32> to vector<16xi32>
        %parallel_loop3A_845 = vector.shape_cast %parallel_loop3A_838 : vector<16xi32> to vector<1x16xi32>
        tpu.vector_store %arg9[%parallel_loop3A_841, %parallel_loop3A_842], %parallel_loop3A_845 {strides = array<i32>} : memref<128x128xi32, #tpu.memory_space<vmem>>, vector<1x16xi32>,
        %parallel_loop3A_846 = arith.index_cast %parallel_loop3A_819 : i32 to index
        %parallel_loop3A_847 = arith.constant 16 : index
        %parallel_loop3A_848 = tpu.vector_load %arg8[%parallel_loop3A_846, %parallel_loop3A_847] {strides = array<i32>} : memref<256x128xi32, #tpu.memory_space<vmem>>, vector<1x16xi32>,
        %parallel_loop3A_849 = vector.shape_cast %parallel_loop3A_848 : vector<1x16xi32> to vector<16xi32>
        %parallel_loop3A_850 = arith.constant 1 : i32
        %parallel_loop3A_851 = arith.addi %parallel_loop3A_819, %parallel_loop3A_850 : i32
        %parallel_loop3A_852 = arith.index_cast %parallel_loop3A_851 : i32 to index
        %parallel_loop3A_853 = arith.constant 16 : index
        %parallel_loop3A_854 = tpu.vector_load %arg8[%parallel_loop3A_852, %parallel_loop3A_853] {strides = array<i32>} : memref<256x128xi32, #tpu.memory_space<vmem>>, vector<1x16xi32>,
        %parallel_loop3A_855 = vector.shape_cast %parallel_loop3A_854 : vector<1x16xi32> to vector<16xi32>
        %parallel_loop3A_856 = arith.shrui %parallel_loop3A_849, %parallel_loop3A_811 : vector<16xi32>
        %parallel_loop3A_857 = arith.shrui %parallel_loop3A_855, %parallel_loop3A_815 : vector<16xi32>
        %parallel_loop3A_858 = arith.constant 65535 : i32
        %parallel_loop3A_859 = vector.broadcast %parallel_loop3A_858 : i32 to vector<16xi32>
        %parallel_loop3A_860 = arith.andi %parallel_loop3A_856, %parallel_loop3A_859 : vector<16xi32>
        %parallel_loop3A_861 = arith.constant 16 : i32
        %parallel_loop3A_862 = vector.broadcast %parallel_loop3A_861 : i32 to vector<16xi32>
        %parallel_loop3A_863 = arith.shli %parallel_loop3A_857, %parallel_loop3A_862 : vector<16xi32>
        %parallel_loop3A_864 = arith.ori %parallel_loop3A_860, %parallel_loop3A_863 : vector<16xi32>
        %parallel_loop3A_865 = arith.constant 64 : i32
        %parallel_loop3A_866 = arith.addi %parallel_loop3A_865, %parallel_loop3A_807 : i32
        %parallel_loop3A_867 = arith.index_cast %parallel_loop3A_866 : i32 to index
        %parallel_loop3A_868 = arith.constant 16 : index
        %parallel_loop3A_869 = tpu.vector_load %arg9[%parallel_loop3A_867, %parallel_loop3A_868] {strides = array<i32>} : memref<128x128xi32, #tpu.memory_space<vmem>>, vector<1x16xi32>,
        %parallel_loop3A_870 = vector.shape_cast %parallel_loop3A_869 : vector<1x16xi32> to vector<16xi32>
        %parallel_loop3A_871 = vector.shape_cast %parallel_loop3A_864 : vector<16xi32> to vector<1x16xi32>
        tpu.vector_store %arg9[%parallel_loop3A_867, %parallel_loop3A_868], %parallel_loop3A_871 {strides = array<i32>} : memref<128x128xi32, #tpu.memory_space<vmem>>, vector<1x16xi32>,
        %parallel_loop3A_872 = arith.index_cast %parallel_loop3A_819 : i32 to index
        %parallel_loop3A_873 = arith.constant 32 : index
        %parallel_loop3A_874 = tpu.vector_load %arg8[%parallel_loop3A_872, %parallel_loop3A_873] {strides = array<i32>} : memref<256x128xi32, #tpu.memory_space<vmem>>, vector<1x16xi32>,
        %parallel_loop3A_875 = vector.shape_cast %parallel_loop3A_874 : vector<1x16xi32> to vector<16xi32>
        %parallel_loop3A_876 = arith.constant 1 : i32
        %parallel_loop3A_877 = arith.addi %parallel_loop3A_819, %parallel_loop3A_876 : i32
        %parallel_loop3A_878 = arith.index_cast %parallel_loop3A_877 : i32 to index
        %parallel_loop3A_879 = arith.constant 32 : index
        %parallel_loop3A_880 = tpu.vector_load %arg8[%parallel_loop3A_878, %parallel_loop3A_879] {strides = array<i32>} : memref<256x128xi32, #tpu.memory_space<vmem>>, vector<1x16xi32>,
        %parallel_loop3A_881 = vector.shape_cast %parallel_loop3A_880 : vector<1x16xi32> to vector<16xi32>
        %parallel_loop3A_882 = arith.shrui %parallel_loop3A_875, %parallel_loop3A_811 : vector<16xi32>
        %parallel_loop3A_883 = arith.shrui %parallel_loop3A_881, %parallel_loop3A_815 : vector<16xi32>
        %parallel_loop3A_884 = arith.constant 65535 : i32
        %parallel_loop3A_885 = vector.broadcast %parallel_loop3A_884 : i32 to vector<16xi32>
        %parallel_loop3A_886 = arith.andi %parallel_loop3A_882, %parallel_loop3A_885 : vector<16xi32>
        %parallel_loop3A_887 = arith.constant 16 : i32
        %parallel_loop3A_888 = vector.broadcast %parallel_loop3A_887 : i32 to vector<16xi32>
        %parallel_loop3A_889 = arith.shli %parallel_loop3A_883, %parallel_loop3A_888 : vector<16xi32>
        %parallel_loop3A_890 = arith.ori %parallel_loop3A_886, %parallel_loop3A_889 : vector<16xi32>
        %parallel_loop3A_891 = arith.constant 64 : i32
        %parallel_loop3A_892 = arith.addi %parallel_loop3A_891, %parallel_loop3A_807 : i32
        %parallel_loop3A_893 = arith.index_cast %parallel_loop3A_892 : i32 to index
        %parallel_loop3A_894 = arith.constant 32 : index
        %parallel_loop3A_895 = tpu.vector_load %arg9[%parallel_loop3A_893, %parallel_loop3A_894] {strides = array<i32>} : memref<128x128xi32, #tpu.memory_space<vmem>>, vector<1x16xi32>,
        %parallel_loop3A_896 = vector.shape_cast %parallel_loop3A_895 : vector<1x16xi32> to vector<16xi32>
        %parallel_loop3A_897 = vector.shape_cast %parallel_loop3A_890 : vector<16xi32> to vector<1x16xi32>
        tpu.vector_store %arg9[%parallel_loop3A_893, %parallel_loop3A_894], %parallel_loop3A_897 {strides = array<i32>} : memref<128x128xi32, #tpu.memory_space<vmem>>, vector<1x16xi32>,
        %parallel_loop3A_898 = arith.index_cast %parallel_loop3A_819 : i32 to index
        %parallel_loop3A_899 = arith.constant 48 : index
        %parallel_loop3A_900 = tpu.vector_load %arg8[%parallel_loop3A_898, %parallel_loop3A_899] {strides = array<i32>} : memref<256x128xi32, #tpu.memory_space<vmem>>, vector<1x16xi32>,
        %parallel_loop3A_901 = vector.shape_cast %parallel_loop3A_900 : vector<1x16xi32> to vector<16xi32>
        %parallel_loop3A_902 = arith.constant 1 : i32
        %parallel_loop3A_903 = arith.addi %parallel_loop3A_819, %parallel_loop3A_902 : i32
        %parallel_loop3A_904 = arith.index_cast %parallel_loop3A_903 : i32 to index
        %parallel_loop3A_905 = arith.constant 48 : index
        %parallel_loop3A_906 = tpu.vector_load %arg8[%parallel_loop3A_904, %parallel_loop3A_905] {strides = array<i32>} : memref<256x128xi32, #tpu.memory_space<vmem>>, vector<1x16xi32>,
        %parallel_loop3A_907 = vector.shape_cast %parallel_loop3A_906 : vector<1x16xi32> to vector<16xi32>
        %parallel_loop3A_908 = arith.shrui %parallel_loop3A_901, %parallel_loop3A_811 : vector<16xi32>
        %parallel_loop3A_909 = arith.shrui %parallel_loop3A_907, %parallel_loop3A_815 : vector<16xi32>
        %parallel_loop3A_910 = arith.constant 65535 : i32
        %parallel_loop3A_911 = vector.broadcast %parallel_loop3A_910 : i32 to vector<16xi32>
        %parallel_loop3A_912 = arith.andi %parallel_loop3A_908, %parallel_loop3A_911 : vector<16xi32>
        %parallel_loop3A_913 = arith.constant 16 : i32
        %parallel_loop3A_914 = vector.broadcast %parallel_loop3A_913 : i32 to vector<16xi32>
        %parallel_loop3A_915 = arith.shli %parallel_loop3A_909, %parallel_loop3A_914 : vector<16xi32>
        %parallel_loop3A_916 = arith.ori %parallel_loop3A_912, %parallel_loop3A_915 : vector<16xi32>
        %parallel_loop3A_917 = arith.constant 64 : i32
        %parallel_loop3A_918 = arith.addi %parallel_loop3A_917, %parallel_loop3A_807 : i32
        %parallel_loop3A_919 = arith.index_cast %parallel_loop3A_918 : i32 to index
        %parallel_loop3A_920 = arith.constant 48 : index
        %parallel_loop3A_921 = tpu.vector_load %arg9[%parallel_loop3A_919, %parallel_loop3A_920] {strides = array<i32>} : memref<128x128xi32, #tpu.memory_space<vmem>>, vector<1x16xi32>,
        %parallel_loop3A_922 = vector.shape_cast %parallel_loop3A_921 : vector<1x16xi32> to vector<16xi32>
        %parallel_loop3A_923 = vector.shape_cast %parallel_loop3A_916 : vector<16xi32> to vector<1x16xi32>
        tpu.vector_store %arg9[%parallel_loop3A_919, %parallel_loop3A_920], %parallel_loop3A_923 {strides = array<i32>} : memref<128x128xi32, #tpu.memory_space<vmem>>, vector<1x16xi32>,
        %parallel_loop3A_924 = arith.index_cast %parallel_loop3A_819 : i32 to index
        %parallel_loop3A_925 = arith.constant 64 : index
        %parallel_loop3A_926 = tpu.vector_load %arg8[%parallel_loop3A_924, %parallel_loop3A_925] {strides = array<i32>} : memref<256x128xi32, #tpu.memory_space<vmem>>, vector<1x16xi32>,
        %parallel_loop3A_927 = vector.shape_cast %parallel_loop3A_926 : vector<1x16xi32> to vector<16xi32>
        %parallel_loop3A_928 = arith.constant 1 : i32
        %parallel_loop3A_929 = arith.addi %parallel_loop3A_819, %parallel_loop3A_928 : i32
        %parallel_loop3A_930 = arith.index_cast %parallel_loop3A_929 : i32 to index
        %parallel_loop3A_931 = arith.constant 64 : index
        %parallel_loop3A_932 = tpu.vector_load %arg8[%parallel_loop3A_930, %parallel_loop3A_931] {strides = array<i32>} : memref<256x128xi32, #tpu.memory_space<vmem>>, vector<1x16xi32>,
        %parallel_loop3A_933 = vector.shape_cast %parallel_loop3A_932 : vector<1x16xi32> to vector<16xi32>
        %parallel_loop3A_934 = arith.shrui %parallel_loop3A_927, %parallel_loop3A_811 : vector<16xi32>
        %parallel_loop3A_935 = arith.shrui %parallel_loop3A_933, %parallel_loop3A_815 : vector<16xi32>
        %parallel_loop3A_936 = arith.constant 65535 : i32
        %parallel_loop3A_937 = vector.broadcast %parallel_loop3A_936 : i32 to vector<16xi32>
        %parallel_loop3A_938 = arith.andi %parallel_loop3A_934, %parallel_loop3A_937 : vector<16xi32>
        %parallel_loop3A_939 = arith.constant 16 : i32
        %parallel_loop3A_940 = vector.broadcast %parallel_loop3A_939 : i32 to vector<16xi32>
        %parallel_loop3A_941 = arith.shli %parallel_loop3A_935, %parallel_loop3A_940 : vector<16xi32>
        %parallel_loop3A_942 = arith.ori %parallel_loop3A_938, %parallel_loop3A_941 : vector<16xi32>
        %parallel_loop3A_943 = arith.constant 64 : i32
        %parallel_loop3A_944 = arith.addi %parallel_loop3A_943, %parallel_loop3A_807 : i32
        %parallel_loop3A_945 = arith.index_cast %parallel_loop3A_944 : i32 to index
        %parallel_loop3A_946 = arith.constant 64 : index
        %parallel_loop3A_947 = tpu.vector_load %arg9[%parallel_loop3A_945, %parallel_loop3A_946] {strides = array<i32>} : memref<128x128xi32, #tpu.memory_space<vmem>>, vector<1x16xi32>,
        %parallel_loop3A_948 = vector.shape_cast %parallel_loop3A_947 : vector<1x16xi32> to vector<16xi32>
        %parallel_loop3A_949 = vector.shape_cast %parallel_loop3A_942 : vector<16xi32> to vector<1x16xi32>
        tpu.vector_store %arg9[%parallel_loop3A_945, %parallel_loop3A_946], %parallel_loop3A_949 {strides = array<i32>} : memref<128x128xi32, #tpu.memory_space<vmem>>, vector<1x16xi32>,
        %parallel_loop3A_950 = arith.index_cast %parallel_loop3A_819 : i32 to index
        %parallel_loop3A_951 = arith.constant 80 : index
        %parallel_loop3A_952 = tpu.vector_load %arg8[%parallel_loop3A_950, %parallel_loop3A_951] {strides = array<i32>} : memref<256x128xi32, #tpu.memory_space<vmem>>, vector<1x16xi32>,
        %parallel_loop3A_953 = vector.shape_cast %parallel_loop3A_952 : vector<1x16xi32> to vector<16xi32>
        %parallel_loop3A_954 = arith.constant 1 : i32
        %parallel_loop3A_955 = arith.addi %parallel_loop3A_819, %parallel_loop3A_954 : i32
        %parallel_loop3A_956 = arith.index_cast %parallel_loop3A_955 : i32 to index
        %parallel_loop3A_957 = arith.constant 80 : index
        %parallel_loop3A_958 = tpu.vector_load %arg8[%parallel_loop3A_956, %parallel_loop3A_957] {strides = array<i32>} : memref<256x128xi32, #tpu.memory_space<vmem>>, vector<1x16xi32>,
        %parallel_loop3A_959 = vector.shape_cast %parallel_loop3A_958 : vector<1x16xi32> to vector<16xi32>
        %parallel_loop3A_960 = arith.shrui %parallel_loop3A_953, %parallel_loop3A_811 : vector<16xi32>
        %parallel_loop3A_961 = arith.shrui %parallel_loop3A_959, %parallel_loop3A_815 : vector<16xi32>
        %parallel_loop3A_962 = arith.constant 65535 : i32
        %parallel_loop3A_963 = vector.broadcast %parallel_loop3A_962 : i32 to vector<16xi32>
        %parallel_loop3A_964 = arith.andi %parallel_loop3A_960, %parallel_loop3A_963 : vector<16xi32>
        %parallel_loop3A_965 = arith.constant 16 : i32
        %parallel_loop3A_966 = vector.broadcast %parallel_loop3A_965 : i32 to vector<16xi32>
        %parallel_loop3A_967 = arith.shli %parallel_loop3A_961, %parallel_loop3A_966 : vector<16xi32>
        %parallel_loop3A_968 = arith.ori %parallel_loop3A_964, %parallel_loop3A_967 : vector<16xi32>
        %parallel_loop3A_969 = arith.constant 64 : i32
        %parallel_loop3A_970 = arith.addi %parallel_loop3A_969, %parallel_loop3A_807 : i32
        %parallel_loop3A_971 = arith.index_cast %parallel_loop3A_970 : i32 to index
        %parallel_loop3A_972 = arith.constant 80 : index
        %parallel_loop3A_973 = tpu.vector_load %arg9[%parallel_loop3A_971, %parallel_loop3A_972] {strides = array<i32>} : memref<128x128xi32, #tpu.memory_space<vmem>>, vector<1x16xi32>,
        %parallel_loop3A_974 = vector.shape_cast %parallel_loop3A_973 : vector<1x16xi32> to vector<16xi32>
        %parallel_loop3A_975 = vector.shape_cast %parallel_loop3A_968 : vector<16xi32> to vector<1x16xi32>
        tpu.vector_store %arg9[%parallel_loop3A_971, %parallel_loop3A_972], %parallel_loop3A_975 {strides = array<i32>} : memref<128x128xi32, #tpu.memory_space<vmem>>, vector<1x16xi32>,
        %parallel_loop3A_976 = arith.index_cast %parallel_loop3A_819 : i32 to index
        %parallel_loop3A_977 = arith.constant 96 : index
        %parallel_loop3A_978 = tpu.vector_load %arg8[%parallel_loop3A_976, %parallel_loop3A_977] {strides = array<i32>} : memref<256x128xi32, #tpu.memory_space<vmem>>, vector<1x16xi32>,
        %parallel_loop3A_979 = vector.shape_cast %parallel_loop3A_978 : vector<1x16xi32> to vector<16xi32>
        %parallel_loop3A_980 = arith.constant 1 : i32
        %parallel_loop3A_981 = arith.addi %parallel_loop3A_819, %parallel_loop3A_980 : i32
        %parallel_loop3A_982 = arith.index_cast %parallel_loop3A_981 : i32 to index
        %parallel_loop3A_983 = arith.constant 96 : index
        %parallel_loop3A_984 = tpu.vector_load %arg8[%parallel_loop3A_982, %parallel_loop3A_983] {strides = array<i32>} : memref<256x128xi32, #tpu.memory_space<vmem>>, vector<1x16xi32>,
        %parallel_loop3A_985 = vector.shape_cast %parallel_loop3A_984 : vector<1x16xi32> to vector<16xi32>
        %parallel_loop3A_986 = arith.shrui %parallel_loop3A_979, %parallel_loop3A_811 : vector<16xi32>
        %parallel_loop3A_987 = arith.shrui %parallel_loop3A_985, %parallel_loop3A_815 : vector<16xi32>
        %parallel_loop3A_988 = arith.constant 65535 : i32
        %parallel_loop3A_989 = vector.broadcast %parallel_loop3A_988 : i32 to vector<16xi32>
        %parallel_loop3A_990 = arith.andi %parallel_loop3A_986, %parallel_loop3A_989 : vector<16xi32>
        %parallel_loop3A_991 = arith.constant 16 : i32
        %parallel_loop3A_992 = vector.broadcast %parallel_loop3A_991 : i32 to vector<16xi32>
        %parallel_loop3A_993 = arith.shli %parallel_loop3A_987, %parallel_loop3A_992 : vector<16xi32>
        %parallel_loop3A_994 = arith.ori %parallel_loop3A_990, %parallel_loop3A_993 : vector<16xi32>
        %parallel_loop3A_995 = arith.constant 64 : i32
        %parallel_loop3A_996 = arith.addi %parallel_loop3A_995, %parallel_loop3A_807 : i32
        %parallel_loop3A_997 = arith.index_cast %parallel_loop3A_996 : i32 to index
        %parallel_loop3A_998 = arith.constant 96 : index
        %parallel_loop3A_999 = tpu.vector_load %arg9[%parallel_loop3A_997, %parallel_loop3A_998] {strides = array<i32>} : memref<128x128xi32, #tpu.memory_space<vmem>>, vector<1x16xi32>,
        %parallel_loop3A_1000 = vector.shape_cast %parallel_loop3A_999 : vector<1x16xi32> to vector<16xi32>
        %parallel_loop3A_1001 = vector.shape_cast %parallel_loop3A_994 : vector<16xi32> to vector<1x16xi32>
        tpu.vector_store %arg9[%parallel_loop3A_997, %parallel_loop3A_998], %parallel_loop3A_1001 {strides = array<i32>} : memref<128x128xi32, #tpu.memory_space<vmem>>, vector<1x16xi32>,
        %parallel_loop3A_1002 = arith.index_cast %parallel_loop3A_819 : i32 to index
        %parallel_loop3A_1003 = arith.constant 112 : index
        %parallel_loop3A_1004 = tpu.vector_load %arg8[%parallel_loop3A_1002, %parallel_loop3A_1003] {strides = array<i32>} : memref<256x128xi32, #tpu.memory_space<vmem>>, vector<1x16xi32>,
        %parallel_loop3A_1005 = vector.shape_cast %parallel_loop3A_1004 : vector<1x16xi32> to vector<16xi32>
        %parallel_loop3A_1006 = arith.constant 1 : i32
        %parallel_loop3A_1007 = arith.addi %parallel_loop3A_819, %parallel_loop3A_1006 : i32
        %parallel_loop3A_1008 = arith.index_cast %parallel_loop3A_1007 : i32 to index
        %parallel_loop3A_1009 = arith.constant 112 : index
        %parallel_loop3A_1010 = tpu.vector_load %arg8[%parallel_loop3A_1008, %parallel_loop3A_1009] {strides = array<i32>} : memref<256x128xi32, #tpu.memory_space<vmem>>, vector<1x16xi32>,
        %parallel_loop3A_1011 = vector.shape_cast %parallel_loop3A_1010 : vector<1x16xi32> to vector<16xi32>
        %parallel_loop3A_1012 = arith.shrui %parallel_loop3A_1005, %parallel_loop3A_811 : vector<16xi32>
        %parallel_loop3A_1013 = arith.shrui %parallel_loop3A_1011, %parallel_loop3A_815 : vector<16xi32>
        %parallel_loop3A_1014 = arith.constant 65535 : i32
        %parallel_loop3A_1015 = vector.broadcast %parallel_loop3A_1014 : i32 to vector<16xi32>
        %parallel_loop3A_1016 = arith.andi %parallel_loop3A_1012, %parallel_loop3A_1015 : vector<16xi32>
        %parallel_loop3A_1017 = arith.constant 16 : i32
        %parallel_loop3A_1018 = vector.broadcast %parallel_loop3A_1017 : i32 to vector<16xi32>
        %parallel_loop3A_1019 = arith.shli %parallel_loop3A_1013, %parallel_loop3A_1018 : vector<16xi32>
        %parallel_loop3A_1020 = arith.ori %parallel_loop3A_1016, %parallel_loop3A_1019 : vector<16xi32>
        %parallel_loop3A_1021 = arith.constant 64 : i32
        %parallel_loop3A_1022 = arith.addi %parallel_loop3A_1021, %parallel_loop3A_807 : i32
        %parallel_loop3A_1023 = arith.index_cast %parallel_loop3A_1022 : i32 to index
        %parallel_loop3A_1024 = arith.constant 112 : index
        %parallel_loop3A_1025 = tpu.vector_load %arg9[%parallel_loop3A_1023, %parallel_loop3A_1024] {strides = array<i32>} : memref<128x128xi32, #tpu.memory_space<vmem>>, vector<1x16xi32>,
        %parallel_loop3A_1026 = vector.shape_cast %parallel_loop3A_1025 : vector<1x16xi32> to vector<16xi32>
        %parallel_loop3A_1027 = vector.shape_cast %parallel_loop3A_1020 : vector<16xi32> to vector<1x16xi32>
        tpu.vector_store %arg9[%parallel_loop3A_1023, %parallel_loop3A_1024], %parallel_loop3A_1027 {strides = array<i32>} : memref<128x128xi32, #tpu.memory_space<vmem>>, vector<1x16xi32>,
        %parallel_loop3A_1028 = arith.constant 8 : i32
        %parallel_loop3A_1029 = arith.muli %parallel_loop3A_122, %parallel_loop3A_1028 : i32
        %parallel_loop3A_1030 = arith.constant 4 : i32
        %parallel_loop3A_1031 = arith.addi %parallel_loop3A_1029, %parallel_loop3A_1030 : i32
        %parallel_loop3A_1032 = arith.constant 8 : i32
        %parallel_loop3A_1033 = vector.broadcast %parallel_loop3A_1032 : i32 to vector<16x1xi32>
        %parallel_loop3A_1034 = vector.shape_cast %parallel_loop3A_1033 : vector<16x1xi32> to vector<16xi32>
        %parallel_loop3A_1035 = tpu.dynamic_gather %parallel_loop3A_131[%parallel_loop3A_1034] in [0] : vector<16xi32>, vector<16xi32> -> vector<16xi32>
        %parallel_loop3A_1036 = arith.constant 9 : i32
        %parallel_loop3A_1037 = vector.broadcast %parallel_loop3A_1036 : i32 to vector<16x1xi32>
        %parallel_loop3A_1038 = vector.shape_cast %parallel_loop3A_1037 : vector<16x1xi32> to vector<16xi32>
        %parallel_loop3A_1039 = tpu.dynamic_gather %parallel_loop3A_131[%parallel_loop3A_1038] in [0] : vector<16xi32>, vector<16xi32> -> vector<16xi32>
        %parallel_loop3A_1040 = arith.constant 2 : i32
        %parallel_loop3A_1041 = arith.muli %parallel_loop3A_1040, %parallel_loop3A_1031 : i32
        %parallel_loop3A_1042 = arith.constant 128 : i32
        %parallel_loop3A_1043 = arith.addi %parallel_loop3A_1042, %parallel_loop3A_1041 : i32
        %parallel_loop3A_1044 = arith.index_cast %parallel_loop3A_1043 : i32 to index
        %parallel_loop3A_1045 = arith.constant 0 : index
        %parallel_loop3A_1046 = tpu.vector_load %arg8[%parallel_loop3A_1044, %parallel_loop3A_1045] {strides = array<i32>} : memref<256x128xi32, #tpu.memory_space<vmem>>, vector<1x16xi32>,
        %parallel_loop3A_1047 = vector.shape_cast %parallel_loop3A_1046 : vector<1x16xi32> to vector<16xi32>
        %parallel_loop3A_1048 = arith.constant 1 : i32
        %parallel_loop3A_1049 = arith.addi %parallel_loop3A_1043, %parallel_loop3A_1048 : i32
        %parallel_loop3A_1050 = arith.index_cast %parallel_loop3A_1049 : i32 to index
        %parallel_loop3A_1051 = arith.constant 0 : index
        %parallel_loop3A_1052 = tpu.vector_load %arg8[%parallel_loop3A_1050, %parallel_loop3A_1051] {strides = array<i32>} : memref<256x128xi32, #tpu.memory_space<vmem>>, vector<1x16xi32>,
        %parallel_loop3A_1053 = vector.shape_cast %parallel_loop3A_1052 : vector<1x16xi32> to vector<16xi32>
        %parallel_loop3A_1054 = arith.shrui %parallel_loop3A_1047, %parallel_loop3A_1035 : vector<16xi32>
        %parallel_loop3A_1055 = arith.shrui %parallel_loop3A_1053, %parallel_loop3A_1039 : vector<16xi32>
        %parallel_loop3A_1056 = arith.constant 65535 : i32
        %parallel_loop3A_1057 = vector.broadcast %parallel_loop3A_1056 : i32 to vector<16xi32>
        %parallel_loop3A_1058 = arith.andi %parallel_loop3A_1054, %parallel_loop3A_1057 : vector<16xi32>
        %parallel_loop3A_1059 = arith.constant 16 : i32
        %parallel_loop3A_1060 = vector.broadcast %parallel_loop3A_1059 : i32 to vector<16xi32>
        %parallel_loop3A_1061 = arith.shli %parallel_loop3A_1055, %parallel_loop3A_1060 : vector<16xi32>
        %parallel_loop3A_1062 = arith.ori %parallel_loop3A_1058, %parallel_loop3A_1061 : vector<16xi32>
        %parallel_loop3A_1063 = arith.constant 64 : i32
        %parallel_loop3A_1064 = arith.addi %parallel_loop3A_1063, %parallel_loop3A_1031 : i32
        %parallel_loop3A_1065 = arith.index_cast %parallel_loop3A_1064 : i32 to index
        %parallel_loop3A_1066 = arith.constant 0 : index
        %parallel_loop3A_1067 = tpu.vector_load %arg9[%parallel_loop3A_1065, %parallel_loop3A_1066] {strides = array<i32>} : memref<128x128xi32, #tpu.memory_space<vmem>>, vector<1x16xi32>,
        %parallel_loop3A_1068 = vector.shape_cast %parallel_loop3A_1067 : vector<1x16xi32> to vector<16xi32>
        %parallel_loop3A_1069 = vector.shape_cast %parallel_loop3A_1062 : vector<16xi32> to vector<1x16xi32>
        tpu.vector_store %arg9[%parallel_loop3A_1065, %parallel_loop3A_1066], %parallel_loop3A_1069 {strides = array<i32>} : memref<128x128xi32, #tpu.memory_space<vmem>>, vector<1x16xi32>,
        %parallel_loop3A_1070 = arith.index_cast %parallel_loop3A_1043 : i32 to index
        %parallel_loop3A_1071 = arith.constant 16 : index
        %parallel_loop3A_1072 = tpu.vector_load %arg8[%parallel_loop3A_1070, %parallel_loop3A_1071] {strides = array<i32>} : memref<256x128xi32, #tpu.memory_space<vmem>>, vector<1x16xi32>,
        %parallel_loop3A_1073 = vector.shape_cast %parallel_loop3A_1072 : vector<1x16xi32> to vector<16xi32>
        %parallel_loop3A_1074 = arith.constant 1 : i32
        %parallel_loop3A_1075 = arith.addi %parallel_loop3A_1043, %parallel_loop3A_1074 : i32
        %parallel_loop3A_1076 = arith.index_cast %parallel_loop3A_1075 : i32 to index
        %parallel_loop3A_1077 = arith.constant 16 : index
        %parallel_loop3A_1078 = tpu.vector_load %arg8[%parallel_loop3A_1076, %parallel_loop3A_1077] {strides = array<i32>} : memref<256x128xi32, #tpu.memory_space<vmem>>, vector<1x16xi32>,
        %parallel_loop3A_1079 = vector.shape_cast %parallel_loop3A_1078 : vector<1x16xi32> to vector<16xi32>
        %parallel_loop3A_1080 = arith.shrui %parallel_loop3A_1073, %parallel_loop3A_1035 : vector<16xi32>
        %parallel_loop3A_1081 = arith.shrui %parallel_loop3A_1079, %parallel_loop3A_1039 : vector<16xi32>
        %parallel_loop3A_1082 = arith.constant 65535 : i32
        %parallel_loop3A_1083 = vector.broadcast %parallel_loop3A_1082 : i32 to vector<16xi32>
        %parallel_loop3A_1084 = arith.andi %parallel_loop3A_1080, %parallel_loop3A_1083 : vector<16xi32>
        %parallel_loop3A_1085 = arith.constant 16 : i32
        %parallel_loop3A_1086 = vector.broadcast %parallel_loop3A_1085 : i32 to vector<16xi32>
        %parallel_loop3A_1087 = arith.shli %parallel_loop3A_1081, %parallel_loop3A_1086 : vector<16xi32>
        %parallel_loop3A_1088 = arith.ori %parallel_loop3A_1084, %parallel_loop3A_1087 : vector<16xi32>
        %parallel_loop3A_1089 = arith.constant 64 : i32
        %parallel_loop3A_1090 = arith.addi %parallel_loop3A_1089, %parallel_loop3A_1031 : i32
        %parallel_loop3A_1091 = arith.index_cast %parallel_loop3A_1090 : i32 to index
        %parallel_loop3A_1092 = arith.constant 16 : index
        %parallel_loop3A_1093 = tpu.vector_load %arg9[%parallel_loop3A_1091, %parallel_loop3A_1092] {strides = array<i32>} : memref<128x128xi32, #tpu.memory_space<vmem>>, vector<1x16xi32>,
        %parallel_loop3A_1094 = vector.shape_cast %parallel_loop3A_1093 : vector<1x16xi32> to vector<16xi32>
        %parallel_loop3A_1095 = vector.shape_cast %parallel_loop3A_1088 : vector<16xi32> to vector<1x16xi32>
        tpu.vector_store %arg9[%parallel_loop3A_1091, %parallel_loop3A_1092], %parallel_loop3A_1095 {strides = array<i32>} : memref<128x128xi32, #tpu.memory_space<vmem>>, vector<1x16xi32>,
        %parallel_loop3A_1096 = arith.index_cast %parallel_loop3A_1043 : i32 to index
        %parallel_loop3A_1097 = arith.constant 32 : index
        %parallel_loop3A_1098 = tpu.vector_load %arg8[%parallel_loop3A_1096, %parallel_loop3A_1097] {strides = array<i32>} : memref<256x128xi32, #tpu.memory_space<vmem>>, vector<1x16xi32>,
        %parallel_loop3A_1099 = vector.shape_cast %parallel_loop3A_1098 : vector<1x16xi32> to vector<16xi32>
        %parallel_loop3A_1100 = arith.constant 1 : i32
        %parallel_loop3A_1101 = arith.addi %parallel_loop3A_1043, %parallel_loop3A_1100 : i32
        %parallel_loop3A_1102 = arith.index_cast %parallel_loop3A_1101 : i32 to index
        %parallel_loop3A_1103 = arith.constant 32 : index
        %parallel_loop3A_1104 = tpu.vector_load %arg8[%parallel_loop3A_1102, %parallel_loop3A_1103] {strides = array<i32>} : memref<256x128xi32, #tpu.memory_space<vmem>>, vector<1x16xi32>,
        %parallel_loop3A_1105 = vector.shape_cast %parallel_loop3A_1104 : vector<1x16xi32> to vector<16xi32>
        %parallel_loop3A_1106 = arith.shrui %parallel_loop3A_1099, %parallel_loop3A_1035 : vector<16xi32>
        %parallel_loop3A_1107 = arith.shrui %parallel_loop3A_1105, %parallel_loop3A_1039 : vector<16xi32>
        %parallel_loop3A_1108 = arith.constant 65535 : i32
        %parallel_loop3A_1109 = vector.broadcast %parallel_loop3A_1108 : i32 to vector<16xi32>
        %parallel_loop3A_1110 = arith.andi %parallel_loop3A_1106, %parallel_loop3A_1109 : vector<16xi32>
        %parallel_loop3A_1111 = arith.constant 16 : i32
        %parallel_loop3A_1112 = vector.broadcast %parallel_loop3A_1111 : i32 to vector<16xi32>
        %parallel_loop3A_1113 = arith.shli %parallel_loop3A_1107, %parallel_loop3A_1112 : vector<16xi32>
        %parallel_loop3A_1114 = arith.ori %parallel_loop3A_1110, %parallel_loop3A_1113 : vector<16xi32>
        %parallel_loop3A_1115 = arith.constant 64 : i32
        %parallel_loop3A_1116 = arith.addi %parallel_loop3A_1115, %parallel_loop3A_1031 : i32
        %parallel_loop3A_1117 = arith.index_cast %parallel_loop3A_1116 : i32 to index
        %parallel_loop3A_1118 = arith.constant 32 : index
        %parallel_loop3A_1119 = tpu.vector_load %arg9[%parallel_loop3A_1117, %parallel_loop3A_1118] {strides = array<i32>} : memref<128x128xi32, #tpu.memory_space<vmem>>, vector<1x16xi32>,
        %parallel_loop3A_1120 = vector.shape_cast %parallel_loop3A_1119 : vector<1x16xi32> to vector<16xi32>
        %parallel_loop3A_1121 = vector.shape_cast %parallel_loop3A_1114 : vector<16xi32> to vector<1x16xi32>
        tpu.vector_store %arg9[%parallel_loop3A_1117, %parallel_loop3A_1118], %parallel_loop3A_1121 {strides = array<i32>} : memref<128x128xi32, #tpu.memory_space<vmem>>, vector<1x16xi32>,
        %parallel_loop3A_1122 = arith.index_cast %parallel_loop3A_1043 : i32 to index
        %parallel_loop3A_1123 = arith.constant 48 : index
        %parallel_loop3A_1124 = tpu.vector_load %arg8[%parallel_loop3A_1122, %parallel_loop3A_1123] {strides = array<i32>} : memref<256x128xi32, #tpu.memory_space<vmem>>, vector<1x16xi32>,
        %parallel_loop3A_1125 = vector.shape_cast %parallel_loop3A_1124 : vector<1x16xi32> to vector<16xi32>
        %parallel_loop3A_1126 = arith.constant 1 : i32
        %parallel_loop3A_1127 = arith.addi %parallel_loop3A_1043, %parallel_loop3A_1126 : i32
        %parallel_loop3A_1128 = arith.index_cast %parallel_loop3A_1127 : i32 to index
        %parallel_loop3A_1129 = arith.constant 48 : index
        %parallel_loop3A_1130 = tpu.vector_load %arg8[%parallel_loop3A_1128, %parallel_loop3A_1129] {strides = array<i32>} : memref<256x128xi32, #tpu.memory_space<vmem>>, vector<1x16xi32>,
        %parallel_loop3A_1131 = vector.shape_cast %parallel_loop3A_1130 : vector<1x16xi32> to vector<16xi32>
        %parallel_loop3A_1132 = arith.shrui %parallel_loop3A_1125, %parallel_loop3A_1035 : vector<16xi32>
        %parallel_loop3A_1133 = arith.shrui %parallel_loop3A_1131, %parallel_loop3A_1039 : vector<16xi32>
        %parallel_loop3A_1134 = arith.constant 65535 : i32
        %parallel_loop3A_1135 = vector.broadcast %parallel_loop3A_1134 : i32 to vector<16xi32>
        %parallel_loop3A_1136 = arith.andi %parallel_loop3A_1132, %parallel_loop3A_1135 : vector<16xi32>
        %parallel_loop3A_1137 = arith.constant 16 : i32
        %parallel_loop3A_1138 = vector.broadcast %parallel_loop3A_1137 : i32 to vector<16xi32>
        %parallel_loop3A_1139 = arith.shli %parallel_loop3A_1133, %parallel_loop3A_1138 : vector<16xi32>
        %parallel_loop3A_1140 = arith.ori %parallel_loop3A_1136, %parallel_loop3A_1139 : vector<16xi32>
        %parallel_loop3A_1141 = arith.constant 64 : i32
        %parallel_loop3A_1142 = arith.addi %parallel_loop3A_1141, %parallel_loop3A_1031 : i32
        %parallel_loop3A_1143 = arith.index_cast %parallel_loop3A_1142 : i32 to index
        %parallel_loop3A_1144 = arith.constant 48 : index
        %parallel_loop3A_1145 = tpu.vector_load %arg9[%parallel_loop3A_1143, %parallel_loop3A_1144] {strides = array<i32>} : memref<128x128xi32, #tpu.memory_space<vmem>>, vector<1x16xi32>,
        %parallel_loop3A_1146 = vector.shape_cast %parallel_loop3A_1145 : vector<1x16xi32> to vector<16xi32>
        %parallel_loop3A_1147 = vector.shape_cast %parallel_loop3A_1140 : vector<16xi32> to vector<1x16xi32>
        tpu.vector_store %arg9[%parallel_loop3A_1143, %parallel_loop3A_1144], %parallel_loop3A_1147 {strides = array<i32>} : memref<128x128xi32, #tpu.memory_space<vmem>>, vector<1x16xi32>,
        %parallel_loop3A_1148 = arith.index_cast %parallel_loop3A_1043 : i32 to index
        %parallel_loop3A_1149 = arith.constant 64 : index
        %parallel_loop3A_1150 = tpu.vector_load %arg8[%parallel_loop3A_1148, %parallel_loop3A_1149] {strides = array<i32>} : memref<256x128xi32, #tpu.memory_space<vmem>>, vector<1x16xi32>,
        %parallel_loop3A_1151 = vector.shape_cast %parallel_loop3A_1150 : vector<1x16xi32> to vector<16xi32>
        %parallel_loop3A_1152 = arith.constant 1 : i32
        %parallel_loop3A_1153 = arith.addi %parallel_loop3A_1043, %parallel_loop3A_1152 : i32
        %parallel_loop3A_1154 = arith.index_cast %parallel_loop3A_1153 : i32 to index
        %parallel_loop3A_1155 = arith.constant 64 : index
        %parallel_loop3A_1156 = tpu.vector_load %arg8[%parallel_loop3A_1154, %parallel_loop3A_1155] {strides = array<i32>} : memref<256x128xi32, #tpu.memory_space<vmem>>, vector<1x16xi32>,
        %parallel_loop3A_1157 = vector.shape_cast %parallel_loop3A_1156 : vector<1x16xi32> to vector<16xi32>
        %parallel_loop3A_1158 = arith.shrui %parallel_loop3A_1151, %parallel_loop3A_1035 : vector<16xi32>
        %parallel_loop3A_1159 = arith.shrui %parallel_loop3A_1157, %parallel_loop3A_1039 : vector<16xi32>
        %parallel_loop3A_1160 = arith.constant 65535 : i32
        %parallel_loop3A_1161 = vector.broadcast %parallel_loop3A_1160 : i32 to vector<16xi32>
        %parallel_loop3A_1162 = arith.andi %parallel_loop3A_1158, %parallel_loop3A_1161 : vector<16xi32>
        %parallel_loop3A_1163 = arith.constant 16 : i32
        %parallel_loop3A_1164 = vector.broadcast %parallel_loop3A_1163 : i32 to vector<16xi32>
        %parallel_loop3A_1165 = arith.shli %parallel_loop3A_1159, %parallel_loop3A_1164 : vector<16xi32>
        %parallel_loop3A_1166 = arith.ori %parallel_loop3A_1162, %parallel_loop3A_1165 : vector<16xi32>
        %parallel_loop3A_1167 = arith.constant 64 : i32
        %parallel_loop3A_1168 = arith.addi %parallel_loop3A_1167, %parallel_loop3A_1031 : i32
        %parallel_loop3A_1169 = arith.index_cast %parallel_loop3A_1168 : i32 to index
        %parallel_loop3A_1170 = arith.constant 64 : index
        %parallel_loop3A_1171 = tpu.vector_load %arg9[%parallel_loop3A_1169, %parallel_loop3A_1170] {strides = array<i32>} : memref<128x128xi32, #tpu.memory_space<vmem>>, vector<1x16xi32>,
        %parallel_loop3A_1172 = vector.shape_cast %parallel_loop3A_1171 : vector<1x16xi32> to vector<16xi32>
        %parallel_loop3A_1173 = vector.shape_cast %parallel_loop3A_1166 : vector<16xi32> to vector<1x16xi32>
        tpu.vector_store %arg9[%parallel_loop3A_1169, %parallel_loop3A_1170], %parallel_loop3A_1173 {strides = array<i32>} : memref<128x128xi32, #tpu.memory_space<vmem>>, vector<1x16xi32>,
        %parallel_loop3A_1174 = arith.index_cast %parallel_loop3A_1043 : i32 to index
        %parallel_loop3A_1175 = arith.constant 80 : index
        %parallel_loop3A_1176 = tpu.vector_load %arg8[%parallel_loop3A_1174, %parallel_loop3A_1175] {strides = array<i32>} : memref<256x128xi32, #tpu.memory_space<vmem>>, vector<1x16xi32>,
        %parallel_loop3A_1177 = vector.shape_cast %parallel_loop3A_1176 : vector<1x16xi32> to vector<16xi32>
        %parallel_loop3A_1178 = arith.constant 1 : i32
        %parallel_loop3A_1179 = arith.addi %parallel_loop3A_1043, %parallel_loop3A_1178 : i32
        %parallel_loop3A_1180 = arith.index_cast %parallel_loop3A_1179 : i32 to index
        %parallel_loop3A_1181 = arith.constant 80 : index
        %parallel_loop3A_1182 = tpu.vector_load %arg8[%parallel_loop3A_1180, %parallel_loop3A_1181] {strides = array<i32>} : memref<256x128xi32, #tpu.memory_space<vmem>>, vector<1x16xi32>,
        %parallel_loop3A_1183 = vector.shape_cast %parallel_loop3A_1182 : vector<1x16xi32> to vector<16xi32>
        %parallel_loop3A_1184 = arith.shrui %parallel_loop3A_1177, %parallel_loop3A_1035 : vector<16xi32>
        %parallel_loop3A_1185 = arith.shrui %parallel_loop3A_1183, %parallel_loop3A_1039 : vector<16xi32>
        %parallel_loop3A_1186 = arith.constant 65535 : i32
        %parallel_loop3A_1187 = vector.broadcast %parallel_loop3A_1186 : i32 to vector<16xi32>
        %parallel_loop3A_1188 = arith.andi %parallel_loop3A_1184, %parallel_loop3A_1187 : vector<16xi32>
        %parallel_loop3A_1189 = arith.constant 16 : i32
        %parallel_loop3A_1190 = vector.broadcast %parallel_loop3A_1189 : i32 to vector<16xi32>
        %parallel_loop3A_1191 = arith.shli %parallel_loop3A_1185, %parallel_loop3A_1190 : vector<16xi32>
        %parallel_loop3A_1192 = arith.ori %parallel_loop3A_1188, %parallel_loop3A_1191 : vector<16xi32>
        %parallel_loop3A_1193 = arith.constant 64 : i32
        %parallel_loop3A_1194 = arith.addi %parallel_loop3A_1193, %parallel_loop3A_1031 : i32
        %parallel_loop3A_1195 = arith.index_cast %parallel_loop3A_1194 : i32 to index
        %parallel_loop3A_1196 = arith.constant 80 : index
        %parallel_loop3A_1197 = tpu.vector_load %arg9[%parallel_loop3A_1195, %parallel_loop3A_1196] {strides = array<i32>} : memref<128x128xi32, #tpu.memory_space<vmem>>, vector<1x16xi32>,
        %parallel_loop3A_1198 = vector.shape_cast %parallel_loop3A_1197 : vector<1x16xi32> to vector<16xi32>
        %parallel_loop3A_1199 = vector.shape_cast %parallel_loop3A_1192 : vector<16xi32> to vector<1x16xi32>
        tpu.vector_store %arg9[%parallel_loop3A_1195, %parallel_loop3A_1196], %parallel_loop3A_1199 {strides = array<i32>} : memref<128x128xi32, #tpu.memory_space<vmem>>, vector<1x16xi32>,
        %parallel_loop3A_1200 = arith.index_cast %parallel_loop3A_1043 : i32 to index
        %parallel_loop3A_1201 = arith.constant 96 : index
        %parallel_loop3A_1202 = tpu.vector_load %arg8[%parallel_loop3A_1200, %parallel_loop3A_1201] {strides = array<i32>} : memref<256x128xi32, #tpu.memory_space<vmem>>, vector<1x16xi32>,
        %parallel_loop3A_1203 = vector.shape_cast %parallel_loop3A_1202 : vector<1x16xi32> to vector<16xi32>
        %parallel_loop3A_1204 = arith.constant 1 : i32
        %parallel_loop3A_1205 = arith.addi %parallel_loop3A_1043, %parallel_loop3A_1204 : i32
        %parallel_loop3A_1206 = arith.index_cast %parallel_loop3A_1205 : i32 to index
        %parallel_loop3A_1207 = arith.constant 96 : index
        %parallel_loop3A_1208 = tpu.vector_load %arg8[%parallel_loop3A_1206, %parallel_loop3A_1207] {strides = array<i32>} : memref<256x128xi32, #tpu.memory_space<vmem>>, vector<1x16xi32>,
        %parallel_loop3A_1209 = vector.shape_cast %parallel_loop3A_1208 : vector<1x16xi32> to vector<16xi32>
        %parallel_loop3A_1210 = arith.shrui %parallel_loop3A_1203, %parallel_loop3A_1035 : vector<16xi32>
        %parallel_loop3A_1211 = arith.shrui %parallel_loop3A_1209, %parallel_loop3A_1039 : vector<16xi32>
        %parallel_loop3A_1212 = arith.constant 65535 : i32
        %parallel_loop3A_1213 = vector.broadcast %parallel_loop3A_1212 : i32 to vector<16xi32>
        %parallel_loop3A_1214 = arith.andi %parallel_loop3A_1210, %parallel_loop3A_1213 : vector<16xi32>
        %parallel_loop3A_1215 = arith.constant 16 : i32
        %parallel_loop3A_1216 = vector.broadcast %parallel_loop3A_1215 : i32 to vector<16xi32>
        %parallel_loop3A_1217 = arith.shli %parallel_loop3A_1211, %parallel_loop3A_1216 : vector<16xi32>
        %parallel_loop3A_1218 = arith.ori %parallel_loop3A_1214, %parallel_loop3A_1217 : vector<16xi32>
        %parallel_loop3A_1219 = arith.constant 64 : i32
        %parallel_loop3A_1220 = arith.addi %parallel_loop3A_1219, %parallel_loop3A_1031 : i32
        %parallel_loop3A_1221 = arith.index_cast %parallel_loop3A_1220 : i32 to index
        %parallel_loop3A_1222 = arith.constant 96 : index
        %parallel_loop3A_1223 = tpu.vector_load %arg9[%parallel_loop3A_1221, %parallel_loop3A_1222] {strides = array<i32>} : memref<128x128xi32, #tpu.memory_space<vmem>>, vector<1x16xi32>,
        %parallel_loop3A_1224 = vector.shape_cast %parallel_loop3A_1223 : vector<1x16xi32> to vector<16xi32>
        %parallel_loop3A_1225 = vector.shape_cast %parallel_loop3A_1218 : vector<16xi32> to vector<1x16xi32>
        tpu.vector_store %arg9[%parallel_loop3A_1221, %parallel_loop3A_1222], %parallel_loop3A_1225 {strides = array<i32>} : memref<128x128xi32, #tpu.memory_space<vmem>>, vector<1x16xi32>,
        %parallel_loop3A_1226 = arith.index_cast %parallel_loop3A_1043 : i32 to index
        %parallel_loop3A_1227 = arith.constant 112 : index
        %parallel_loop3A_1228 = tpu.vector_load %arg8[%parallel_loop3A_1226, %parallel_loop3A_1227] {strides = array<i32>} : memref<256x128xi32, #tpu.memory_space<vmem>>, vector<1x16xi32>,
        %parallel_loop3A_1229 = vector.shape_cast %parallel_loop3A_1228 : vector<1x16xi32> to vector<16xi32>
        %parallel_loop3A_1230 = arith.constant 1 : i32
        %parallel_loop3A_1231 = arith.addi %parallel_loop3A_1043, %parallel_loop3A_1230 : i32
        %parallel_loop3A_1232 = arith.index_cast %parallel_loop3A_1231 : i32 to index
        %parallel_loop3A_1233 = arith.constant 112 : index
        %parallel_loop3A_1234 = tpu.vector_load %arg8[%parallel_loop3A_1232, %parallel_loop3A_1233] {strides = array<i32>} : memref<256x128xi32, #tpu.memory_space<vmem>>, vector<1x16xi32>,
        %parallel_loop3A_1235 = vector.shape_cast %parallel_loop3A_1234 : vector<1x16xi32> to vector<16xi32>
        %parallel_loop3A_1236 = arith.shrui %parallel_loop3A_1229, %parallel_loop3A_1035 : vector<16xi32>
        %parallel_loop3A_1237 = arith.shrui %parallel_loop3A_1235, %parallel_loop3A_1039 : vector<16xi32>
        %parallel_loop3A_1238 = arith.constant 65535 : i32
        %parallel_loop3A_1239 = vector.broadcast %parallel_loop3A_1238 : i32 to vector<16xi32>
        %parallel_loop3A_1240 = arith.andi %parallel_loop3A_1236, %parallel_loop3A_1239 : vector<16xi32>
        %parallel_loop3A_1241 = arith.constant 16 : i32
        %parallel_loop3A_1242 = vector.broadcast %parallel_loop3A_1241 : i32 to vector<16xi32>
        %parallel_loop3A_1243 = arith.shli %parallel_loop3A_1237, %parallel_loop3A_1242 : vector<16xi32>
        %parallel_loop3A_1244 = arith.ori %parallel_loop3A_1240, %parallel_loop3A_1243 : vector<16xi32>
        %parallel_loop3A_1245 = arith.constant 64 : i32
        %parallel_loop3A_1246 = arith.addi %parallel_loop3A_1245, %parallel_loop3A_1031 : i32
        %parallel_loop3A_1247 = arith.index_cast %parallel_loop3A_1246 : i32 to index
        %parallel_loop3A_1248 = arith.constant 112 : index
        %parallel_loop3A_1249 = tpu.vector_load %arg9[%parallel_loop3A_1247, %parallel_loop3A_1248] {strides = array<i32>} : memref<128x128xi32, #tpu.memory_space<vmem>>, vector<1x16xi32>,
        %parallel_loop3A_1250 = vector.shape_cast %parallel_loop3A_1249 : vector<1x16xi32> to vector<16xi32>
        %parallel_loop3A_1251 = vector.shape_cast %parallel_loop3A_1244 : vector<16xi32> to vector<1x16xi32>
        tpu.vector_store %arg9[%parallel_loop3A_1247, %parallel_loop3A_1248], %parallel_loop3A_1251 {strides = array<i32>} : memref<128x128xi32, #tpu.memory_space<vmem>>, vector<1x16xi32>,
        %parallel_loop3A_1252 = arith.constant 8 : i32
        %parallel_loop3A_1253 = arith.muli %parallel_loop3A_122, %parallel_loop3A_1252 : i32
        %parallel_loop3A_1254 = arith.constant 5 : i32
        %parallel_loop3A_1255 = arith.addi %parallel_loop3A_1253, %parallel_loop3A_1254 : i32
        %parallel_loop3A_1256 = arith.constant 10 : i32
        %parallel_loop3A_1257 = vector.broadcast %parallel_loop3A_1256 : i32 to vector<16x1xi32>
        %parallel_loop3A_1258 = vector.shape_cast %parallel_loop3A_1257 : vector<16x1xi32> to vector<16xi32>
        %parallel_loop3A_1259 = tpu.dynamic_gather %parallel_loop3A_131[%parallel_loop3A_1258] in [0] : vector<16xi32>, vector<16xi32> -> vector<16xi32>
        %parallel_loop3A_1260 = arith.constant 11 : i32
        %parallel_loop3A_1261 = vector.broadcast %parallel_loop3A_1260 : i32 to vector<16x1xi32>
        %parallel_loop3A_1262 = vector.shape_cast %parallel_loop3A_1261 : vector<16x1xi32> to vector<16xi32>
        %parallel_loop3A_1263 = tpu.dynamic_gather %parallel_loop3A_131[%parallel_loop3A_1262] in [0] : vector<16xi32>, vector<16xi32> -> vector<16xi32>
        %parallel_loop3A_1264 = arith.constant 2 : i32
        %parallel_loop3A_1265 = arith.muli %parallel_loop3A_1264, %parallel_loop3A_1255 : i32
        %parallel_loop3A_1266 = arith.constant 128 : i32
        %parallel_loop3A_1267 = arith.addi %parallel_loop3A_1266, %parallel_loop3A_1265 : i32
        %parallel_loop3A_1268 = arith.index_cast %parallel_loop3A_1267 : i32 to index
        %parallel_loop3A_1269 = arith.constant 0 : index
        %parallel_loop3A_1270 = tpu.vector_load %arg8[%parallel_loop3A_1268, %parallel_loop3A_1269] {strides = array<i32>} : memref<256x128xi32, #tpu.memory_space<vmem>>, vector<1x16xi32>,
        %parallel_loop3A_1271 = vector.shape_cast %parallel_loop3A_1270 : vector<1x16xi32> to vector<16xi32>
        %parallel_loop3A_1272 = arith.constant 1 : i32
        %parallel_loop3A_1273 = arith.addi %parallel_loop3A_1267, %parallel_loop3A_1272 : i32
        %parallel_loop3A_1274 = arith.index_cast %parallel_loop3A_1273 : i32 to index
        %parallel_loop3A_1275 = arith.constant 0 : index
        %parallel_loop3A_1276 = tpu.vector_load %arg8[%parallel_loop3A_1274, %parallel_loop3A_1275] {strides = array<i32>} : memref<256x128xi32, #tpu.memory_space<vmem>>, vector<1x16xi32>,
        %parallel_loop3A_1277 = vector.shape_cast %parallel_loop3A_1276 : vector<1x16xi32> to vector<16xi32>
        %parallel_loop3A_1278 = arith.shrui %parallel_loop3A_1271, %parallel_loop3A_1259 : vector<16xi32>
        %parallel_loop3A_1279 = arith.shrui %parallel_loop3A_1277, %parallel_loop3A_1263 : vector<16xi32>
        %parallel_loop3A_1280 = arith.constant 65535 : i32
        %parallel_loop3A_1281 = vector.broadcast %parallel_loop3A_1280 : i32 to vector<16xi32>
        %parallel_loop3A_1282 = arith.andi %parallel_loop3A_1278, %parallel_loop3A_1281 : vector<16xi32>
        %parallel_loop3A_1283 = arith.constant 16 : i32
        %parallel_loop3A_1284 = vector.broadcast %parallel_loop3A_1283 : i32 to vector<16xi32>
        %parallel_loop3A_1285 = arith.shli %parallel_loop3A_1279, %parallel_loop3A_1284 : vector<16xi32>
        %parallel_loop3A_1286 = arith.ori %parallel_loop3A_1282, %parallel_loop3A_1285 : vector<16xi32>
        %parallel_loop3A_1287 = arith.constant 64 : i32
        %parallel_loop3A_1288 = arith.addi %parallel_loop3A_1287, %parallel_loop3A_1255 : i32
        %parallel_loop3A_1289 = arith.index_cast %parallel_loop3A_1288 : i32 to index
        %parallel_loop3A_1290 = arith.constant 0 : index
        %parallel_loop3A_1291 = tpu.vector_load %arg9[%parallel_loop3A_1289, %parallel_loop3A_1290] {strides = array<i32>} : memref<128x128xi32, #tpu.memory_space<vmem>>, vector<1x16xi32>,
        %parallel_loop3A_1292 = vector.shape_cast %parallel_loop3A_1291 : vector<1x16xi32> to vector<16xi32>
        %parallel_loop3A_1293 = vector.shape_cast %parallel_loop3A_1286 : vector<16xi32> to vector<1x16xi32>
        tpu.vector_store %arg9[%parallel_loop3A_1289, %parallel_loop3A_1290], %parallel_loop3A_1293 {strides = array<i32>} : memref<128x128xi32, #tpu.memory_space<vmem>>, vector<1x16xi32>,
        %parallel_loop3A_1294 = arith.index_cast %parallel_loop3A_1267 : i32 to index
        %parallel_loop3A_1295 = arith.constant 16 : index
        %parallel_loop3A_1296 = tpu.vector_load %arg8[%parallel_loop3A_1294, %parallel_loop3A_1295] {strides = array<i32>} : memref<256x128xi32, #tpu.memory_space<vmem>>, vector<1x16xi32>,
        %parallel_loop3A_1297 = vector.shape_cast %parallel_loop3A_1296 : vector<1x16xi32> to vector<16xi32>
        %parallel_loop3A_1298 = arith.constant 1 : i32
        %parallel_loop3A_1299 = arith.addi %parallel_loop3A_1267, %parallel_loop3A_1298 : i32
        %parallel_loop3A_1300 = arith.index_cast %parallel_loop3A_1299 : i32 to index
        %parallel_loop3A_1301 = arith.constant 16 : index
        %parallel_loop3A_1302 = tpu.vector_load %arg8[%parallel_loop3A_1300, %parallel_loop3A_1301] {strides = array<i32>} : memref<256x128xi32, #tpu.memory_space<vmem>>, vector<1x16xi32>,
        %parallel_loop3A_1303 = vector.shape_cast %parallel_loop3A_1302 : vector<1x16xi32> to vector<16xi32>
        %parallel_loop3A_1304 = arith.shrui %parallel_loop3A_1297, %parallel_loop3A_1259 : vector<16xi32>
        %parallel_loop3A_1305 = arith.shrui %parallel_loop3A_1303, %parallel_loop3A_1263 : vector<16xi32>
        %parallel_loop3A_1306 = arith.constant 65535 : i32
        %parallel_loop3A_1307 = vector.broadcast %parallel_loop3A_1306 : i32 to vector<16xi32>
        %parallel_loop3A_1308 = arith.andi %parallel_loop3A_1304, %parallel_loop3A_1307 : vector<16xi32>
        %parallel_loop3A_1309 = arith.constant 16 : i32
        %parallel_loop3A_1310 = vector.broadcast %parallel_loop3A_1309 : i32 to vector<16xi32>
        %parallel_loop3A_1311 = arith.shli %parallel_loop3A_1305, %parallel_loop3A_1310 : vector<16xi32>
        %parallel_loop3A_1312 = arith.ori %parallel_loop3A_1308, %parallel_loop3A_1311 : vector<16xi32>
        %parallel_loop3A_1313 = arith.constant 64 : i32
        %parallel_loop3A_1314 = arith.addi %parallel_loop3A_1313, %parallel_loop3A_1255 : i32
        %parallel_loop3A_1315 = arith.index_cast %parallel_loop3A_1314 : i32 to index
        %parallel_loop3A_1316 = arith.constant 16 : index
        %parallel_loop3A_1317 = tpu.vector_load %arg9[%parallel_loop3A_1315, %parallel_loop3A_1316] {strides = array<i32>} : memref<128x128xi32, #tpu.memory_space<vmem>>, vector<1x16xi32>,
        %parallel_loop3A_1318 = vector.shape_cast %parallel_loop3A_1317 : vector<1x16xi32> to vector<16xi32>
        %parallel_loop3A_1319 = vector.shape_cast %parallel_loop3A_1312 : vector<16xi32> to vector<1x16xi32>
        tpu.vector_store %arg9[%parallel_loop3A_1315, %parallel_loop3A_1316], %parallel_loop3A_1319 {strides = array<i32>} : memref<128x128xi32, #tpu.memory_space<vmem>>, vector<1x16xi32>,
        %parallel_loop3A_1320 = arith.index_cast %parallel_loop3A_1267 : i32 to index
        %parallel_loop3A_1321 = arith.constant 32 : index
        %parallel_loop3A_1322 = tpu.vector_load %arg8[%parallel_loop3A_1320, %parallel_loop3A_1321] {strides = array<i32>} : memref<256x128xi32, #tpu.memory_space<vmem>>, vector<1x16xi32>,
        %parallel_loop3A_1323 = vector.shape_cast %parallel_loop3A_1322 : vector<1x16xi32> to vector<16xi32>
        %parallel_loop3A_1324 = arith.constant 1 : i32
        %parallel_loop3A_1325 = arith.addi %parallel_loop3A_1267, %parallel_loop3A_1324 : i32
        %parallel_loop3A_1326 = arith.index_cast %parallel_loop3A_1325 : i32 to index
        %parallel_loop3A_1327 = arith.constant 32 : index
        %parallel_loop3A_1328 = tpu.vector_load %arg8[%parallel_loop3A_1326, %parallel_loop3A_1327] {strides = array<i32>} : memref<256x128xi32, #tpu.memory_space<vmem>>, vector<1x16xi32>,
        %parallel_loop3A_1329 = vector.shape_cast %parallel_loop3A_1328 : vector<1x16xi32> to vector<16xi32>
        %parallel_loop3A_1330 = arith.shrui %parallel_loop3A_1323, %parallel_loop3A_1259 : vector<16xi32>
        %parallel_loop3A_1331 = arith.shrui %parallel_loop3A_1329, %parallel_loop3A_1263 : vector<16xi32>
        %parallel_loop3A_1332 = arith.constant 65535 : i32
        %parallel_loop3A_1333 = vector.broadcast %parallel_loop3A_1332 : i32 to vector<16xi32>
        %parallel_loop3A_1334 = arith.andi %parallel_loop3A_1330, %parallel_loop3A_1333 : vector<16xi32>
        %parallel_loop3A_1335 = arith.constant 16 : i32
        %parallel_loop3A_1336 = vector.broadcast %parallel_loop3A_1335 : i32 to vector<16xi32>
        %parallel_loop3A_1337 = arith.shli %parallel_loop3A_1331, %parallel_loop3A_1336 : vector<16xi32>
        %parallel_loop3A_1338 = arith.ori %parallel_loop3A_1334, %parallel_loop3A_1337 : vector<16xi32>
        %parallel_loop3A_1339 = arith.constant 64 : i32
        %parallel_loop3A_1340 = arith.addi %parallel_loop3A_1339, %parallel_loop3A_1255 : i32
        %parallel_loop3A_1341 = arith.index_cast %parallel_loop3A_1340 : i32 to index
        %parallel_loop3A_1342 = arith.constant 32 : index
        %parallel_loop3A_1343 = tpu.vector_load %arg9[%parallel_loop3A_1341, %parallel_loop3A_1342] {strides = array<i32>} : memref<128x128xi32, #tpu.memory_space<vmem>>, vector<1x16xi32>,
        %parallel_loop3A_1344 = vector.shape_cast %parallel_loop3A_1343 : vector<1x16xi32> to vector<16xi32>
        %parallel_loop3A_1345 = vector.shape_cast %parallel_loop3A_1338 : vector<16xi32> to vector<1x16xi32>
        tpu.vector_store %arg9[%parallel_loop3A_1341, %parallel_loop3A_1342], %parallel_loop3A_1345 {strides = array<i32>} : memref<128x128xi32, #tpu.memory_space<vmem>>, vector<1x16xi32>,
        %parallel_loop3A_1346 = arith.index_cast %parallel_loop3A_1267 : i32 to index
        %parallel_loop3A_1347 = arith.constant 48 : index
        %parallel_loop3A_1348 = tpu.vector_load %arg8[%parallel_loop3A_1346, %parallel_loop3A_1347] {strides = array<i32>} : memref<256x128xi32, #tpu.memory_space<vmem>>, vector<1x16xi32>,
        %parallel_loop3A_1349 = vector.shape_cast %parallel_loop3A_1348 : vector<1x16xi32> to vector<16xi32>
        %parallel_loop3A_1350 = arith.constant 1 : i32
        %parallel_loop3A_1351 = arith.addi %parallel_loop3A_1267, %parallel_loop3A_1350 : i32
        %parallel_loop3A_1352 = arith.index_cast %parallel_loop3A_1351 : i32 to index
        %parallel_loop3A_1353 = arith.constant 48 : index
        %parallel_loop3A_1354 = tpu.vector_load %arg8[%parallel_loop3A_1352, %parallel_loop3A_1353] {strides = array<i32>} : memref<256x128xi32, #tpu.memory_space<vmem>>, vector<1x16xi32>,
        %parallel_loop3A_1355 = vector.shape_cast %parallel_loop3A_1354 : vector<1x16xi32> to vector<16xi32>
        %parallel_loop3A_1356 = arith.shrui %parallel_loop3A_1349, %parallel_loop3A_1259 : vector<16xi32>
        %parallel_loop3A_1357 = arith.shrui %parallel_loop3A_1355, %parallel_loop3A_1263 : vector<16xi32>
        %parallel_loop3A_1358 = arith.constant 65535 : i32
        %parallel_loop3A_1359 = vector.broadcast %parallel_loop3A_1358 : i32 to vector<16xi32>
        %parallel_loop3A_1360 = arith.andi %parallel_loop3A_1356, %parallel_loop3A_1359 : vector<16xi32>
        %parallel_loop3A_1361 = arith.constant 16 : i32
        %parallel_loop3A_1362 = vector.broadcast %parallel_loop3A_1361 : i32 to vector<16xi32>
        %parallel_loop3A_1363 = arith.shli %parallel_loop3A_1357, %parallel_loop3A_1362 : vector<16xi32>
        %parallel_loop3A_1364 = arith.ori %parallel_loop3A_1360, %parallel_loop3A_1363 : vector<16xi32>
        %parallel_loop3A_1365 = arith.constant 64 : i32
        %parallel_loop3A_1366 = arith.addi %parallel_loop3A_1365, %parallel_loop3A_1255 : i32
        %parallel_loop3A_1367 = arith.index_cast %parallel_loop3A_1366 : i32 to index
        %parallel_loop3A_1368 = arith.constant 48 : index
        %parallel_loop3A_1369 = tpu.vector_load %arg9[%parallel_loop3A_1367, %parallel_loop3A_1368] {strides = array<i32>} : memref<128x128xi32, #tpu.memory_space<vmem>>, vector<1x16xi32>,
        %parallel_loop3A_1370 = vector.shape_cast %parallel_loop3A_1369 : vector<1x16xi32> to vector<16xi32>
        %parallel_loop3A_1371 = vector.shape_cast %parallel_loop3A_1364 : vector<16xi32> to vector<1x16xi32>
        tpu.vector_store %arg9[%parallel_loop3A_1367, %parallel_loop3A_1368], %parallel_loop3A_1371 {strides = array<i32>} : memref<128x128xi32, #tpu.memory_space<vmem>>, vector<1x16xi32>,
        %parallel_loop3A_1372 = arith.index_cast %parallel_loop3A_1267 : i32 to index
        %parallel_loop3A_1373 = arith.constant 64 : index
        %parallel_loop3A_1374 = tpu.vector_load %arg8[%parallel_loop3A_1372, %parallel_loop3A_1373] {strides = array<i32>} : memref<256x128xi32, #tpu.memory_space<vmem>>, vector<1x16xi32>,
        %parallel_loop3A_1375 = vector.shape_cast %parallel_loop3A_1374 : vector<1x16xi32> to vector<16xi32>
        %parallel_loop3A_1376 = arith.constant 1 : i32
        %parallel_loop3A_1377 = arith.addi %parallel_loop3A_1267, %parallel_loop3A_1376 : i32
        %parallel_loop3A_1378 = arith.index_cast %parallel_loop3A_1377 : i32 to index
        %parallel_loop3A_1379 = arith.constant 64 : index
        %parallel_loop3A_1380 = tpu.vector_load %arg8[%parallel_loop3A_1378, %parallel_loop3A_1379] {strides = array<i32>} : memref<256x128xi32, #tpu.memory_space<vmem>>, vector<1x16xi32>,
        %parallel_loop3A_1381 = vector.shape_cast %parallel_loop3A_1380 : vector<1x16xi32> to vector<16xi32>
        %parallel_loop3A_1382 = arith.shrui %parallel_loop3A_1375, %parallel_loop3A_1259 : vector<16xi32>
        %parallel_loop3A_1383 = arith.shrui %parallel_loop3A_1381, %parallel_loop3A_1263 : vector<16xi32>
        %parallel_loop3A_1384 = arith.constant 65535 : i32
        %parallel_loop3A_1385 = vector.broadcast %parallel_loop3A_1384 : i32 to vector<16xi32>
        %parallel_loop3A_1386 = arith.andi %parallel_loop3A_1382, %parallel_loop3A_1385 : vector<16xi32>
        %parallel_loop3A_1387 = arith.constant 16 : i32
        %parallel_loop3A_1388 = vector.broadcast %parallel_loop3A_1387 : i32 to vector<16xi32>
        %parallel_loop3A_1389 = arith.shli %parallel_loop3A_1383, %parallel_loop3A_1388 : vector<16xi32>
        %parallel_loop3A_1390 = arith.ori %parallel_loop3A_1386, %parallel_loop3A_1389 : vector<16xi32>
        %parallel_loop3A_1391 = arith.constant 64 : i32
        %parallel_loop3A_1392 = arith.addi %parallel_loop3A_1391, %parallel_loop3A_1255 : i32
        %parallel_loop3A_1393 = arith.index_cast %parallel_loop3A_1392 : i32 to index
        %parallel_loop3A_1394 = arith.constant 64 : index
        %parallel_loop3A_1395 = tpu.vector_load %arg9[%parallel_loop3A_1393, %parallel_loop3A_1394] {strides = array<i32>} : memref<128x128xi32, #tpu.memory_space<vmem>>, vector<1x16xi32>,
        %parallel_loop3A_1396 = vector.shape_cast %parallel_loop3A_1395 : vector<1x16xi32> to vector<16xi32>
        %parallel_loop3A_1397 = vector.shape_cast %parallel_loop3A_1390 : vector<16xi32> to vector<1x16xi32>
        tpu.vector_store %arg9[%parallel_loop3A_1393, %parallel_loop3A_1394], %parallel_loop3A_1397 {strides = array<i32>} : memref<128x128xi32, #tpu.memory_space<vmem>>, vector<1x16xi32>,
        %parallel_loop3A_1398 = arith.index_cast %parallel_loop3A_1267 : i32 to index
        %parallel_loop3A_1399 = arith.constant 80 : index
        %parallel_loop3A_1400 = tpu.vector_load %arg8[%parallel_loop3A_1398, %parallel_loop3A_1399] {strides = array<i32>} : memref<256x128xi32, #tpu.memory_space<vmem>>, vector<1x16xi32>,
        %parallel_loop3A_1401 = vector.shape_cast %parallel_loop3A_1400 : vector<1x16xi32> to vector<16xi32>
        %parallel_loop3A_1402 = arith.constant 1 : i32
        %parallel_loop3A_1403 = arith.addi %parallel_loop3A_1267, %parallel_loop3A_1402 : i32
        %parallel_loop3A_1404 = arith.index_cast %parallel_loop3A_1403 : i32 to index
        %parallel_loop3A_1405 = arith.constant 80 : index
        %parallel_loop3A_1406 = tpu.vector_load %arg8[%parallel_loop3A_1404, %parallel_loop3A_1405] {strides = array<i32>} : memref<256x128xi32, #tpu.memory_space<vmem>>, vector<1x16xi32>,
        %parallel_loop3A_1407 = vector.shape_cast %parallel_loop3A_1406 : vector<1x16xi32> to vector<16xi32>
        %parallel_loop3A_1408 = arith.shrui %parallel_loop3A_1401, %parallel_loop3A_1259 : vector<16xi32>
        %parallel_loop3A_1409 = arith.shrui %parallel_loop3A_1407, %parallel_loop3A_1263 : vector<16xi32>
        %parallel_loop3A_1410 = arith.constant 65535 : i32
        %parallel_loop3A_1411 = vector.broadcast %parallel_loop3A_1410 : i32 to vector<16xi32>
        %parallel_loop3A_1412 = arith.andi %parallel_loop3A_1408, %parallel_loop3A_1411 : vector<16xi32>
        %parallel_loop3A_1413 = arith.constant 16 : i32
        %parallel_loop3A_1414 = vector.broadcast %parallel_loop3A_1413 : i32 to vector<16xi32>
        %parallel_loop3A_1415 = arith.shli %parallel_loop3A_1409, %parallel_loop3A_1414 : vector<16xi32>
        %parallel_loop3A_1416 = arith.ori %parallel_loop3A_1412, %parallel_loop3A_1415 : vector<16xi32>
        %parallel_loop3A_1417 = arith.constant 64 : i32
        %parallel_loop3A_1418 = arith.addi %parallel_loop3A_1417, %parallel_loop3A_1255 : i32
        %parallel_loop3A_1419 = arith.index_cast %parallel_loop3A_1418 : i32 to index
        %parallel_loop3A_1420 = arith.constant 80 : index
        %parallel_loop3A_1421 = tpu.vector_load %arg9[%parallel_loop3A_1419, %parallel_loop3A_1420] {strides = array<i32>} : memref<128x128xi32, #tpu.memory_space<vmem>>, vector<1x16xi32>,
        %parallel_loop3A_1422 = vector.shape_cast %parallel_loop3A_1421 : vector<1x16xi32> to vector<16xi32>
        %parallel_loop3A_1423 = vector.shape_cast %parallel_loop3A_1416 : vector<16xi32> to vector<1x16xi32>
        tpu.vector_store %arg9[%parallel_loop3A_1419, %parallel_loop3A_1420], %parallel_loop3A_1423 {strides = array<i32>} : memref<128x128xi32, #tpu.memory_space<vmem>>, vector<1x16xi32>,
        %parallel_loop3A_1424 = arith.index_cast %parallel_loop3A_1267 : i32 to index
        %parallel_loop3A_1425 = arith.constant 96 : index
        %parallel_loop3A_1426 = tpu.vector_load %arg8[%parallel_loop3A_1424, %parallel_loop3A_1425] {strides = array<i32>} : memref<256x128xi32, #tpu.memory_space<vmem>>, vector<1x16xi32>,
        %parallel_loop3A_1427 = vector.shape_cast %parallel_loop3A_1426 : vector<1x16xi32> to vector<16xi32>
        %parallel_loop3A_1428 = arith.constant 1 : i32
        %parallel_loop3A_1429 = arith.addi %parallel_loop3A_1267, %parallel_loop3A_1428 : i32
        %parallel_loop3A_1430 = arith.index_cast %parallel_loop3A_1429 : i32 to index
        %parallel_loop3A_1431 = arith.constant 96 : index
        %parallel_loop3A_1432 = tpu.vector_load %arg8[%parallel_loop3A_1430, %parallel_loop3A_1431] {strides = array<i32>} : memref<256x128xi32, #tpu.memory_space<vmem>>, vector<1x16xi32>,
        %parallel_loop3A_1433 = vector.shape_cast %parallel_loop3A_1432 : vector<1x16xi32> to vector<16xi32>
        %parallel_loop3A_1434 = arith.shrui %parallel_loop3A_1427, %parallel_loop3A_1259 : vector<16xi32>
        %parallel_loop3A_1435 = arith.shrui %parallel_loop3A_1433, %parallel_loop3A_1263 : vector<16xi32>
        %parallel_loop3A_1436 = arith.constant 65535 : i32
        %parallel_loop3A_1437 = vector.broadcast %parallel_loop3A_1436 : i32 to vector<16xi32>
        %parallel_loop3A_1438 = arith.andi %parallel_loop3A_1434, %parallel_loop3A_1437 : vector<16xi32>
        %parallel_loop3A_1439 = arith.constant 16 : i32
        %parallel_loop3A_1440 = vector.broadcast %parallel_loop3A_1439 : i32 to vector<16xi32>
        %parallel_loop3A_1441 = arith.shli %parallel_loop3A_1435, %parallel_loop3A_1440 : vector<16xi32>
        %parallel_loop3A_1442 = arith.ori %parallel_loop3A_1438, %parallel_loop3A_1441 : vector<16xi32>
        %parallel_loop3A_1443 = arith.constant 64 : i32
        %parallel_loop3A_1444 = arith.addi %parallel_loop3A_1443, %parallel_loop3A_1255 : i32
        %parallel_loop3A_1445 = arith.index_cast %parallel_loop3A_1444 : i32 to index
        %parallel_loop3A_1446 = arith.constant 96 : index
        %parallel_loop3A_1447 = tpu.vector_load %arg9[%parallel_loop3A_1445, %parallel_loop3A_1446] {strides = array<i32>} : memref<128x128xi32, #tpu.memory_space<vmem>>, vector<1x16xi32>,
        %parallel_loop3A_1448 = vector.shape_cast %parallel_loop3A_1447 : vector<1x16xi32> to vector<16xi32>
        %parallel_loop3A_1449 = vector.shape_cast %parallel_loop3A_1442 : vector<16xi32> to vector<1x16xi32>
        tpu.vector_store %arg9[%parallel_loop3A_1445, %parallel_loop3A_1446], %parallel_loop3A_1449 {strides = array<i32>} : memref<128x128xi32, #tpu.memory_space<vmem>>, vector<1x16xi32>,
        %parallel_loop3A_1450 = arith.index_cast %parallel_loop3A_1267 : i32 to index
        %parallel_loop3A_1451 = arith.constant 112 : index
        %parallel_loop3A_1452 = tpu.vector_load %arg8[%parallel_loop3A_1450, %parallel_loop3A_1451] {strides = array<i32>} : memref<256x128xi32, #tpu.memory_space<vmem>>, vector<1x16xi32>,
        %parallel_loop3A_1453 = vector.shape_cast %parallel_loop3A_1452 : vector<1x16xi32> to vector<16xi32>
        %parallel_loop3A_1454 = arith.constant 1 : i32
        %parallel_loop3A_1455 = arith.addi %parallel_loop3A_1267, %parallel_loop3A_1454 : i32
        %parallel_loop3A_1456 = arith.index_cast %parallel_loop3A_1455 : i32 to index
        %parallel_loop3A_1457 = arith.constant 112 : index
        %parallel_loop3A_1458 = tpu.vector_load %arg8[%parallel_loop3A_1456, %parallel_loop3A_1457] {strides = array<i32>} : memref<256x128xi32, #tpu.memory_space<vmem>>, vector<1x16xi32>,
        %parallel_loop3A_1459 = vector.shape_cast %parallel_loop3A_1458 : vector<1x16xi32> to vector<16xi32>
        %parallel_loop3A_1460 = arith.shrui %parallel_loop3A_1453, %parallel_loop3A_1259 : vector<16xi32>
        %parallel_loop3A_1461 = arith.shrui %parallel_loop3A_1459, %parallel_loop3A_1263 : vector<16xi32>
        %parallel_loop3A_1462 = arith.constant 65535 : i32
        %parallel_loop3A_1463 = vector.broadcast %parallel_loop3A_1462 : i32 to vector<16xi32>
        %parallel_loop3A_1464 = arith.andi %parallel_loop3A_1460, %parallel_loop3A_1463 : vector<16xi32>
        %parallel_loop3A_1465 = arith.constant 16 : i32
        %parallel_loop3A_1466 = vector.broadcast %parallel_loop3A_1465 : i32 to vector<16xi32>
        %parallel_loop3A_1467 = arith.shli %parallel_loop3A_1461, %parallel_loop3A_1466 : vector<16xi32>
        %parallel_loop3A_1468 = arith.ori %parallel_loop3A_1464, %parallel_loop3A_1467 : vector<16xi32>
        %parallel_loop3A_1469 = arith.constant 64 : i32
        %parallel_loop3A_1470 = arith.addi %parallel_loop3A_1469, %parallel_loop3A_1255 : i32
        %parallel_loop3A_1471 = arith.index_cast %parallel_loop3A_1470 : i32 to index
        %parallel_loop3A_1472 = arith.constant 112 : index
        %parallel_loop3A_1473 = tpu.vector_load %arg9[%parallel_loop3A_1471, %parallel_loop3A_1472] {strides = array<i32>} : memref<128x128xi32, #tpu.memory_space<vmem>>, vector<1x16xi32>,
        %parallel_loop3A_1474 = vector.shape_cast %parallel_loop3A_1473 : vector<1x16xi32> to vector<16xi32>
        %parallel_loop3A_1475 = vector.shape_cast %parallel_loop3A_1468 : vector<16xi32> to vector<1x16xi32>
        tpu.vector_store %arg9[%parallel_loop3A_1471, %parallel_loop3A_1472], %parallel_loop3A_1475 {strides = array<i32>} : memref<128x128xi32, #tpu.memory_space<vmem>>, vector<1x16xi32>,
        %parallel_loop3A_1476 = arith.constant 8 : i32
        %parallel_loop3A_1477 = arith.muli %parallel_loop3A_122, %parallel_loop3A_1476 : i32
        %parallel_loop3A_1478 = arith.constant 6 : i32
        %parallel_loop3A_1479 = arith.addi %parallel_loop3A_1477, %parallel_loop3A_1478 : i32
        %parallel_loop3A_1480 = arith.constant 12 : i32
        %parallel_loop3A_1481 = vector.broadcast %parallel_loop3A_1480 : i32 to vector<16x1xi32>
        %parallel_loop3A_1482 = vector.shape_cast %parallel_loop3A_1481 : vector<16x1xi32> to vector<16xi32>
        %parallel_loop3A_1483 = tpu.dynamic_gather %parallel_loop3A_131[%parallel_loop3A_1482] in [0] : vector<16xi32>, vector<16xi32> -> vector<16xi32>
        %parallel_loop3A_1484 = arith.constant 13 : i32
        %parallel_loop3A_1485 = vector.broadcast %parallel_loop3A_1484 : i32 to vector<16x1xi32>
        %parallel_loop3A_1486 = vector.shape_cast %parallel_loop3A_1485 : vector<16x1xi32> to vector<16xi32>
        %parallel_loop3A_1487 = tpu.dynamic_gather %parallel_loop3A_131[%parallel_loop3A_1486] in [0] : vector<16xi32>, vector<16xi32> -> vector<16xi32>
        %parallel_loop3A_1488 = arith.constant 2 : i32
        %parallel_loop3A_1489 = arith.muli %parallel_loop3A_1488, %parallel_loop3A_1479 : i32
        %parallel_loop3A_1490 = arith.constant 128 : i32
        %parallel_loop3A_1491 = arith.addi %parallel_loop3A_1490, %parallel_loop3A_1489 : i32
        %parallel_loop3A_1492 = arith.index_cast %parallel_loop3A_1491 : i32 to index
        %parallel_loop3A_1493 = arith.constant 0 : index
        %parallel_loop3A_1494 = tpu.vector_load %arg8[%parallel_loop3A_1492, %parallel_loop3A_1493] {strides = array<i32>} : memref<256x128xi32, #tpu.memory_space<vmem>>, vector<1x16xi32>,
        %parallel_loop3A_1495 = vector.shape_cast %parallel_loop3A_1494 : vector<1x16xi32> to vector<16xi32>
        %parallel_loop3A_1496 = arith.constant 1 : i32
        %parallel_loop3A_1497 = arith.addi %parallel_loop3A_1491, %parallel_loop3A_1496 : i32
        %parallel_loop3A_1498 = arith.index_cast %parallel_loop3A_1497 : i32 to index
        %parallel_loop3A_1499 = arith.constant 0 : index
        %parallel_loop3A_1500 = tpu.vector_load %arg8[%parallel_loop3A_1498, %parallel_loop3A_1499] {strides = array<i32>} : memref<256x128xi32, #tpu.memory_space<vmem>>, vector<1x16xi32>,
        %parallel_loop3A_1501 = vector.shape_cast %parallel_loop3A_1500 : vector<1x16xi32> to vector<16xi32>
        %parallel_loop3A_1502 = arith.shrui %parallel_loop3A_1495, %parallel_loop3A_1483 : vector<16xi32>
        %parallel_loop3A_1503 = arith.shrui %parallel_loop3A_1501, %parallel_loop3A_1487 : vector<16xi32>
        %parallel_loop3A_1504 = arith.constant 65535 : i32
        %parallel_loop3A_1505 = vector.broadcast %parallel_loop3A_1504 : i32 to vector<16xi32>
        %parallel_loop3A_1506 = arith.andi %parallel_loop3A_1502, %parallel_loop3A_1505 : vector<16xi32>
        %parallel_loop3A_1507 = arith.constant 16 : i32
        %parallel_loop3A_1508 = vector.broadcast %parallel_loop3A_1507 : i32 to vector<16xi32>
        %parallel_loop3A_1509 = arith.shli %parallel_loop3A_1503, %parallel_loop3A_1508 : vector<16xi32>
        %parallel_loop3A_1510 = arith.ori %parallel_loop3A_1506, %parallel_loop3A_1509 : vector<16xi32>
        %parallel_loop3A_1511 = arith.constant 64 : i32
        %parallel_loop3A_1512 = arith.addi %parallel_loop3A_1511, %parallel_loop3A_1479 : i32
        %parallel_loop3A_1513 = arith.index_cast %parallel_loop3A_1512 : i32 to index
        %parallel_loop3A_1514 = arith.constant 0 : index
        %parallel_loop3A_1515 = tpu.vector_load %arg9[%parallel_loop3A_1513, %parallel_loop3A_1514] {strides = array<i32>} : memref<128x128xi32, #tpu.memory_space<vmem>>, vector<1x16xi32>,
        %parallel_loop3A_1516 = vector.shape_cast %parallel_loop3A_1515 : vector<1x16xi32> to vector<16xi32>
        %parallel_loop3A_1517 = vector.shape_cast %parallel_loop3A_1510 : vector<16xi32> to vector<1x16xi32>
        tpu.vector_store %arg9[%parallel_loop3A_1513, %parallel_loop3A_1514], %parallel_loop3A_1517 {strides = array<i32>} : memref<128x128xi32, #tpu.memory_space<vmem>>, vector<1x16xi32>,
        %parallel_loop3A_1518 = arith.index_cast %parallel_loop3A_1491 : i32 to index
        %parallel_loop3A_1519 = arith.constant 16 : index
        %parallel_loop3A_1520 = tpu.vector_load %arg8[%parallel_loop3A_1518, %parallel_loop3A_1519] {strides = array<i32>} : memref<256x128xi32, #tpu.memory_space<vmem>>, vector<1x16xi32>,
        %parallel_loop3A_1521 = vector.shape_cast %parallel_loop3A_1520 : vector<1x16xi32> to vector<16xi32>
        %parallel_loop3A_1522 = arith.constant 1 : i32
        %parallel_loop3A_1523 = arith.addi %parallel_loop3A_1491, %parallel_loop3A_1522 : i32
        %parallel_loop3A_1524 = arith.index_cast %parallel_loop3A_1523 : i32 to index
        %parallel_loop3A_1525 = arith.constant 16 : index
        %parallel_loop3A_1526 = tpu.vector_load %arg8[%parallel_loop3A_1524, %parallel_loop3A_1525] {strides = array<i32>} : memref<256x128xi32, #tpu.memory_space<vmem>>, vector<1x16xi32>,
        %parallel_loop3A_1527 = vector.shape_cast %parallel_loop3A_1526 : vector<1x16xi32> to vector<16xi32>
        %parallel_loop3A_1528 = arith.shrui %parallel_loop3A_1521, %parallel_loop3A_1483 : vector<16xi32>
        %parallel_loop3A_1529 = arith.shrui %parallel_loop3A_1527, %parallel_loop3A_1487 : vector<16xi32>
        %parallel_loop3A_1530 = arith.constant 65535 : i32
        %parallel_loop3A_1531 = vector.broadcast %parallel_loop3A_1530 : i32 to vector<16xi32>
        %parallel_loop3A_1532 = arith.andi %parallel_loop3A_1528, %parallel_loop3A_1531 : vector<16xi32>
        %parallel_loop3A_1533 = arith.constant 16 : i32
        %parallel_loop3A_1534 = vector.broadcast %parallel_loop3A_1533 : i32 to vector<16xi32>
        %parallel_loop3A_1535 = arith.shli %parallel_loop3A_1529, %parallel_loop3A_1534 : vector<16xi32>
        %parallel_loop3A_1536 = arith.ori %parallel_loop3A_1532, %parallel_loop3A_1535 : vector<16xi32>
        %parallel_loop3A_1537 = arith.constant 64 : i32
        %parallel_loop3A_1538 = arith.addi %parallel_loop3A_1537, %parallel_loop3A_1479 : i32
        %parallel_loop3A_1539 = arith.index_cast %parallel_loop3A_1538 : i32 to index
        %parallel_loop3A_1540 = arith.constant 16 : index
        %parallel_loop3A_1541 = tpu.vector_load %arg9[%parallel_loop3A_1539, %parallel_loop3A_1540] {strides = array<i32>} : memref<128x128xi32, #tpu.memory_space<vmem>>, vector<1x16xi32>,
        %parallel_loop3A_1542 = vector.shape_cast %parallel_loop3A_1541 : vector<1x16xi32> to vector<16xi32>
        %parallel_loop3A_1543 = vector.shape_cast %parallel_loop3A_1536 : vector<16xi32> to vector<1x16xi32>
        tpu.vector_store %arg9[%parallel_loop3A_1539, %parallel_loop3A_1540], %parallel_loop3A_1543 {strides = array<i32>} : memref<128x128xi32, #tpu.memory_space<vmem>>, vector<1x16xi32>,
        %parallel_loop3A_1544 = arith.index_cast %parallel_loop3A_1491 : i32 to index
        %parallel_loop3A_1545 = arith.constant 32 : index
        %parallel_loop3A_1546 = tpu.vector_load %arg8[%parallel_loop3A_1544, %parallel_loop3A_1545] {strides = array<i32>} : memref<256x128xi32, #tpu.memory_space<vmem>>, vector<1x16xi32>,
        %parallel_loop3A_1547 = vector.shape_cast %parallel_loop3A_1546 : vector<1x16xi32> to vector<16xi32>
        %parallel_loop3A_1548 = arith.constant 1 : i32
        %parallel_loop3A_1549 = arith.addi %parallel_loop3A_1491, %parallel_loop3A_1548 : i32
        %parallel_loop3A_1550 = arith.index_cast %parallel_loop3A_1549 : i32 to index
        %parallel_loop3A_1551 = arith.constant 32 : index
        %parallel_loop3A_1552 = tpu.vector_load %arg8[%parallel_loop3A_1550, %parallel_loop3A_1551] {strides = array<i32>} : memref<256x128xi32, #tpu.memory_space<vmem>>, vector<1x16xi32>,
        %parallel_loop3A_1553 = vector.shape_cast %parallel_loop3A_1552 : vector<1x16xi32> to vector<16xi32>
        %parallel_loop3A_1554 = arith.shrui %parallel_loop3A_1547, %parallel_loop3A_1483 : vector<16xi32>
        %parallel_loop3A_1555 = arith.shrui %parallel_loop3A_1553, %parallel_loop3A_1487 : vector<16xi32>
        %parallel_loop3A_1556 = arith.constant 65535 : i32
        %parallel_loop3A_1557 = vector.broadcast %parallel_loop3A_1556 : i32 to vector<16xi32>
        %parallel_loop3A_1558 = arith.andi %parallel_loop3A_1554, %parallel_loop3A_1557 : vector<16xi32>
        %parallel_loop3A_1559 = arith.constant 16 : i32
        %parallel_loop3A_1560 = vector.broadcast %parallel_loop3A_1559 : i32 to vector<16xi32>
        %parallel_loop3A_1561 = arith.shli %parallel_loop3A_1555, %parallel_loop3A_1560 : vector<16xi32>
        %parallel_loop3A_1562 = arith.ori %parallel_loop3A_1558, %parallel_loop3A_1561 : vector<16xi32>
        %parallel_loop3A_1563 = arith.constant 64 : i32
        %parallel_loop3A_1564 = arith.addi %parallel_loop3A_1563, %parallel_loop3A_1479 : i32
        %parallel_loop3A_1565 = arith.index_cast %parallel_loop3A_1564 : i32 to index
        %parallel_loop3A_1566 = arith.constant 32 : index
        %parallel_loop3A_1567 = tpu.vector_load %arg9[%parallel_loop3A_1565, %parallel_loop3A_1566] {strides = array<i32>} : memref<128x128xi32, #tpu.memory_space<vmem>>, vector<1x16xi32>,
        %parallel_loop3A_1568 = vector.shape_cast %parallel_loop3A_1567 : vector<1x16xi32> to vector<16xi32>
        %parallel_loop3A_1569 = vector.shape_cast %parallel_loop3A_1562 : vector<16xi32> to vector<1x16xi32>
        tpu.vector_store %arg9[%parallel_loop3A_1565, %parallel_loop3A_1566], %parallel_loop3A_1569 {strides = array<i32>} : memref<128x128xi32, #tpu.memory_space<vmem>>, vector<1x16xi32>,
        %parallel_loop3A_1570 = arith.index_cast %parallel_loop3A_1491 : i32 to index
        %parallel_loop3A_1571 = arith.constant 48 : index
        %parallel_loop3A_1572 = tpu.vector_load %arg8[%parallel_loop3A_1570, %parallel_loop3A_1571] {strides = array<i32>} : memref<256x128xi32, #tpu.memory_space<vmem>>, vector<1x16xi32>,
        %parallel_loop3A_1573 = vector.shape_cast %parallel_loop3A_1572 : vector<1x16xi32> to vector<16xi32>
        %parallel_loop3A_1574 = arith.constant 1 : i32
        %parallel_loop3A_1575 = arith.addi %parallel_loop3A_1491, %parallel_loop3A_1574 : i32
        %parallel_loop3A_1576 = arith.index_cast %parallel_loop3A_1575 : i32 to index
        %parallel_loop3A_1577 = arith.constant 48 : index
        %parallel_loop3A_1578 = tpu.vector_load %arg8[%parallel_loop3A_1576, %parallel_loop3A_1577] {strides = array<i32>} : memref<256x128xi32, #tpu.memory_space<vmem>>, vector<1x16xi32>,
        %parallel_loop3A_1579 = vector.shape_cast %parallel_loop3A_1578 : vector<1x16xi32> to vector<16xi32>
        %parallel_loop3A_1580 = arith.shrui %parallel_loop3A_1573, %parallel_loop3A_1483 : vector<16xi32>
        %parallel_loop3A_1581 = arith.shrui %parallel_loop3A_1579, %parallel_loop3A_1487 : vector<16xi32>
        %parallel_loop3A_1582 = arith.constant 65535 : i32
        %parallel_loop3A_1583 = vector.broadcast %parallel_loop3A_1582 : i32 to vector<16xi32>
        %parallel_loop3A_1584 = arith.andi %parallel_loop3A_1580, %parallel_loop3A_1583 : vector<16xi32>
        %parallel_loop3A_1585 = arith.constant 16 : i32
        %parallel_loop3A_1586 = vector.broadcast %parallel_loop3A_1585 : i32 to vector<16xi32>
        %parallel_loop3A_1587 = arith.shli %parallel_loop3A_1581, %parallel_loop3A_1586 : vector<16xi32>
        %parallel_loop3A_1588 = arith.ori %parallel_loop3A_1584, %parallel_loop3A_1587 : vector<16xi32>
        %parallel_loop3A_1589 = arith.constant 64 : i32
        %parallel_loop3A_1590 = arith.addi %parallel_loop3A_1589, %parallel_loop3A_1479 : i32
        %parallel_loop3A_1591 = arith.index_cast %parallel_loop3A_1590 : i32 to index
        %parallel_loop3A_1592 = arith.constant 48 : index
        %parallel_loop3A_1593 = tpu.vector_load %arg9[%parallel_loop3A_1591, %parallel_loop3A_1592] {strides = array<i32>} : memref<128x128xi32, #tpu.memory_space<vmem>>, vector<1x16xi32>,
        %parallel_loop3A_1594 = vector.shape_cast %parallel_loop3A_1593 : vector<1x16xi32> to vector<16xi32>
        %parallel_loop3A_1595 = vector.shape_cast %parallel_loop3A_1588 : vector<16xi32> to vector<1x16xi32>
        tpu.vector_store %arg9[%parallel_loop3A_1591, %parallel_loop3A_1592], %parallel_loop3A_1595 {strides = array<i32>} : memref<128x128xi32, #tpu.memory_space<vmem>>, vector<1x16xi32>,
        %parallel_loop3A_1596 = arith.index_cast %parallel_loop3A_1491 : i32 to index
        %parallel_loop3A_1597 = arith.constant 64 : index
        %parallel_loop3A_1598 = tpu.vector_load %arg8[%parallel_loop3A_1596, %parallel_loop3A_1597] {strides = array<i32>} : memref<256x128xi32, #tpu.memory_space<vmem>>, vector<1x16xi32>,
        %parallel_loop3A_1599 = vector.shape_cast %parallel_loop3A_1598 : vector<1x16xi32> to vector<16xi32>
        %parallel_loop3A_1600 = arith.constant 1 : i32
        %parallel_loop3A_1601 = arith.addi %parallel_loop3A_1491, %parallel_loop3A_1600 : i32
        %parallel_loop3A_1602 = arith.index_cast %parallel_loop3A_1601 : i32 to index
        %parallel_loop3A_1603 = arith.constant 64 : index
        %parallel_loop3A_1604 = tpu.vector_load %arg8[%parallel_loop3A_1602, %parallel_loop3A_1603] {strides = array<i32>} : memref<256x128xi32, #tpu.memory_space<vmem>>, vector<1x16xi32>,
        %parallel_loop3A_1605 = vector.shape_cast %parallel_loop3A_1604 : vector<1x16xi32> to vector<16xi32>
        %parallel_loop3A_1606 = arith.shrui %parallel_loop3A_1599, %parallel_loop3A_1483 : vector<16xi32>
        %parallel_loop3A_1607 = arith.shrui %parallel_loop3A_1605, %parallel_loop3A_1487 : vector<16xi32>
        %parallel_loop3A_1608 = arith.constant 65535 : i32
        %parallel_loop3A_1609 = vector.broadcast %parallel_loop3A_1608 : i32 to vector<16xi32>
        %parallel_loop3A_1610 = arith.andi %parallel_loop3A_1606, %parallel_loop3A_1609 : vector<16xi32>
        %parallel_loop3A_1611 = arith.constant 16 : i32
        %parallel_loop3A_1612 = vector.broadcast %parallel_loop3A_1611 : i32 to vector<16xi32>
        %parallel_loop3A_1613 = arith.shli %parallel_loop3A_1607, %parallel_loop3A_1612 : vector<16xi32>
        %parallel_loop3A_1614 = arith.ori %parallel_loop3A_1610, %parallel_loop3A_1613 : vector<16xi32>
        %parallel_loop3A_1615 = arith.constant 64 : i32
        %parallel_loop3A_1616 = arith.addi %parallel_loop3A_1615, %parallel_loop3A_1479 : i32
        %parallel_loop3A_1617 = arith.index_cast %parallel_loop3A_1616 : i32 to index
        %parallel_loop3A_1618 = arith.constant 64 : index
        %parallel_loop3A_1619 = tpu.vector_load %arg9[%parallel_loop3A_1617, %parallel_loop3A_1618] {strides = array<i32>} : memref<128x128xi32, #tpu.memory_space<vmem>>, vector<1x16xi32>,
        %parallel_loop3A_1620 = vector.shape_cast %parallel_loop3A_1619 : vector<1x16xi32> to vector<16xi32>
        %parallel_loop3A_1621 = vector.shape_cast %parallel_loop3A_1614 : vector<16xi32> to vector<1x16xi32>
        tpu.vector_store %arg9[%parallel_loop3A_1617, %parallel_loop3A_1618], %parallel_loop3A_1621 {strides = array<i32>} : memref<128x128xi32, #tpu.memory_space<vmem>>, vector<1x16xi32>,
        %parallel_loop3A_1622 = arith.index_cast %parallel_loop3A_1491 : i32 to index
        %parallel_loop3A_1623 = arith.constant 80 : index
        %parallel_loop3A_1624 = tpu.vector_load %arg8[%parallel_loop3A_1622, %parallel_loop3A_1623] {strides = array<i32>} : memref<256x128xi32, #tpu.memory_space<vmem>>, vector<1x16xi32>,
        %parallel_loop3A_1625 = vector.shape_cast %parallel_loop3A_1624 : vector<1x16xi32> to vector<16xi32>
        %parallel_loop3A_1626 = arith.constant 1 : i32
        %parallel_loop3A_1627 = arith.addi %parallel_loop3A_1491, %parallel_loop3A_1626 : i32
        %parallel_loop3A_1628 = arith.index_cast %parallel_loop3A_1627 : i32 to index
        %parallel_loop3A_1629 = arith.constant 80 : index
        %parallel_loop3A_1630 = tpu.vector_load %arg8[%parallel_loop3A_1628, %parallel_loop3A_1629] {strides = array<i32>} : memref<256x128xi32, #tpu.memory_space<vmem>>, vector<1x16xi32>,
        %parallel_loop3A_1631 = vector.shape_cast %parallel_loop3A_1630 : vector<1x16xi32> to vector<16xi32>
        %parallel_loop3A_1632 = arith.shrui %parallel_loop3A_1625, %parallel_loop3A_1483 : vector<16xi32>
        %parallel_loop3A_1633 = arith.shrui %parallel_loop3A_1631, %parallel_loop3A_1487 : vector<16xi32>
        %parallel_loop3A_1634 = arith.constant 65535 : i32
        %parallel_loop3A_1635 = vector.broadcast %parallel_loop3A_1634 : i32 to vector<16xi32>
        %parallel_loop3A_1636 = arith.andi %parallel_loop3A_1632, %parallel_loop3A_1635 : vector<16xi32>
        %parallel_loop3A_1637 = arith.constant 16 : i32
        %parallel_loop3A_1638 = vector.broadcast %parallel_loop3A_1637 : i32 to vector<16xi32>
        %parallel_loop3A_1639 = arith.shli %parallel_loop3A_1633, %parallel_loop3A_1638 : vector<16xi32>
        %parallel_loop3A_1640 = arith.ori %parallel_loop3A_1636, %parallel_loop3A_1639 : vector<16xi32>
        %parallel_loop3A_1641 = arith.constant 64 : i32
        %parallel_loop3A_1642 = arith.addi %parallel_loop3A_1641, %parallel_loop3A_1479 : i32
        %parallel_loop3A_1643 = arith.index_cast %parallel_loop3A_1642 : i32 to index
        %parallel_loop3A_1644 = arith.constant 80 : index
        %parallel_loop3A_1645 = tpu.vector_load %arg9[%parallel_loop3A_1643, %parallel_loop3A_1644] {strides = array<i32>} : memref<128x128xi32, #tpu.memory_space<vmem>>, vector<1x16xi32>,
        %parallel_loop3A_1646 = vector.shape_cast %parallel_loop3A_1645 : vector<1x16xi32> to vector<16xi32>
        %parallel_loop3A_1647 = vector.shape_cast %parallel_loop3A_1640 : vector<16xi32> to vector<1x16xi32>
        tpu.vector_store %arg9[%parallel_loop3A_1643, %parallel_loop3A_1644], %parallel_loop3A_1647 {strides = array<i32>} : memref<128x128xi32, #tpu.memory_space<vmem>>, vector<1x16xi32>,
        %parallel_loop3A_1648 = arith.index_cast %parallel_loop3A_1491 : i32 to index
        %parallel_loop3A_1649 = arith.constant 96 : index
        %parallel_loop3A_1650 = tpu.vector_load %arg8[%parallel_loop3A_1648, %parallel_loop3A_1649] {strides = array<i32>} : memref<256x128xi32, #tpu.memory_space<vmem>>, vector<1x16xi32>,
        %parallel_loop3A_1651 = vector.shape_cast %parallel_loop3A_1650 : vector<1x16xi32> to vector<16xi32>
        %parallel_loop3A_1652 = arith.constant 1 : i32
        %parallel_loop3A_1653 = arith.addi %parallel_loop3A_1491, %parallel_loop3A_1652 : i32
        %parallel_loop3A_1654 = arith.index_cast %parallel_loop3A_1653 : i32 to index
        %parallel_loop3A_1655 = arith.constant 96 : index
        %parallel_loop3A_1656 = tpu.vector_load %arg8[%parallel_loop3A_1654, %parallel_loop3A_1655] {strides = array<i32>} : memref<256x128xi32, #tpu.memory_space<vmem>>, vector<1x16xi32>,
        %parallel_loop3A_1657 = vector.shape_cast %parallel_loop3A_1656 : vector<1x16xi32> to vector<16xi32>
        %parallel_loop3A_1658 = arith.shrui %parallel_loop3A_1651, %parallel_loop3A_1483 : vector<16xi32>
        %parallel_loop3A_1659 = arith.shrui %parallel_loop3A_1657, %parallel_loop3A_1487 : vector<16xi32>
        %parallel_loop3A_1660 = arith.constant 65535 : i32
        %parallel_loop3A_1661 = vector.broadcast %parallel_loop3A_1660 : i32 to vector<16xi32>
        %parallel_loop3A_1662 = arith.andi %parallel_loop3A_1658, %parallel_loop3A_1661 : vector<16xi32>
        %parallel_loop3A_1663 = arith.constant 16 : i32
        %parallel_loop3A_1664 = vector.broadcast %parallel_loop3A_1663 : i32 to vector<16xi32>
        %parallel_loop3A_1665 = arith.shli %parallel_loop3A_1659, %parallel_loop3A_1664 : vector<16xi32>
        %parallel_loop3A_1666 = arith.ori %parallel_loop3A_1662, %parallel_loop3A_1665 : vector<16xi32>
        %parallel_loop3A_1667 = arith.constant 64 : i32
        %parallel_loop3A_1668 = arith.addi %parallel_loop3A_1667, %parallel_loop3A_1479 : i32
        %parallel_loop3A_1669 = arith.index_cast %parallel_loop3A_1668 : i32 to index
        %parallel_loop3A_1670 = arith.constant 96 : index
        %parallel_loop3A_1671 = tpu.vector_load %arg9[%parallel_loop3A_1669, %parallel_loop3A_1670] {strides = array<i32>} : memref<128x128xi32, #tpu.memory_space<vmem>>, vector<1x16xi32>,
        %parallel_loop3A_1672 = vector.shape_cast %parallel_loop3A_1671 : vector<1x16xi32> to vector<16xi32>
        %parallel_loop3A_1673 = vector.shape_cast %parallel_loop3A_1666 : vector<16xi32> to vector<1x16xi32>
        tpu.vector_store %arg9[%parallel_loop3A_1669, %parallel_loop3A_1670], %parallel_loop3A_1673 {strides = array<i32>} : memref<128x128xi32, #tpu.memory_space<vmem>>, vector<1x16xi32>,
        %parallel_loop3A_1674 = arith.index_cast %parallel_loop3A_1491 : i32 to index
        %parallel_loop3A_1675 = arith.constant 112 : index
        %parallel_loop3A_1676 = tpu.vector_load %arg8[%parallel_loop3A_1674, %parallel_loop3A_1675] {strides = array<i32>} : memref<256x128xi32, #tpu.memory_space<vmem>>, vector<1x16xi32>,
        %parallel_loop3A_1677 = vector.shape_cast %parallel_loop3A_1676 : vector<1x16xi32> to vector<16xi32>
        %parallel_loop3A_1678 = arith.constant 1 : i32
        %parallel_loop3A_1679 = arith.addi %parallel_loop3A_1491, %parallel_loop3A_1678 : i32
        %parallel_loop3A_1680 = arith.index_cast %parallel_loop3A_1679 : i32 to index
        %parallel_loop3A_1681 = arith.constant 112 : index
        %parallel_loop3A_1682 = tpu.vector_load %arg8[%parallel_loop3A_1680, %parallel_loop3A_1681] {strides = array<i32>} : memref<256x128xi32, #tpu.memory_space<vmem>>, vector<1x16xi32>,
        %parallel_loop3A_1683 = vector.shape_cast %parallel_loop3A_1682 : vector<1x16xi32> to vector<16xi32>
        %parallel_loop3A_1684 = arith.shrui %parallel_loop3A_1677, %parallel_loop3A_1483 : vector<16xi32>
        %parallel_loop3A_1685 = arith.shrui %parallel_loop3A_1683, %parallel_loop3A_1487 : vector<16xi32>
        %parallel_loop3A_1686 = arith.constant 65535 : i32
        %parallel_loop3A_1687 = vector.broadcast %parallel_loop3A_1686 : i32 to vector<16xi32>
        %parallel_loop3A_1688 = arith.andi %parallel_loop3A_1684, %parallel_loop3A_1687 : vector<16xi32>
        %parallel_loop3A_1689 = arith.constant 16 : i32
        %parallel_loop3A_1690 = vector.broadcast %parallel_loop3A_1689 : i32 to vector<16xi32>
        %parallel_loop3A_1691 = arith.shli %parallel_loop3A_1685, %parallel_loop3A_1690 : vector<16xi32>
        %parallel_loop3A_1692 = arith.ori %parallel_loop3A_1688, %parallel_loop3A_1691 : vector<16xi32>
        %parallel_loop3A_1693 = arith.constant 64 : i32
        %parallel_loop3A_1694 = arith.addi %parallel_loop3A_1693, %parallel_loop3A_1479 : i32
        %parallel_loop3A_1695 = arith.index_cast %parallel_loop3A_1694 : i32 to index
        %parallel_loop3A_1696 = arith.constant 112 : index
        %parallel_loop3A_1697 = tpu.vector_load %arg9[%parallel_loop3A_1695, %parallel_loop3A_1696] {strides = array<i32>} : memref<128x128xi32, #tpu.memory_space<vmem>>, vector<1x16xi32>,
        %parallel_loop3A_1698 = vector.shape_cast %parallel_loop3A_1697 : vector<1x16xi32> to vector<16xi32>
        %parallel_loop3A_1699 = vector.shape_cast %parallel_loop3A_1692 : vector<16xi32> to vector<1x16xi32>
        tpu.vector_store %arg9[%parallel_loop3A_1695, %parallel_loop3A_1696], %parallel_loop3A_1699 {strides = array<i32>} : memref<128x128xi32, #tpu.memory_space<vmem>>, vector<1x16xi32>,
        %parallel_loop3A_1700 = arith.constant 8 : i32
        %parallel_loop3A_1701 = arith.muli %parallel_loop3A_122, %parallel_loop3A_1700 : i32
        %parallel_loop3A_1702 = arith.constant 7 : i32
        %parallel_loop3A_1703 = arith.addi %parallel_loop3A_1701, %parallel_loop3A_1702 : i32
        %parallel_loop3A_1704 = arith.constant 14 : i32
        %parallel_loop3A_1705 = vector.broadcast %parallel_loop3A_1704 : i32 to vector<16x1xi32>
        %parallel_loop3A_1706 = vector.shape_cast %parallel_loop3A_1705 : vector<16x1xi32> to vector<16xi32>
        %parallel_loop3A_1707 = tpu.dynamic_gather %parallel_loop3A_131[%parallel_loop3A_1706] in [0] : vector<16xi32>, vector<16xi32> -> vector<16xi32>
        %parallel_loop3A_1708 = arith.constant 15 : i32
        %parallel_loop3A_1709 = vector.broadcast %parallel_loop3A_1708 : i32 to vector<16x1xi32>
        %parallel_loop3A_1710 = vector.shape_cast %parallel_loop3A_1709 : vector<16x1xi32> to vector<16xi32>
        %parallel_loop3A_1711 = tpu.dynamic_gather %parallel_loop3A_131[%parallel_loop3A_1710] in [0] : vector<16xi32>, vector<16xi32> -> vector<16xi32>
        %parallel_loop3A_1712 = arith.constant 2 : i32
        %parallel_loop3A_1713 = arith.muli %parallel_loop3A_1712, %parallel_loop3A_1703 : i32
        %parallel_loop3A_1714 = arith.constant 128 : i32
        %parallel_loop3A_1715 = arith.addi %parallel_loop3A_1714, %parallel_loop3A_1713 : i32
        %parallel_loop3A_1716 = arith.index_cast %parallel_loop3A_1715 : i32 to index
        %parallel_loop3A_1717 = arith.constant 0 : index
        %parallel_loop3A_1718 = tpu.vector_load %arg8[%parallel_loop3A_1716, %parallel_loop3A_1717] {strides = array<i32>} : memref<256x128xi32, #tpu.memory_space<vmem>>, vector<1x16xi32>,
        %parallel_loop3A_1719 = vector.shape_cast %parallel_loop3A_1718 : vector<1x16xi32> to vector<16xi32>
        %parallel_loop3A_1720 = arith.constant 1 : i32
        %parallel_loop3A_1721 = arith.addi %parallel_loop3A_1715, %parallel_loop3A_1720 : i32
        %parallel_loop3A_1722 = arith.index_cast %parallel_loop3A_1721 : i32 to index
        %parallel_loop3A_1723 = arith.constant 0 : index
        %parallel_loop3A_1724 = tpu.vector_load %arg8[%parallel_loop3A_1722, %parallel_loop3A_1723] {strides = array<i32>} : memref<256x128xi32, #tpu.memory_space<vmem>>, vector<1x16xi32>,
        %parallel_loop3A_1725 = vector.shape_cast %parallel_loop3A_1724 : vector<1x16xi32> to vector<16xi32>
        %parallel_loop3A_1726 = arith.shrui %parallel_loop3A_1719, %parallel_loop3A_1707 : vector<16xi32>
        %parallel_loop3A_1727 = arith.shrui %parallel_loop3A_1725, %parallel_loop3A_1711 : vector<16xi32>
        %parallel_loop3A_1728 = arith.constant 65535 : i32
        %parallel_loop3A_1729 = vector.broadcast %parallel_loop3A_1728 : i32 to vector<16xi32>
        %parallel_loop3A_1730 = arith.andi %parallel_loop3A_1726, %parallel_loop3A_1729 : vector<16xi32>
        %parallel_loop3A_1731 = arith.constant 16 : i32
        %parallel_loop3A_1732 = vector.broadcast %parallel_loop3A_1731 : i32 to vector<16xi32>
        %parallel_loop3A_1733 = arith.shli %parallel_loop3A_1727, %parallel_loop3A_1732 : vector<16xi32>
        %parallel_loop3A_1734 = arith.ori %parallel_loop3A_1730, %parallel_loop3A_1733 : vector<16xi32>
        %parallel_loop3A_1735 = arith.constant 64 : i32
        %parallel_loop3A_1736 = arith.addi %parallel_loop3A_1735, %parallel_loop3A_1703 : i32
        %parallel_loop3A_1737 = arith.index_cast %parallel_loop3A_1736 : i32 to index
        %parallel_loop3A_1738 = arith.constant 0 : index
        %parallel_loop3A_1739 = tpu.vector_load %arg9[%parallel_loop3A_1737, %parallel_loop3A_1738] {strides = array<i32>} : memref<128x128xi32, #tpu.memory_space<vmem>>, vector<1x16xi32>,
        %parallel_loop3A_1740 = vector.shape_cast %parallel_loop3A_1739 : vector<1x16xi32> to vector<16xi32>
        %parallel_loop3A_1741 = vector.shape_cast %parallel_loop3A_1734 : vector<16xi32> to vector<1x16xi32>
        tpu.vector_store %arg9[%parallel_loop3A_1737, %parallel_loop3A_1738], %parallel_loop3A_1741 {strides = array<i32>} : memref<128x128xi32, #tpu.memory_space<vmem>>, vector<1x16xi32>,
        %parallel_loop3A_1742 = arith.index_cast %parallel_loop3A_1715 : i32 to index
        %parallel_loop3A_1743 = arith.constant 16 : index
        %parallel_loop3A_1744 = tpu.vector_load %arg8[%parallel_loop3A_1742, %parallel_loop3A_1743] {strides = array<i32>} : memref<256x128xi32, #tpu.memory_space<vmem>>, vector<1x16xi32>,
        %parallel_loop3A_1745 = vector.shape_cast %parallel_loop3A_1744 : vector<1x16xi32> to vector<16xi32>
        %parallel_loop3A_1746 = arith.constant 1 : i32
        %parallel_loop3A_1747 = arith.addi %parallel_loop3A_1715, %parallel_loop3A_1746 : i32
        %parallel_loop3A_1748 = arith.index_cast %parallel_loop3A_1747 : i32 to index
        %parallel_loop3A_1749 = arith.constant 16 : index
        %parallel_loop3A_1750 = tpu.vector_load %arg8[%parallel_loop3A_1748, %parallel_loop3A_1749] {strides = array<i32>} : memref<256x128xi32, #tpu.memory_space<vmem>>, vector<1x16xi32>,
        %parallel_loop3A_1751 = vector.shape_cast %parallel_loop3A_1750 : vector<1x16xi32> to vector<16xi32>
        %parallel_loop3A_1752 = arith.shrui %parallel_loop3A_1745, %parallel_loop3A_1707 : vector<16xi32>
        %parallel_loop3A_1753 = arith.shrui %parallel_loop3A_1751, %parallel_loop3A_1711 : vector<16xi32>
        %parallel_loop3A_1754 = arith.constant 65535 : i32
        %parallel_loop3A_1755 = vector.broadcast %parallel_loop3A_1754 : i32 to vector<16xi32>
        %parallel_loop3A_1756 = arith.andi %parallel_loop3A_1752, %parallel_loop3A_1755 : vector<16xi32>
        %parallel_loop3A_1757 = arith.constant 16 : i32
        %parallel_loop3A_1758 = vector.broadcast %parallel_loop3A_1757 : i32 to vector<16xi32>
        %parallel_loop3A_1759 = arith.shli %parallel_loop3A_1753, %parallel_loop3A_1758 : vector<16xi32>
        %parallel_loop3A_1760 = arith.ori %parallel_loop3A_1756, %parallel_loop3A_1759 : vector<16xi32>
        %parallel_loop3A_1761 = arith.constant 64 : i32
        %parallel_loop3A_1762 = arith.addi %parallel_loop3A_1761, %parallel_loop3A_1703 : i32
        %parallel_loop3A_1763 = arith.index_cast %parallel_loop3A_1762 : i32 to index
        %parallel_loop3A_1764 = arith.constant 16 : index
        %parallel_loop3A_1765 = tpu.vector_load %arg9[%parallel_loop3A_1763, %parallel_loop3A_1764] {strides = array<i32>} : memref<128x128xi32, #tpu.memory_space<vmem>>, vector<1x16xi32>,
        %parallel_loop3A_1766 = vector.shape_cast %parallel_loop3A_1765 : vector<1x16xi32> to vector<16xi32>
        %parallel_loop3A_1767 = vector.shape_cast %parallel_loop3A_1760 : vector<16xi32> to vector<1x16xi32>
        tpu.vector_store %arg9[%parallel_loop3A_1763, %parallel_loop3A_1764], %parallel_loop3A_1767 {strides = array<i32>} : memref<128x128xi32, #tpu.memory_space<vmem>>, vector<1x16xi32>,
        %parallel_loop3A_1768 = arith.index_cast %parallel_loop3A_1715 : i32 to index
        %parallel_loop3A_1769 = arith.constant 32 : index
        %parallel_loop3A_1770 = tpu.vector_load %arg8[%parallel_loop3A_1768, %parallel_loop3A_1769] {strides = array<i32>} : memref<256x128xi32, #tpu.memory_space<vmem>>, vector<1x16xi32>,
        %parallel_loop3A_1771 = vector.shape_cast %parallel_loop3A_1770 : vector<1x16xi32> to vector<16xi32>
        %parallel_loop3A_1772 = arith.constant 1 : i32
        %parallel_loop3A_1773 = arith.addi %parallel_loop3A_1715, %parallel_loop3A_1772 : i32
        %parallel_loop3A_1774 = arith.index_cast %parallel_loop3A_1773 : i32 to index
        %parallel_loop3A_1775 = arith.constant 32 : index
        %parallel_loop3A_1776 = tpu.vector_load %arg8[%parallel_loop3A_1774, %parallel_loop3A_1775] {strides = array<i32>} : memref<256x128xi32, #tpu.memory_space<vmem>>, vector<1x16xi32>,
        %parallel_loop3A_1777 = vector.shape_cast %parallel_loop3A_1776 : vector<1x16xi32> to vector<16xi32>
        %parallel_loop3A_1778 = arith.shrui %parallel_loop3A_1771, %parallel_loop3A_1707 : vector<16xi32>
        %parallel_loop3A_1779 = arith.shrui %parallel_loop3A_1777, %parallel_loop3A_1711 : vector<16xi32>
        %parallel_loop3A_1780 = arith.constant 65535 : i32
        %parallel_loop3A_1781 = vector.broadcast %parallel_loop3A_1780 : i32 to vector<16xi32>
        %parallel_loop3A_1782 = arith.andi %parallel_loop3A_1778, %parallel_loop3A_1781 : vector<16xi32>
        %parallel_loop3A_1783 = arith.constant 16 : i32
        %parallel_loop3A_1784 = vector.broadcast %parallel_loop3A_1783 : i32 to vector<16xi32>
        %parallel_loop3A_1785 = arith.shli %parallel_loop3A_1779, %parallel_loop3A_1784 : vector<16xi32>
        %parallel_loop3A_1786 = arith.ori %parallel_loop3A_1782, %parallel_loop3A_1785 : vector<16xi32>
        %parallel_loop3A_1787 = arith.constant 64 : i32
        %parallel_loop3A_1788 = arith.addi %parallel_loop3A_1787, %parallel_loop3A_1703 : i32
        %parallel_loop3A_1789 = arith.index_cast %parallel_loop3A_1788 : i32 to index
        %parallel_loop3A_1790 = arith.constant 32 : index
        %parallel_loop3A_1791 = tpu.vector_load %arg9[%parallel_loop3A_1789, %parallel_loop3A_1790] {strides = array<i32>} : memref<128x128xi32, #tpu.memory_space<vmem>>, vector<1x16xi32>,
        %parallel_loop3A_1792 = vector.shape_cast %parallel_loop3A_1791 : vector<1x16xi32> to vector<16xi32>
        %parallel_loop3A_1793 = vector.shape_cast %parallel_loop3A_1786 : vector<16xi32> to vector<1x16xi32>
        tpu.vector_store %arg9[%parallel_loop3A_1789, %parallel_loop3A_1790], %parallel_loop3A_1793 {strides = array<i32>} : memref<128x128xi32, #tpu.memory_space<vmem>>, vector<1x16xi32>,
        %parallel_loop3A_1794 = arith.index_cast %parallel_loop3A_1715 : i32 to index
        %parallel_loop3A_1795 = arith.constant 48 : index
        %parallel_loop3A_1796 = tpu.vector_load %arg8[%parallel_loop3A_1794, %parallel_loop3A_1795] {strides = array<i32>} : memref<256x128xi32, #tpu.memory_space<vmem>>, vector<1x16xi32>,
        %parallel_loop3A_1797 = vector.shape_cast %parallel_loop3A_1796 : vector<1x16xi32> to vector<16xi32>
        %parallel_loop3A_1798 = arith.constant 1 : i32
        %parallel_loop3A_1799 = arith.addi %parallel_loop3A_1715, %parallel_loop3A_1798 : i32
        %parallel_loop3A_1800 = arith.index_cast %parallel_loop3A_1799 : i32 to index
        %parallel_loop3A_1801 = arith.constant 48 : index
        %parallel_loop3A_1802 = tpu.vector_load %arg8[%parallel_loop3A_1800, %parallel_loop3A_1801] {strides = array<i32>} : memref<256x128xi32, #tpu.memory_space<vmem>>, vector<1x16xi32>,
        %parallel_loop3A_1803 = vector.shape_cast %parallel_loop3A_1802 : vector<1x16xi32> to vector<16xi32>
        %parallel_loop3A_1804 = arith.shrui %parallel_loop3A_1797, %parallel_loop3A_1707 : vector<16xi32>
        %parallel_loop3A_1805 = arith.shrui %parallel_loop3A_1803, %parallel_loop3A_1711 : vector<16xi32>
        %parallel_loop3A_1806 = arith.constant 65535 : i32
        %parallel_loop3A_1807 = vector.broadcast %parallel_loop3A_1806 : i32 to vector<16xi32>
        %parallel_loop3A_1808 = arith.andi %parallel_loop3A_1804, %parallel_loop3A_1807 : vector<16xi32>
        %parallel_loop3A_1809 = arith.constant 16 : i32
        %parallel_loop3A_1810 = vector.broadcast %parallel_loop3A_1809 : i32 to vector<16xi32>
        %parallel_loop3A_1811 = arith.shli %parallel_loop3A_1805, %parallel_loop3A_1810 : vector<16xi32>
        %parallel_loop3A_1812 = arith.ori %parallel_loop3A_1808, %parallel_loop3A_1811 : vector<16xi32>
        %parallel_loop3A_1813 = arith.constant 64 : i32
        %parallel_loop3A_1814 = arith.addi %parallel_loop3A_1813, %parallel_loop3A_1703 : i32
        %parallel_loop3A_1815 = arith.index_cast %parallel_loop3A_1814 : i32 to index
        %parallel_loop3A_1816 = arith.constant 48 : index
        %parallel_loop3A_1817 = tpu.vector_load %arg9[%parallel_loop3A_1815, %parallel_loop3A_1816] {strides = array<i32>} : memref<128x128xi32, #tpu.memory_space<vmem>>, vector<1x16xi32>,
        %parallel_loop3A_1818 = vector.shape_cast %parallel_loop3A_1817 : vector<1x16xi32> to vector<16xi32>
        %parallel_loop3A_1819 = vector.shape_cast %parallel_loop3A_1812 : vector<16xi32> to vector<1x16xi32>
        tpu.vector_store %arg9[%parallel_loop3A_1815, %parallel_loop3A_1816], %parallel_loop3A_1819 {strides = array<i32>} : memref<128x128xi32, #tpu.memory_space<vmem>>, vector<1x16xi32>,
        %parallel_loop3A_1820 = arith.index_cast %parallel_loop3A_1715 : i32 to index
        %parallel_loop3A_1821 = arith.constant 64 : index
        %parallel_loop3A_1822 = tpu.vector_load %arg8[%parallel_loop3A_1820, %parallel_loop3A_1821] {strides = array<i32>} : memref<256x128xi32, #tpu.memory_space<vmem>>, vector<1x16xi32>,
        %parallel_loop3A_1823 = vector.shape_cast %parallel_loop3A_1822 : vector<1x16xi32> to vector<16xi32>
        %parallel_loop3A_1824 = arith.constant 1 : i32
        %parallel_loop3A_1825 = arith.addi %parallel_loop3A_1715, %parallel_loop3A_1824 : i32
        %parallel_loop3A_1826 = arith.index_cast %parallel_loop3A_1825 : i32 to index
        %parallel_loop3A_1827 = arith.constant 64 : index
        %parallel_loop3A_1828 = tpu.vector_load %arg8[%parallel_loop3A_1826, %parallel_loop3A_1827] {strides = array<i32>} : memref<256x128xi32, #tpu.memory_space<vmem>>, vector<1x16xi32>,
        %parallel_loop3A_1829 = vector.shape_cast %parallel_loop3A_1828 : vector<1x16xi32> to vector<16xi32>
        %parallel_loop3A_1830 = arith.shrui %parallel_loop3A_1823, %parallel_loop3A_1707 : vector<16xi32>
        %parallel_loop3A_1831 = arith.shrui %parallel_loop3A_1829, %parallel_loop3A_1711 : vector<16xi32>
        %parallel_loop3A_1832 = arith.constant 65535 : i32
        %parallel_loop3A_1833 = vector.broadcast %parallel_loop3A_1832 : i32 to vector<16xi32>
        %parallel_loop3A_1834 = arith.andi %parallel_loop3A_1830, %parallel_loop3A_1833 : vector<16xi32>
        %parallel_loop3A_1835 = arith.constant 16 : i32
        %parallel_loop3A_1836 = vector.broadcast %parallel_loop3A_1835 : i32 to vector<16xi32>
        %parallel_loop3A_1837 = arith.shli %parallel_loop3A_1831, %parallel_loop3A_1836 : vector<16xi32>
        %parallel_loop3A_1838 = arith.ori %parallel_loop3A_1834, %parallel_loop3A_1837 : vector<16xi32>
        %parallel_loop3A_1839 = arith.constant 64 : i32
        %parallel_loop3A_1840 = arith.addi %parallel_loop3A_1839, %parallel_loop3A_1703 : i32
        %parallel_loop3A_1841 = arith.index_cast %parallel_loop3A_1840 : i32 to index
        %parallel_loop3A_1842 = arith.constant 64 : index
        %parallel_loop3A_1843 = tpu.vector_load %arg9[%parallel_loop3A_1841, %parallel_loop3A_1842] {strides = array<i32>} : memref<128x128xi32, #tpu.memory_space<vmem>>, vector<1x16xi32>,
        %parallel_loop3A_1844 = vector.shape_cast %parallel_loop3A_1843 : vector<1x16xi32> to vector<16xi32>
        %parallel_loop3A_1845 = vector.shape_cast %parallel_loop3A_1838 : vector<16xi32> to vector<1x16xi32>
        tpu.vector_store %arg9[%parallel_loop3A_1841, %parallel_loop3A_1842], %parallel_loop3A_1845 {strides = array<i32>} : memref<128x128xi32, #tpu.memory_space<vmem>>, vector<1x16xi32>,
        %parallel_loop3A_1846 = arith.index_cast %parallel_loop3A_1715 : i32 to index
        %parallel_loop3A_1847 = arith.constant 80 : index
        %parallel_loop3A_1848 = tpu.vector_load %arg8[%parallel_loop3A_1846, %parallel_loop3A_1847] {strides = array<i32>} : memref<256x128xi32, #tpu.memory_space<vmem>>, vector<1x16xi32>,
        %parallel_loop3A_1849 = vector.shape_cast %parallel_loop3A_1848 : vector<1x16xi32> to vector<16xi32>
        %parallel_loop3A_1850 = arith.constant 1 : i32
        %parallel_loop3A_1851 = arith.addi %parallel_loop3A_1715, %parallel_loop3A_1850 : i32
        %parallel_loop3A_1852 = arith.index_cast %parallel_loop3A_1851 : i32 to index
        %parallel_loop3A_1853 = arith.constant 80 : index
        %parallel_loop3A_1854 = tpu.vector_load %arg8[%parallel_loop3A_1852, %parallel_loop3A_1853] {strides = array<i32>} : memref<256x128xi32, #tpu.memory_space<vmem>>, vector<1x16xi32>,
        %parallel_loop3A_1855 = vector.shape_cast %parallel_loop3A_1854 : vector<1x16xi32> to vector<16xi32>
        %parallel_loop3A_1856 = arith.shrui %parallel_loop3A_1849, %parallel_loop3A_1707 : vector<16xi32>
        %parallel_loop3A_1857 = arith.shrui %parallel_loop3A_1855, %parallel_loop3A_1711 : vector<16xi32>
        %parallel_loop3A_1858 = arith.constant 65535 : i32
        %parallel_loop3A_1859 = vector.broadcast %parallel_loop3A_1858 : i32 to vector<16xi32>
        %parallel_loop3A_1860 = arith.andi %parallel_loop3A_1856, %parallel_loop3A_1859 : vector<16xi32>
        %parallel_loop3A_1861 = arith.constant 16 : i32
        %parallel_loop3A_1862 = vector.broadcast %parallel_loop3A_1861 : i32 to vector<16xi32>
        %parallel_loop3A_1863 = arith.shli %parallel_loop3A_1857, %parallel_loop3A_1862 : vector<16xi32>
        %parallel_loop3A_1864 = arith.ori %parallel_loop3A_1860, %parallel_loop3A_1863 : vector<16xi32>
        %parallel_loop3A_1865 = arith.constant 64 : i32
        %parallel_loop3A_1866 = arith.addi %parallel_loop3A_1865, %parallel_loop3A_1703 : i32
        %parallel_loop3A_1867 = arith.index_cast %parallel_loop3A_1866 : i32 to index
        %parallel_loop3A_1868 = arith.constant 80 : index
        %parallel_loop3A_1869 = tpu.vector_load %arg9[%parallel_loop3A_1867, %parallel_loop3A_1868] {strides = array<i32>} : memref<128x128xi32, #tpu.memory_space<vmem>>, vector<1x16xi32>,
        %parallel_loop3A_1870 = vector.shape_cast %parallel_loop3A_1869 : vector<1x16xi32> to vector<16xi32>
        %parallel_loop3A_1871 = vector.shape_cast %parallel_loop3A_1864 : vector<16xi32> to vector<1x16xi32>
        tpu.vector_store %arg9[%parallel_loop3A_1867, %parallel_loop3A_1868], %parallel_loop3A_1871 {strides = array<i32>} : memref<128x128xi32, #tpu.memory_space<vmem>>, vector<1x16xi32>,
        %parallel_loop3A_1872 = arith.index_cast %parallel_loop3A_1715 : i32 to index
        %parallel_loop3A_1873 = arith.constant 96 : index
        %parallel_loop3A_1874 = tpu.vector_load %arg8[%parallel_loop3A_1872, %parallel_loop3A_1873] {strides = array<i32>} : memref<256x128xi32, #tpu.memory_space<vmem>>, vector<1x16xi32>,
        %parallel_loop3A_1875 = vector.shape_cast %parallel_loop3A_1874 : vector<1x16xi32> to vector<16xi32>
        %parallel_loop3A_1876 = arith.constant 1 : i32
        %parallel_loop3A_1877 = arith.addi %parallel_loop3A_1715, %parallel_loop3A_1876 : i32
        %parallel_loop3A_1878 = arith.index_cast %parallel_loop3A_1877 : i32 to index
        %parallel_loop3A_1879 = arith.constant 96 : index
        %parallel_loop3A_1880 = tpu.vector_load %arg8[%parallel_loop3A_1878, %parallel_loop3A_1879] {strides = array<i32>} : memref<256x128xi32, #tpu.memory_space<vmem>>, vector<1x16xi32>,
        %parallel_loop3A_1881 = vector.shape_cast %parallel_loop3A_1880 : vector<1x16xi32> to vector<16xi32>
        %parallel_loop3A_1882 = arith.shrui %parallel_loop3A_1875, %parallel_loop3A_1707 : vector<16xi32>
        %parallel_loop3A_1883 = arith.shrui %parallel_loop3A_1881, %parallel_loop3A_1711 : vector<16xi32>
        %parallel_loop3A_1884 = arith.constant 65535 : i32
        %parallel_loop3A_1885 = vector.broadcast %parallel_loop3A_1884 : i32 to vector<16xi32>
        %parallel_loop3A_1886 = arith.andi %parallel_loop3A_1882, %parallel_loop3A_1885 : vector<16xi32>
        %parallel_loop3A_1887 = arith.constant 16 : i32
        %parallel_loop3A_1888 = vector.broadcast %parallel_loop3A_1887 : i32 to vector<16xi32>
        %parallel_loop3A_1889 = arith.shli %parallel_loop3A_1883, %parallel_loop3A_1888 : vector<16xi32>
        %parallel_loop3A_1890 = arith.ori %parallel_loop3A_1886, %parallel_loop3A_1889 : vector<16xi32>
        %parallel_loop3A_1891 = arith.constant 64 : i32
        %parallel_loop3A_1892 = arith.addi %parallel_loop3A_1891, %parallel_loop3A_1703 : i32
        %parallel_loop3A_1893 = arith.index_cast %parallel_loop3A_1892 : i32 to index
        %parallel_loop3A_1894 = arith.constant 96 : index
        %parallel_loop3A_1895 = tpu.vector_load %arg9[%parallel_loop3A_1893, %parallel_loop3A_1894] {strides = array<i32>} : memref<128x128xi32, #tpu.memory_space<vmem>>, vector<1x16xi32>,
        %parallel_loop3A_1896 = vector.shape_cast %parallel_loop3A_1895 : vector<1x16xi32> to vector<16xi32>
        %parallel_loop3A_1897 = vector.shape_cast %parallel_loop3A_1890 : vector<16xi32> to vector<1x16xi32>
        tpu.vector_store %arg9[%parallel_loop3A_1893, %parallel_loop3A_1894], %parallel_loop3A_1897 {strides = array<i32>} : memref<128x128xi32, #tpu.memory_space<vmem>>, vector<1x16xi32>,
        %parallel_loop3A_1898 = arith.index_cast %parallel_loop3A_1715 : i32 to index
        %parallel_loop3A_1899 = arith.constant 112 : index
        %parallel_loop3A_1900 = tpu.vector_load %arg8[%parallel_loop3A_1898, %parallel_loop3A_1899] {strides = array<i32>} : memref<256x128xi32, #tpu.memory_space<vmem>>, vector<1x16xi32>,
        %parallel_loop3A_1901 = vector.shape_cast %parallel_loop3A_1900 : vector<1x16xi32> to vector<16xi32>
        %parallel_loop3A_1902 = arith.constant 1 : i32
        %parallel_loop3A_1903 = arith.addi %parallel_loop3A_1715, %parallel_loop3A_1902 : i32
        %parallel_loop3A_1904 = arith.index_cast %parallel_loop3A_1903 : i32 to index
        %parallel_loop3A_1905 = arith.constant 112 : index
        %parallel_loop3A_1906 = tpu.vector_load %arg8[%parallel_loop3A_1904, %parallel_loop3A_1905] {strides = array<i32>} : memref<256x128xi32, #tpu.memory_space<vmem>>, vector<1x16xi32>,
        %parallel_loop3A_1907 = vector.shape_cast %parallel_loop3A_1906 : vector<1x16xi32> to vector<16xi32>
        %parallel_loop3A_1908 = arith.shrui %parallel_loop3A_1901, %parallel_loop3A_1707 : vector<16xi32>
        %parallel_loop3A_1909 = arith.shrui %parallel_loop3A_1907, %parallel_loop3A_1711 : vector<16xi32>
        %parallel_loop3A_1910 = arith.constant 65535 : i32
        %parallel_loop3A_1911 = vector.broadcast %parallel_loop3A_1910 : i32 to vector<16xi32>
        %parallel_loop3A_1912 = arith.andi %parallel_loop3A_1908, %parallel_loop3A_1911 : vector<16xi32>
        %parallel_loop3A_1913 = arith.constant 16 : i32
        %parallel_loop3A_1914 = vector.broadcast %parallel_loop3A_1913 : i32 to vector<16xi32>
        %parallel_loop3A_1915 = arith.shli %parallel_loop3A_1909, %parallel_loop3A_1914 : vector<16xi32>
        %parallel_loop3A_1916 = arith.ori %parallel_loop3A_1912, %parallel_loop3A_1915 : vector<16xi32>
        %parallel_loop3A_1917 = arith.constant 64 : i32
        %parallel_loop3A_1918 = arith.addi %parallel_loop3A_1917, %parallel_loop3A_1703 : i32
        %parallel_loop3A_1919 = arith.index_cast %parallel_loop3A_1918 : i32 to index
        %parallel_loop3A_1920 = arith.constant 112 : index
        %parallel_loop3A_1921 = tpu.vector_load %arg9[%parallel_loop3A_1919, %parallel_loop3A_1920] {strides = array<i32>} : memref<128x128xi32, #tpu.memory_space<vmem>>, vector<1x16xi32>,
        %parallel_loop3A_1922 = vector.shape_cast %parallel_loop3A_1921 : vector<1x16xi32> to vector<16xi32>
        %parallel_loop3A_1923 = vector.shape_cast %parallel_loop3A_1916 : vector<16xi32> to vector<1x16xi32>
        tpu.vector_store %arg9[%parallel_loop3A_1919, %parallel_loop3A_1920], %parallel_loop3A_1923 {strides = array<i32>} : memref<128x128xi32, #tpu.memory_space<vmem>>, vector<1x16xi32>,
      } {sc.loop_unroll_factor = 2 : i64, sc.parallel_access}
      %add3A_107 = arith.constant 1 : i32
      %add3A_108 = arith.addi %mul3A_42, %add3A_107 : i32
      %mul3A_109 = arith.constant 64 : i32
      %mul3A_110 = arith.muli %add3A_108, %mul3A_109 : i32
      %add3A_111 = arith.addi %mul3A_6, %mul3A_110 : i32
      %dma_start3A_112 = arith.constant 64 : i32
      %dma_start3A_113 = arith.constant 0 : i32
      %dma_start3A_114 = tpu.memref_slice %arg9[%dma_start3A_112, %dma_start3A_113] : memref<128x128xi32, #tpu.memory_space<vmem>> -> memref<64x128xi32, #tpu.memory_space<vmem>>
      %dma_start3A_115 = arith.constant 0 : i32
      %dma_start3A_116 = tpu.memref_slice %arg5[%add3A_111, %dma_start3A_115] : memref<409600x128xi32, #tpu.memory_space<hbm>> -> memref<64x128xi32, #tpu.memory_space<hbm>>
      %dma_start3A_117 = arith.constant 0 : i32
      %dma_start3A_118 = tpu.memref_slice %arg5[%add3A_111, %dma_start3A_117] : memref<409600x128xi32, #tpu.memory_space<hbm>> -> memref<64x128xi32, #tpu.memory_space<hbm>>
      %dma_start3A_119 = arith.constant 64 : i32
      %dma_start3A_120 = arith.constant 0 : i32
      %dma_start3A_121 = tpu.memref_slice %arg9[%dma_start3A_119, %dma_start3A_120] : memref<128x128xi32, #tpu.memory_space<vmem>> -> memref<64x128xi32, #tpu.memory_space<vmem>>
      tpu.enqueue_dma source(%dma_start3A_121 : memref<64x128xi32, #tpu.memory_space<vmem>>) target(%dma_start3A_118 : memref<64x128xi32, #tpu.memory_space<hbm>>) target_semaphore(%arg13 : memref<!tpu.dma_semaphore, #tpu.memory_space<semaphore_mem>>)
    }
    %scan3A_20 = arith.constant 100 : i32
    %dma_wait3A = arith.constant 0 : i32
    %dma_wait3A_21 = arith.constant 0 : i32
    %dma_wait3A_22 = tpu.memref_slice %arg9[%dma_wait3A, %dma_wait3A_21] : memref<128x128xi32, #tpu.memory_space<vmem>> -> memref<64x128xi32, #tpu.memory_space<vmem>>
    %dma_wait3A_23 = arith.constant 0 : i32
    %dma_wait3A_24 = tpu.memref_slice %arg5[%mul3A_6, %dma_wait3A_23] : memref<409600x128xi32, #tpu.memory_space<hbm>> -> memref<64x128xi32, #tpu.memory_space<hbm>>
    %dma_wait3A_25 = arith.constant 0 : i32
    %dma_wait3A_26 = tpu.memref_slice %arg5[%mul3A_6, %dma_wait3A_25] : memref<409600x128xi32, #tpu.memory_space<hbm>> -> memref<64x128xi32, #tpu.memory_space<hbm>>
    %dma_wait3A_27 = arith.constant 0 : i32
    %dma_wait3A_28 = arith.constant 0 : i32
    %dma_wait3A_29 = tpu.memref_slice %arg9[%dma_wait3A_27, %dma_wait3A_28] : memref<128x128xi32, #tpu.memory_space<vmem>> -> memref<64x128xi32, #tpu.memory_space<vmem>>
    tpu.wait_dma2 semaphore(%arg12 : memref<!tpu.dma_semaphore, #tpu.memory_space<semaphore_mem>>) src(%dma_wait3A_29 : memref<64x128xi32, #tpu.memory_space<vmem>>) dst(%dma_wait3A_26 : memref<64x128xi32, #tpu.memory_space<hbm>>)
    %dma_wait3A_30 = arith.constant 64 : i32
    %dma_wait3A_31 = arith.constant 0 : i32
    %dma_wait3A_32 = tpu.memref_slice %arg9[%dma_wait3A_30, %dma_wait3A_31] : memref<128x128xi32, #tpu.memory_space<vmem>> -> memref<64x128xi32, #tpu.memory_space<vmem>>
    %dma_wait3A_33 = arith.constant 0 : i32
    %dma_wait3A_34 = tpu.memref_slice %arg5[%mul3A_6, %dma_wait3A_33] : memref<409600x128xi32, #tpu.memory_space<hbm>> -> memref<64x128xi32, #tpu.memory_space<hbm>>
    %dma_wait3A_35 = arith.constant 0 : i32
    %dma_wait3A_36 = tpu.memref_slice %arg5[%mul3A_6, %dma_wait3A_35] : memref<409600x128xi32, #tpu.memory_space<hbm>> -> memref<64x128xi32, #tpu.memory_space<hbm>>
    %dma_wait3A_37 = arith.constant 64 : i32
    %dma_wait3A_38 = arith.constant 0 : i32
    %dma_wait3A_39 = tpu.memref_slice %arg9[%dma_wait3A_37, %dma_wait3A_38] : memref<128x128xi32, #tpu.memory_space<vmem>> -> memref<64x128xi32, #tpu.memory_space<vmem>>
    tpu.wait_dma2 semaphore(%arg13 : memref<!tpu.dma_semaphore, #tpu.memory_space<semaphore_mem>>) src(%dma_wait3A_39 : memref<64x128xi32, #tpu.memory_space<vmem>>) dst(%dma_wait3A_36 : memref<64x128xi32, #tpu.memory_space<hbm>>)
    return
  }
}

module attributes {stable_mosaic.version = 14 : i64} {
  func.func @body(%arg0: i32, %arg1: memref<10000x128xbf16, #tpu.memory_space<vmem>>, %arg2: memref<5000x128xi32, #tpu.memory_space<vmem>>) attributes {dimension_semantics = [#tpu.dimension_semantics<arbitrary>], iteration_bounds = array<i64: 10>, scalar_prefetch = 0 : i64, scratch_operands = 0 : i64, tpu.core_type = #tpu.core_type<tc>, window_params = [{transform_indices = @transform_0, window_bounds = array<i64: 10000, 128>}, {transform_indices = @transform_1, window_bounds = array<i64: 5000, 128>}]} {
    %get3A = arith.constant 0 : index
    %get3A_0 = arith.constant 0 : index
    %get3A_1 = vector.load %arg1[%get3A, %get3A_0] : memref<10000x128xbf16, #tpu.memory_space<vmem>>, vector<10000x128xbf16>
    %bitcast3A = tpu.bitcast %get3A_1 : vector<10000x128xbf16> -> vector<5000x128xi32>
    %swap3A = arith.constant 0 : index
    %swap3A_2 = arith.constant 0 : index
    %swap3A_3 = vector.load %arg2[%swap3A, %swap3A_2] : memref<5000x128xi32, #tpu.memory_space<vmem>>, vector<5000x128xi32>
    tpu.vector_store %arg2[%swap3A, %swap3A_2], %bitcast3A {strides = array<i32>} : memref<5000x128xi32, #tpu.memory_space<vmem>>, vector<5000x128xi32>,
    return
  }
  func.func @transform_0(%arg0: i32) -> (i32, i32) {
    %c0_i32 = arith.constant 0 : i32
    %c0_i32_0 = arith.constant 0 : i32
    return %arg0, %c0_i32 : i32, i32
  }
  func.func @transform_1(%arg0: i32) -> (i32, i32) {
    %c0_i32 = arith.constant 0 : i32
    %c0_i32_0 = arith.constant 0 : i32
    return %arg0, %c0_i32 : i32, i32
  }
}

module attributes {stable_mosaic.version = 14 : i64} {
  func.func @body(%arg0: i32, %arg1: memref<12800x128xi32, #tpu.memory_space<vmem>>, %arg2: memref<128x200x128xbf16, #tpu.memory_space<vmem>>) attributes {dimension_semantics = [#tpu.dimension_semantics<arbitrary>], iteration_bounds = array<i64: 32>, scalar_prefetch = 0 : i64, scratch_operands = 0 : i64, tpu.core_type = #tpu.core_type<tc>, window_params = [{transform_indices = @transform_0, window_bounds = array<i64: 12800, 128>}, {transform_indices = @transform_1, window_bounds = array<i64: 128, 200, 128>}]} {
    %get3A = arith.constant 0 : index
    %get3A_0 = arith.constant 0 : index
    %get3A_1 = vector.load %arg1[%get3A, %get3A_0] : memref<12800x128xi32, #tpu.memory_space<vmem>>, vector<12800x128xi32>
    %bitcast3A = tpu.bitcast %get3A_1 : vector<12800x128xi32> -> vector<25600x128xbf16>
    %reshape3A = vector.shape_cast %bitcast3A : vector<25600x128xbf16> to vector<128x200x128xbf16>
    %swap3A = arith.constant 0 : index
    %swap3A_2 = arith.constant 0 : index
    %swap3A_3 = arith.constant 0 : index
    %swap3A_4 = vector.load %arg2[%swap3A, %swap3A_2, %swap3A_3] : memref<128x200x128xbf16, #tpu.memory_space<vmem>>, vector<128x200x128xbf16>
    tpu.vector_store %arg2[%swap3A, %swap3A_2, %swap3A_3], %reshape3A {strides = array<i32>} : memref<128x200x128xbf16, #tpu.memory_space<vmem>>, vector<128x200x128xbf16>,
    return
  }
  func.func @transform_0(%arg0: i32) -> (i32, i32) {
    %c0_i32 = arith.constant 0 : i32
    %c0_i32_0 = arith.constant 0 : i32
    return %arg0, %c0_i32 : i32, i32
  }
  func.func @transform_1(%arg0: i32) -> (i32, i32, i32) {
    %c0_i32 = arith.constant 0 : i32
    %c0_i32_0 = arith.constant 0 : i32
    %c0_i32_1 = arith.constant 0 : i32
    return %arg0, %c0_i32, %c0_i32_0 : i32, i32, i32
  }
}

</mosaic_0001>

<sc_bundles>
// kernel: kernel.5.cloned.1.call-start
scs
__scs_entry_jumppad:
0x0: {  	(pc) =	sbr.rel $0x88, $3  }
0x1: {  	(tag) =	ssettag $0x0;
	lr =	simm.s32 $0x1  }
0x2: {  	[smem:$0x3F9F] =	sst lr;
	_ =	strace $0xD0000000  }
0x3: {  	_ = 	snop  }
0x4: {  	_ = 	snop  }
0x5: {  	_ = 	snop  }
0x6: {  	_ = 	snop  }
0x7: {  	_ = 	snop  }
__scs_overlays_trampoline_lowered:
0x8: {  	[smem:$0x3FAE] =	sst s0  }
0x9: {  	[smem:$0x3FAF] =	sst s1  }
0xa: {  	[smem:$0x3FB0] =	sst s2  }
0xb: {  	[smem:$0x3FB1] =	sst s3  }
0xc: {  	[smem:$0x3FB2] =	sst s4  }
0xd: {  	[smem:$0x3FB3] =	sst s5  }
0xe: {  	[smem:$0x3FB4] =	sst s6  }
0xf: {  	[smem:$0x3FB5] =	sst s7  }
0x10: {  	[smem:$0x3FB6] =	sst s8  }
0x11: {  	[smem:$0x3FB7] =	sst s9;
	s0 =	simm.s32 @!p0 $0x0  }
0x12: {  	s1 =	sld [smem:$0x3F9D];
	s0 =	simm.s32 @p0 $0x1  }
0x13: {  	[smem:$0x3FB8] =	sst s0;
	s0 =	simm.s32 @!p1 $0x0  }
0x14: {  	s2 =	sld [smem:$0x3F9C];
	s0 =	simm.s32 @p1 $0x1  }
0x15: {  	[smem:$0x3FB9] =	sst s0;
	s0 =	simm.s32 @!p2 $0x0  }
0x16: {  	s3 =	sld [smem:$0x3FDB];
	s0 =	simm.s32 @p2 $0x1  }
0x17: {  	s4 =	simm.s32 $0x1BF5;
	[smem:$0x3FBB] =	sst s0  }
0x18: {  	s0 =	sld [smem:$0x3F9E];
	_ =	swait.ge [sflag:s4], $0x0  }
0x19: {  	s7 =	sld [smem:$0x3F9F]  }
0x1a: {  	s8 =	sadd.s32 $0xFFFFE003, lr  }
0x1b: {  	s9 =	sadd.s32 $0xFFFFFEF7, lr;
	s5 =	simm.s32 $0xFFFFFFFF;
	p2 =	slt.u32 s8, $0xFFFFF086  }
0x1c: {  	p1 =	slt.u32 s9, $0xF7A;
	s5 =	simm.s32 @!p2 $0x0  }
0x1d: {  	s5 =	simm.s32 @p1 $0x1;
	p0 =	seq.s32 s7, s2  }
0x1e: {  	s7 =	smul.u32 @!p0 $0xF7A, s2;
	p2 =	seq.s32 @!p0 s5, $0x0  }
0x1f: {  	s9 =	smul.u32 $0xF7A, s1;
	s8 =	simm.s32 @!p0 $0x1BF5;
	p2 =	por !p2, p0  }
0x20: {  	[sflag:s8] =	ssyncset.s32 @!p0 $0xFFFFF086;
	s6 =	sadd.s32 @!p0 s3, s7;
	s7 =	simm.s32 @!p0 $0x108  }
0x21: {  	s3 =	sadd.s32 s3, s9;
	s6 =	sadd.s32 @!p0 $0x88, s6;
	s7 =	simm.s32 @p2 $0x1082  }
0x22: {  	[simem:s7], [sflag:s8] =	dma.local @!p0 [hbm:s6], $0xF7A  }
0x23: {  	s9 =	sor.u32 $0xD0000000, s2;
	s6 =	simm.s32 $0x108;
	_ =	swait.ge @!p0 [sflag:s8], $0x0  }
0x24: {  	s3 =	sadd.s32 $0x88, s3;
	s6 =	simm.s32 @!p1 $0x1082;
	[sflag:s4] =	ssyncset.s32 $0xFFFFF086  }
0x25: {  	[simem:s6], [sflag:s4] =	dma.local [hbm:s3], $0xF7A  }
0x26: {  	[smem:$0x3F9F] =	sst s1;
	(tag) =	ssettag s2;
	_ =	strace s9  }
0x27: {  	s1 =	sld [smem:$0x3FAF]  }
0x28: {  	s2 =	sld [smem:$0x3FB0]  }
0x29: {  	s4 =	sld [smem:$0x3FB2]  }
0x2a: {  	p0 =	seq.s32 s5, $0x0;
	s5 =	sld [smem:$0x3FB3]  }
0x2b: {  	s6 =	sld [smem:$0x3FB4]  }
0x2c: {  	s7 =	sld [smem:$0x3FB5]  }
0x2d: {  	s3 =	simm.s32 $0x108;
	s8 =	sld [smem:$0x3FB6]  }
0x2e: {  	s3 =	simm.s32 @!p0 $0x1082;
	s9 =	sld [smem:$0x3FB7]  }
0x2f: {  	lr =	sadd.s32 s0, s3;
	s0 =	sld [smem:$0x3FAE]  }
0x30: {  	s3 =	sld [smem:$0x3FB1]  }
0x31: {  	[smem:$0x3FBA] =	sst s10  }
0x32: {  	s10 =	sld [smem:$0x3FB8];
	_ =	sdelay $0x3  }
0x33: {  	p0 =	seq.s32 s10, $0x1;
	s10 =	sld [smem:$0x3FBA];
	_ =	sdelay $0x3  }
0x34: {  	[smem:$0x3FBA] =	sst s10  }
0x35: {  	s10 =	sld [smem:$0x3FB9];
	_ =	sdelay $0x3  }
0x36: {  	p1 =	seq.s32 s10, $0x1;
	s10 =	sld [smem:$0x3FBA];
	_ =	sdelay $0x3  }
0x37: {  	[smem:$0x3FBA] =	sst s10  }
0x38: {  	s10 =	sld [smem:$0x3FBB]  }
0x39: {  	_ = 	snop;
	(pc) =	sbr.ind lr, $3  }
0x3a: {  	_ = 	snop  }
0x3b: {  	_ = 	snop  }
0x3c: {  	p2 =	seq.s32 s10, $0x1;
	s10 =	sld [smem:$0x3FBA]  }
0x3d: {  	_ =	shalt  }
0x3e: {  	_ =	shalt  }
0x3f: {  	_ =	shalt  }
0x40: {  	_ =	shalt  }
0x41: {  	_ =	shalt  }
0x42: {  	_ =	shalt  }
0x43: {  	_ =	shalt  }
0x44: {  	_ =	shalt  }
0x45: {  	_ =	shalt  }
0x46: {  	_ =	shalt  }
0x47: {  	_ =	shalt  }
0x48: {  	_ =	shalt  }
0x49: {  	_ =	shalt  }
0x4a: {  	_ =	shalt  }
0x4b: {  	_ =	shalt  }
0x4c: {  	_ =	shalt  }
0x4d: {  	_ =	shalt  }
0x4e: {  	_ =	shalt  }
0x4f: {  	_ =	shalt  }
0x50: {  	_ =	shalt  }
0x51: {  	_ =	shalt  }
0x52: {  	_ =	shalt  }
0x53: {  	_ =	shalt  }
0x54: {  	_ =	shalt  }
0x55: {  	_ =	shalt  }
0x56: {  	_ =	shalt  }
0x57: {  	_ =	shalt  }
0x58: {  	_ =	shalt  }
0x59: {  	_ =	shalt  }
0x5a: {  	_ =	shalt  }
0x5b: {  	_ =	shalt  }
0x5c: {  	_ =	shalt  }
0x5d: {  	_ =	shalt  }
0x5e: {  	_ =	shalt  }
0x5f: {  	_ =	shalt  }
0x60: {  	_ =	shalt  }
0x61: {  	_ =	shalt  }
0x62: {  	_ =	shalt  }
0x63: {  	_ =	shalt  }
0x64: {  	_ =	shalt  }
0x65: {  	_ =	shalt  }
0x66: {  	_ =	shalt  }
0x67: {  	_ =	shalt  }
0x68: {  	_ =	shalt  }
0x69: {  	_ =	shalt  }
0x6a: {  	_ =	shalt  }
0x6b: {  	_ =	shalt  }
0x6c: {  	_ =	shalt  }
0x6d: {  	_ =	shalt  }
0x6e: {  	_ =	shalt  }
0x6f: {  	_ =	shalt  }
0x70: {  	_ =	shalt  }
0x71: {  	_ =	shalt  }
0x72: {  	_ =	shalt  }
0x73: {  	_ =	shalt  }
0x74: {  	_ =	shalt  }
0x75: {  	_ =	shalt  }
0x76: {  	_ =	shalt  }
0x77: {  	_ =	shalt  }
0x78: {  	_ =	shalt  }
0x79: {  	_ =	shalt  }
0x7a: {  	_ =	shalt  }
0x7b: {  	_ =	shalt  }
0x7c: {  	_ =	shalt  }
0x7d: {  	_ =	shalt  }
0x7e: {  	_ =	shalt  }
0x7f: {  	_ =	shalt  }
0x80: {  	_ =	shalt  }
0x81: {  	_ =	shalt  }
0x82: {  	_ =	shalt  }
0x83: {  	_ =	shalt  }
0x84: {  	_ =	shalt  }
0x85: {  	_ =	shalt  }
0x86: {  	_ =	shalt  }
0x87: {  	_ =	shalt  }
.Lfunc_end0:
.L_simem_size_0:
called_computation_lowered:
.L_overlay_start_0:
0x88: {  	s2 =	sld [smem:$0x3FD9]  }
0x89: {  	s3 =	sld [smem:$0x3FFE];
	_ =	sdelay $0x1  }
0x8a: {  	s1 =	srdreg.scid  }
0x8b: {  	s0 =	sand.u32 $0x1, s1  }
0x8c: {  	s17 =	sshll.u32 s0, $0xA;
	s2 =	sadd.s32 s3, s2  }
0x8d: {  	s2 =	sadd.s32 s2, s17  }
0x8e: {  	[smem:$0x3FC6] =	sst s2  }
0x8f: {  	_ = 	snop  }
0x90: {  	s2 =	sld [smem:$0x3FD0];
	(tm) =	ssettm $0x1  }
0x91: {  	s18 =	sld [smem:$0x3FFB];
	_ =	sdelay $0x3  }
0x92: {  	_ =	strace s18  }
0x93: {  	s3 =	sld [smem:$0x3FFC];
	_ =	sdelay $0x3  }
0x94: {  	_ =	strace s3  }
0x95: {  	s3 =	sld [smem:$0x3FFD];
	_ =	sdelay $0x3  }
0x96: {  	_ =	strace s3  }
0x97: {  	_ =	strace $0x8FFFFFFF  }
0x98: {  	s19 =	sld [smem:$0x3FDB];
	_ =	sdelay $0x1  }
0x99: {  	s4 =	simm.s32 $_scs_section_size  }
0x9a: {  	s5 =	simm.s32 $_size__tile_overlayer_lowered;
	s6 =	simm.s32 $_tile_overlayer_lowered  }
0x9b: {  	s22 =	simm.s32 $0x1BFF;
	s21 =	sshll.u32 s6, $0x1;
	s3 =	sadd.s32 s4, s19  }
0x9c: {  	s7 =	simm.s32 $0x0;
	s20 =	sshll.u32 s5, $0x1;
	s5 =	sadd.s32 s21, s3  }
0x9d: {  	[timem:s7], [sflag:s22] =	dma.local [hbm:s5], s20  }
0x9e: {  	_ =	swait.ge [sflag:s22], s20  }
0x9f: {  	s4 =	ssub.s32 $0x0, s20;
	[sflag:s22] =	ssyncset.done $0x0  }
0xa0: {  	[sflag:s22] =	ssyncadd.s32 s4;
	_ =	sdelay $0x1  }
0xa1: {  	s23 =	simm.s32 $0x1B8B  }
0xa2: {  	_ =	swait.ge [sflag:s23], $0x1  }
0xa3: {  	[sflag:s23] =	ssyncset.done $0x0  }
0xa4: {  	s25 =	simm.s32 $0x1B8E;
	s24 =	sld [smem:$0x3FFE];
	[sflag:s23] =	ssyncadd.s32 $0xFFFFFFFF  }
0xa5: {  	s26 =	simm.s32 $execute0_lowered;
	[smem:$0x3FD2] =	sst s25  }
0xa6: {  	s5 =	sshll.u32 s26, $0x1;
	_ =	strace $0x80000046;
	[dreg:$0x1] =	wrdreg $0xFFFFFFFF  }
0xa7: {  	s28 =	simm.s32 $_size_execute0_lowered;
	s3 =	sadd.s32 s3, s5;
	[dreg:$0x0] =	wrdreg $0x0  }
0xa8: {  	s5 =	sshll.u32 s28, $0x1;
	[dreg:$0x2] =	wrdreg s3  }
0xa9: {  	[dreg:$0x3] =	wrdreg s5  }
0xaa: {  	[dreg:$0x4] =	wrdreg $0xC0  }
0xab: {  	_ =	task [dreg:s7], $0x5FFFF  }
0xac: {  	[dreg:$0x1] =	wrdreg $0xFFFFFFFF  }
0xad: {  	[dreg:$0x0] =	wrdreg $0x60  }
0xae: {  	[dreg:$0x2] =	wrdreg s24  }
0xaf: {  	[dreg:$0x3] =	wrdreg s2  }
0xb0: {  	[dreg:$0x4] =	wrdreg $0x9  }
0xb1: {  	_ =	task.clear_ibuf [dreg:s7], $0x5FFFF;
	_ =	strace $0x90000046  }
0xb2: {  	s29 =	simm.s32 $0x9;
	_ =	strace $0x80000048  }
0xb3: {  	_ =	swait.ge [sflag:s29], $0x1  }
0xb4: {  	[sflag:s29] =	ssyncadd.s32 $0xFFFFFFFF  }
0xb5: {  	_ =	strace $0x90000048  }
0xb6: {  	_ =	sfence  }
0xb7: {  	s30 =	sld [smem:$0x0];
	_ =	sdelay $0x2  }
0xb8: {  	s31 =	sshll.u32 s1, $0xD;
	s1 =	sshrl.u32 s1, $0x2  }
0xb9: {  	s3 =	sand.u32 $0x4000, s31;
	s1 =	sadd.s32 s1, s30  }
0xba: {  	s0 =	sor.u32 s3, s0;
	s1 =	sshll.u32 s1, $0x11  }
0xbb: {  	s0 =	sor.u32 s1, s0  }
0xbc: {  	s0 =	sadd.s32 $0x8F2B, s0  }
0xbd: {  	[sflag:s0] =	ssyncadd.remote.s32 $0x1  }
0xbe: {  	_ =	sfence.sel $0xFFFF  }
0xbf: {  	[dreg:$0x0] =	wrdreg $0xFFFFFFFF;
	(pc) =	sbr.abs _section_cstart, $3  }
0xc0: {  	[dreg:$0x1] =	wrdreg $0xFFFFFFFF  }
0xc1: {  	_ =	task.clear_ibuf [dreg:s7], $0x2FFFF;
	_ =	strace $0x9FFFFFFF  }
0xc2: {  	(tm) =	ssettm $0x7FFFFFFF  }
0xc3: {  	_ =	shalt  }
tec
execute0_lowered:
.L_overlay_start_1:
0x0: {  	(tag) =	ssettag $0x1  }
0x1: {  	s0 =	srdreg.scid  }
0x2: {  	s2 =	stileid.u32;
	s1 =	rddreg [dreg:$0x0]  }
0x3: {  	s9 =	simm.s32 $0x5;
	s11 =	simm.s32 $0x80;
	s13 =	simm.s32 $0x1  }
0x4: {  	s14 =	simm.s32 $0x10800;
	s15 =	simm.s32 $0x14800;
	s16 =	simm.s32 $0x2  }
0x5: {  	s17 =	simm.s32 $0x16800;
	s18 =	simm.s32 $0x3;
	s19 =	simm.s32 $0x4  }
0x6: {  	v0 =	vimm.s32 $0x4;
	s20 =	simm.s32 $0x0;
	s0 =	sand.u32 $0x1, s0;
	s3 =	sshll.u32 s2, $0x1  }
0x7: {  	v1 =	vimm.s32 $0x0;
	v2 =	vimm.s32 $0x1;
	v3 =	vimm.s32 $0x2;
	s2 =	rddreg [dreg:$0x1];
	s7 =	sor.u32 s0, s3;
	s3 =	simm.s32 $0x0  }
0x8: {  	v4 =	vimm.s32 $0x3;
	v5 =	vimm.s32 $0x5;
	v6 =	vimm.s32 $0x6;
	s0 =	ssub.s32 $0x2, s0;
	s4 =	smul.u32 $0xC80, s7;
	[smem:$0x7FF] =	sst s3  }
0x9: {  	v7 =	vimm.s32 $0x7;
	v8 =	vimm.s32 $0x8;
	v9 =	vimm.s32 $0x9;
	s5 =	sshrl.u32 s0, $0x1;
	s7 =	smul.u32 $0x190000, s7;
	_ =	strace $0x80000047  }
0xa: {  	v10 =	vimm.s32 $0xA;
	v11 =	vimm.s32 $0xB;
	v12 =	vimm.s32 $0xC;
	s0 =	ssub.s32 s0, s5;
	s6 =	sadd.s32 s4, s1;
	s4 =	sadd.s32 $0x32600, s1  }
0xb: {  	v13 =	vimm.s32 $0xD;
	v14 =	vimm.s32 $0xE;
	v15 =	vimm.s32 $0xF;
	s8 =	smax.u32 s0, $0x1;
	s5 =	sadd.s32 $0x19600, s6;
	s6 =	sadd.s32 $0x600, s6  }
.LBB2_1:
0xc: {  	[tilespmem:s3], [sflag:$0x5] =	stream.linear.gather [hbm4b:s5+s3], $0x6400, $0x38;
	[tilespmem:$0x18800] =	vst v63  }
0xd: {  	_ =	swait.ge [sflag:s9], $0x6400  }
0xe: {  	[sflag:s9] =	ssyncset.done $0x0  }
0xf: {  	s0 =	simm.s32 $0x6400;
	[sflag:s9] =	ssyncadd.s32 $0xFFFF9C00  }
0x10: {  	[tilespmem:s0], [sflag:$0x5] =	stream.linear.gather [hbm4b:s6+s3], $0x6400, $0x38;
	[tilespmem:$0x18800] =	vst v63  }
0x11: {  	_ =	swait.ge [sflag:s9], $0x6400  }
0x12: {  	[sflag:s9] =	ssyncset.done $0x0  }
0x13: {  	s31 =	simm.s32 $0xC800;
	s21 =	simm.s32 $0x0;
	[sflag:s9] =	ssyncadd.s32 $0xFFFF9C00  }
0x14: {  	[tilespmem:s31], [sflag:$0x1] =	stream.indirect.gather [hbm4b:s2+s11], $0x80, s3, s11, $0xb8;
	[tilespmem:$0x18800] =	vst v63  }
.LBB2_2:
0x15: {  	_ =	swait.ge [sflag:s13], $0x4000;
	s22 =	sshllo.u32 s21, $0x1  }
0x16: {  	p0 =	seq.s32 s21, $0x0;
	s24 =	sshll.u32 s21, $0xA;
	[sflag:s13] =	ssyncset.done $0x0  }
0x17: {  	s0 =	sshll.u32 s22, $0x9;
	s1 =	sshrl.u32 s24, $0x2;
	[sflag:s13] =	ssyncadd.s32 $0xFFFFC000  }
0x18: {  	s23 =	sshrl.u32 s0, $0x2;
	s0 =	simm.s32 @!p0 $0x3;
	s1 =	sadd.s32 $0x6400, s1  }
0x19: {  	[tilespmem:s14], [sflag:$0x2] =	stream.indirect.gather [hbm4b:s2+s11], $0x80, s23, s11, $0xb8;
	[tilespmem:$0x18800] =	vst v63  }
0x1a: {  	v16 =	vmov s1;
	_ =	swait.ge @!p0 [sflag:s0], $0x2000  }
0x1b: {  	[sflag:s0] =	ssyncset.done @!p0 $0x0  }
0x1c: {  	s25 =	simm.s32 $0x0;
	[sflag:s0] =	ssyncadd.s32 @!p0 $0xFFFFE000  }
.LBB2_3:
0x1d: {  	s0 =	sshll.u32 s25, $0x4  }
0x1e: {  	s0 =	sand.u32 $0x3FFFFFF0, s0  }
0x1f: {  	s29 =	sshll.u32 s25, $0xB;
	s26 =	sor.u32 $0x1, s25;
	v17 =	vld.idx.msk [tilespmem:v16+s0+$0x0 ss:$0x1], $0xffff  }
0x20: {  	s28 =	sand.u32 $0x3FFFF800, s29;
	s30 =	sshll.u32 s26, $0x4  }
0x21: {  	v18 =	vld [tilespmem:s28+$0xC800];
	s0 =	sand.u32 $0x3FFFFFF0, s30  }
0x22: {  	s31 =	sshll.u32 s26, $0xB;
	v19 =	vld.idx.msk [tilespmem:v16+s0+$0x0 ss:$0x1], $0xffff  }
0x23: {  	v20 =	vld [tilespmem:s28+$0xC880];
	s29 =	sand.u32 $0x3FFFF800, s31  }
0x24: {  	v21 =	vld [tilespmem:s29+$0xC800];
	v17 =	vshll.u32 v17, $0x4  }
0x25: {  	v23 =	vld [tilespmem:s29+$0xC880];
	v22 =	vperm.xlane v17, v1  }
0x26: {  	v24 =	vperm.xlane v17, v2  }
0x27: {  	v25 =	vshrl.u32 v18, v22;
	v18 =	vshll.u32 v19, $0x4  }
0x28: {  	v19 =	vshrl.u32 v20, v24;
	v31 =	vperm.xlane v18, v1;
	v26 =	vperm.xlane v18, v2  }
0x29: {  	s1 =	sshll.u32 s25, $0xA;
	v25 =	vand.u32 $0xFFFF, v25;
	v19 =	vshll.u32 v19, $0x10  }
0x2a: {  	s30 =	sand.u32 $0x3FFFFC00, s1;
	v19 =	vor.u32 v25, v19;
	v21 =	vshrl.u32 v21, v31;
	v23 =	vshrl.u32 v23, v26  }
0x2b: {  	s10 =	sshll.u32 s26, $0xA;
	[tilespmem:s30+$0x14800] =	vst v19;
	v19 =	vand.u32 $0xFFFF, v21;
	v32 =	vshll.u32 v23, $0x10  }
0x2c: {  	s31 =	sand.u32 $0x3FFFFC00, s10;
	v33 =	vld [tilespmem:s28+$0xC810];
	v19 =	vor.u32 v19, v32  }
0x2d: {  	v34 =	vld [tilespmem:s28+$0xC890];
	[tilespmem:s31+$0x14800] =	vst v19  }
0x2e: {  	v19 =	vld [tilespmem:s29+$0xC810]  }
0x2f: {  	v35 =	vld [tilespmem:s29+$0xC890];
	_ =	sdelay $0x2  }
0x30: {  	v23 =	vshrl.u32 v33, v22;
	v21 =	vshrl.u32 v34, v24  }
0x31: {  	v23 =	vand.u32 $0xFFFF, v23;
	v21 =	vshll.u32 v21, $0x10  }
0x32: {  	v21 =	vor.u32 v23, v21;
	v19 =	vshrl.u32 v19, v31;
	v36 =	vshrl.u32 v35, v26  }
0x33: {  	[tilespmem:s30+$0x14810] =	vst v21;
	v19 =	vand.u32 $0xFFFF, v19;
	v37 =	vshll.u32 v36, $0x10  }
0x34: {  	v38 =	vld [tilespmem:s28+$0xC820];
	v19 =	vor.u32 v19, v37  }
0x35: {  	v39 =	vld [tilespmem:s28+$0xC8A0];
	[tilespmem:s31+$0x14810] =	vst v19  }
0x36: {  	v19 =	vld [tilespmem:s29+$0xC820]  }
0x37: {  	v40 =	vld [tilespmem:s29+$0xC8A0];
	_ =	sdelay $0x2  }
0x38: {  	v23 =	vshrl.u32 v38, v22;
	v21 =	vshrl.u32 v39, v24  }
0x39: {  	v23 =	vand.u32 $0xFFFF, v23;
	v21 =	vshll.u32 v21, $0x10  }
0x3a: {  	v21 =	vor.u32 v23, v21;
	v19 =	vshrl.u32 v19, v31;
	v41 =	vshrl.u32 v40, v26  }
0x3b: {  	[tilespmem:s30+$0x14820] =	vst v21;
	v19 =	vand.u32 $0xFFFF, v19;
	v42 =	vshll.u32 v41, $0x10  }
0x3c: {  	v43 =	vld [tilespmem:s28+$0xC830];
	v19 =	vor.u32 v19, v42  }
0x3d: {  	v44 =	vld [tilespmem:s28+$0xC8B0];
	[tilespmem:s31+$0x14820] =	vst v19  }
0x3e: {  	v19 =	vld [tilespmem:s29+$0xC830]  }
0x3f: {  	v45 =	vld [tilespmem:s29+$0xC8B0];
	_ =	sdelay $0x2  }
0x40: {  	v23 =	vshrl.u32 v43, v22;
	v21 =	vshrl.u32 v44, v24  }
0x41: {  	v23 =	vand.u32 $0xFFFF, v23;
	v21 =	vshll.u32 v21, $0x10  }
0x42: {  	v21 =	vor.u32 v23, v21;
	v19 =	vshrl.u32 v19, v31;
	v46 =	vshrl.u32 v45, v26  }
0x43: {  	[tilespmem:s30+$0x14830] =	vst v21;
	v19 =	vand.u32 $0xFFFF, v19;
	v47 =	vshll.u32 v46, $0x10  }
0x44: {  	v48 =	vld [tilespmem:s28+$0xC840];
	v19 =	vor.u32 v19, v47  }
0x45: {  	v49 =	vld [tilespmem:s28+$0xC8C0];
	[tilespmem:s31+$0x14830] =	vst v19  }
0x46: {  	v19 =	vld [tilespmem:s29+$0xC840]  }
0x47: {  	v50 =	vld [tilespmem:s29+$0xC8C0];
	_ =	sdelay $0x2  }
0x48: {  	v23 =	vshrl.u32 v48, v22;
	v21 =	vshrl.u32 v49, v24  }
0x49: {  	v23 =	vand.u32 $0xFFFF, v23;
	v21 =	vshll.u32 v21, $0x10  }
0x4a: {  	v21 =	vor.u32 v23, v21;
	v19 =	vshrl.u32 v19, v31;
	v51 =	vshrl.u32 v50, v26  }
0x4b: {  	[tilespmem:s30+$0x14840] =	vst v21;
	v19 =	vand.u32 $0xFFFF, v19;
	v52 =	vshll.u32 v51, $0x10  }
0x4c: {  	v53 =	vld [tilespmem:s28+$0xC850];
	v19 =	vor.u32 v19, v52  }
0x4d: {  	v54 =	vld [tilespmem:s28+$0xC8D0];
	[tilespmem:s31+$0x14840] =	vst v19  }
0x4e: {  	v19 =	vld [tilespmem:s29+$0xC850]  }
0x4f: {  	v55 =	vld [tilespmem:s29+$0xC8D0];
	_ =	sdelay $0x2  }
0x50: {  	v23 =	vshrl.u32 v53, v22;
	v21 =	vshrl.u32 v54, v24  }
0x51: {  	v23 =	vand.u32 $0xFFFF, v23;
	v21 =	vshll.u32 v21, $0x10  }
0x52: {  	v21 =	vor.u32 v23, v21;
	v19 =	vshrl.u32 v19, v31;
	v56 =	vshrl.u32 v55, v26  }
0x53: {  	[tilespmem:s30+$0x14850] =	vst v21;
	v19 =	vand.u32 $0xFFFF, v19;
	v57 =	vshll.u32 v56, $0x10  }
0x54: {  	v58 =	vld [tilespmem:s28+$0xC860];
	v19 =	vor.u32 v19, v57  }
0x55: {  	v59 =	vld [tilespmem:s28+$0xC8E0];
	[tilespmem:s31+$0x14850] =	vst v19  }
0x56: {  	v19 =	vld [tilespmem:s29+$0xC860]  }
0x57: {  	v60 =	vld [tilespmem:s29+$0xC8E0];
	_ =	sdelay $0x2  }
0x58: {  	v23 =	vshrl.u32 v58, v22;
	v21 =	vshrl.u32 v59, v24  }
0x59: {  	v23 =	vand.u32 $0xFFFF, v23;
	v21 =	vshll.u32 v21, $0x10  }
0x5a: {  	v21 =	vor.u32 v23, v21;
	v19 =	vshrl.u32 v19, v31;
	v61 =	vshrl.u32 v60, v26  }
0x5b: {  	[tilespmem:s30+$0x14860] =	vst v21;
	v19 =	vand.u32 $0xFFFF, v19;
	v62 =	vshll.u32 v61, $0x10  }
0x5c: {  	v63 =	vld [tilespmem:s28+$0xC870];
	v19 =	vor.u32 v19, v62  }
0x5d: {  	v28 =	vld [tilespmem:s28+$0xC8F0];
	[tilespmem:s31+$0x14860] =	vst v19  }
0x5e: {  	v19 =	vld [tilespmem:s29+$0xC870]  }
0x5f: {  	v29 =	vld [tilespmem:s29+$0xC8F0];
	_ =	sdelay $0x2  }
0x60: {  	s29 =	sshll.u32 s25, $0x3;
	v22 =	vshrl.u32 v63, v22;
	v21 =	vshrl.u32 v28, v24  }
0x61: {  	s0 =	sor.u32 $0x1, s29;
	v22 =	vand.u32 $0xFFFF, v22;
	v21 =	vshll.u32 v21, $0x10  }
0x62: {  	s28 =	sshll.u32 s26, $0x3;
	s1 =	sshll.u32 s0, $0x8;
	v21 =	vor.u32 v22, v21;
	v19 =	vshrl.u32 v19, v31;
	v30 =	vshrl.u32 v29, v26  }
0x63: {  	s10 =	sor.u32 $0x1, s28;
	[tilespmem:s30+$0x14870] =	vst v21;
	s30 =	sand.u32 $0x3FFFF900, s1;
	v19 =	vand.u32 $0xFFFF, v19;
	v20 =	vshll.u32 v30, $0x10  }
0x64: {  	s12 =	sshll.u32 s10, $0x8;
	v21 =	vld [tilespmem:s30+$0xC800];
	v19 =	vor.u32 v19, v20  }
0x65: {  	s12 =	sand.u32 $0x3FFFF900, s12;
	v31 =	vld [tilespmem:s30+$0xC880];
	[tilespmem:s31+$0x14870] =	vst v19  }
0x66: {  	v19 =	vld [tilespmem:s12+$0xC800]  }
0x67: {  	v32 =	vld [tilespmem:s12+$0xC880]  }
0x68: {  	v24 =	vperm.xlane v17, v4;
	v22 =	vperm.xlane v17, v3  }
0x69: {  	v33 =	vperm.xlane v18, v3  }
0x6a: {  	v34 =	vperm.xlane v18, v4;
	v21 =	vshrl.u32 v21, v22;
	v20 =	vshrl.u32 v31, v24  }
0x6b: {  	s0 =	sshll.u32 s0, $0x7;
	v21 =	vand.u32 $0xFFFF, v21;
	v20 =	vshll.u32 v20, $0x10  }
0x6c: {  	s1 =	sand.u32 $0x3FFFFC80, s0;
	v20 =	vor.u32 v21, v20;
	v19 =	vshrl.u32 v19, v33;
	v35 =	vshrl.u32 v32, v34  }
0x6d: {  	s10 =	sshll.u32 s10, $0x7;
	[tilespmem:s1+$0x14800] =	vst v20;
	v19 =	vand.u32 $0xFFFF, v19;
	v36 =	vshll.u32 v35, $0x10  }
0x6e: {  	s0 =	sand.u32 $0x3FFFFC80, s10;
	v37 =	vld [tilespmem:s30+$0xC810];
	v19 =	vor.u32 v19, v36  }
0x6f: {  	v38 =	vld [tilespmem:s30+$0xC890];
	[tilespmem:s0+$0x14800] =	vst v19  }
0x70: {  	v19 =	vld [tilespmem:s12+$0xC810]  }
0x71: {  	v39 =	vld [tilespmem:s12+$0xC890];
	_ =	sdelay $0x2  }
0x72: {  	v21 =	vshrl.u32 v37, v22;
	v20 =	vshrl.u32 v38, v24  }
0x73: {  	v21 =	vand.u32 $0xFFFF, v21;
	v20 =	vshll.u32 v20, $0x10  }
0x74: {  	v20 =	vor.u32 v21, v20;
	v19 =	vshrl.u32 v19, v33;
	v40 =	vshrl.u32 v39, v34  }
0x75: {  	[tilespmem:s1+$0x14810] =	vst v20;
	v19 =	vand.u32 $0xFFFF, v19;
	v41 =	vshll.u32 v40, $0x10  }
0x76: {  	v42 =	vld [tilespmem:s30+$0xC820];
	v19 =	vor.u32 v19, v41  }
0x77: {  	v43 =	vld [tilespmem:s30+$0xC8A0];
	[tilespmem:s0+$0x14810] =	vst v19  }
0x78: {  	v19 =	vld [tilespmem:s12+$0xC820]  }
0x79: {  	v44 =	vld [tilespmem:s12+$0xC8A0];
	_ =	sdelay $0x2  }
0x7a: {  	v21 =	vshrl.u32 v42, v22;
	v20 =	vshrl.u32 v43, v24  }
0x7b: {  	v21 =	vand.u32 $0xFFFF, v21;
	v20 =	vshll.u32 v20, $0x10  }
0x7c: {  	v20 =	vor.u32 v21, v20;
	v19 =	vshrl.u32 v19, v33;
	v45 =	vshrl.u32 v44, v34  }
0x7d: {  	[tilespmem:s1+$0x14820] =	vst v20;
	v19 =	vand.u32 $0xFFFF, v19;
	v46 =	vshll.u32 v45, $0x10  }
0x7e: {  	v47 =	vld [tilespmem:s30+$0xC830];
	v19 =	vor.u32 v19, v46  }
0x7f: {  	v48 =	vld [tilespmem:s30+$0xC8B0];
	[tilespmem:s0+$0x14820] =	vst v19  }
0x80: {  	v19 =	vld [tilespmem:s12+$0xC830]  }
0x81: {  	v49 =	vld [tilespmem:s12+$0xC8B0];
	_ =	sdelay $0x2  }
0x82: {  	v21 =	vshrl.u32 v47, v22;
	v20 =	vshrl.u32 v48, v24  }
0x83: {  	v21 =	vand.u32 $0xFFFF, v21;
	v20 =	vshll.u32 v20, $0x10  }
0x84: {  	v20 =	vor.u32 v21, v20;
	v19 =	vshrl.u32 v19, v33;
	v50 =	vshrl.u32 v49, v34  }
0x85: {  	[tilespmem:s1+$0x14830] =	vst v20;
	v19 =	vand.u32 $0xFFFF, v19;
	v51 =	vshll.u32 v50, $0x10  }
0x86: {  	v52 =	vld [tilespmem:s30+$0xC840];
	v19 =	vor.u32 v19, v51  }
0x87: {  	v53 =	vld [tilespmem:s30+$0xC8C0];
	[tilespmem:s0+$0x14830] =	vst v19  }
0x88: {  	v19 =	vld [tilespmem:s12+$0xC840]  }
0x89: {  	v54 =	vld [tilespmem:s12+$0xC8C0];
	_ =	sdelay $0x2  }
0x8a: {  	v21 =	vshrl.u32 v52, v22;
	v20 =	vshrl.u32 v53, v24  }
0x8b: {  	v21 =	vand.u32 $0xFFFF, v21;
	v20 =	vshll.u32 v20, $0x10  }
0x8c: {  	v20 =	vor.u32 v21, v20;
	v19 =	vshrl.u32 v19, v33;
	v55 =	vshrl.u32 v54, v34  }
0x8d: {  	[tilespmem:s1+$0x14840] =	vst v20;
	v19 =	vand.u32 $0xFFFF, v19;
	v56 =	vshll.u32 v55, $0x10  }
0x8e: {  	v57 =	vld [tilespmem:s30+$0xC850];
	v19 =	vor.u32 v19, v56  }
0x8f: {  	v58 =	vld [tilespmem:s30+$0xC8D0];
	[tilespmem:s0+$0x14840] =	vst v19  }
0x90: {  	v19 =	vld [tilespmem:s12+$0xC850]  }
0x91: {  	v59 =	vld [tilespmem:s12+$0xC8D0];
	_ =	sdelay $0x2  }
0x92: {  	v21 =	vshrl.u32 v57, v22;
	v20 =	vshrl.u32 v58, v24  }
0x93: {  	v21 =	vand.u32 $0xFFFF, v21;
	v20 =	vshll.u32 v20, $0x10  }
0x94: {  	v20 =	vor.u32 v21, v20;
	v19 =	vshrl.u32 v19, v33;
	v60 =	vshrl.u32 v59, v34  }
0x95: {  	[tilespmem:s1+$0x14850] =	vst v20;
	v19 =	vand.u32 $0xFFFF, v19;
	v61 =	vshll.u32 v60, $0x10  }
0x96: {  	v62 =	vld [tilespmem:s30+$0xC860];
	v19 =	vor.u32 v19, v61  }
0x97: {  	v63 =	vld [tilespmem:s30+$0xC8E0];
	[tilespmem:s0+$0x14850] =	vst v19  }
0x98: {  	v19 =	vld [tilespmem:s12+$0xC860]  }
0x99: {  	v27 =	vld [tilespmem:s12+$0xC8E0];
	_ =	sdelay $0x2  }
0x9a: {  	v21 =	vshrl.u32 v62, v22;
	v20 =	vshrl.u32 v63, v24  }
0x9b: {  	v21 =	vand.u32 $0xFFFF, v21;
	v20 =	vshll.u32 v20, $0x10  }
0x9c: {  	v20 =	vor.u32 v21, v20;
	v19 =	vshrl.u32 v19, v33;
	v28 =	vshrl.u32 v27, v34  }
0x9d: {  	[tilespmem:s1+$0x14860] =	vst v20;
	v19 =	vand.u32 $0xFFFF, v19;
	v29 =	vshll.u32 v28, $0x10  }
0x9e: {  	v30 =	vld [tilespmem:s30+$0xC870];
	v19 =	vor.u32 v19, v29  }
0x9f: {  	v31 =	vld [tilespmem:s30+$0xC8F0];
	[tilespmem:s0+$0x14860] =	vst v19  }
0xa0: {  	v19 =	vld [tilespmem:s12+$0xC870]  }
0xa1: {  	v32 =	vld [tilespmem:s12+$0xC8F0];
	_ =	sdelay $0x2  }
0xa2: {  	v21 =	vshrl.u32 v30, v22;
	v20 =	vshrl.u32 v31, v24  }
0xa3: {  	s10 =	sor.u32 $0x2, s29;
	v21 =	vand.u32 $0xFFFF, v21;
	v20 =	vshll.u32 v20, $0x10  }
0xa4: {  	s12 =	sshll.u32 s10, $0x8;
	v20 =	vor.u32 v21, v20;
	v19 =	vshrl.u32 v19, v33;
	v33 =	vshrl.u32 v32, v34  }
0xa5: {  	s30 =	sand.u32 $0x3FFFFA00, s12;
	s12 =	sor.u32 $0x2, s28;
	[tilespmem:s1+$0x14870] =	vst v20;
	v19 =	vand.u32 $0xFFFF, v19;
	v34 =	vshll.u32 v33, $0x10  }
0xa6: {  	s31 =	sshll.u32 s12, $0x8;
	v35 =	vld [tilespmem:s30+$0xC800];
	v19 =	vor.u32 v19, v34  }
0xa7: {  	s31 =	sand.u32 $0x3FFFFA00, s31;
	v36 =	vld [tilespmem:s30+$0xC880];
	[tilespmem:s0+$0x14870] =	vst v19  }
0xa8: {  	v19 =	vld [tilespmem:s31+$0xC800]  }
0xa9: {  	v37 =	vld [tilespmem:s31+$0xC880]  }
0xaa: {  	v22 =	vperm.xlane v17, v0;
	v24 =	vperm.xlane v17, v5  }
0xab: {  	v38 =	vperm.xlane v18, v0  }
0xac: {  	v39 =	vperm.xlane v18, v5;
	v21 =	vshrl.u32 v35, v22;
	v20 =	vshrl.u32 v36, v24  }
0xad: {  	s10 =	sshll.u32 s10, $0x7;
	v21 =	vand.u32 $0xFFFF, v21;
	v20 =	vshll.u32 v20, $0x10  }
0xae: {  	s1 =	sand.u32 $0x3FFFFD00, s10;
	v20 =	vor.u32 v21, v20;
	v19 =	vshrl.u32 v19, v38;
	v40 =	vshrl.u32 v37, v39  }
0xaf: {  	s12 =	sshll.u32 s12, $0x7;
	[tilespmem:s1+$0x14800] =	vst v20;
	v19 =	vand.u32 $0xFFFF, v19;
	v41 =	vshll.u32 v40, $0x10  }
0xb0: {  	s0 =	sand.u32 $0x3FFFFD00, s12;
	v42 =	vld [tilespmem:s30+$0xC810];
	v19 =	vor.u32 v19, v41  }
0xb1: {  	v43 =	vld [tilespmem:s30+$0xC890];
	[tilespmem:s0+$0x14800] =	vst v19  }
0xb2: {  	v19 =	vld [tilespmem:s31+$0xC810]  }
0xb3: {  	v44 =	vld [tilespmem:s31+$0xC890];
	_ =	sdelay $0x2  }
0xb4: {  	v21 =	vshrl.u32 v42, v22;
	v20 =	vshrl.u32 v43, v24  }
0xb5: {  	v21 =	vand.u32 $0xFFFF, v21;
	v20 =	vshll.u32 v20, $0x10  }
0xb6: {  	v20 =	vor.u32 v21, v20;
	v19 =	vshrl.u32 v19, v38;
	v45 =	vshrl.u32 v44, v39  }
0xb7: {  	[tilespmem:s1+$0x14810] =	vst v20;
	v19 =	vand.u32 $0xFFFF, v19;
	v46 =	vshll.u32 v45, $0x10  }
0xb8: {  	v47 =	vld [tilespmem:s30+$0xC820];
	v19 =	vor.u32 v19, v46  }
0xb9: {  	v48 =	vld [tilespmem:s30+$0xC8A0];
	[tilespmem:s0+$0x14810] =	vst v19  }
0xba: {  	v19 =	vld [tilespmem:s31+$0xC820]  }
0xbb: {  	v49 =	vld [tilespmem:s31+$0xC8A0];
	_ =	sdelay $0x2  }
0xbc: {  	v21 =	vshrl.u32 v47, v22;
	v20 =	vshrl.u32 v48, v24  }
0xbd: {  	v21 =	vand.u32 $0xFFFF, v21;
	v20 =	vshll.u32 v20, $0x10  }
0xbe: {  	v20 =	vor.u32 v21, v20;
	v19 =	vshrl.u32 v19, v38;
	v50 =	vshrl.u32 v49, v39  }
0xbf: {  	[tilespmem:s1+$0x14820] =	vst v20;
	v19 =	vand.u32 $0xFFFF, v19;
	v51 =	vshll.u32 v50, $0x10  }
0xc0: {  	v52 =	vld [tilespmem:s30+$0xC830];
	v19 =	vor.u32 v19, v51  }
0xc1: {  	v53 =	vld [tilespmem:s30+$0xC8B0];
	[tilespmem:s0+$0x14820] =	vst v19  }
0xc2: {  	v19 =	vld [tilespmem:s31+$0xC830]  }
0xc3: {  	v54 =	vld [tilespmem:s31+$0xC8B0];
	_ =	sdelay $0x2  }
0xc4: {  	v21 =	vshrl.u32 v52, v22;
	v20 =	vshrl.u32 v53, v24  }
0xc5: {  	v21 =	vand.u32 $0xFFFF, v21;
	v20 =	vshll.u32 v20, $0x10  }
0xc6: {  	v20 =	vor.u32 v21, v20;
	v19 =	vshrl.u32 v19, v38;
	v55 =	vshrl.u32 v54, v39  }
0xc7: {  	[tilespmem:s1+$0x14830] =	vst v20;
	v19 =	vand.u32 $0xFFFF, v19;
	v56 =	vshll.u32 v55, $0x10  }
0xc8: {  	v57 =	vld [tilespmem:s30+$0xC840];
	v19 =	vor.u32 v19, v56  }
0xc9: {  	v58 =	vld [tilespmem:s30+$0xC8C0];
	[tilespmem:s0+$0x14830] =	vst v19  }
0xca: {  	v19 =	vld [tilespmem:s31+$0xC840]  }
0xcb: {  	v59 =	vld [tilespmem:s31+$0xC8C0];
	_ =	sdelay $0x2  }
0xcc: {  	v21 =	vshrl.u32 v57, v22;
	v20 =	vshrl.u32 v58, v24  }
0xcd: {  	v21 =	vand.u32 $0xFFFF, v21;
	v20 =	vshll.u32 v20, $0x10  }
0xce: {  	v20 =	vor.u32 v21, v20;
	v19 =	vshrl.u32 v19, v38;
	v60 =	vshrl.u32 v59, v39  }
0xcf: {  	[tilespmem:s1+$0x14840] =	vst v20;
	v19 =	vand.u32 $0xFFFF, v19;
	v61 =	vshll.u32 v60, $0x10  }
0xd0: {  	v62 =	vld [tilespmem:s30+$0xC850];
	v19 =	vor.u32 v19, v61  }
0xd1: {  	v63 =	vld [tilespmem:s30+$0xC8D0];
	[tilespmem:s0+$0x14840] =	vst v19  }
0xd2: {  	v19 =	vld [tilespmem:s31+$0xC850]  }
0xd3: {  	v27 =	vld [tilespmem:s31+$0xC8D0];
	_ =	sdelay $0x2  }
0xd4: {  	v21 =	vshrl.u32 v62, v22;
	v20 =	vshrl.u32 v63, v24  }
0xd5: {  	v21 =	vand.u32 $0xFFFF, v21;
	v20 =	vshll.u32 v20, $0x10  }
0xd6: {  	v20 =	vor.u32 v21, v20;
	v19 =	vshrl.u32 v19, v38;
	v28 =	vshrl.u32 v27, v39  }
0xd7: {  	[tilespmem:s1+$0x14850] =	vst v20;
	v19 =	vand.u32 $0xFFFF, v19;
	v29 =	vshll.u32 v28, $0x10  }
0xd8: {  	v30 =	vld [tilespmem:s30+$0xC860];
	v19 =	vor.u32 v19, v29  }
0xd9: {  	v31 =	vld [tilespmem:s30+$0xC8E0];
	[tilespmem:s0+$0x14850] =	vst v19  }
0xda: {  	v19 =	vld [tilespmem:s31+$0xC860]  }
0xdb: {  	v32 =	vld [tilespmem:s31+$0xC8E0];
	_ =	sdelay $0x2  }
0xdc: {  	v21 =	vshrl.u32 v30, v22;
	v20 =	vshrl.u32 v31, v24  }
0xdd: {  	v21 =	vand.u32 $0xFFFF, v21;
	v20 =	vshll.u32 v20, $0x10  }
0xde: {  	v20 =	vor.u32 v21, v20;
	v19 =	vshrl.u32 v19, v38;
	v33 =	vshrl.u32 v32, v39  }
0xdf: {  	[tilespmem:s1+$0x14860] =	vst v20;
	v19 =	vand.u32 $0xFFFF, v19;
	v34 =	vshll.u32 v33, $0x10  }
0xe0: {  	v35 =	vld [tilespmem:s30+$0xC870];
	v19 =	vor.u32 v19, v34  }
0xe1: {  	v36 =	vld [tilespmem:s30+$0xC8F0];
	[tilespmem:s0+$0x14860] =	vst v19  }
0xe2: {  	v19 =	vld [tilespmem:s31+$0xC870]  }
0xe3: {  	v37 =	vld [tilespmem:s31+$0xC8F0];
	_ =	sdelay $0x2  }
0xe4: {  	v21 =	vshrl.u32 v35, v22;
	v20 =	vshrl.u32 v36, v24  }
0xe5: {  	s10 =	sor.u32 $0x3, s29;
	v21 =	vand.u32 $0xFFFF, v21;
	v20 =	vshll.u32 v20, $0x10  }
0xe6: {  	s30 =	sshll.u32 s10, $0x8;
	v20 =	vor.u32 v21, v20;
	v19 =	vshrl.u32 v19, v38;
	v38 =	vshrl.u32 v37, v39  }
0xe7: {  	s12 =	sor.u32 $0x3, s28;
	s30 =	sand.u32 $0x3FFFFB00, s30;
	[tilespmem:s1+$0x14870] =	vst v20;
	v19 =	vand.u32 $0xFFFF, v19;
	v39 =	vshll.u32 v38, $0x10  }
0xe8: {  	s31 =	sshll.u32 s12, $0x8;
	v40 =	vld [tilespmem:s30+$0xC800];
	v19 =	vor.u32 v19, v39  }
0xe9: {  	s31 =	sand.u32 $0x3FFFFB00, s31;
	v41 =	vld [tilespmem:s30+$0xC880];
	[tilespmem:s0+$0x14870] =	vst v19  }
0xea: {  	v19 =	vld [tilespmem:s31+$0xC800]  }
0xeb: {  	v42 =	vld [tilespmem:s31+$0xC880]  }
0xec: {  	v22 =	vperm.xlane v17, v6;
	v24 =	vperm.xlane v17, v7  }
0xed: {  	v43 =	vperm.xlane v18, v6  }
0xee: {  	v44 =	vperm.xlane v18, v7;
	v21 =	vshrl.u32 v40, v22;
	v20 =	vshrl.u32 v41, v24  }
0xef: {  	s10 =	sshll.u32 s10, $0x7;
	v21 =	vand.u32 $0xFFFF, v21;
	v20 =	vshll.u32 v20, $0x10  }
0xf0: {  	s1 =	sand.u32 $0x3FFFFD80, s10;
	v20 =	vor.u32 v21, v20;
	v19 =	vshrl.u32 v19, v43;
	v45 =	vshrl.u32 v42, v44  }
0xf1: {  	s12 =	sshll.u32 s12, $0x7;
	[tilespmem:s1+$0x14800] =	vst v20;
	v19 =	vand.u32 $0xFFFF, v19;
	v46 =	vshll.u32 v45, $0x10  }
0xf2: {  	s0 =	sand.u32 $0x3FFFFD80, s12;
	v47 =	vld [tilespmem:s30+$0xC810];
	v19 =	vor.u32 v19, v46  }
0xf3: {  	v48 =	vld [tilespmem:s30+$0xC890];
	[tilespmem:s0+$0x14800] =	vst v19  }
0xf4: {  	v19 =	vld [tilespmem:s31+$0xC810]  }
0xf5: {  	v49 =	vld [tilespmem:s31+$0xC890];
	_ =	sdelay $0x2  }
0xf6: {  	v21 =	vshrl.u32 v47, v22;
	v20 =	vshrl.u32 v48, v24  }
0xf7: {  	v21 =	vand.u32 $0xFFFF, v21;
	v20 =	vshll.u32 v20, $0x10  }
0xf8: {  	v20 =	vor.u32 v21, v20;
	v19 =	vshrl.u32 v19, v43;
	v50 =	vshrl.u32 v49, v44  }
0xf9: {  	[tilespmem:s1+$0x14810] =	vst v20;
	v19 =	vand.u32 $0xFFFF, v19;
	v51 =	vshll.u32 v50, $0x10  }
0xfa: {  	v52 =	vld [tilespmem:s30+$0xC820];
	v19 =	vor.u32 v19, v51  }
0xfb: {  	v53 =	vld [tilespmem:s30+$0xC8A0];
	[tilespmem:s0+$0x14810] =	vst v19  }
0xfc: {  	v19 =	vld [tilespmem:s31+$0xC820]  }
0xfd: {  	v54 =	vld [tilespmem:s31+$0xC8A0];
	_ =	sdelay $0x2  }
0xfe: {  	v21 =	vshrl.u32 v52, v22;
	v20 =	vshrl.u32 v53, v24  }
0xff: {  	v21 =	vand.u32 $0xFFFF, v21;
	v20 =	vshll.u32 v20, $0x10  }
0x100: {  	v20 =	vor.u32 v21, v20;
	v19 =	vshrl.u32 v19, v43;
	v55 =	vshrl.u32 v54, v44  }
0x101: {  	[tilespmem:s1+$0x14820] =	vst v20;
	v19 =	vand.u32 $0xFFFF, v19;
	v56 =	vshll.u32 v55, $0x10  }
0x102: {  	v57 =	vld [tilespmem:s30+$0xC830];
	v19 =	vor.u32 v19, v56  }
0x103: {  	v58 =	vld [tilespmem:s30+$0xC8B0];
	[tilespmem:s0+$0x14820] =	vst v19  }
0x104: {  	v19 =	vld [tilespmem:s31+$0xC830]  }
0x105: {  	v59 =	vld [tilespmem:s31+$0xC8B0];
	_ =	sdelay $0x2  }
0x106: {  	v21 =	vshrl.u32 v57, v22;
	v20 =	vshrl.u32 v58, v24  }
0x107: {  	v21 =	vand.u32 $0xFFFF, v21;
	v20 =	vshll.u32 v20, $0x10  }
0x108: {  	v20 =	vor.u32 v21, v20;
	v19 =	vshrl.u32 v19, v43;
	v60 =	vshrl.u32 v59, v44  }
0x109: {  	[tilespmem:s1+$0x14830] =	vst v20;
	v19 =	vand.u32 $0xFFFF, v19;
	v61 =	vshll.u32 v60, $0x10  }
0x10a: {  	v62 =	vld [tilespmem:s30+$0xC840];
	v19 =	vor.u32 v19, v61  }
0x10b: {  	v63 =	vld [tilespmem:s30+$0xC8C0];
	[tilespmem:s0+$0x14830] =	vst v19  }
0x10c: {  	v19 =	vld [tilespmem:s31+$0xC840]  }
0x10d: {  	v27 =	vld [tilespmem:s31+$0xC8C0];
	_ =	sdelay $0x2  }
0x10e: {  	v21 =	vshrl.u32 v62, v22;
	v20 =	vshrl.u32 v63, v24  }
0x10f: {  	v21 =	vand.u32 $0xFFFF, v21;
	v20 =	vshll.u32 v20, $0x10  }
0x110: {  	v20 =	vor.u32 v21, v20;
	v19 =	vshrl.u32 v19, v43;
	v28 =	vshrl.u32 v27, v44  }
0x111: {  	[tilespmem:s1+$0x14840] =	vst v20;
	v19 =	vand.u32 $0xFFFF, v19;
	v29 =	vshll.u32 v28, $0x10  }
0x112: {  	v30 =	vld [tilespmem:s30+$0xC850];
	v19 =	vor.u32 v19, v29  }
0x113: {  	v31 =	vld [tilespmem:s30+$0xC8D0];
	[tilespmem:s0+$0x14840] =	vst v19  }
0x114: {  	v19 =	vld [tilespmem:s31+$0xC850]  }
0x115: {  	v32 =	vld [tilespmem:s31+$0xC8D0];
	_ =	sdelay $0x2  }
0x116: {  	v21 =	vshrl.u32 v30, v22;
	v20 =	vshrl.u32 v31, v24  }
0x117: {  	v21 =	vand.u32 $0xFFFF, v21;
	v20 =	vshll.u32 v20, $0x10  }
0x118: {  	v20 =	vor.u32 v21, v20;
	v19 =	vshrl.u32 v19, v43;
	v33 =	vshrl.u32 v32, v44  }
0x119: {  	[tilespmem:s1+$0x14850] =	vst v20;
	v19 =	vand.u32 $0xFFFF, v19;
	v34 =	vshll.u32 v33, $0x10  }
0x11a: {  	v35 =	vld [tilespmem:s30+$0xC860];
	v19 =	vor.u32 v19, v34  }
0x11b: {  	v36 =	vld [tilespmem:s30+$0xC8E0];
	[tilespmem:s0+$0x14850] =	vst v19  }
0x11c: {  	v19 =	vld [tilespmem:s31+$0xC860]  }
0x11d: {  	v37 =	vld [tilespmem:s31+$0xC8E0];
	_ =	sdelay $0x2  }
0x11e: {  	v21 =	vshrl.u32 v35, v22;
	v20 =	vshrl.u32 v36, v24  }
0x11f: {  	v21 =	vand.u32 $0xFFFF, v21;
	v20 =	vshll.u32 v20, $0x10  }
0x120: {  	v20 =	vor.u32 v21, v20;
	v19 =	vshrl.u32 v19, v43;
	v38 =	vshrl.u32 v37, v44  }
0x121: {  	[tilespmem:s1+$0x14860] =	vst v20;
	v19 =	vand.u32 $0xFFFF, v19;
	v39 =	vshll.u32 v38, $0x10  }
0x122: {  	v40 =	vld [tilespmem:s30+$0xC870];
	v19 =	vor.u32 v19, v39  }
0x123: {  	v41 =	vld [tilespmem:s30+$0xC8F0];
	[tilespmem:s0+$0x14860] =	vst v19  }
0x124: {  	v19 =	vld [tilespmem:s31+$0xC870]  }
0x125: {  	v42 =	vld [tilespmem:s31+$0xC8F0];
	_ =	sdelay $0x2  }
0x126: {  	v21 =	vshrl.u32 v40, v22;
	v20 =	vshrl.u32 v41, v24  }
0x127: {  	s10 =	sor.u32 $0x4, s29;
	v21 =	vand.u32 $0xFFFF, v21;
	v20 =	vshll.u32 v20, $0x10  }
0x128: {  	s30 =	sshll.u32 s10, $0x8;
	v20 =	vor.u32 v21, v20;
	v19 =	vshrl.u32 v19, v43;
	v43 =	vshrl.u32 v42, v44  }
0x129: {  	s12 =	sor.u32 $0x4, s28;
	s30 =	sand.u32 $0x3FFFFC00, s30;
	[tilespmem:s1+$0x14870] =	vst v20;
	v19 =	vand.u32 $0xFFFF, v19;
	v44 =	vshll.u32 v43, $0x10  }
0x12a: {  	s31 =	sshll.u32 s12, $0x8;
	v45 =	vld [tilespmem:s30+$0xC800];
	v19 =	vor.u32 v19, v44  }
0x12b: {  	s31 =	sand.u32 $0x3FFFFC00, s31;
	v46 =	vld [tilespmem:s30+$0xC880];
	[tilespmem:s0+$0x14870] =	vst v19  }
0x12c: {  	v19 =	vld [tilespmem:s31+$0xC800]  }
0x12d: {  	v47 =	vld [tilespmem:s31+$0xC880]  }
0x12e: {  	v22 =	vperm.xlane v17, v8;
	v24 =	vperm.xlane v17, v9  }
0x12f: {  	v48 =	vperm.xlane v18, v8  }
0x130: {  	v49 =	vperm.xlane v18, v9;
	v21 =	vshrl.u32 v45, v22;
	v20 =	vshrl.u32 v46, v24  }
0x131: {  	s10 =	sshll.u32 s10, $0x7;
	v21 =	vand.u32 $0xFFFF, v21;
	v20 =	vshll.u32 v20, $0x10  }
0x132: {  	s1 =	sand.u32 $0x3FFFFE00, s10;
	v20 =	vor.u32 v21, v20;
	v19 =	vshrl.u32 v19, v48;
	v50 =	vshrl.u32 v47, v49  }
0x133: {  	s12 =	sshll.u32 s12, $0x7;
	[tilespmem:s1+$0x14800] =	vst v20;
	v19 =	vand.u32 $0xFFFF, v19;
	v51 =	vshll.u32 v50, $0x10  }
0x134: {  	s0 =	sand.u32 $0x3FFFFE00, s12;
	v52 =	vld [tilespmem:s30+$0xC810];
	v19 =	vor.u32 v19, v51  }
0x135: {  	v53 =	vld [tilespmem:s30+$0xC890];
	[tilespmem:s0+$0x14800] =	vst v19  }
0x136: {  	v19 =	vld [tilespmem:s31+$0xC810]  }
0x137: {  	v54 =	vld [tilespmem:s31+$0xC890];
	_ =	sdelay $0x2  }
0x138: {  	v21 =	vshrl.u32 v52, v22;
	v20 =	vshrl.u32 v53, v24  }
0x139: {  	v21 =	vand.u32 $0xFFFF, v21;
	v20 =	vshll.u32 v20, $0x10  }
0x13a: {  	v20 =	vor.u32 v21, v20;
	v19 =	vshrl.u32 v19, v48;
	v55 =	vshrl.u32 v54, v49  }
0x13b: {  	[tilespmem:s1+$0x14810] =	vst v20;
	v19 =	vand.u32 $0xFFFF, v19;
	v56 =	vshll.u32 v55, $0x10  }
0x13c: {  	v57 =	vld [tilespmem:s30+$0xC820];
	v19 =	vor.u32 v19, v56  }
0x13d: {  	v58 =	vld [tilespmem:s30+$0xC8A0];
	[tilespmem:s0+$0x14810] =	vst v19  }
0x13e: {  	v19 =	vld [tilespmem:s31+$0xC820]  }
0x13f: {  	v59 =	vld [tilespmem:s31+$0xC8A0];
	_ =	sdelay $0x2  }
0x140: {  	v21 =	vshrl.u32 v57, v22;
	v20 =	vshrl.u32 v58, v24  }
0x141: {  	v21 =	vand.u32 $0xFFFF, v21;
	v20 =	vshll.u32 v20, $0x10  }
0x142: {  	v20 =	vor.u32 v21, v20;
	v19 =	vshrl.u32 v19, v48;
	v60 =	vshrl.u32 v59, v49  }
0x143: {  	[tilespmem:s1+$0x14820] =	vst v20;
	v19 =	vand.u32 $0xFFFF, v19;
	v61 =	vshll.u32 v60, $0x10  }
0x144: {  	v62 =	vld [tilespmem:s30+$0xC830];
	v19 =	vor.u32 v19, v61  }
0x145: {  	v63 =	vld [tilespmem:s30+$0xC8B0];
	[tilespmem:s0+$0x14820] =	vst v19  }
0x146: {  	v19 =	vld [tilespmem:s31+$0xC830]  }
0x147: {  	v27 =	vld [tilespmem:s31+$0xC8B0];
	_ =	sdelay $0x2  }
0x148: {  	v21 =	vshrl.u32 v62, v22;
	v20 =	vshrl.u32 v63, v24  }
0x149: {  	v21 =	vand.u32 $0xFFFF, v21;
	v20 =	vshll.u32 v20, $0x10  }
0x14a: {  	v20 =	vor.u32 v21, v20;
	v19 =	vshrl.u32 v19, v48;
	v28 =	vshrl.u32 v27, v49  }
0x14b: {  	[tilespmem:s1+$0x14830] =	vst v20;
	v19 =	vand.u32 $0xFFFF, v19;
	v29 =	vshll.u32 v28, $0x10  }
0x14c: {  	v30 =	vld [tilespmem:s30+$0xC840];
	v19 =	vor.u32 v19, v29  }
0x14d: {  	v31 =	vld [tilespmem:s30+$0xC8C0];
	[tilespmem:s0+$0x14830] =	vst v19  }
0x14e: {  	v19 =	vld [tilespmem:s31+$0xC840]  }
0x14f: {  	v32 =	vld [tilespmem:s31+$0xC8C0];
	_ =	sdelay $0x2  }
0x150: {  	v21 =	vshrl.u32 v30, v22;
	v20 =	vshrl.u32 v31, v24  }
0x151: {  	v21 =	vand.u32 $0xFFFF, v21;
	v20 =	vshll.u32 v20, $0x10  }
0x152: {  	v20 =	vor.u32 v21, v20;
	v19 =	vshrl.u32 v19, v48;
	v33 =	vshrl.u32 v32, v49  }
0x153: {  	[tilespmem:s1+$0x14840] =	vst v20;
	v19 =	vand.u32 $0xFFFF, v19;
	v34 =	vshll.u32 v33, $0x10  }
0x154: {  	v35 =	vld [tilespmem:s30+$0xC850];
	v19 =	vor.u32 v19, v34  }
0x155: {  	v36 =	vld [tilespmem:s30+$0xC8D0];
	[tilespmem:s0+$0x14840] =	vst v19  }
0x156: {  	v19 =	vld [tilespmem:s31+$0xC850]  }
0x157: {  	v37 =	vld [tilespmem:s31+$0xC8D0];
	_ =	sdelay $0x2  }
0x158: {  	v21 =	vshrl.u32 v35, v22;
	v20 =	vshrl.u32 v36, v24  }
0x159: {  	v21 =	vand.u32 $0xFFFF, v21;
	v20 =	vshll.u32 v20, $0x10  }
0x15a: {  	v20 =	vor.u32 v21, v20;
	v19 =	vshrl.u32 v19, v48;
	v38 =	vshrl.u32 v37, v49  }
0x15b: {  	[tilespmem:s1+$0x14850] =	vst v20;
	v19 =	vand.u32 $0xFFFF, v19;
	v39 =	vshll.u32 v38, $0x10  }
0x15c: {  	v40 =	vld [tilespmem:s30+$0xC860];
	v19 =	vor.u32 v19, v39  }
0x15d: {  	v41 =	vld [tilespmem:s30+$0xC8E0];
	[tilespmem:s0+$0x14850] =	vst v19  }
0x15e: {  	v19 =	vld [tilespmem:s31+$0xC860]  }
0x15f: {  	v42 =	vld [tilespmem:s31+$0xC8E0];
	_ =	sdelay $0x2  }
0x160: {  	v21 =	vshrl.u32 v40, v22;
	v20 =	vshrl.u32 v41, v24  }
0x161: {  	v21 =	vand.u32 $0xFFFF, v21;
	v20 =	vshll.u32 v20, $0x10  }
0x162: {  	v20 =	vor.u32 v21, v20;
	v19 =	vshrl.u32 v19, v48;
	v43 =	vshrl.u32 v42, v49  }
0x163: {  	[tilespmem:s1+$0x14860] =	vst v20;
	v19 =	vand.u32 $0xFFFF, v19;
	v44 =	vshll.u32 v43, $0x10  }
0x164: {  	v45 =	vld [tilespmem:s30+$0xC870];
	v19 =	vor.u32 v19, v44  }
0x165: {  	v46 =	vld [tilespmem:s30+$0xC8F0];
	[tilespmem:s0+$0x14860] =	vst v19  }
0x166: {  	v19 =	vld [tilespmem:s31+$0xC870]  }
0x167: {  	v47 =	vld [tilespmem:s31+$0xC8F0];
	_ =	sdelay $0x2  }
0x168: {  	v21 =	vshrl.u32 v45, v22;
	v20 =	vshrl.u32 v46, v24  }
0x169: {  	s10 =	sor.u32 $0x5, s29;
	v21 =	vand.u32 $0xFFFF, v21;
	v20 =	vshll.u32 v20, $0x10  }
0x16a: {  	s30 =	sshll.u32 s10, $0x8;
	v20 =	vor.u32 v21, v20;
	v19 =	vshrl.u32 v19, v48;
	v48 =	vshrl.u32 v47, v49  }
0x16b: {  	s12 =	sor.u32 $0x5, s28;
	s30 =	sand.u32 $0x3FFFFD00, s30;
	[tilespmem:s1+$0x14870] =	vst v20;
	v19 =	vand.u32 $0xFFFF, v19;
	v49 =	vshll.u32 v48, $0x10  }
0x16c: {  	s31 =	sshll.u32 s12, $0x8;
	v50 =	vld [tilespmem:s30+$0xC800];
	v19 =	vor.u32 v19, v49  }
0x16d: {  	s31 =	sand.u32 $0x3FFFFD00, s31;
	[tilespmem:s0+$0x14870] =	vst v19;
	v19 =	vld [tilespmem:s30+$0xC880]  }
0x16e: {  	v51 =	vld [tilespmem:s31+$0xC800]  }
0x16f: {  	v52 =	vld [tilespmem:s31+$0xC880]  }
0x170: {  	v22 =	vperm.xlane v17, v10;
	v24 =	vperm.xlane v17, v11  }
0x171: {  	v53 =	vperm.xlane v18, v10  }
0x172: {  	v54 =	vperm.xlane v18, v11;
	v21 =	vshrl.u32 v50, v22;
	v19 =	vshrl.u32 v19, v24  }
0x173: {  	s10 =	sshll.u32 s10, $0x7;
	v21 =	vand.u32 $0xFFFF, v21;
	v19 =	vshll.u32 v19, $0x10  }
0x174: {  	s1 =	sand.u32 $0x3FFFFE80, s10;
	v20 =	vshrl.u32 v51, v53;
	v55 =	vshrl.u32 v52, v54;
	v19 =	vor.u32 v21, v19  }
0x175: {  	s12 =	sshll.u32 s12, $0x7;
	v56 =	vshll.u32 v55, $0x10;
	[tilespmem:s1+$0x14800] =	vst v19;
	v19 =	vand.u32 $0xFFFF, v20  }
0x176: {  	s0 =	sand.u32 $0x3FFFFE80, s12;
	v57 =	vld [tilespmem:s30+$0xC810];
	v19 =	vor.u32 v19, v56  }
0x177: {  	v58 =	vld [tilespmem:s30+$0xC890];
	[tilespmem:s0+$0x14800] =	vst v19  }
0x178: {  	v19 =	vld [tilespmem:s31+$0xC810]  }
0x179: {  	v59 =	vld [tilespmem:s31+$0xC890];
	_ =	sdelay $0x2  }
0x17a: {  	v21 =	vshrl.u32 v57, v22;
	v20 =	vshrl.u32 v58, v24  }
0x17b: {  	v21 =	vand.u32 $0xFFFF, v21;
	v20 =	vshll.u32 v20, $0x10  }
0x17c: {  	v20 =	vor.u32 v21, v20;
	v19 =	vshrl.u32 v19, v53;
	v60 =	vshrl.u32 v59, v54  }
0x17d: {  	[tilespmem:s1+$0x14810] =	vst v20;
	v19 =	vand.u32 $0xFFFF, v19;
	v61 =	vshll.u32 v60, $0x10  }
0x17e: {  	v62 =	vld [tilespmem:s30+$0xC820];
	v19 =	vor.u32 v19, v61  }
0x17f: {  	v63 =	vld [tilespmem:s30+$0xC8A0];
	[tilespmem:s0+$0x14810] =	vst v19  }
0x180: {  	v19 =	vld [tilespmem:s31+$0xC820]  }
0x181: {  	v27 =	vld [tilespmem:s31+$0xC8A0];
	_ =	sdelay $0x2  }
0x182: {  	v21 =	vshrl.u32 v62, v22;
	v20 =	vshrl.u32 v63, v24  }
0x183: {  	v21 =	vand.u32 $0xFFFF, v21;
	v20 =	vshll.u32 v20, $0x10  }
0x184: {  	v20 =	vor.u32 v21, v20;
	v19 =	vshrl.u32 v19, v53;
	v28 =	vshrl.u32 v27, v54  }
0x185: {  	[tilespmem:s1+$0x14820] =	vst v20;
	v19 =	vand.u32 $0xFFFF, v19;
	v29 =	vshll.u32 v28, $0x10  }
0x186: {  	v30 =	vld [tilespmem:s30+$0xC830];
	v19 =	vor.u32 v19, v29  }
0x187: {  	v31 =	vld [tilespmem:s30+$0xC8B0];
	[tilespmem:s0+$0x14820] =	vst v19  }
0x188: {  	v19 =	vld [tilespmem:s31+$0xC830]  }
0x189: {  	v32 =	vld [tilespmem:s31+$0xC8B0];
	_ =	sdelay $0x2  }
0x18a: {  	v21 =	vshrl.u32 v30, v22;
	v20 =	vshrl.u32 v31, v24  }
0x18b: {  	v21 =	vand.u32 $0xFFFF, v21;
	v20 =	vshll.u32 v20, $0x10  }
0x18c: {  	v20 =	vor.u32 v21, v20;
	v19 =	vshrl.u32 v19, v53;
	v33 =	vshrl.u32 v32, v54  }
0x18d: {  	[tilespmem:s1+$0x14830] =	vst v20;
	v19 =	vand.u32 $0xFFFF, v19;
	v34 =	vshll.u32 v33, $0x10  }
0x18e: {  	v35 =	vld [tilespmem:s30+$0xC840];
	v19 =	vor.u32 v19, v34  }
0x18f: {  	v36 =	vld [tilespmem:s30+$0xC8C0];
	[tilespmem:s0+$0x14830] =	vst v19  }
0x190: {  	v19 =	vld [tilespmem:s31+$0xC840]  }
0x191: {  	v37 =	vld [tilespmem:s31+$0xC8C0];
	_ =	sdelay $0x2  }
0x192: {  	v21 =	vshrl.u32 v35, v22;
	v20 =	vshrl.u32 v36, v24  }
0x193: {  	v21 =	vand.u32 $0xFFFF, v21;
	v20 =	vshll.u32 v20, $0x10  }
0x194: {  	v20 =	vor.u32 v21, v20;
	v19 =	vshrl.u32 v19, v53;
	v38 =	vshrl.u32 v37, v54  }
0x195: {  	[tilespmem:s1+$0x14840] =	vst v20;
	v19 =	vand.u32 $0xFFFF, v19;
	v39 =	vshll.u32 v38, $0x10  }
0x196: {  	v40 =	vld [tilespmem:s30+$0xC850];
	v19 =	vor.u32 v19, v39  }
0x197: {  	v41 =	vld [tilespmem:s30+$0xC8D0];
	[tilespmem:s0+$0x14840] =	vst v19  }
0x198: {  	v19 =	vld [tilespmem:s31+$0xC850]  }
0x199: {  	v42 =	vld [tilespmem:s31+$0xC8D0];
	_ =	sdelay $0x2  }
0x19a: {  	v21 =	vshrl.u32 v40, v22;
	v20 =	vshrl.u32 v41, v24  }
0x19b: {  	v21 =	vand.u32 $0xFFFF, v21;
	v20 =	vshll.u32 v20, $0x10  }
0x19c: {  	v20 =	vor.u32 v21, v20;
	v19 =	vshrl.u32 v19, v53;
	v43 =	vshrl.u32 v42, v54  }
0x19d: {  	[tilespmem:s1+$0x14850] =	vst v20;
	v19 =	vand.u32 $0xFFFF, v19;
	v44 =	vshll.u32 v43, $0x10  }
0x19e: {  	v45 =	vld [tilespmem:s30+$0xC860];
	v19 =	vor.u32 v19, v44  }
0x19f: {  	v46 =	vld [tilespmem:s30+$0xC8E0];
	[tilespmem:s0+$0x14850] =	vst v19  }
0x1a0: {  	v19 =	vld [tilespmem:s31+$0xC860]  }
0x1a1: {  	v47 =	vld [tilespmem:s31+$0xC8E0];
	_ =	sdelay $0x2  }
0x1a2: {  	v21 =	vshrl.u32 v45, v22;
	v20 =	vshrl.u32 v46, v24  }
0x1a3: {  	v21 =	vand.u32 $0xFFFF, v21;
	v20 =	vshll.u32 v20, $0x10  }
0x1a4: {  	v20 =	vor.u32 v21, v20;
	v19 =	vshrl.u32 v19, v53;
	v48 =	vshrl.u32 v47, v54  }
0x1a5: {  	[tilespmem:s1+$0x14860] =	vst v20;
	v19 =	vand.u32 $0xFFFF, v19;
	v49 =	vshll.u32 v48, $0x10  }
0x1a6: {  	v50 =	vld [tilespmem:s30+$0xC870];
	v19 =	vor.u32 v19, v49  }
0x1a7: {  	v51 =	vld [tilespmem:s30+$0xC8F0];
	[tilespmem:s0+$0x14860] =	vst v19  }
0x1a8: {  	v19 =	vld [tilespmem:s31+$0xC870]  }
0x1a9: {  	v52 =	vld [tilespmem:s31+$0xC8F0];
	_ =	sdelay $0x2  }
0x1aa: {  	v21 =	vshrl.u32 v50, v22;
	v20 =	vshrl.u32 v51, v24  }
0x1ab: {  	s10 =	sor.u32 $0x6, s29;
	v21 =	vand.u32 $0xFFFF, v21;
	v20 =	vshll.u32 v20, $0x10  }
0x1ac: {  	s30 =	sshll.u32 s10, $0x8;
	v20 =	vor.u32 v21, v20;
	v19 =	vshrl.u32 v19, v53;
	v53 =	vshrl.u32 v52, v54  }
0x1ad: {  	s12 =	sor.u32 $0x6, s28;
	s29 =	sand.u32 $0x3FFFFE00, s30;
	[tilespmem:s1+$0x14870] =	vst v20;
	v19 =	vand.u32 $0xFFFF, v19;
	v54 =	vshll.u32 v53, $0x10  }
0x1ae: {  	s31 =	sshll.u32 s12, $0x8;
	v55 =	vld [tilespmem:s29+$0xC800];
	v19 =	vor.u32 v19, v54  }
0x1af: {  	s1 =	sand.u32 $0x3FFFFE00, s31;
	[tilespmem:s0+$0x14870] =	vst v19;
	v19 =	vld [tilespmem:s29+$0xC880]  }
0x1b0: {  	v56 =	vld [tilespmem:s1+$0xC800]  }
0x1b1: {  	v57 =	vld [tilespmem:s1+$0xC880]  }
0x1b2: {  	v22 =	vperm.xlane v17, v12;
	v24 =	vperm.xlane v17, v13  }
0x1b3: {  	v58 =	vperm.xlane v18, v12  }
0x1b4: {  	v59 =	vperm.xlane v18, v13;
	v21 =	vshrl.u32 v55, v22;
	v19 =	vshrl.u32 v19, v24  }
0x1b5: {  	s30 =	sshll.u32 s10, $0x7;
	v21 =	vand.u32 $0xFFFF, v21;
	v19 =	vshll.u32 v19, $0x10  }
0x1b6: {  	s31 =	sand.u32 $0x3FFFFF00, s30;
	v20 =	vshrl.u32 v56, v58;
	v60 =	vshrl.u32 v57, v59;
	v19 =	vor.u32 v21, v19  }
0x1b7: {  	s12 =	sshll.u32 s12, $0x7;
	v61 =	vshll.u32 v60, $0x10;
	[tilespmem:s31+$0x14800] =	vst v19;
	v19 =	vand.u32 $0xFFFF, v20  }
0x1b8: {  	s0 =	sand.u32 $0x3FFFFF00, s12;
	v62 =	vld [tilespmem:s29+$0xC810];
	v19 =	vor.u32 v19, v61  }
0x1b9: {  	v63 =	vld [tilespmem:s29+$0xC890];
	[tilespmem:s0+$0x14800] =	vst v19  }
0x1ba: {  	v19 =	vld [tilespmem:s1+$0xC810]  }
0x1bb: {  	v27 =	vld [tilespmem:s1+$0xC890];
	_ =	sdelay $0x2  }
0x1bc: {  	v21 =	vshrl.u32 v62, v22;
	v20 =	vshrl.u32 v63, v24  }
0x1bd: {  	v21 =	vand.u32 $0xFFFF, v21;
	v20 =	vshll.u32 v20, $0x10  }
0x1be: {  	v20 =	vor.u32 v21, v20;
	v19 =	vshrl.u32 v19, v58;
	v28 =	vshrl.u32 v27, v59  }
0x1bf: {  	[tilespmem:s31+$0x14810] =	vst v20;
	v19 =	vand.u32 $0xFFFF, v19;
	v29 =	vshll.u32 v28, $0x10  }
0x1c0: {  	v30 =	vld [tilespmem:s29+$0xC820];
	v19 =	vor.u32 v19, v29  }
0x1c1: {  	v31 =	vld [tilespmem:s29+$0xC8A0];
	[tilespmem:s0+$0x14810] =	vst v19  }
0x1c2: {  	v19 =	vld [tilespmem:s1+$0xC820]  }
0x1c3: {  	v32 =	vld [tilespmem:s1+$0xC8A0];
	_ =	sdelay $0x2  }
0x1c4: {  	v21 =	vshrl.u32 v30, v22;
	v20 =	vshrl.u32 v31, v24  }
0x1c5: {  	v21 =	vand.u32 $0xFFFF, v21;
	v20 =	vshll.u32 v20, $0x10  }
0x1c6: {  	v20 =	vor.u32 v21, v20;
	v19 =	vshrl.u32 v19, v58;
	v33 =	vshrl.u32 v32, v59  }
0x1c7: {  	[tilespmem:s31+$0x14820] =	vst v20;
	v19 =	vand.u32 $0xFFFF, v19;
	v34 =	vshll.u32 v33, $0x10  }
0x1c8: {  	v35 =	vld [tilespmem:s29+$0xC830];
	v19 =	vor.u32 v19, v34  }
0x1c9: {  	v36 =	vld [tilespmem:s29+$0xC8B0];
	[tilespmem:s0+$0x14820] =	vst v19  }
0x1ca: {  	v19 =	vld [tilespmem:s1+$0xC830]  }
0x1cb: {  	v37 =	vld [tilespmem:s1+$0xC8B0];
	_ =	sdelay $0x2  }
0x1cc: {  	v21 =	vshrl.u32 v35, v22;
	v20 =	vshrl.u32 v36, v24  }
0x1cd: {  	v21 =	vand.u32 $0xFFFF, v21;
	v20 =	vshll.u32 v20, $0x10  }
0x1ce: {  	v20 =	vor.u32 v21, v20;
	v19 =	vshrl.u32 v19, v58;
	v38 =	vshrl.u32 v37, v59  }
0x1cf: {  	[tilespmem:s31+$0x14830] =	vst v20;
	v19 =	vand.u32 $0xFFFF, v19;
	v39 =	vshll.u32 v38, $0x10  }
0x1d0: {  	v40 =	vld [tilespmem:s29+$0xC840];
	v19 =	vor.u32 v19, v39  }
0x1d1: {  	v41 =	vld [tilespmem:s29+$0xC8C0];
	[tilespmem:s0+$0x14830] =	vst v19  }
0x1d2: {  	v19 =	vld [tilespmem:s1+$0xC840]  }
0x1d3: {  	v42 =	vld [tilespmem:s1+$0xC8C0];
	_ =	sdelay $0x2  }
0x1d4: {  	v21 =	vshrl.u32 v40, v22;
	v20 =	vshrl.u32 v41, v24  }
0x1d5: {  	v21 =	vand.u32 $0xFFFF, v21;
	v20 =	vshll.u32 v20, $0x10  }
0x1d6: {  	v20 =	vor.u32 v21, v20;
	v19 =	vshrl.u32 v19, v58;
	v43 =	vshrl.u32 v42, v59  }
0x1d7: {  	[tilespmem:s31+$0x14840] =	vst v20;
	v19 =	vand.u32 $0xFFFF, v19;
	v44 =	vshll.u32 v43, $0x10  }
0x1d8: {  	v45 =	vld [tilespmem:s29+$0xC850];
	v19 =	vor.u32 v19, v44  }
0x1d9: {  	v46 =	vld [tilespmem:s29+$0xC8D0];
	[tilespmem:s0+$0x14840] =	vst v19  }
0x1da: {  	v19 =	vld [tilespmem:s1+$0xC850]  }
0x1db: {  	v47 =	vld [tilespmem:s1+$0xC8D0];
	_ =	sdelay $0x2  }
0x1dc: {  	v21 =	vshrl.u32 v45, v22;
	v20 =	vshrl.u32 v46, v24  }
0x1dd: {  	v21 =	vand.u32 $0xFFFF, v21;
	v20 =	vshll.u32 v20, $0x10  }
0x1de: {  	v20 =	vor.u32 v21, v20;
	v19 =	vshrl.u32 v19, v58;
	v48 =	vshrl.u32 v47, v59  }
0x1df: {  	[tilespmem:s31+$0x14850] =	vst v20;
	v19 =	vand.u32 $0xFFFF, v19;
	v49 =	vshll.u32 v48, $0x10  }
0x1e0: {  	v50 =	vld [tilespmem:s29+$0xC860];
	v19 =	vor.u32 v19, v49  }
0x1e1: {  	v51 =	vld [tilespmem:s29+$0xC8E0];
	[tilespmem:s0+$0x14850] =	vst v19  }
0x1e2: {  	v19 =	vld [tilespmem:s1+$0xC860]  }
0x1e3: {  	v52 =	vld [tilespmem:s1+$0xC8E0];
	_ =	sdelay $0x2  }
0x1e4: {  	v21 =	vshrl.u32 v50, v22;
	v20 =	vshrl.u32 v51, v24  }
0x1e5: {  	v21 =	vand.u32 $0xFFFF, v21;
	v20 =	vshll.u32 v20, $0x10  }
0x1e6: {  	v20 =	vor.u32 v21, v20;
	v19 =	vshrl.u32 v19, v58;
	v53 =	vshrl.u32 v52, v59  }
0x1e7: {  	[tilespmem:s31+$0x14860] =	vst v20;
	v19 =	vand.u32 $0xFFFF, v19;
	v54 =	vshll.u32 v53, $0x10  }
0x1e8: {  	v55 =	vld [tilespmem:s29+$0xC870];
	v19 =	vor.u32 v19, v54  }
0x1e9: {  	v56 =	vld [tilespmem:s29+$0xC8F0];
	[tilespmem:s0+$0x14860] =	vst v19  }
0x1ea: {  	v19 =	vld [tilespmem:s1+$0xC870]  }
0x1eb: {  	v57 =	vld [tilespmem:s1+$0xC8F0];
	_ =	sdelay $0x2  }
0x1ec: {  	v21 =	vshrl.u32 v55, v22;
	v20 =	vshrl.u32 v56, v24  }
0x1ed: {  	s10 =	sshllo.u32 s25, $0x3;
	v21 =	vand.u32 $0xFFFF, v21;
	v20 =	vshll.u32 v20, $0x10  }
0x1ee: {  	s29 =	sshll.u32 s10, $0x8;
	v20 =	vor.u32 v21, v20;
	v19 =	vshrl.u32 v19, v58;
	v58 =	vshrl.u32 v57, v59  }
0x1ef: {  	s30 =	sshllo.u32 s26, $0x3;
	s28 =	sand.u32 $0x3FFFFF00, s29;
	[tilespmem:s31+$0x14870] =	vst v20;
	v19 =	vand.u32 $0xFFFF, v19;
	v59 =	vshll.u32 v58, $0x10  }
0x1f0: {  	s31 =	sshll.u32 s30, $0x8;
	v60 =	vld [tilespmem:s28+$0xC800];
	v19 =	vor.u32 v19, v59  }
0x1f1: {  	s1 =	sand.u32 $0x3FFFFF00, s31;
	[tilespmem:s0+$0x14870] =	vst v19;
	v19 =	vld [tilespmem:s28+$0xC880]  }
0x1f2: {  	v61 =	vld [tilespmem:s1+$0xC800]  }
0x1f3: {  	v62 =	vld [tilespmem:s1+$0xC880]  }
0x1f4: {  	v22 =	vperm.xlane v17, v14;
	v17 =	vperm.xlane v17, v15  }
0x1f5: {  	v63 =	vperm.xlane v18, v14  }
0x1f6: {  	v18 =	vperm.xlane v18, v15;
	v21 =	vshrl.u32 v60, v22;
	v19 =	vshrl.u32 v19, v17  }
0x1f7: {  	s10 =	sshll.u32 s10, $0x7;
	v21 =	vand.u32 $0xFFFF, v21;
	v19 =	vshll.u32 v19, $0x10  }
0x1f8: {  	s29 =	sand.u32 $0x3FFFFF80, s10;
	v20 =	vshrl.u32 v61, v63;
	v28 =	vshrl.u32 v62, v18;
	v19 =	vor.u32 v21, v19  }
0x1f9: {  	s30 =	sshll.u32 s30, $0x7;
	v29 =	vshll.u32 v28, $0x10;
	[tilespmem:s29+$0x14800] =	vst v19;
	v19 =	vand.u32 $0xFFFF, v20  }
0x1fa: {  	s0 =	sand.u32 $0x3FFFFF80, s30;
	v30 =	vld [tilespmem:s28+$0xC810];
	v19 =	vor.u32 v19, v29  }
0x1fb: {  	v31 =	vld [tilespmem:s28+$0xC890];
	[tilespmem:s0+$0x14800] =	vst v19  }
0x1fc: {  	v19 =	vld [tilespmem:s1+$0xC810]  }
0x1fd: {  	v32 =	vld [tilespmem:s1+$0xC890];
	_ =	sdelay $0x2  }
0x1fe: {  	v21 =	vshrl.u32 v30, v22;
	v20 =	vshrl.u32 v31, v17  }
0x1ff: {  	v21 =	vand.u32 $0xFFFF, v21;
	v20 =	vshll.u32 v20, $0x10  }
0x200: {  	v20 =	vor.u32 v21, v20;
	v19 =	vshrl.u32 v19, v63;
	v33 =	vshrl.u32 v32, v18  }
0x201: {  	[tilespmem:s29+$0x14810] =	vst v20;
	v19 =	vand.u32 $0xFFFF, v19;
	v34 =	vshll.u32 v33, $0x10  }
0x202: {  	v35 =	vld [tilespmem:s28+$0xC820];
	v19 =	vor.u32 v19, v34  }
0x203: {  	v36 =	vld [tilespmem:s28+$0xC8A0];
	[tilespmem:s0+$0x14810] =	vst v19  }
0x204: {  	v19 =	vld [tilespmem:s1+$0xC820]  }
0x205: {  	v37 =	vld [tilespmem:s1+$0xC8A0];
	_ =	sdelay $0x2  }
0x206: {  	v21 =	vshrl.u32 v35, v22;
	v20 =	vshrl.u32 v36, v17  }
0x207: {  	v21 =	vand.u32 $0xFFFF, v21;
	v20 =	vshll.u32 v20, $0x10  }
0x208: {  	v20 =	vor.u32 v21, v20;
	v19 =	vshrl.u32 v19, v63;
	v38 =	vshrl.u32 v37, v18  }
0x209: {  	[tilespmem:s29+$0x14820] =	vst v20;
	v19 =	vand.u32 $0xFFFF, v19;
	v39 =	vshll.u32 v38, $0x10  }
0x20a: {  	v40 =	vld [tilespmem:s28+$0xC830];
	v19 =	vor.u32 v19, v39  }
0x20b: {  	v41 =	vld [tilespmem:s28+$0xC8B0];
	[tilespmem:s0+$0x14820] =	vst v19  }
0x20c: {  	v19 =	vld [tilespmem:s1+$0xC830]  }
0x20d: {  	v42 =	vld [tilespmem:s1+$0xC8B0];
	_ =	sdelay $0x2  }
0x20e: {  	v21 =	vshrl.u32 v40, v22;
	v20 =	vshrl.u32 v41, v17  }
0x20f: {  	v21 =	vand.u32 $0xFFFF, v21;
	v20 =	vshll.u32 v20, $0x10  }
0x210: {  	v20 =	vor.u32 v21, v20;
	v19 =	vshrl.u32 v19, v63;
	v43 =	vshrl.u32 v42, v18  }
0x211: {  	[tilespmem:s29+$0x14830] =	vst v20;
	v19 =	vand.u32 $0xFFFF, v19;
	v44 =	vshll.u32 v43, $0x10  }
0x212: {  	v45 =	vld [tilespmem:s28+$0xC840];
	v19 =	vor.u32 v19, v44  }
0x213: {  	v46 =	vld [tilespmem:s28+$0xC8C0];
	[tilespmem:s0+$0x14830] =	vst v19  }
0x214: {  	v19 =	vld [tilespmem:s1+$0xC840]  }
0x215: {  	v47 =	vld [tilespmem:s1+$0xC8C0];
	_ =	sdelay $0x2  }
0x216: {  	v21 =	vshrl.u32 v45, v22;
	v20 =	vshrl.u32 v46, v17  }
0x217: {  	v21 =	vand.u32 $0xFFFF, v21;
	v20 =	vshll.u32 v20, $0x10  }
0x218: {  	v20 =	vor.u32 v21, v20;
	v19 =	vshrl.u32 v19, v63;
	v48 =	vshrl.u32 v47, v18  }
0x219: {  	[tilespmem:s29+$0x14840] =	vst v20;
	v19 =	vand.u32 $0xFFFF, v19;
	v49 =	vshll.u32 v48, $0x10  }
0x21a: {  	v50 =	vld [tilespmem:s28+$0xC850];
	v19 =	vor.u32 v19, v49  }
0x21b: {  	v51 =	vld [tilespmem:s28+$0xC8D0];
	[tilespmem:s0+$0x14840] =	vst v19  }
0x21c: {  	v19 =	vld [tilespmem:s1+$0xC850]  }
0x21d: {  	v52 =	vld [tilespmem:s1+$0xC8D0];
	_ =	sdelay $0x2  }
0x21e: {  	v21 =	vshrl.u32 v50, v22;
	v20 =	vshrl.u32 v51, v17  }
0x21f: {  	v21 =	vand.u32 $0xFFFF, v21;
	v20 =	vshll.u32 v20, $0x10  }
0x220: {  	v20 =	vor.u32 v21, v20;
	v19 =	vshrl.u32 v19, v63;
	v53 =	vshrl.u32 v52, v18  }
0x221: {  	[tilespmem:s29+$0x14850] =	vst v20;
	v19 =	vand.u32 $0xFFFF, v19;
	v54 =	vshll.u32 v53, $0x10  }
0x222: {  	v55 =	vld [tilespmem:s28+$0xC860];
	v19 =	vor.u32 v19, v54  }
0x223: {  	v56 =	vld [tilespmem:s28+$0xC8E0];
	[tilespmem:s0+$0x14850] =	vst v19  }
0x224: {  	v19 =	vld [tilespmem:s1+$0xC860]  }
0x225: {  	v57 =	vld [tilespmem:s1+$0xC8E0];
	_ =	sdelay $0x2  }
0x226: {  	v21 =	vshrl.u32 v55, v22;
	v20 =	vshrl.u32 v56, v17  }
0x227: {  	v21 =	vand.u32 $0xFFFF, v21;
	v20 =	vshll.u32 v20, $0x10  }
0x228: {  	v20 =	vor.u32 v21, v20;
	v19 =	vshrl.u32 v19, v63;
	v58 =	vshrl.u32 v57, v18  }
0x229: {  	[tilespmem:s29+$0x14860] =	vst v20;
	v19 =	vand.u32 $0xFFFF, v19;
	v59 =	vshll.u32 v58, $0x10  }
0x22a: {  	v60 =	vld [tilespmem:s28+$0xC870];
	v19 =	vor.u32 v19, v59  }
0x22b: {  	v61 =	vld [tilespmem:s28+$0xC8F0];
	[tilespmem:s0+$0x14860] =	vst v19  }
0x22c: {  	v19 =	vld [tilespmem:s1+$0xC870]  }
0x22d: {  	v62 =	vld [tilespmem:s1+$0xC8F0];
	_ =	sdelay $0x2  }
0x22e: {  	p0 =	slt.u32 s25, $0x6;
	v17 =	vshrl.u32 v61, v17  }
.Ltmp0:
0x22f: {  	v21 =	vshrl.u32 v60, v22;
	v17 =	vshll.u32 v17, $0x10;
	(pc) =	sbr.rel @p0 .LBB2_3-.Ltmp0, $4  }
0x230: {  	v19 =	vshrl.u32 v19, v63;
	v63 =	vand.u32 $0xFFFF, v21;
	v18 =	vshrl.u32 v62, v18  }
0x231: {  	v17 =	vor.u32 v63, v17;
	v19 =	vand.u32 $0xFFFF, v19;
	v18 =	vshll.u32 v18, $0x10  }
0x232: {  	s31 =	sadd.s32 $0x2, s25;
	[tilespmem:s29+$0x14870] =	vst v17;
	v17 =	vor.u32 v19, v18  }
0x233: {  	s25 =	smov.u32 s31;
	[tilespmem:s0+$0x14870] =	vst v17  }
0x234: {  	s0 =	sshll.u32 s21, $0xE  }
0x235: {  	s0 =	sadd.s32 s7, s0  }
0x236: {  	s0 =	sshrl.u32 s0, $0x3  }
0x237: {  	p0 =	seq.s32 s21, $0x63;
	s0 =	sadd.s32 s4, s0  }
0x238: {  	[hbm4b:s0+s3] =	stream.linear.scatter [tilespmem:s15], [sflag:$0x3], $0x2000, $0x38;
	[tilespmem:$0x18800] =	vst v63  }
0x239: {  	p1 =	seq.s32 @!p0 s21, $0x0;
	_ =	swait.ge [sflag:s16], $0x4000  }
0x23a: {  	s1 =	simm.s32 @!p0 $0x80;
	s0 =	sshrl.u32 @!p0 s24, $0x2;
	[sflag:s16] =	ssyncset.done $0x0  }
0x23b: {  	s10 =	simm.s32 @!p0 $0xC800;
	s0 =	sadd.s32 @!p0 $0x100, s0;
	[sflag:s16] =	ssyncadd.s32 $0xFFFFC000  }
0x23c: {  	[tilespmem:s10], [sflag:$0x1] =	stream.indirect.gather @!p0 [hbm4b:s2+s1], $0x80, s0, s1, $0xb8;
	[tilespmem:$0x18800] =	vst v63  }
0x23d: {  	s31 =	sadd.s32 $0x6400, s23;
	p0 =	por p0, !p1  }
0x23e: {  	v16 =	vmov s31;
	_ =	swait.ge @p0 [sflag:s19], $0x2000  }
0x23f: {  	[sflag:s19] =	ssyncset.done @p0 $0x0  }
0x240: {  	s23 =	simm.s32 $0x0;
	[sflag:s19] =	ssyncadd.s32 @p0 $0xFFFFE000  }
.LBB2_5:
0x241: {  	s0 =	sshll.u32 s23, $0x4  }
0x242: {  	s0 =	sand.u32 $0x3FFFFFF0, s0  }
0x243: {  	s25 =	sshll.u32 s23, $0xB;
	s1 =	sor.u32 $0x1, s23;
	v17 =	vld.idx.msk [tilespmem:v16+s0+$0x0 ss:$0x1], $0xffff  }
0x244: {  	s24 =	sand.u32 $0x3FFFF800, s25;
	s26 =	sshll.u32 s1, $0x4  }
0x245: {  	v18 =	vld [tilespmem:s24+$0x10800];
	s0 =	sand.u32 $0x3FFFFFF0, s26  }
0x246: {  	s28 =	sshll.u32 s1, $0xB;
	v19 =	vld.idx.msk [tilespmem:v16+s0+$0x0 ss:$0x1], $0xffff  }
0x247: {  	v20 =	vld [tilespmem:s24+$0x10880];
	s25 =	sand.u32 $0x3FFFF800, s28  }
0x248: {  	v21 =	vld [tilespmem:s25+$0x10800];
	v17 =	vshll.u32 v17, $0x4  }
0x249: {  	v23 =	vld [tilespmem:s25+$0x10880];
	v22 =	vperm.xlane v17, v1  }
0x24a: {  	v24 =	vperm.xlane v17, v2  }
0x24b: {  	v25 =	vshrl.u32 v18, v22;
	v18 =	vshll.u32 v19, $0x4  }
0x24c: {  	v19 =	vshrl.u32 v20, v24;
	v31 =	vperm.xlane v18, v1;
	v26 =	vperm.xlane v18, v2  }
0x24d: {  	s29 =	sshll.u32 s23, $0xA;
	v25 =	vand.u32 $0xFFFF, v25;
	v19 =	vshll.u32 v19, $0x10  }
0x24e: {  	s26 =	sand.u32 $0x3FFFFC00, s29;
	v19 =	vor.u32 v25, v19;
	v21 =	vshrl.u32 v21, v31;
	v23 =	vshrl.u32 v23, v26  }
0x24f: {  	s30 =	sshll.u32 s1, $0xA;
	[tilespmem:s26+$0x16800] =	vst v19;
	v19 =	vand.u32 $0xFFFF, v21;
	v32 =	vshll.u32 v23, $0x10  }
0x250: {  	s28 =	sand.u32 $0x3FFFFC00, s30;
	v33 =	vld [tilespmem:s24+$0x10810];
	v19 =	vor.u32 v19, v32  }
0x251: {  	v34 =	vld [tilespmem:s24+$0x10890];
	[tilespmem:s28+$0x16800] =	vst v19  }
0x252: {  	v19 =	vld [tilespmem:s25+$0x10810]  }
0x253: {  	v35 =	vld [tilespmem:s25+$0x10890];
	_ =	sdelay $0x2  }
0x254: {  	v23 =	vshrl.u32 v33, v22;
	v21 =	vshrl.u32 v34, v24  }
0x255: {  	v23 =	vand.u32 $0xFFFF, v23;
	v21 =	vshll.u32 v21, $0x10  }
0x256: {  	v21 =	vor.u32 v23, v21;
	v19 =	vshrl.u32 v19, v31;
	v36 =	vshrl.u32 v35, v26  }
0x257: {  	[tilespmem:s26+$0x16810] =	vst v21;
	v19 =	vand.u32 $0xFFFF, v19;
	v37 =	vshll.u32 v36, $0x10  }
0x258: {  	v38 =	vld [tilespmem:s24+$0x10820];
	v19 =	vor.u32 v19, v37  }
0x259: {  	v39 =	vld [tilespmem:s24+$0x108A0];
	[tilespmem:s28+$0x16810] =	vst v19  }
0x25a: {  	v19 =	vld [tilespmem:s25+$0x10820]  }
0x25b: {  	v40 =	vld [tilespmem:s25+$0x108A0];
	_ =	sdelay $0x2  }
0x25c: {  	v23 =	vshrl.u32 v38, v22;
	v21 =	vshrl.u32 v39, v24  }
0x25d: {  	v23 =	vand.u32 $0xFFFF, v23;
	v21 =	vshll.u32 v21, $0x10  }
0x25e: {  	v21 =	vor.u32 v23, v21;
	v19 =	vshrl.u32 v19, v31;
	v41 =	vshrl.u32 v40, v26  }
0x25f: {  	[tilespmem:s26+$0x16820] =	vst v21;
	v19 =	vand.u32 $0xFFFF, v19;
	v42 =	vshll.u32 v41, $0x10  }
0x260: {  	v43 =	vld [tilespmem:s24+$0x10830];
	v19 =	vor.u32 v19, v42  }
0x261: {  	v44 =	vld [tilespmem:s24+$0x108B0];
	[tilespmem:s28+$0x16820] =	vst v19  }
0x262: {  	v19 =	vld [tilespmem:s25+$0x10830]  }
0x263: {  	v45 =	vld [tilespmem:s25+$0x108B0];
	_ =	sdelay $0x2  }
0x264: {  	v23 =	vshrl.u32 v43, v22;
	v21 =	vshrl.u32 v44, v24  }
0x265: {  	v23 =	vand.u32 $0xFFFF, v23;
	v21 =	vshll.u32 v21, $0x10  }
0x266: {  	v21 =	vor.u32 v23, v21;
	v19 =	vshrl.u32 v19, v31;
	v46 =	vshrl.u32 v45, v26  }
0x267: {  	[tilespmem:s26+$0x16830] =	vst v21;
	v19 =	vand.u32 $0xFFFF, v19;
	v47 =	vshll.u32 v46, $0x10  }
0x268: {  	v48 =	vld [tilespmem:s24+$0x10840];
	v19 =	vor.u32 v19, v47  }
0x269: {  	v49 =	vld [tilespmem:s24+$0x108C0];
	[tilespmem:s28+$0x16830] =	vst v19  }
0x26a: {  	v19 =	vld [tilespmem:s25+$0x10840]  }
0x26b: {  	v50 =	vld [tilespmem:s25+$0x108C0];
	_ =	sdelay $0x2  }
0x26c: {  	v23 =	vshrl.u32 v48, v22;
	v21 =	vshrl.u32 v49, v24  }
0x26d: {  	v23 =	vand.u32 $0xFFFF, v23;
	v21 =	vshll.u32 v21, $0x10  }
0x26e: {  	v21 =	vor.u32 v23, v21;
	v19 =	vshrl.u32 v19, v31;
	v51 =	vshrl.u32 v50, v26  }
0x26f: {  	[tilespmem:s26+$0x16840] =	vst v21;
	v19 =	vand.u32 $0xFFFF, v19;
	v52 =	vshll.u32 v51, $0x10  }
0x270: {  	v53 =	vld [tilespmem:s24+$0x10850];
	v19 =	vor.u32 v19, v52  }
0x271: {  	v54 =	vld [tilespmem:s24+$0x108D0];
	[tilespmem:s28+$0x16840] =	vst v19  }
0x272: {  	v19 =	vld [tilespmem:s25+$0x10850]  }
0x273: {  	v55 =	vld [tilespmem:s25+$0x108D0];
	_ =	sdelay $0x2  }
0x274: {  	v23 =	vshrl.u32 v53, v22;
	v21 =	vshrl.u32 v54, v24  }
0x275: {  	v23 =	vand.u32 $0xFFFF, v23;
	v21 =	vshll.u32 v21, $0x10  }
0x276: {  	v21 =	vor.u32 v23, v21;
	v19 =	vshrl.u32 v19, v31;
	v56 =	vshrl.u32 v55, v26  }
0x277: {  	[tilespmem:s26+$0x16850] =	vst v21;
	v19 =	vand.u32 $0xFFFF, v19;
	v57 =	vshll.u32 v56, $0x10  }
0x278: {  	v58 =	vld [tilespmem:s24+$0x10860];
	v19 =	vor.u32 v19, v57  }
0x279: {  	v59 =	vld [tilespmem:s24+$0x108E0];
	[tilespmem:s28+$0x16850] =	vst v19  }
0x27a: {  	v19 =	vld [tilespmem:s25+$0x10860]  }
0x27b: {  	v60 =	vld [tilespmem:s25+$0x108E0];
	_ =	sdelay $0x2  }
0x27c: {  	v23 =	vshrl.u32 v58, v22;
	v21 =	vshrl.u32 v59, v24  }
0x27d: {  	v23 =	vand.u32 $0xFFFF, v23;
	v21 =	vshll.u32 v21, $0x10  }
0x27e: {  	v21 =	vor.u32 v23, v21;
	v19 =	vshrl.u32 v19, v31;
	v61 =	vshrl.u32 v60, v26  }
0x27f: {  	[tilespmem:s26+$0x16860] =	vst v21;
	v19 =	vand.u32 $0xFFFF, v19;
	v62 =	vshll.u32 v61, $0x10  }
0x280: {  	v63 =	vld [tilespmem:s24+$0x10870];
	v19 =	vor.u32 v19, v62  }
0x281: {  	v28 =	vld [tilespmem:s24+$0x108F0];
	[tilespmem:s28+$0x16860] =	vst v19  }
0x282: {  	v19 =	vld [tilespmem:s25+$0x10870]  }
0x283: {  	v29 =	vld [tilespmem:s25+$0x108F0];
	_ =	sdelay $0x2  }
0x284: {  	v22 =	vshrl.u32 v63, v22;
	v21 =	vshrl.u32 v28, v24  }
0x285: {  	v22 =	vand.u32 $0xFFFF, v22;
	v21 =	vshll.u32 v21, $0x10  }
0x286: {  	v21 =	vor.u32 v22, v21;
	v19 =	vshrl.u32 v19, v31;
	v30 =	vshrl.u32 v29, v26  }
0x287: {  	[tilespmem:s26+$0x16870] =	vst v21;
	v19 =	vand.u32 $0xFFFF, v19;
	v20 =	vshll.u32 v30, $0x10  }
0x288: {  	v21 =	vld [tilespmem:s24+$0x10900];
	v19 =	vor.u32 v19, v20  }
0x289: {  	v31 =	vld [tilespmem:s24+$0x10980];
	[tilespmem:s28+$0x16870] =	vst v19  }
0x28a: {  	v19 =	vld [tilespmem:s25+$0x10900]  }
0x28b: {  	v32 =	vld [tilespmem:s25+$0x10980]  }
0x28c: {  	v24 =	vperm.xlane v17, v4;
	v22 =	vperm.xlane v17, v3  }
0x28d: {  	v33 =	vperm.xlane v18, v3  }
0x28e: {  	v34 =	vperm.xlane v18, v4;
	v21 =	vshrl.u32 v21, v22;
	v20 =	vshrl.u32 v31, v24  }
0x28f: {  	v21 =	vand.u32 $0xFFFF, v21;
	v20 =	vshll.u32 v20, $0x10  }
0x290: {  	v20 =	vor.u32 v21, v20;
	v19 =	vshrl.u32 v19, v33;
	v35 =	vshrl.u32 v32, v34  }
0x291: {  	[tilespmem:s26+$0x16880] =	vst v20;
	v19 =	vand.u32 $0xFFFF, v19;
	v36 =	vshll.u32 v35, $0x10  }
0x292: {  	v37 =	vld [tilespmem:s24+$0x10910];
	v19 =	vor.u32 v19, v36  }
0x293: {  	v38 =	vld [tilespmem:s24+$0x10990];
	[tilespmem:s28+$0x16880] =	vst v19  }
0x294: {  	v19 =	vld [tilespmem:s25+$0x10910]  }
0x295: {  	v39 =	vld [tilespmem:s25+$0x10990];
	_ =	sdelay $0x2  }
0x296: {  	v21 =	vshrl.u32 v37, v22;
	v20 =	vshrl.u32 v38, v24  }
0x297: {  	v21 =	vand.u32 $0xFFFF, v21;
	v20 =	vshll.u32 v20, $0x10  }
0x298: {  	v20 =	vor.u32 v21, v20;
	v19 =	vshrl.u32 v19, v33;
	v40 =	vshrl.u32 v39, v34  }
0x299: {  	[tilespmem:s26+$0x16890] =	vst v20;
	v19 =	vand.u32 $0xFFFF, v19;
	v41 =	vshll.u32 v40, $0x10  }
0x29a: {  	v42 =	vld [tilespmem:s24+$0x10920];
	v19 =	vor.u32 v19, v41  }
0x29b: {  	v43 =	vld [tilespmem:s24+$0x109A0];
	[tilespmem:s28+$0x16890] =	vst v19  }
0x29c: {  	v19 =	vld [tilespmem:s25+$0x10920]  }
0x29d: {  	v44 =	vld [tilespmem:s25+$0x109A0];
	_ =	sdelay $0x2  }
0x29e: {  	v21 =	vshrl.u32 v42, v22;
	v20 =	vshrl.u32 v43, v24  }
0x29f: {  	v21 =	vand.u32 $0xFFFF, v21;
	v20 =	vshll.u32 v20, $0x10  }
0x2a0: {  	v20 =	vor.u32 v21, v20;
	v19 =	vshrl.u32 v19, v33;
	v45 =	vshrl.u32 v44, v34  }
0x2a1: {  	[tilespmem:s26+$0x168A0] =	vst v20;
	v19 =	vand.u32 $0xFFFF, v19;
	v46 =	vshll.u32 v45, $0x10  }
0x2a2: {  	v47 =	vld [tilespmem:s24+$0x10930];
	v19 =	vor.u32 v19, v46  }
0x2a3: {  	v48 =	vld [tilespmem:s24+$0x109B0];
	[tilespmem:s28+$0x168A0] =	vst v19  }
0x2a4: {  	v19 =	vld [tilespmem:s25+$0x10930]  }
0x2a5: {  	v49 =	vld [tilespmem:s25+$0x109B0];
	_ =	sdelay $0x2  }
0x2a6: {  	v21 =	vshrl.u32 v47, v22;
	v20 =	vshrl.u32 v48, v24  }
0x2a7: {  	v21 =	vand.u32 $0xFFFF, v21;
	v20 =	vshll.u32 v20, $0x10  }
0x2a8: {  	v20 =	vor.u32 v21, v20;
	v19 =	vshrl.u32 v19, v33;
	v50 =	vshrl.u32 v49, v34  }
0x2a9: {  	[tilespmem:s26+$0x168B0] =	vst v20;
	v19 =	vand.u32 $0xFFFF, v19;
	v51 =	vshll.u32 v50, $0x10  }
0x2aa: {  	v52 =	vld [tilespmem:s24+$0x10940];
	v19 =	vor.u32 v19, v51  }
0x2ab: {  	v53 =	vld [tilespmem:s24+$0x109C0];
	[tilespmem:s28+$0x168B0] =	vst v19  }
0x2ac: {  	v19 =	vld [tilespmem:s25+$0x10940]  }
0x2ad: {  	v54 =	vld [tilespmem:s25+$0x109C0];
	_ =	sdelay $0x2  }
0x2ae: {  	v21 =	vshrl.u32 v52, v22;
	v20 =	vshrl.u32 v53, v24  }
0x2af: {  	v21 =	vand.u32 $0xFFFF, v21;
	v20 =	vshll.u32 v20, $0x10  }
0x2b0: {  	v20 =	vor.u32 v21, v20;
	v19 =	vshrl.u32 v19, v33;
	v55 =	vshrl.u32 v54, v34  }
0x2b1: {  	[tilespmem:s26+$0x168C0] =	vst v20;
	v19 =	vand.u32 $0xFFFF, v19;
	v56 =	vshll.u32 v55, $0x10  }
0x2b2: {  	v57 =	vld [tilespmem:s24+$0x10950];
	v19 =	vor.u32 v19, v56  }
0x2b3: {  	v58 =	vld [tilespmem:s24+$0x109D0];
	[tilespmem:s28+$0x168C0] =	vst v19  }
0x2b4: {  	v19 =	vld [tilespmem:s25+$0x10950]  }
0x2b5: {  	v59 =	vld [tilespmem:s25+$0x109D0];
	_ =	sdelay $0x2  }
0x2b6: {  	v21 =	vshrl.u32 v57, v22;
	v20 =	vshrl.u32 v58, v24  }
0x2b7: {  	v21 =	vand.u32 $0xFFFF, v21;
	v20 =	vshll.u32 v20, $0x10  }
0x2b8: {  	v20 =	vor.u32 v21, v20;
	v19 =	vshrl.u32 v19, v33;
	v60 =	vshrl.u32 v59, v34  }
0x2b9: {  	[tilespmem:s26+$0x168D0] =	vst v20;
	v19 =	vand.u32 $0xFFFF, v19;
	v61 =	vshll.u32 v60, $0x10  }
0x2ba: {  	v62 =	vld [tilespmem:s24+$0x10960];
	v19 =	vor.u32 v19, v61  }
0x2bb: {  	v63 =	vld [tilespmem:s24+$0x109E0];
	[tilespmem:s28+$0x168D0] =	vst v19  }
0x2bc: {  	v19 =	vld [tilespmem:s25+$0x10960]  }
0x2bd: {  	v27 =	vld [tilespmem:s25+$0x109E0];
	_ =	sdelay $0x2  }
0x2be: {  	v21 =	vshrl.u32 v62, v22;
	v20 =	vshrl.u32 v63, v24  }
0x2bf: {  	v21 =	vand.u32 $0xFFFF, v21;
	v20 =	vshll.u32 v20, $0x10  }
0x2c0: {  	v20 =	vor.u32 v21, v20;
	v19 =	vshrl.u32 v19, v33;
	v28 =	vshrl.u32 v27, v34  }
0x2c1: {  	[tilespmem:s26+$0x168E0] =	vst v20;
	v19 =	vand.u32 $0xFFFF, v19;
	v29 =	vshll.u32 v28, $0x10  }
0x2c2: {  	v30 =	vld [tilespmem:s24+$0x10970];
	v19 =	vor.u32 v19, v29  }
0x2c3: {  	v31 =	vld [tilespmem:s24+$0x109F0];
	[tilespmem:s28+$0x168E0] =	vst v19  }
0x2c4: {  	v19 =	vld [tilespmem:s25+$0x10970]  }
0x2c5: {  	v32 =	vld [tilespmem:s25+$0x109F0];
	_ =	sdelay $0x2  }
0x2c6: {  	v21 =	vshrl.u32 v30, v22;
	v20 =	vshrl.u32 v31, v24  }
0x2c7: {  	v21 =	vand.u32 $0xFFFF, v21;
	v20 =	vshll.u32 v20, $0x10  }
0x2c8: {  	v20 =	vor.u32 v21, v20;
	v19 =	vshrl.u32 v19, v33;
	v33 =	vshrl.u32 v32, v34  }
0x2c9: {  	[tilespmem:s26+$0x168F0] =	vst v20;
	v19 =	vand.u32 $0xFFFF, v19;
	v34 =	vshll.u32 v33, $0x10  }
0x2ca: {  	v35 =	vld [tilespmem:s24+$0x10A00];
	v19 =	vor.u32 v19, v34  }
0x2cb: {  	v36 =	vld [tilespmem:s24+$0x10A80];
	[tilespmem:s28+$0x168F0] =	vst v19  }
0x2cc: {  	v19 =	vld [tilespmem:s25+$0x10A00]  }
0x2cd: {  	v37 =	vld [tilespmem:s25+$0x10A80]  }
0x2ce: {  	v22 =	vperm.xlane v17, v0;
	v24 =	vperm.xlane v17, v5  }
0x2cf: {  	v38 =	vperm.xlane v18, v0  }
0x2d0: {  	v39 =	vperm.xlane v18, v5;
	v21 =	vshrl.u32 v35, v22;
	v20 =	vshrl.u32 v36, v24  }
0x2d1: {  	v21 =	vand.u32 $0xFFFF, v21;
	v20 =	vshll.u32 v20, $0x10  }
0x2d2: {  	v20 =	vor.u32 v21, v20;
	v19 =	vshrl.u32 v19, v38;
	v40 =	vshrl.u32 v37, v39  }
0x2d3: {  	[tilespmem:s26+$0x16900] =	vst v20;
	v19 =	vand.u32 $0xFFFF, v19;
	v41 =	vshll.u32 v40, $0x10  }
0x2d4: {  	v42 =	vld [tilespmem:s24+$0x10A10];
	v19 =	vor.u32 v19, v41  }
0x2d5: {  	v43 =	vld [tilespmem:s24+$0x10A90];
	[tilespmem:s28+$0x16900] =	vst v19  }
0x2d6: {  	v19 =	vld [tilespmem:s25+$0x10A10]  }
0x2d7: {  	v44 =	vld [tilespmem:s25+$0x10A90];
	_ =	sdelay $0x2  }
0x2d8: {  	v21 =	vshrl.u32 v42, v22;
	v20 =	vshrl.u32 v43, v24  }
0x2d9: {  	v21 =	vand.u32 $0xFFFF, v21;
	v20 =	vshll.u32 v20, $0x10  }
0x2da: {  	v20 =	vor.u32 v21, v20;
	v19 =	vshrl.u32 v19, v38;
	v45 =	vshrl.u32 v44, v39  }
0x2db: {  	[tilespmem:s26+$0x16910] =	vst v20;
	v19 =	vand.u32 $0xFFFF, v19;
	v46 =	vshll.u32 v45, $0x10  }
0x2dc: {  	v47 =	vld [tilespmem:s24+$0x10A20];
	v19 =	vor.u32 v19, v46  }
0x2dd: {  	v48 =	vld [tilespmem:s24+$0x10AA0];
	[tilespmem:s28+$0x16910] =	vst v19  }
0x2de: {  	v19 =	vld [tilespmem:s25+$0x10A20]  }
0x2df: {  	v49 =	vld [tilespmem:s25+$0x10AA0];
	_ =	sdelay $0x2  }
0x2e0: {  	v21 =	vshrl.u32 v47, v22;
	v20 =	vshrl.u32 v48, v24  }
0x2e1: {  	v21 =	vand.u32 $0xFFFF, v21;
	v20 =	vshll.u32 v20, $0x10  }
0x2e2: {  	v20 =	vor.u32 v21, v20;
	v19 =	vshrl.u32 v19, v38;
	v50 =	vshrl.u32 v49, v39  }
0x2e3: {  	[tilespmem:s26+$0x16920] =	vst v20;
	v19 =	vand.u32 $0xFFFF, v19;
	v51 =	vshll.u32 v50, $0x10  }
0x2e4: {  	v52 =	vld [tilespmem:s24+$0x10A30];
	v19 =	vor.u32 v19, v51  }
0x2e5: {  	v53 =	vld [tilespmem:s24+$0x10AB0];
	[tilespmem:s28+$0x16920] =	vst v19  }
0x2e6: {  	v19 =	vld [tilespmem:s25+$0x10A30]  }
0x2e7: {  	v54 =	vld [tilespmem:s25+$0x10AB0];
	_ =	sdelay $0x2  }
0x2e8: {  	v21 =	vshrl.u32 v52, v22;
	v20 =	vshrl.u32 v53, v24  }
0x2e9: {  	v21 =	vand.u32 $0xFFFF, v21;
	v20 =	vshll.u32 v20, $0x10  }
0x2ea: {  	v20 =	vor.u32 v21, v20;
	v19 =	vshrl.u32 v19, v38;
	v55 =	vshrl.u32 v54, v39  }
0x2eb: {  	[tilespmem:s26+$0x16930] =	vst v20;
	v19 =	vand.u32 $0xFFFF, v19;
	v56 =	vshll.u32 v55, $0x10  }
0x2ec: {  	v57 =	vld [tilespmem:s24+$0x10A40];
	v19 =	vor.u32 v19, v56  }
0x2ed: {  	v58 =	vld [tilespmem:s24+$0x10AC0];
	[tilespmem:s28+$0x16930] =	vst v19  }
0x2ee: {  	v19 =	vld [tilespmem:s25+$0x10A40]  }
0x2ef: {  	v59 =	vld [tilespmem:s25+$0x10AC0];
	_ =	sdelay $0x2  }
0x2f0: {  	v21 =	vshrl.u32 v57, v22;
	v20 =	vshrl.u32 v58, v24  }
0x2f1: {  	v21 =	vand.u32 $0xFFFF, v21;
	v20 =	vshll.u32 v20, $0x10  }
0x2f2: {  	v20 =	vor.u32 v21, v20;
	v19 =	vshrl.u32 v19, v38;
	v60 =	vshrl.u32 v59, v39  }
0x2f3: {  	[tilespmem:s26+$0x16940] =	vst v20;
	v19 =	vand.u32 $0xFFFF, v19;
	v61 =	vshll.u32 v60, $0x10  }
0x2f4: {  	v62 =	vld [tilespmem:s24+$0x10A50];
	v19 =	vor.u32 v19, v61  }
0x2f5: {  	v63 =	vld [tilespmem:s24+$0x10AD0];
	[tilespmem:s28+$0x16940] =	vst v19  }
0x2f6: {  	v19 =	vld [tilespmem:s25+$0x10A50]  }
0x2f7: {  	v27 =	vld [tilespmem:s25+$0x10AD0];
	_ =	sdelay $0x2  }
0x2f8: {  	v21 =	vshrl.u32 v62, v22;
	v20 =	vshrl.u32 v63, v24  }
0x2f9: {  	v21 =	vand.u32 $0xFFFF, v21;
	v20 =	vshll.u32 v20, $0x10  }
0x2fa: {  	v20 =	vor.u32 v21, v20;
	v19 =	vshrl.u32 v19, v38;
	v28 =	vshrl.u32 v27, v39  }
0x2fb: {  	[tilespmem:s26+$0x16950] =	vst v20;
	v19 =	vand.u32 $0xFFFF, v19;
	v29 =	vshll.u32 v28, $0x10  }
0x2fc: {  	v30 =	vld [tilespmem:s24+$0x10A60];
	v19 =	vor.u32 v19, v29  }
0x2fd: {  	v31 =	vld [tilespmem:s24+$0x10AE0];
	[tilespmem:s28+$0x16950] =	vst v19  }
0x2fe: {  	v19 =	vld [tilespmem:s25+$0x10A60]  }
0x2ff: {  	v32 =	vld [tilespmem:s25+$0x10AE0];
	_ =	sdelay $0x2  }
0x300: {  	v21 =	vshrl.u32 v30, v22;
	v20 =	vshrl.u32 v31, v24  }
0x301: {  	v21 =	vand.u32 $0xFFFF, v21;
	v20 =	vshll.u32 v20, $0x10  }
0x302: {  	v20 =	vor.u32 v21, v20;
	v19 =	vshrl.u32 v19, v38;
	v33 =	vshrl.u32 v32, v39  }
0x303: {  	[tilespmem:s26+$0x16960] =	vst v20;
	v19 =	vand.u32 $0xFFFF, v19;
	v34 =	vshll.u32 v33, $0x10  }
0x304: {  	v35 =	vld [tilespmem:s24+$0x10A70];
	v19 =	vor.u32 v19, v34  }
0x305: {  	v36 =	vld [tilespmem:s24+$0x10AF0];
	[tilespmem:s28+$0x16960] =	vst v19  }
0x306: {  	v19 =	vld [tilespmem:s25+$0x10A70]  }
0x307: {  	v37 =	vld [tilespmem:s25+$0x10AF0];
	_ =	sdelay $0x2  }
0x308: {  	v21 =	vshrl.u32 v35, v22;
	v20 =	vshrl.u32 v36, v24  }
0x309: {  	v21 =	vand.u32 $0xFFFF, v21;
	v20 =	vshll.u32 v20, $0x10  }
0x30a: {  	v20 =	vor.u32 v21, v20;
	v19 =	vshrl.u32 v19, v38;
	v38 =	vshrl.u32 v37, v39  }
0x30b: {  	[tilespmem:s26+$0x16970] =	vst v20;
	v19 =	vand.u32 $0xFFFF, v19;
	v39 =	vshll.u32 v38, $0x10  }
0x30c: {  	v40 =	vld [tilespmem:s24+$0x10B00];
	v19 =	vor.u32 v19, v39  }
0x30d: {  	v41 =	vld [tilespmem:s24+$0x10B80];
	[tilespmem:s28+$0x16970] =	vst v19  }
0x30e: {  	v19 =	vld [tilespmem:s25+$0x10B00]  }
0x30f: {  	v42 =	vld [tilespmem:s25+$0x10B80]  }
0x310: {  	v22 =	vperm.xlane v17, v6;
	v24 =	vperm.xlane v17, v7  }
0x311: {  	v43 =	vperm.xlane v18, v6  }
0x312: {  	v44 =	vperm.xlane v18, v7;
	v21 =	vshrl.u32 v40, v22;
	v20 =	vshrl.u32 v41, v24  }
0x313: {  	v21 =	vand.u32 $0xFFFF, v21;
	v20 =	vshll.u32 v20, $0x10  }
0x314: {  	v20 =	vor.u32 v21, v20;
	v19 =	vshrl.u32 v19, v43;
	v45 =	vshrl.u32 v42, v44  }
0x315: {  	[tilespmem:s26+$0x16980] =	vst v20;
	v19 =	vand.u32 $0xFFFF, v19;
	v46 =	vshll.u32 v45, $0x10  }
0x316: {  	v47 =	vld [tilespmem:s24+$0x10B10];
	v19 =	vor.u32 v19, v46  }
0x317: {  	v48 =	vld [tilespmem:s24+$0x10B90];
	[tilespmem:s28+$0x16980] =	vst v19  }
0x318: {  	v19 =	vld [tilespmem:s25+$0x10B10]  }
0x319: {  	v49 =	vld [tilespmem:s25+$0x10B90];
	_ =	sdelay $0x2  }
0x31a: {  	v21 =	vshrl.u32 v47, v22;
	v20 =	vshrl.u32 v48, v24  }
0x31b: {  	v21 =	vand.u32 $0xFFFF, v21;
	v20 =	vshll.u32 v20, $0x10  }
0x31c: {  	v20 =	vor.u32 v21, v20;
	v19 =	vshrl.u32 v19, v43;
	v50 =	vshrl.u32 v49, v44  }
0x31d: {  	[tilespmem:s26+$0x16990] =	vst v20;
	v19 =	vand.u32 $0xFFFF, v19;
	v51 =	vshll.u32 v50, $0x10  }
0x31e: {  	v52 =	vld [tilespmem:s24+$0x10B20];
	v19 =	vor.u32 v19, v51  }
0x31f: {  	v53 =	vld [tilespmem:s24+$0x10BA0];
	[tilespmem:s28+$0x16990] =	vst v19  }
0x320: {  	v19 =	vld [tilespmem:s25+$0x10B20]  }
0x321: {  	v54 =	vld [tilespmem:s25+$0x10BA0];
	_ =	sdelay $0x2  }
0x322: {  	v21 =	vshrl.u32 v52, v22;
	v20 =	vshrl.u32 v53, v24  }
0x323: {  	v21 =	vand.u32 $0xFFFF, v21;
	v20 =	vshll.u32 v20, $0x10  }
0x324: {  	v20 =	vor.u32 v21, v20;
	v19 =	vshrl.u32 v19, v43;
	v55 =	vshrl.u32 v54, v44  }
0x325: {  	[tilespmem:s26+$0x169A0] =	vst v20;
	v19 =	vand.u32 $0xFFFF, v19;
	v56 =	vshll.u32 v55, $0x10  }
0x326: {  	v57 =	vld [tilespmem:s24+$0x10B30];
	v19 =	vor.u32 v19, v56  }
0x327: {  	v58 =	vld [tilespmem:s24+$0x10BB0];
	[tilespmem:s28+$0x169A0] =	vst v19  }
0x328: {  	v19 =	vld [tilespmem:s25+$0x10B30]  }
0x329: {  	v59 =	vld [tilespmem:s25+$0x10BB0];
	_ =	sdelay $0x2  }
0x32a: {  	v21 =	vshrl.u32 v57, v22;
	v20 =	vshrl.u32 v58, v24  }
0x32b: {  	v21 =	vand.u32 $0xFFFF, v21;
	v20 =	vshll.u32 v20, $0x10  }
0x32c: {  	v20 =	vor.u32 v21, v20;
	v19 =	vshrl.u32 v19, v43;
	v60 =	vshrl.u32 v59, v44  }
0x32d: {  	[tilespmem:s26+$0x169B0] =	vst v20;
	v19 =	vand.u32 $0xFFFF, v19;
	v61 =	vshll.u32 v60, $0x10  }
0x32e: {  	v62 =	vld [tilespmem:s24+$0x10B40];
	v19 =	vor.u32 v19, v61  }
0x32f: {  	v63 =	vld [tilespmem:s24+$0x10BC0];
	[tilespmem:s28+$0x169B0] =	vst v19  }
0x330: {  	v19 =	vld [tilespmem:s25+$0x10B40]  }
0x331: {  	v27 =	vld [tilespmem:s25+$0x10BC0];
	_ =	sdelay $0x2  }
0x332: {  	v21 =	vshrl.u32 v62, v22;
	v20 =	vshrl.u32 v63, v24  }
0x333: {  	v21 =	vand.u32 $0xFFFF, v21;
	v20 =	vshll.u32 v20, $0x10  }
0x334: {  	v20 =	vor.u32 v21, v20;
	v19 =	vshrl.u32 v19, v43;
	v28 =	vshrl.u32 v27, v44  }
0x335: {  	[tilespmem:s26+$0x169C0] =	vst v20;
	v19 =	vand.u32 $0xFFFF, v19;
	v29 =	vshll.u32 v28, $0x10  }
0x336: {  	v30 =	vld [tilespmem:s24+$0x10B50];
	v19 =	vor.u32 v19, v29  }
0x337: {  	v31 =	vld [tilespmem:s24+$0x10BD0];
	[tilespmem:s28+$0x169C0] =	vst v19  }
0x338: {  	v19 =	vld [tilespmem:s25+$0x10B50]  }
0x339: {  	v32 =	vld [tilespmem:s25+$0x10BD0];
	_ =	sdelay $0x2  }
0x33a: {  	v21 =	vshrl.u32 v30, v22;
	v20 =	vshrl.u32 v31, v24  }
0x33b: {  	v21 =	vand.u32 $0xFFFF, v21;
	v20 =	vshll.u32 v20, $0x10  }
0x33c: {  	v20 =	vor.u32 v21, v20;
	v19 =	vshrl.u32 v19, v43;
	v33 =	vshrl.u32 v32, v44  }
0x33d: {  	[tilespmem:s26+$0x169D0] =	vst v20;
	v19 =	vand.u32 $0xFFFF, v19;
	v34 =	vshll.u32 v33, $0x10  }
0x33e: {  	v35 =	vld [tilespmem:s24+$0x10B60];
	v19 =	vor.u32 v19, v34  }
0x33f: {  	v36 =	vld [tilespmem:s24+$0x10BE0];
	[tilespmem:s28+$0x169D0] =	vst v19  }
0x340: {  	v19 =	vld [tilespmem:s25+$0x10B60]  }
0x341: {  	v37 =	vld [tilespmem:s25+$0x10BE0];
	_ =	sdelay $0x2  }
0x342: {  	v21 =	vshrl.u32 v35, v22;
	v20 =	vshrl.u32 v36, v24  }
0x343: {  	v21 =	vand.u32 $0xFFFF, v21;
	v20 =	vshll.u32 v20, $0x10  }
0x344: {  	v20 =	vor.u32 v21, v20;
	v19 =	vshrl.u32 v19, v43;
	v38 =	vshrl.u32 v37, v44  }
0x345: {  	[tilespmem:s26+$0x169E0] =	vst v20;
	v19 =	vand.u32 $0xFFFF, v19;
	v39 =	vshll.u32 v38, $0x10  }
0x346: {  	v40 =	vld [tilespmem:s24+$0x10B70];
	v19 =	vor.u32 v19, v39  }
0x347: {  	v41 =	vld [tilespmem:s24+$0x10BF0];
	[tilespmem:s28+$0x169E0] =	vst v19  }
0x348: {  	v19 =	vld [tilespmem:s25+$0x10B70]  }
0x349: {  	v42 =	vld [tilespmem:s25+$0x10BF0];
	_ =	sdelay $0x2  }
0x34a: {  	v21 =	vshrl.u32 v40, v22;
	v20 =	vshrl.u32 v41, v24  }
0x34b: {  	v21 =	vand.u32 $0xFFFF, v21;
	v20 =	vshll.u32 v20, $0x10  }
0x34c: {  	v20 =	vor.u32 v21, v20;
	v19 =	vshrl.u32 v19, v43;
	v43 =	vshrl.u32 v42, v44  }
0x34d: {  	[tilespmem:s26+$0x169F0] =	vst v20;
	v19 =	vand.u32 $0xFFFF, v19;
	v44 =	vshll.u32 v43, $0x10  }
0x34e: {  	v45 =	vld [tilespmem:s24+$0x10C00];
	v19 =	vor.u32 v19, v44  }
0x34f: {  	v46 =	vld [tilespmem:s24+$0x10C80];
	[tilespmem:s28+$0x169F0] =	vst v19  }
0x350: {  	v19 =	vld [tilespmem:s25+$0x10C00]  }
0x351: {  	v47 =	vld [tilespmem:s25+$0x10C80]  }
0x352: {  	v22 =	vperm.xlane v17, v8;
	v24 =	vperm.xlane v17, v9  }
0x353: {  	v48 =	vperm.xlane v18, v8  }
0x354: {  	v49 =	vperm.xlane v18, v9;
	v21 =	vshrl.u32 v45, v22;
	v20 =	vshrl.u32 v46, v24  }
0x355: {  	v21 =	vand.u32 $0xFFFF, v21;
	v20 =	vshll.u32 v20, $0x10  }
0x356: {  	v20 =	vor.u32 v21, v20;
	v19 =	vshrl.u32 v19, v48;
	v50 =	vshrl.u32 v47, v49  }
0x357: {  	[tilespmem:s26+$0x16A00] =	vst v20;
	v19 =	vand.u32 $0xFFFF, v19;
	v51 =	vshll.u32 v50, $0x10  }
0x358: {  	v52 =	vld [tilespmem:s24+$0x10C10];
	v19 =	vor.u32 v19, v51  }
0x359: {  	v53 =	vld [tilespmem:s24+$0x10C90];
	[tilespmem:s28+$0x16A00] =	vst v19  }
0x35a: {  	v19 =	vld [tilespmem:s25+$0x10C10]  }
0x35b: {  	v54 =	vld [tilespmem:s25+$0x10C90];
	_ =	sdelay $0x2  }
0x35c: {  	v21 =	vshrl.u32 v52, v22;
	v20 =	vshrl.u32 v53, v24  }
0x35d: {  	v21 =	vand.u32 $0xFFFF, v21;
	v20 =	vshll.u32 v20, $0x10  }
0x35e: {  	v20 =	vor.u32 v21, v20;
	v19 =	vshrl.u32 v19, v48;
	v55 =	vshrl.u32 v54, v49  }
0x35f: {  	[tilespmem:s26+$0x16A10] =	vst v20;
	v19 =	vand.u32 $0xFFFF, v19;
	v56 =	vshll.u32 v55, $0x10  }
0x360: {  	v57 =	vld [tilespmem:s24+$0x10C20];
	v19 =	vor.u32 v19, v56  }
0x361: {  	v58 =	vld [tilespmem:s24+$0x10CA0];
	[tilespmem:s28+$0x16A10] =	vst v19  }
0x362: {  	v19 =	vld [tilespmem:s25+$0x10C20]  }
0x363: {  	v59 =	vld [tilespmem:s25+$0x10CA0];
	_ =	sdelay $0x2  }
0x364: {  	v21 =	vshrl.u32 v57, v22;
	v20 =	vshrl.u32 v58, v24  }
0x365: {  	v21 =	vand.u32 $0xFFFF, v21;
	v20 =	vshll.u32 v20, $0x10  }
0x366: {  	v20 =	vor.u32 v21, v20;
	v19 =	vshrl.u32 v19, v48;
	v60 =	vshrl.u32 v59, v49  }
0x367: {  	[tilespmem:s26+$0x16A20] =	vst v20;
	v19 =	vand.u32 $0xFFFF, v19;
	v61 =	vshll.u32 v60, $0x10  }
0x368: {  	v62 =	vld [tilespmem:s24+$0x10C30];
	v19 =	vor.u32 v19, v61  }
0x369: {  	v63 =	vld [tilespmem:s24+$0x10CB0];
	[tilespmem:s28+$0x16A20] =	vst v19  }
0x36a: {  	v19 =	vld [tilespmem:s25+$0x10C30]  }
0x36b: {  	v27 =	vld [tilespmem:s25+$0x10CB0];
	_ =	sdelay $0x2  }
0x36c: {  	v21 =	vshrl.u32 v62, v22;
	v20 =	vshrl.u32 v63, v24  }
0x36d: {  	v21 =	vand.u32 $0xFFFF, v21;
	v20 =	vshll.u32 v20, $0x10  }
0x36e: {  	v20 =	vor.u32 v21, v20;
	v19 =	vshrl.u32 v19, v48;
	v28 =	vshrl.u32 v27, v49  }
0x36f: {  	[tilespmem:s26+$0x16A30] =	vst v20;
	v19 =	vand.u32 $0xFFFF, v19;
	v29 =	vshll.u32 v28, $0x10  }
0x370: {  	v30 =	vld [tilespmem:s24+$0x10C40];
	v19 =	vor.u32 v19, v29  }
0x371: {  	v31 =	vld [tilespmem:s24+$0x10CC0];
	[tilespmem:s28+$0x16A30] =	vst v19  }
0x372: {  	v19 =	vld [tilespmem:s25+$0x10C40]  }
0x373: {  	v32 =	vld [tilespmem:s25+$0x10CC0];
	_ =	sdelay $0x2  }
0x374: {  	v21 =	vshrl.u32 v30, v22;
	v20 =	vshrl.u32 v31, v24  }
0x375: {  	v21 =	vand.u32 $0xFFFF, v21;
	v20 =	vshll.u32 v20, $0x10  }
0x376: {  	v20 =	vor.u32 v21, v20;
	v19 =	vshrl.u32 v19, v48;
	v33 =	vshrl.u32 v32, v49  }
0x377: {  	[tilespmem:s26+$0x16A40] =	vst v20;
	v19 =	vand.u32 $0xFFFF, v19;
	v34 =	vshll.u32 v33, $0x10  }
0x378: {  	v35 =	vld [tilespmem:s24+$0x10C50];
	v19 =	vor.u32 v19, v34  }
0x379: {  	v36 =	vld [tilespmem:s24+$0x10CD0];
	[tilespmem:s28+$0x16A40] =	vst v19  }
0x37a: {  	v19 =	vld [tilespmem:s25+$0x10C50]  }
0x37b: {  	v37 =	vld [tilespmem:s25+$0x10CD0];
	_ =	sdelay $0x2  }
0x37c: {  	v21 =	vshrl.u32 v35, v22;
	v20 =	vshrl.u32 v36, v24  }
0x37d: {  	v21 =	vand.u32 $0xFFFF, v21;
	v20 =	vshll.u32 v20, $0x10  }
0x37e: {  	v20 =	vor.u32 v21, v20;
	v19 =	vshrl.u32 v19, v48;
	v38 =	vshrl.u32 v37, v49  }
0x37f: {  	[tilespmem:s26+$0x16A50] =	vst v20;
	v19 =	vand.u32 $0xFFFF, v19;
	v39 =	vshll.u32 v38, $0x10  }
0x380: {  	v40 =	vld [tilespmem:s24+$0x10C60];
	v19 =	vor.u32 v19, v39  }
0x381: {  	v41 =	vld [tilespmem:s24+$0x10CE0];
	[tilespmem:s28+$0x16A50] =	vst v19  }
0x382: {  	v19 =	vld [tilespmem:s25+$0x10C60]  }
0x383: {  	v42 =	vld [tilespmem:s25+$0x10CE0];
	_ =	sdelay $0x2  }
0x384: {  	v21 =	vshrl.u32 v40, v22;
	v20 =	vshrl.u32 v41, v24  }
0x385: {  	v21 =	vand.u32 $0xFFFF, v21;
	v20 =	vshll.u32 v20, $0x10  }
0x386: {  	v20 =	vor.u32 v21, v20;
	v19 =	vshrl.u32 v19, v48;
	v43 =	vshrl.u32 v42, v49  }
0x387: {  	[tilespmem:s26+$0x16A60] =	vst v20;
	v19 =	vand.u32 $0xFFFF, v19;
	v44 =	vshll.u32 v43, $0x10  }
0x388: {  	v45 =	vld [tilespmem:s24+$0x10C70];
	v19 =	vor.u32 v19, v44  }
0x389: {  	v46 =	vld [tilespmem:s24+$0x10CF0];
	[tilespmem:s28+$0x16A60] =	vst v19  }
0x38a: {  	v19 =	vld [tilespmem:s25+$0x10C70]  }
0x38b: {  	v47 =	vld [tilespmem:s25+$0x10CF0];
	_ =	sdelay $0x2  }
0x38c: {  	v21 =	vshrl.u32 v45, v22;
	v20 =	vshrl.u32 v46, v24  }
0x38d: {  	v21 =	vand.u32 $0xFFFF, v21;
	v20 =	vshll.u32 v20, $0x10  }
0x38e: {  	v20 =	vor.u32 v21, v20;
	v19 =	vshrl.u32 v19, v48;
	v48 =	vshrl.u32 v47, v49  }
0x38f: {  	[tilespmem:s26+$0x16A70] =	vst v20;
	v19 =	vand.u32 $0xFFFF, v19;
	v49 =	vshll.u32 v48, $0x10  }
0x390: {  	v50 =	vld [tilespmem:s24+$0x10D00];
	v19 =	vor.u32 v19, v49  }
0x391: {  	v51 =	vld [tilespmem:s24+$0x10D80];
	[tilespmem:s28+$0x16A70] =	vst v19  }
0x392: {  	v19 =	vld [tilespmem:s25+$0x10D00]  }
0x393: {  	v52 =	vld [tilespmem:s25+$0x10D80]  }
0x394: {  	v22 =	vperm.xlane v17, v10;
	v24 =	vperm.xlane v17, v11  }
0x395: {  	v53 =	vperm.xlane v18, v10  }
0x396: {  	v54 =	vperm.xlane v18, v11;
	v21 =	vshrl.u32 v50, v22;
	v20 =	vshrl.u32 v51, v24  }
0x397: {  	v21 =	vand.u32 $0xFFFF, v21;
	v20 =	vshll.u32 v20, $0x10  }
0x398: {  	v20 =	vor.u32 v21, v20;
	v19 =	vshrl.u32 v19, v53;
	v55 =	vshrl.u32 v52, v54  }
0x399: {  	[tilespmem:s26+$0x16A80] =	vst v20;
	v19 =	vand.u32 $0xFFFF, v19;
	v56 =	vshll.u32 v55, $0x10  }
0x39a: {  	v57 =	vld [tilespmem:s24+$0x10D10];
	v19 =	vor.u32 v19, v56  }
0x39b: {  	v58 =	vld [tilespmem:s24+$0x10D90];
	[tilespmem:s28+$0x16A80] =	vst v19  }
0x39c: {  	v19 =	vld [tilespmem:s25+$0x10D10]  }
0x39d: {  	v59 =	vld [tilespmem:s25+$0x10D90];
	_ =	sdelay $0x2  }
0x39e: {  	v21 =	vshrl.u32 v57, v22;
	v20 =	vshrl.u32 v58, v24  }
0x39f: {  	v21 =	vand.u32 $0xFFFF, v21;
	v20 =	vshll.u32 v20, $0x10  }
0x3a0: {  	v20 =	vor.u32 v21, v20;
	v19 =	vshrl.u32 v19, v53;
	v60 =	vshrl.u32 v59, v54  }
0x3a1: {  	[tilespmem:s26+$0x16A90] =	vst v20;
	v19 =	vand.u32 $0xFFFF, v19;
	v61 =	vshll.u32 v60, $0x10  }
0x3a2: {  	v62 =	vld [tilespmem:s24+$0x10D20];
	v19 =	vor.u32 v19, v61  }
0x3a3: {  	v63 =	vld [tilespmem:s24+$0x10DA0];
	[tilespmem:s28+$0x16A90] =	vst v19  }
0x3a4: {  	v19 =	vld [tilespmem:s25+$0x10D20]  }
0x3a5: {  	v27 =	vld [tilespmem:s25+$0x10DA0];
	_ =	sdelay $0x2  }
0x3a6: {  	v21 =	vshrl.u32 v62, v22;
	v20 =	vshrl.u32 v63, v24  }
0x3a7: {  	v21 =	vand.u32 $0xFFFF, v21;
	v20 =	vshll.u32 v20, $0x10  }
0x3a8: {  	v20 =	vor.u32 v21, v20;
	v19 =	vshrl.u32 v19, v53;
	v28 =	vshrl.u32 v27, v54  }
0x3a9: {  	[tilespmem:s26+$0x16AA0] =	vst v20;
	v19 =	vand.u32 $0xFFFF, v19;
	v29 =	vshll.u32 v28, $0x10  }
0x3aa: {  	v30 =	vld [tilespmem:s24+$0x10D30];
	v19 =	vor.u32 v19, v29  }
0x3ab: {  	v31 =	vld [tilespmem:s24+$0x10DB0];
	[tilespmem:s28+$0x16AA0] =	vst v19  }
0x3ac: {  	v19 =	vld [tilespmem:s25+$0x10D30]  }
0x3ad: {  	v32 =	vld [tilespmem:s25+$0x10DB0];
	_ =	sdelay $0x2  }
0x3ae: {  	v21 =	vshrl.u32 v30, v22;
	v20 =	vshrl.u32 v31, v24  }
0x3af: {  	v21 =	vand.u32 $0xFFFF, v21;
	v20 =	vshll.u32 v20, $0x10  }
0x3b0: {  	v20 =	vor.u32 v21, v20;
	v19 =	vshrl.u32 v19, v53;
	v33 =	vshrl.u32 v32, v54  }
0x3b1: {  	[tilespmem:s26+$0x16AB0] =	vst v20;
	v19 =	vand.u32 $0xFFFF, v19;
	v34 =	vshll.u32 v33, $0x10  }
0x3b2: {  	v35 =	vld [tilespmem:s24+$0x10D40];
	v19 =	vor.u32 v19, v34  }
0x3b3: {  	v36 =	vld [tilespmem:s24+$0x10DC0];
	[tilespmem:s28+$0x16AB0] =	vst v19  }
0x3b4: {  	v19 =	vld [tilespmem:s25+$0x10D40]  }
0x3b5: {  	v37 =	vld [tilespmem:s25+$0x10DC0];
	_ =	sdelay $0x2  }
0x3b6: {  	v21 =	vshrl.u32 v35, v22;
	v20 =	vshrl.u32 v36, v24  }
0x3b7: {  	v21 =	vand.u32 $0xFFFF, v21;
	v20 =	vshll.u32 v20, $0x10  }
0x3b8: {  	v20 =	vor.u32 v21, v20;
	v19 =	vshrl.u32 v19, v53;
	v38 =	vshrl.u32 v37, v54  }
0x3b9: {  	[tilespmem:s26+$0x16AC0] =	vst v20;
	v19 =	vand.u32 $0xFFFF, v19;
	v39 =	vshll.u32 v38, $0x10  }
0x3ba: {  	v40 =	vld [tilespmem:s24+$0x10D50];
	v19 =	vor.u32 v19, v39  }
0x3bb: {  	v41 =	vld [tilespmem:s24+$0x10DD0];
	[tilespmem:s28+$0x16AC0] =	vst v19  }
0x3bc: {  	v19 =	vld [tilespmem:s25+$0x10D50]  }
0x3bd: {  	v42 =	vld [tilespmem:s25+$0x10DD0];
	_ =	sdelay $0x2  }
0x3be: {  	v21 =	vshrl.u32 v40, v22;
	v20 =	vshrl.u32 v41, v24  }
0x3bf: {  	v21 =	vand.u32 $0xFFFF, v21;
	v20 =	vshll.u32 v20, $0x10  }
0x3c0: {  	v20 =	vor.u32 v21, v20;
	v19 =	vshrl.u32 v19, v53;
	v43 =	vshrl.u32 v42, v54  }
0x3c1: {  	[tilespmem:s26+$0x16AD0] =	vst v20;
	v19 =	vand.u32 $0xFFFF, v19;
	v44 =	vshll.u32 v43, $0x10  }
0x3c2: {  	v45 =	vld [tilespmem:s24+$0x10D60];
	v19 =	vor.u32 v19, v44  }
0x3c3: {  	v46 =	vld [tilespmem:s24+$0x10DE0];
	[tilespmem:s28+$0x16AD0] =	vst v19  }
0x3c4: {  	v19 =	vld [tilespmem:s25+$0x10D60]  }
0x3c5: {  	v47 =	vld [tilespmem:s25+$0x10DE0];
	_ =	sdelay $0x2  }
0x3c6: {  	v21 =	vshrl.u32 v45, v22;
	v20 =	vshrl.u32 v46, v24  }
0x3c7: {  	v21 =	vand.u32 $0xFFFF, v21;
	v20 =	vshll.u32 v20, $0x10  }
0x3c8: {  	v20 =	vor.u32 v21, v20;
	v19 =	vshrl.u32 v19, v53;
	v48 =	vshrl.u32 v47, v54  }
0x3c9: {  	[tilespmem:s26+$0x16AE0] =	vst v20;
	v19 =	vand.u32 $0xFFFF, v19;
	v49 =	vshll.u32 v48, $0x10  }
0x3ca: {  	v50 =	vld [tilespmem:s24+$0x10D70];
	v19 =	vor.u32 v19, v49  }
0x3cb: {  	v51 =	vld [tilespmem:s24+$0x10DF0];
	[tilespmem:s28+$0x16AE0] =	vst v19  }
0x3cc: {  	v19 =	vld [tilespmem:s25+$0x10D70]  }
0x3cd: {  	v52 =	vld [tilespmem:s25+$0x10DF0];
	_ =	sdelay $0x2  }
0x3ce: {  	v21 =	vshrl.u32 v50, v22;
	v20 =	vshrl.u32 v51, v24  }
0x3cf: {  	v21 =	vand.u32 $0xFFFF, v21;
	v20 =	vshll.u32 v20, $0x10  }
0x3d0: {  	v20 =	vor.u32 v21, v20;
	v19 =	vshrl.u32 v19, v53;
	v53 =	vshrl.u32 v52, v54  }
0x3d1: {  	[tilespmem:s26+$0x16AF0] =	vst v20;
	v19 =	vand.u32 $0xFFFF, v19;
	v54 =	vshll.u32 v53, $0x10  }
0x3d2: {  	v55 =	vld [tilespmem:s24+$0x10E00];
	v19 =	vor.u32 v19, v54  }
0x3d3: {  	v56 =	vld [tilespmem:s24+$0x10E80];
	[tilespmem:s28+$0x16AF0] =	vst v19  }
0x3d4: {  	v19 =	vld [tilespmem:s25+$0x10E00]  }
0x3d5: {  	v57 =	vld [tilespmem:s25+$0x10E80]  }
0x3d6: {  	v22 =	vperm.xlane v17, v12;
	v24 =	vperm.xlane v17, v13  }
0x3d7: {  	v58 =	vperm.xlane v18, v12  }
0x3d8: {  	v59 =	vperm.xlane v18, v13;
	v21 =	vshrl.u32 v55, v22;
	v20 =	vshrl.u32 v56, v24  }
0x3d9: {  	v21 =	vand.u32 $0xFFFF, v21;
	v20 =	vshll.u32 v20, $0x10  }
0x3da: {  	v20 =	vor.u32 v21, v20;
	v19 =	vshrl.u32 v19, v58;
	v60 =	vshrl.u32 v57, v59  }
0x3db: {  	[tilespmem:s26+$0x16B00] =	vst v20;
	v19 =	vand.u32 $0xFFFF, v19;
	v61 =	vshll.u32 v60, $0x10  }
0x3dc: {  	v62 =	vld [tilespmem:s24+$0x10E10];
	v19 =	vor.u32 v19, v61  }
0x3dd: {  	v63 =	vld [tilespmem:s24+$0x10E90];
	[tilespmem:s28+$0x16B00] =	vst v19  }
0x3de: {  	v19 =	vld [tilespmem:s25+$0x10E10]  }
0x3df: {  	v27 =	vld [tilespmem:s25+$0x10E90];
	_ =	sdelay $0x2  }
0x3e0: {  	v21 =	vshrl.u32 v62, v22;
	v20 =	vshrl.u32 v63, v24  }
0x3e1: {  	v21 =	vand.u32 $0xFFFF, v21;
	v20 =	vshll.u32 v20, $0x10  }
0x3e2: {  	v20 =	vor.u32 v21, v20;
	v19 =	vshrl.u32 v19, v58;
	v28 =	vshrl.u32 v27, v59  }
0x3e3: {  	[tilespmem:s26+$0x16B10] =	vst v20;
	v19 =	vand.u32 $0xFFFF, v19;
	v29 =	vshll.u32 v28, $0x10  }
0x3e4: {  	v30 =	vld [tilespmem:s24+$0x10E20];
	v19 =	vor.u32 v19, v29  }
0x3e5: {  	v31 =	vld [tilespmem:s24+$0x10EA0];
	[tilespmem:s28+$0x16B10] =	vst v19  }
0x3e6: {  	v19 =	vld [tilespmem:s25+$0x10E20]  }
0x3e7: {  	v32 =	vld [tilespmem:s25+$0x10EA0];
	_ =	sdelay $0x2  }
0x3e8: {  	v21 =	vshrl.u32 v30, v22;
	v20 =	vshrl.u32 v31, v24  }
0x3e9: {  	v21 =	vand.u32 $0xFFFF, v21;
	v20 =	vshll.u32 v20, $0x10  }
0x3ea: {  	v20 =	vor.u32 v21, v20;
	v19 =	vshrl.u32 v19, v58;
	v33 =	vshrl.u32 v32, v59  }
0x3eb: {  	[tilespmem:s26+$0x16B20] =	vst v20;
	v19 =	vand.u32 $0xFFFF, v19;
	v34 =	vshll.u32 v33, $0x10  }
0x3ec: {  	v35 =	vld [tilespmem:s24+$0x10E30];
	v19 =	vor.u32 v19, v34  }
0x3ed: {  	v36 =	vld [tilespmem:s24+$0x10EB0];
	[tilespmem:s28+$0x16B20] =	vst v19  }
0x3ee: {  	v19 =	vld [tilespmem:s25+$0x10E30]  }
0x3ef: {  	v37 =	vld [tilespmem:s25+$0x10EB0];
	_ =	sdelay $0x2  }
0x3f0: {  	v21 =	vshrl.u32 v35, v22;
	v20 =	vshrl.u32 v36, v24  }
0x3f1: {  	v21 =	vand.u32 $0xFFFF, v21;
	v20 =	vshll.u32 v20, $0x10  }
0x3f2: {  	v20 =	vor.u32 v21, v20;
	v19 =	vshrl.u32 v19, v58;
	v38 =	vshrl.u32 v37, v59  }
0x3f3: {  	[tilespmem:s26+$0x16B30] =	vst v20;
	v19 =	vand.u32 $0xFFFF, v19;
	v39 =	vshll.u32 v38, $0x10  }
0x3f4: {  	v40 =	vld [tilespmem:s24+$0x10E40];
	v19 =	vor.u32 v19, v39  }
0x3f5: {  	v41 =	vld [tilespmem:s24+$0x10EC0];
	[tilespmem:s28+$0x16B30] =	vst v19  }
0x3f6: {  	v19 =	vld [tilespmem:s25+$0x10E40]  }
0x3f7: {  	v42 =	vld [tilespmem:s25+$0x10EC0];
	_ =	sdelay $0x2  }
0x3f8: {  	v21 =	vshrl.u32 v40, v22;
	v20 =	vshrl.u32 v41, v24  }
0x3f9: {  	v21 =	vand.u32 $0xFFFF, v21;
	v20 =	vshll.u32 v20, $0x10  }
0x3fa: {  	v20 =	vor.u32 v21, v20;
	v19 =	vshrl.u32 v19, v58;
	v43 =	vshrl.u32 v42, v59  }
0x3fb: {  	[tilespmem:s26+$0x16B40] =	vst v20;
	v19 =	vand.u32 $0xFFFF, v19;
	v44 =	vshll.u32 v43, $0x10  }
0x3fc: {  	v45 =	vld [tilespmem:s24+$0x10E50];
	v19 =	vor.u32 v19, v44  }
0x3fd: {  	v46 =	vld [tilespmem:s24+$0x10ED0];
	[tilespmem:s28+$0x16B40] =	vst v19  }
0x3fe: {  	v19 =	vld [tilespmem:s25+$0x10E50]  }
0x3ff: {  	v47 =	vld [tilespmem:s25+$0x10ED0];
	_ =	sdelay $0x2  }
0x400: {  	v21 =	vshrl.u32 v45, v22;
	v20 =	vshrl.u32 v46, v24  }
0x401: {  	v21 =	vand.u32 $0xFFFF, v21;
	v20 =	vshll.u32 v20, $0x10  }
0x402: {  	v20 =	vor.u32 v21, v20;
	v19 =	vshrl.u32 v19, v58;
	v48 =	vshrl.u32 v47, v59  }
0x403: {  	[tilespmem:s26+$0x16B50] =	vst v20;
	v19 =	vand.u32 $0xFFFF, v19;
	v49 =	vshll.u32 v48, $0x10  }
0x404: {  	v50 =	vld [tilespmem:s24+$0x10E60];
	v19 =	vor.u32 v19, v49  }
0x405: {  	v51 =	vld [tilespmem:s24+$0x10EE0];
	[tilespmem:s28+$0x16B50] =	vst v19  }
0x406: {  	v19 =	vld [tilespmem:s25+$0x10E60]  }
0x407: {  	v52 =	vld [tilespmem:s25+$0x10EE0];
	_ =	sdelay $0x2  }
0x408: {  	v21 =	vshrl.u32 v50, v22;
	v20 =	vshrl.u32 v51, v24  }
0x409: {  	v21 =	vand.u32 $0xFFFF, v21;
	v20 =	vshll.u32 v20, $0x10  }
0x40a: {  	v20 =	vor.u32 v21, v20;
	v19 =	vshrl.u32 v19, v58;
	v53 =	vshrl.u32 v52, v59  }
0x40b: {  	[tilespmem:s26+$0x16B60] =	vst v20;
	v19 =	vand.u32 $0xFFFF, v19;
	v54 =	vshll.u32 v53, $0x10  }
0x40c: {  	v55 =	vld [tilespmem:s24+$0x10E70];
	v19 =	vor.u32 v19, v54  }
0x40d: {  	v56 =	vld [tilespmem:s24+$0x10EF0];
	[tilespmem:s28+$0x16B60] =	vst v19  }
0x40e: {  	v19 =	vld [tilespmem:s25+$0x10E70]  }
0x40f: {  	v57 =	vld [tilespmem:s25+$0x10EF0];
	_ =	sdelay $0x2  }
0x410: {  	v21 =	vshrl.u32 v55, v22;
	v20 =	vshrl.u32 v56, v24  }
0x411: {  	v21 =	vand.u32 $0xFFFF, v21;
	v20 =	vshll.u32 v20, $0x10  }
0x412: {  	v20 =	vor.u32 v21, v20;
	v19 =	vshrl.u32 v19, v58;
	v58 =	vshrl.u32 v57, v59  }
0x413: {  	[tilespmem:s26+$0x16B70] =	vst v20;
	v19 =	vand.u32 $0xFFFF, v19;
	v59 =	vshll.u32 v58, $0x10  }
0x414: {  	v60 =	vld [tilespmem:s24+$0x10F00];
	v19 =	vor.u32 v19, v59  }
0x415: {  	v61 =	vld [tilespmem:s24+$0x10F80];
	[tilespmem:s28+$0x16B70] =	vst v19  }
0x416: {  	v19 =	vld [tilespmem:s25+$0x10F00]  }
0x417: {  	v62 =	vld [tilespmem:s25+$0x10F80]  }
0x418: {  	v22 =	vperm.xlane v17, v14;
	v17 =	vperm.xlane v17, v15  }
0x419: {  	v63 =	vperm.xlane v18, v14  }
0x41a: {  	v18 =	vperm.xlane v18, v15;
	v21 =	vshrl.u32 v60, v22;
	v20 =	vshrl.u32 v61, v17  }
0x41b: {  	v21 =	vand.u32 $0xFFFF, v21;
	v20 =	vshll.u32 v20, $0x10  }
0x41c: {  	v20 =	vor.u32 v21, v20;
	v19 =	vshrl.u32 v19, v63;
	v28 =	vshrl.u32 v62, v18  }
0x41d: {  	[tilespmem:s26+$0x16B80] =	vst v20;
	v19 =	vand.u32 $0xFFFF, v19;
	v29 =	vshll.u32 v28, $0x10  }
0x41e: {  	v30 =	vld [tilespmem:s24+$0x10F10];
	v19 =	vor.u32 v19, v29  }
0x41f: {  	v31 =	vld [tilespmem:s24+$0x10F90];
	[tilespmem:s28+$0x16B80] =	vst v19  }
0x420: {  	v19 =	vld [tilespmem:s25+$0x10F10]  }
0x421: {  	v32 =	vld [tilespmem:s25+$0x10F90];
	_ =	sdelay $0x2  }
0x422: {  	v21 =	vshrl.u32 v30, v22;
	v20 =	vshrl.u32 v31, v17  }
0x423: {  	v21 =	vand.u32 $0xFFFF, v21;
	v20 =	vshll.u32 v20, $0x10  }
0x424: {  	v20 =	vor.u32 v21, v20;
	v19 =	vshrl.u32 v19, v63;
	v33 =	vshrl.u32 v32, v18  }
0x425: {  	[tilespmem:s26+$0x16B90] =	vst v20;
	v19 =	vand.u32 $0xFFFF, v19;
	v34 =	vshll.u32 v33, $0x10  }
0x426: {  	v35 =	vld [tilespmem:s24+$0x10F20];
	v19 =	vor.u32 v19, v34  }
0x427: {  	v36 =	vld [tilespmem:s24+$0x10FA0];
	[tilespmem:s28+$0x16B90] =	vst v19  }
0x428: {  	v19 =	vld [tilespmem:s25+$0x10F20]  }
0x429: {  	v37 =	vld [tilespmem:s25+$0x10FA0];
	_ =	sdelay $0x2  }
0x42a: {  	v21 =	vshrl.u32 v35, v22;
	v20 =	vshrl.u32 v36, v17  }
0x42b: {  	v21 =	vand.u32 $0xFFFF, v21;
	v20 =	vshll.u32 v20, $0x10  }
0x42c: {  	v20 =	vor.u32 v21, v20;
	v19 =	vshrl.u32 v19, v63;
	v38 =	vshrl.u32 v37, v18  }
0x42d: {  	[tilespmem:s26+$0x16BA0] =	vst v20;
	v19 =	vand.u32 $0xFFFF, v19;
	v39 =	vshll.u32 v38, $0x10  }
0x42e: {  	v40 =	vld [tilespmem:s24+$0x10F30];
	v19 =	vor.u32 v19, v39  }
0x42f: {  	v41 =	vld [tilespmem:s24+$0x10FB0];
	[tilespmem:s28+$0x16BA0] =	vst v19  }
0x430: {  	v19 =	vld [tilespmem:s25+$0x10F30]  }
0x431: {  	v42 =	vld [tilespmem:s25+$0x10FB0];
	_ =	sdelay $0x2  }
0x432: {  	v21 =	vshrl.u32 v40, v22;
	v20 =	vshrl.u32 v41, v17  }
0x433: {  	v21 =	vand.u32 $0xFFFF, v21;
	v20 =	vshll.u32 v20, $0x10  }
0x434: {  	v20 =	vor.u32 v21, v20;
	v19 =	vshrl.u32 v19, v63;
	v43 =	vshrl.u32 v42, v18  }
0x435: {  	[tilespmem:s26+$0x16BB0] =	vst v20;
	v19 =	vand.u32 $0xFFFF, v19;
	v44 =	vshll.u32 v43, $0x10  }
0x436: {  	v45 =	vld [tilespmem:s24+$0x10F40];
	v19 =	vor.u32 v19, v44  }
0x437: {  	v46 =	vld [tilespmem:s24+$0x10FC0];
	[tilespmem:s28+$0x16BB0] =	vst v19  }
0x438: {  	v19 =	vld [tilespmem:s25+$0x10F40]  }
0x439: {  	v47 =	vld [tilespmem:s25+$0x10FC0];
	_ =	sdelay $0x2  }
0x43a: {  	v21 =	vshrl.u32 v45, v22;
	v20 =	vshrl.u32 v46, v17  }
0x43b: {  	v21 =	vand.u32 $0xFFFF, v21;
	v20 =	vshll.u32 v20, $0x10  }
0x43c: {  	v20 =	vor.u32 v21, v20;
	v19 =	vshrl.u32 v19, v63;
	v48 =	vshrl.u32 v47, v18  }
0x43d: {  	[tilespmem:s26+$0x16BC0] =	vst v20;
	v19 =	vand.u32 $0xFFFF, v19;
	v49 =	vshll.u32 v48, $0x10  }
0x43e: {  	v50 =	vld [tilespmem:s24+$0x10F50];
	v19 =	vor.u32 v19, v49  }
0x43f: {  	v51 =	vld [tilespmem:s24+$0x10FD0];
	[tilespmem:s28+$0x16BC0] =	vst v19  }
0x440: {  	v19 =	vld [tilespmem:s25+$0x10F50]  }
0x441: {  	v52 =	vld [tilespmem:s25+$0x10FD0];
	_ =	sdelay $0x2  }
0x442: {  	v21 =	vshrl.u32 v50, v22;
	v20 =	vshrl.u32 v51, v17  }
0x443: {  	v21 =	vand.u32 $0xFFFF, v21;
	v20 =	vshll.u32 v20, $0x10  }
0x444: {  	v20 =	vor.u32 v21, v20;
	v19 =	vshrl.u32 v19, v63;
	v53 =	vshrl.u32 v52, v18  }
0x445: {  	[tilespmem:s26+$0x16BD0] =	vst v20;
	v19 =	vand.u32 $0xFFFF, v19;
	v54 =	vshll.u32 v53, $0x10  }
0x446: {  	v55 =	vld [tilespmem:s24+$0x10F60];
	v19 =	vor.u32 v19, v54  }
0x447: {  	v56 =	vld [tilespmem:s24+$0x10FE0];
	[tilespmem:s28+$0x16BD0] =	vst v19  }
0x448: {  	v19 =	vld [tilespmem:s25+$0x10F60]  }
0x449: {  	v57 =	vld [tilespmem:s25+$0x10FE0];
	_ =	sdelay $0x2  }
0x44a: {  	v21 =	vshrl.u32 v55, v22;
	v20 =	vshrl.u32 v56, v17  }
0x44b: {  	v21 =	vand.u32 $0xFFFF, v21;
	v20 =	vshll.u32 v20, $0x10  }
0x44c: {  	v20 =	vor.u32 v21, v20;
	v19 =	vshrl.u32 v19, v63;
	v58 =	vshrl.u32 v57, v18  }
0x44d: {  	[tilespmem:s26+$0x16BE0] =	vst v20;
	v19 =	vand.u32 $0xFFFF, v19;
	v59 =	vshll.u32 v58, $0x10  }
0x44e: {  	v60 =	vld [tilespmem:s24+$0x10F70];
	v19 =	vor.u32 v19, v59  }
0x44f: {  	v61 =	vld [tilespmem:s24+$0x10FF0];
	[tilespmem:s28+$0x16BE0] =	vst v19  }
0x450: {  	v19 =	vld [tilespmem:s25+$0x10F70]  }
0x451: {  	v62 =	vld [tilespmem:s25+$0x10FF0];
	_ =	sdelay $0x2  }
0x452: {  	p0 =	slt.u32 s23, $0x6;
	v17 =	vshrl.u32 v61, v17  }
.Ltmp1:
0x453: {  	v21 =	vshrl.u32 v60, v22;
	v17 =	vshll.u32 v17, $0x10;
	(pc) =	sbr.rel @p0 .LBB2_5-.Ltmp1, $4  }
0x454: {  	v19 =	vshrl.u32 v19, v63;
	v63 =	vand.u32 $0xFFFF, v21;
	v18 =	vshrl.u32 v62, v18  }
0x455: {  	v17 =	vor.u32 v63, v17;
	v19 =	vand.u32 $0xFFFF, v19;
	v18 =	vshll.u32 v18, $0x10  }
0x456: {  	s31 =	sadd.s32 $0x2, s23;
	[tilespmem:s26+$0x16BF0] =	vst v17;
	v17 =	vor.u32 v19, v18  }
0x457: {  	s23 =	smov.u32 s31;
	[tilespmem:s28+$0x16BF0] =	vst v17  }
0x458: {  	s21 =	sadd.s32 $0x1, s21  }
0x459: {  	p0 =	sne.s32 s21, $0x64  }
.Ltmp2:
0x45a: {  	s0 =	sshll.u32 s22, $0xD;
	(pc) =	sbr.rel @p0 .LBB2_2-.Ltmp2, $4  }
0x45b: {  	s0 =	sadd.s32 s7, s0  }
0x45c: {  	s0 =	sshrl.u32 s0, $0x3  }
0x45d: {  	s0 =	sadd.s32 s4, s0  }
0x45e: {  	[hbm4b:s0+s3] =	stream.linear.scatter [tilespmem:s17], [sflag:$0x4], $0x2000, $0x38;
	[tilespmem:$0x18800] =	vst v63  }
0x45f: {  	s20 =	sadd.s32 $0x1, s20  }
0x460: {  	_ =	swait.ge [sflag:s18], $0x2000;
	p0 =	sne.s32 s20, s8  }
.Ltmp3:
0x461: {  	[sflag:s18] =	ssyncset.done $0x0;
	(pc) =	sbr.rel @p0 .LBB2_1-.Ltmp3, $4  }
0x462: {  	[sflag:s18] =	ssyncadd.s32 $0xFFFFE000  }
0x463: {  	_ =	swait.ge [sflag:s19], $0x2000  }
0x464: {  	[sflag:s19] =	ssyncset.done $0x0  }
0x465: {  	[sflag:s19] =	ssyncadd.s32 $0xFFFFE000  }
0x466: {  	_ =	sfence.sel $0x180000  }
0x467: {  	[bflag:$0x0] =	sbarrier.arrive $0xFFFF  }
0x468: {  	_ =	strace $0x90000047  }
0x469: {  	s0 =	stileid.u32;
	[bflag:$0x2] =	sbarrier.arrive $0xFFFF  }
0x46a: {  	p0 =	sne.s32 s0, $0x0;
	s0 =	rddreg [dreg:$0x2]  }
0x46b: {  	s0 =	sadd.s32 @!p0 $0x100000, s0  }
0x46c: {  	[sflag:s0] =	ssyncadd.tile.s32 @!p0 $0x1;
	_ =	shalt  }
.Lfunc_end2:
_tile_overlayer_lowered:
.L_overlay_start_2:
0x46d: {  	(tag) =	ssettag $0x2  }
0x46e: {  	s0 =	rddreg [dreg:$0x0];
	s2 =	stileid.u32  }
0x46f: {  	s1 =	rddreg [dreg:$0x1];
	p0 =	sne.s32 s2, $0x0  }
0x470: {  	s3 =	rddreg [dreg:$0x2];
	[bflag:$0x3] =	sbarrier.arrive $0xFFFF;
	s2 =	simm.s32 @!p0 $0x1C05  }
0x471: {  	[timem:s3], [sflag:s2] =	dma.local @!p0 [hbm:s0], s1  }
0x472: {  	s0 =	simm.s32 @!p0 $0x5  }
0x473: {  	_ =	swait.ge @!p0 [sflag:s0], s1  }
0x474: {  	s1 =	ssub.s32 @!p0 $0x0, s1;
	[sflag:s0] =	ssyncset.done @!p0 $0x0  }
0x475: {  	[sflag:s0] =	ssyncadd.s32 @!p0 s1  }
0x476: {  	[bflag:$0x3] =	sbarrier.arrive $0xFFFF  }
0x477: {  	_ =	shalt  }

</sc_bundles>
